<compile_context>
chip_gen: v7x
topology: tpu7x:2x2x1
jax: 0.10.2.dev20260603
libtpu: 0.0.44.dev20260713+nightly
codegen_flags: <defaults>
</compile_context>

<pallas_src>
import functools

import jax
import jax.numpy as jnp
from jax import lax
from jax.experimental import pallas as pl
from jax.experimental.pallas import tpu as pltpu
from jax.experimental.pallas import tpu_sc as plsc

N = 10000
NP = 10240
E = 320000
D_IN = 128
D_HID = 128
N_CLS = 16

B = 128
NC = 2
NS = 16
NW = NC * NS
NR128 = E // 128
NR64 = E // 64
MP_RPT = 80
MP_TAIL64 = 40
DEG_RPT = 160
DEG_TAIL64 = 200
NPT = NP // NS
R = 1000

_f32 = jnp.float32
_mesh = plsc.VectorSubcoreMesh(core_axis_name="c", subcore_axis_name="s")


@functools.partial(
    pl.kernel,
    out_type=jax.ShapeDtypeStruct((2, NP), _f32),
    mesh=_mesh,
    scratch_types=[
        pltpu.VMEM((DEG_RPT, 128), jnp.int32),
        pltpu.VMEM((DEG_TAIL64, 64), jnp.int32),
        pltpu.VMEM((128,), _f32),
        pltpu.VMEM_SHARED((NP,), _f32),
    ],
)
def _sc_degrees(e128_hbm, e64_hbm, zeros_hbm, out_hbm, idx_v, idx64_v, ones_v, acc_sp):
    c = lax.axis_index("c")
    s = lax.axis_index("s")

    @pl.loop(0, 128, step=16)
    def _(i):
        ones_v[pl.ds(i, 16)] = jnp.full((16,), 1.0, _f32)

    @pl.when(s == 0)
    def _():
        pltpu.sync_copy(zeros_hbm, acc_sp)

    @pl.when(s < NS - 1)
    def _():
        pltpu.sync_copy(e128_hbm.at[c].at[pl.ds(s * DEG_RPT, DEG_RPT)], idx_v)

    @pl.when(s == NS - 1)
    def _():
        pltpu.sync_copy(e64_hbm.at[c].at[pl.ds(NR64 - DEG_TAIL64, DEG_TAIL64)],
                        idx64_v)

    plsc.subcore_barrier()

    @pl.when(s < NS - 1)
    def _():
        @pl.loop(0, DEG_RPT)
        def _(j):
            pltpu.sync_copy(ones_v, acc_sp.at[idx_v.at[j]], add=True)

    @pl.when(s == NS - 1)
    def _():
        @pl.loop(0, DEG_TAIL64)
        def _(j):
            pltpu.sync_copy(ones_v.at[pl.ds(0, 64)], acc_sp.at[idx64_v.at[j]],
                            add=True)

    plsc.subcore_barrier()

    sl = pl.ds(s * NPT, NPT)
    pltpu.sync_copy(acc_sp.at[sl], out_hbm.at[c].at[sl])


def _make_mp(D):
    @functools.partial(
        pl.kernel,
        out_type=jax.ShapeDtypeStruct((NC, NP, D), _f32),
        mesh=_mesh,
        scratch_types=[
            pltpu.VMEM((24, B), jnp.int32),
            pltpu.VMEM((24, B), jnp.int32),
            pltpu.VMEM((MP_TAIL64, 64), jnp.int32),
            pltpu.VMEM((MP_TAIL64, 64), jnp.int32),
            pltpu.VMEM((B, D), _f32),
            pltpu.VMEM((B, D), _f32),
            pltpu.VMEM_SHARED((NP, D), _f32),
            pltpu.SemaphoreType.DMA,
            pltpu.SemaphoreType.DMA,
        ],
    )
    def _mp(e128_hbm, e64_hbm, h_hbm, zeros_hbm, out_hbm,
            src_v, dst_v, src64_v, dst64_v, rows_a, rows_b, acc_sp, sem_a, sem_b):
        c = lax.axis_index("c")
        s = lax.axis_index("s")
        wid = s * NC + c

        nsl = pl.ds(s * NPT, NPT)
        pltpu.sync_copy(zeros_hbm.at[nsl], acc_sp.at[nsl])
        plsc.subcore_barrier()

        def pipeline(nb, src_idx, dst_idx, buf_a, buf_b):
            pltpu.make_async_copy(h_hbm.at[src_idx.at[0]], buf_a, sem_a).start()

            @pl.loop(0, nb, step=2)
            def _(j):
                pltpu.make_async_copy(h_hbm.at[src_idx.at[j + 1]], buf_b, sem_b).start()
                pltpu.make_async_copy(h_hbm.at[src_idx.at[j]], buf_a, sem_a).wait()
                pltpu.sync_copy(buf_a, acc_sp.at[dst_idx.at[j]], add=True)

                @pl.when(j + 2 < nb)
                def _():
                    pltpu.make_async_copy(h_hbm.at[src_idx.at[j + 2]], buf_a, sem_a).start()

                pltpu.make_async_copy(h_hbm.at[src_idx.at[j + 1]], buf_b, sem_b).wait()
                pltpu.sync_copy(buf_b, acc_sp.at[dst_idx.at[j + 1]], add=True)

        @pl.when(wid < NW - 1)
        def _():
            row0 = wid * MP_RPT
            for nb in (24, 24, 24, 8):
                rsl = pl.ds(row0, nb)
                bsl = pl.ds(0, nb)
                pltpu.sync_copy(e128_hbm.at[0].at[rsl], src_v.at[bsl])
                pltpu.sync_copy(e128_hbm.at[1].at[rsl], dst_v.at[bsl])
                pipeline(nb, src_v, dst_v, rows_a, rows_b)
                row0 += nb

        @pl.when(wid == NW - 1)
        def _():
            rsl = pl.ds(NR64 - MP_TAIL64, MP_TAIL64)
            pltpu.sync_copy(e64_hbm.at[0].at[rsl], src64_v)
            pltpu.sync_copy(e64_hbm.at[1].at[rsl], dst64_v)
            buf = rows_a.at[pl.ds(0, 64)]

            @pl.loop(0, MP_TAIL64)
            def _(j):
                pltpu.sync_copy(h_hbm.at[src64_v.at[j]], buf)
                pltpu.sync_copy(buf, acc_sp.at[dst64_v.at[j]], add=True)

        plsc.subcore_barrier()
        pltpu.sync_copy(acc_sp.at[nsl], out_hbm.at[c].at[nsl])

    return _mp


_mp128 = _make_mp(D_HID)


def _norm(d):
    return jnp.where(d > 0, lax.rsqrt(jnp.maximum(d, 1.0)), 0.0)


def _tc_mm_body(x_ref, w_ref, out_ref):
    out_ref[...] = jnp.dot(x_ref[...], w_ref[...], preferred_element_type=_f32)


_tc_mm = pl.pallas_call(
    _tc_mm_body,
    grid=(N // R,),
    in_specs=[
        pl.BlockSpec((R, D_IN), lambda i: (i, 0)),
        pl.BlockSpec((D_IN, D_HID), lambda i: (0, 0)),
    ],
    out_specs=pl.BlockSpec((R, D_HID), lambda i: (i, 0)),
    out_shape=jax.ShapeDtypeStruct((N, D_HID), _f32),
)


def _tc_scale_body(deg_o_ref, y_ref, out_ref):
    out_ref[...] = y_ref[...] * _norm(deg_o_ref[...])


_tc_scale = pl.pallas_call(
    _tc_scale_body,
    grid=(N // R,),
    in_specs=[
        pl.BlockSpec((R, 1), lambda i: (i, 0)),
        pl.BlockSpec((R, D_HID), lambda i: (i, 0)),
    ],
    out_specs=pl.BlockSpec((R, D_HID), lambda i: (i, 0)),
    out_shape=jax.ShapeDtypeStruct((N, D_HID), _f32),
)


def _tc_mid_body(parts_ref, deg_i_ref, deg_o_ref, b1_ref, w2_ref, out_ref):
    ni = _norm(deg_i_ref[...])
    no = _norm(deg_o_ref[...])
    ps = parts_ref[...]
    agg = ps[0] + ps[1]
    h = jnp.maximum(agg * ni + b1_ref[...], 0.0)
    y = jnp.dot(h, w2_ref[...], preferred_element_type=_f32)
    out_ref[...] = jnp.concatenate(
        [y * no, jnp.zeros((y.shape[0], D_HID - N_CLS), _f32)], axis=1)


_tc_mid = pl.pallas_call(
    _tc_mid_body,
    grid=(N // R,),
    in_specs=[
        pl.BlockSpec((NC, R, D_HID), lambda i: (0, i, 0)),
        pl.BlockSpec((R, 1), lambda i: (i, 0)),
        pl.BlockSpec((R, 1), lambda i: (i, 0)),
        pl.BlockSpec((1, D_HID), lambda i: (0, 0)),
        pl.BlockSpec((D_HID, N_CLS), lambda i: (0, 0)),
    ],
    out_specs=pl.BlockSpec((R, D_HID), lambda i: (i, 0)),
    out_shape=jax.ShapeDtypeStruct((NP, D_HID), _f32),
)


def _tc_out_body(parts_ref, deg_i_ref, b2_ref, out_ref):
    ni = _norm(deg_i_ref[...])
    ps = parts_ref[...]
    out_ref[...] = (ps[0, :, :N_CLS] + ps[1, :, :N_CLS]) * ni + b2_ref[...]


_tc_out = pl.pallas_call(
    _tc_out_body,
    grid=(N // R,),
    in_specs=[
        pl.BlockSpec((NC, R, D_HID), lambda i: (0, i, 0)),
        pl.BlockSpec((R, 1), lambda i: (i, 0)),
        pl.BlockSpec((1, N_CLS), lambda i: (0, 0)),
    ],
    out_specs=pl.BlockSpec((R, N_CLS), lambda i: (i, 0)),
    out_shape=jax.ShapeDtypeStruct((N, N_CLS), _f32),
)


def kernel(x, edge_index, W1, b1, W2, b2):
    e128 = edge_index.reshape(2, NR128, 128)
    e64 = edge_index.reshape(2, NR64, 64)
    zeros_n = jnp.zeros((NP,), _f32)
    zeros_nd = jnp.zeros((NP, D_HID), _f32)

    deg = _sc_degrees(e128, e64, zeros_n)
    deg_o = deg[0, :N].reshape(N, 1)
    deg_i = deg[1, :N].reshape(N, 1)

    y1 = _tc_mm(x, W1)
    h1s = _tc_scale(deg_o, y1)
    parts = _mp128(e128, e64, h1s, zeros_nd)
    h2s = _tc_mid(parts, deg_i, deg_o, b1.reshape(1, D_HID), W2)
    parts2 = _mp128(e128, e64, h2s, zeros_nd)
    return _tc_out(parts2, deg_i, b2.reshape(1, N_CLS))

# --- scband reference (transcript-rebuilt; emitter-appended) ---
"""Pipeline reference for scband-gcn-42021960024156 (READ-ONLY COPY).

The authoritative reference and input builder live on the scoring server;
editing this copy changes nothing except your own understanding.
"""

import jax
import jax.numpy as jnp
import numpy as np

N = 10000
E = 320000
D_IN = 128
D_HID = 128
N_CLS = 16


def setup_inputs(seed: int = 0) -> dict:
    key = jax.random.key(seed)
    ks = jax.random.split(key, 6)
    x = jax.random.normal(ks[0], (N, D_IN), dtype=jnp.float32)
    edge_index = jax.random.randint(ks[1], (2, E), 0, N, dtype=jnp.int32)
    W1 = jax.random.normal(ks[2], (D_IN, D_HID), dtype=jnp.float32) * (1.0 / np.sqrt(D_IN))
    b1 = jnp.zeros((D_HID,), dtype=jnp.float32)
    W2 = jax.random.normal(ks[3], (D_HID, N_CLS), dtype=jnp.float32) * (1.0 / np.sqrt(D_HID))
    b2 = jnp.zeros((N_CLS,), dtype=jnp.float32)
    return {"x": x, "edge_index": edge_index, "W1": W1, "b1": b1, "W2": W2, "b2": b2}


def _graph_conv(x, src, dst, norm_out, norm_in, W, b):
    # DGL GraphConv with norm='both': h = D_in^{-1/2} A D_out^{-1/2} x W + b
    h = x * norm_out[:, None]
    msgs = jnp.take(h, src, axis=0)
    agg = jax.ops.segment_sum(msgs, dst, num_segments=N)
    agg = agg * norm_in[:, None]
    return agg @ W + b


def reference(x, edge_index, W1, b1, W2, b2):
    src = edge_index[0]
    dst = edge_index[1]
    deg_out = jnp.bincount(src, length=N).astype(jnp.float32)
    deg_in = jnp.bincount(dst, length=N).astype(jnp.float32)
    norm_out = jnp.where(deg_out > 0, jax.lax.rsqrt(jnp.maximum(deg_out, 1.0)), 0.0)
    norm_in = jnp.where(deg_in > 0, jax.lax.rsqrt(jnp.maximum(deg_in, 1.0)), 0.0)
    h = _graph_conv(x, src, dst, norm_out, norm_in, W1, b1)
    h = jax.nn.relu(h)
    h = _graph_conv(h, src, dst, norm_out, norm_in, W2, b2)
    return h

if __name__ == "__main__":
    import jax
    _d = setup_inputs()
    print(jax.jit(kernel)(*tuple(_d.values())))

</pallas_src>

<mosaic_0001>
#map = affine_map<(d0, d1) -> (0, 0, 0)>
#map1 = affine_map<(d0, d1) -> (0, 0)>
module attributes {stable_mosaic.version = 14 : i64} {
  func.func @_mp(%arg0: i32, %arg1: i32, %arg2: memref<2x2500x128xi32, #tpu.memory_space<hbm>>, %arg3: memref<2x5000x64xi32, #tpu.memory_space<hbm>>, %arg4: memref<10000x128xf32, #tpu.memory_space<hbm>>, %arg5: memref<10240x128xf32, #tpu.memory_space<hbm>>, %arg6: memref<2x10240x128xf32, #tpu.memory_space<hbm>>, %arg7: memref<24x128xi32, #tpu.memory_space<vmem>>, %arg8: memref<24x128xi32, #tpu.memory_space<vmem>>, %arg9: memref<40x64xi32, #tpu.memory_space<vmem>>, %arg10: memref<40x64xi32, #tpu.memory_space<vmem>>, %arg11: memref<128x128xf32, #tpu.memory_space<vmem>>, %arg12: memref<128x128xf32, #tpu.memory_space<vmem>>, %arg13: memref<10240x128xf32, #tpu.memory_space<vmem_shared>>, %arg14: memref<!tpu.dma_semaphore, #tpu.memory_space<semaphore_mem>>, %arg15: memref<!tpu.dma_semaphore, #tpu.memory_space<semaphore_mem>>) attributes {dimension_semantics = [#tpu.dimension_semantics<core_parallel>, #tpu.dimension_semantics<subcore_parallel>], iteration_bounds = array<i64: 2, 16>, scalar_prefetch = 0 : i64, scratch_operands = 9 : i64, tpu.core_type = #tpu.core_type<sc_vector_subcore>, window_params = [{transform_indices = #map}, {transform_indices = #map}, {transform_indices = #map1}, {transform_indices = #map1}, {transform_indices = #map}]} {
    %mul3A = arith.constant 2 : i32
    %mul3A_0 = arith.muli %arg1, %mul3A : i32
    %add3A = arith.addi %mul3A_0, %arg0 : i32
    %mul3A_1 = arith.constant 640 : i32
    %mul3A_2 = arith.muli %arg1, %mul3A_1 : i32
    "tpu.region"() ({
      %run_scoped3A = tpu.sem_alloc : memref<!tpu.dma_semaphore, #tpu.memory_space<semaphore_mem>>
      %dma_start3A = arith.constant 0 : i32
      %dma_start3A_10 = tpu.memref_slice %arg13[%mul3A_2, %dma_start3A] : memref<10240x128xf32, #tpu.memory_space<vmem_shared>> -> memref<640x128xf32, #tpu.memory_space<vmem_shared>>
      %dma_start3A_11 = arith.constant 0 : i32
      %dma_start3A_12 = tpu.memref_slice %arg5[%mul3A_2, %dma_start3A_11] : memref<10240x128xf32, #tpu.memory_space<hbm>> -> memref<640x128xf32, #tpu.memory_space<hbm>>
      tpu.enqueue_dma source(%dma_start3A_12 : memref<640x128xf32, #tpu.memory_space<hbm>>) target(%dma_start3A_10 : memref<640x128xf32, #tpu.memory_space<vmem_shared>>) target_semaphore(%run_scoped3A : memref<!tpu.dma_semaphore, #tpu.memory_space<semaphore_mem>>)
      %dma_wait3A = arith.constant 0 : i32
      %dma_wait3A_13 = tpu.memref_slice %arg13[%mul3A_2, %dma_wait3A] : memref<10240x128xf32, #tpu.memory_space<vmem_shared>> -> memref<640x128xf32, #tpu.memory_space<vmem_shared>>
      %dma_wait3A_14 = arith.constant 0 : i32
      %dma_wait3A_15 = tpu.memref_slice %arg5[%mul3A_2, %dma_wait3A_14] : memref<10240x128xf32, #tpu.memory_space<hbm>> -> memref<640x128xf32, #tpu.memory_space<hbm>>
      tpu.wait_dma2 semaphore(%run_scoped3A : memref<!tpu.dma_semaphore, #tpu.memory_space<semaphore_mem>>) src(%dma_wait3A_15 : memref<640x128xf32, #tpu.memory_space<hbm>>) dst(%dma_wait3A_13 : memref<640x128xf32, #tpu.memory_space<vmem_shared>>)
      tpu.yield
    }) : () -> ()
    %barrier3A = arith.constant 0 : index
    tpu.barrier barrier_id(%barrier3A)
    %lt3A = arith.constant 31 : i32
    %lt3A_3 = arith.cmpi slt, %add3A, %lt3A : i32
    %convert_element_type3A = arith.extui %lt3A_3 : i1 to i32
    %cond3A = arith.constant 0 : i32
    %cond3A_4 = arith.cmpi ne, %convert_element_type3A, %cond3A : i32
    scf.if %cond3A_4 {
      %mul3A_10 = arith.constant 80 : i32
      %mul3A_11 = arith.muli %add3A, %mul3A_10 : i32
      %run_scoped3A = arith.constant 0 : i32
      "tpu.region"() ({
        %run_scoped3A_73 = tpu.sem_alloc : memref<!tpu.dma_semaphore, #tpu.memory_space<semaphore_mem>>
        %dma_start3A_74 = arith.constant 0 : i32
        %dma_start3A_75 = arith.constant 0 : i32
        %dma_start3A_76 = tpu.memref_slice %arg7[%dma_start3A_74, %dma_start3A_75] : memref<24x128xi32, #tpu.memory_space<vmem>> -> memref<24x128xi32, #tpu.memory_space<vmem>>
        %dma_start3A_77 = arith.constant 0 : i32
        %dma_start3A_78 = arith.constant 0 : i32
        %dma_start3A_79 = tpu.memref_slice %arg2[%run_scoped3A, %dma_start3A_77, %dma_start3A_78] : memref<2x2500x128xi32, #tpu.memory_space<hbm>> -> memref<1x2500x128xi32, #tpu.memory_space<hbm>>
        %dma_start3A_80 = tpu.memref_squeeze %dma_start3A_79 : memref<1x2500x128xi32, #tpu.memory_space<hbm>> -> memref<2500x128xi32, #tpu.memory_space<hbm>>
        %dma_start3A_81 = arith.constant 0 : i32
        %dma_start3A_82 = tpu.memref_slice %dma_start3A_80[%mul3A_11, %dma_start3A_81] : memref<2500x128xi32, #tpu.memory_space<hbm>> -> memref<24x128xi32, #tpu.memory_space<hbm>>
        %dma_start3A_83 = arith.constant 0 : i32
        %dma_start3A_84 = arith.constant 0 : i32
        %dma_start3A_85 = tpu.memref_slice %arg7[%dma_start3A_83, %dma_start3A_84] : memref<24x128xi32, #tpu.memory_space<vmem>> -> memref<24x128xi32, #tpu.memory_space<vmem>>
        %dma_start3A_86 = arith.constant 0 : i32
        %dma_start3A_87 = arith.constant 0 : i32
        %dma_start3A_88 = tpu.memref_slice %arg2[%run_scoped3A, %dma_start3A_86, %dma_start3A_87] : memref<2x2500x128xi32, #tpu.memory_space<hbm>> -> memref<1x2500x128xi32, #tpu.memory_space<hbm>>
        %dma_start3A_89 = tpu.memref_squeeze %dma_start3A_88 : memref<1x2500x128xi32, #tpu.memory_space<hbm>> -> memref<2500x128xi32, #tpu.memory_space<hbm>>
        %dma_start3A_90 = arith.constant 0 : i32
        %dma_start3A_91 = tpu.memref_slice %dma_start3A_89[%mul3A_11, %dma_start3A_90] : memref<2500x128xi32, #tpu.memory_space<hbm>> -> memref<24x128xi32, #tpu.memory_space<hbm>>
        tpu.enqueue_dma source(%dma_start3A_91 : memref<24x128xi32, #tpu.memory_space<hbm>>) target(%dma_start3A_85 : memref<24x128xi32, #tpu.memory_space<vmem>>) target_semaphore(%run_scoped3A_73 : memref<!tpu.dma_semaphore, #tpu.memory_space<semaphore_mem>>)
        %dma_wait3A = arith.constant 0 : i32
        %dma_wait3A_92 = arith.constant 0 : i32
        %dma_wait3A_93 = tpu.memref_slice %arg7[%dma_wait3A, %dma_wait3A_92] : memref<24x128xi32, #tpu.memory_space<vmem>> -> memref<24x128xi32, #tpu.memory_space<vmem>>
        %dma_wait3A_94 = arith.constant 0 : i32
        %dma_wait3A_95 = arith.constant 0 : i32
        %dma_wait3A_96 = tpu.memref_slice %arg2[%run_scoped3A, %dma_wait3A_94, %dma_wait3A_95] : memref<2x2500x128xi32, #tpu.memory_space<hbm>> -> memref<1x2500x128xi32, #tpu.memory_space<hbm>>
        %dma_wait3A_97 = tpu.memref_squeeze %dma_wait3A_96 : memref<1x2500x128xi32, #tpu.memory_space<hbm>> -> memref<2500x128xi32, #tpu.memory_space<hbm>>
        %dma_wait3A_98 = arith.constant 0 : i32
        %dma_wait3A_99 = tpu.memref_slice %dma_wait3A_97[%mul3A_11, %dma_wait3A_98] : memref<2500x128xi32, #tpu.memory_space<hbm>> -> memref<24x128xi32, #tpu.memory_space<hbm>>
        %dma_wait3A_100 = arith.constant 0 : i32
        %dma_wait3A_101 = arith.constant 0 : i32
        %dma_wait3A_102 = tpu.memref_slice %arg7[%dma_wait3A_100, %dma_wait3A_101] : memref<24x128xi32, #tpu.memory_space<vmem>> -> memref<24x128xi32, #tpu.memory_space<vmem>>
        %dma_wait3A_103 = arith.constant 0 : i32
        %dma_wait3A_104 = arith.constant 0 : i32
        %dma_wait3A_105 = tpu.memref_slice %arg2[%run_scoped3A, %dma_wait3A_103, %dma_wait3A_104] : memref<2x2500x128xi32, #tpu.memory_space<hbm>> -> memref<1x2500x128xi32, #tpu.memory_space<hbm>>
        %dma_wait3A_106 = tpu.memref_squeeze %dma_wait3A_105 : memref<1x2500x128xi32, #tpu.memory_space<hbm>> -> memref<2500x128xi32, #tpu.memory_space<hbm>>
        %dma_wait3A_107 = arith.constant 0 : i32
        %dma_wait3A_108 = tpu.memref_slice %dma_wait3A_106[%mul3A_11, %dma_wait3A_107] : memref<2500x128xi32, #tpu.memory_space<hbm>> -> memref<24x128xi32, #tpu.memory_space<hbm>>
        tpu.wait_dma2 semaphore(%run_scoped3A_73 : memref<!tpu.dma_semaphore, #tpu.memory_space<semaphore_mem>>) src(%dma_wait3A_108 : memref<24x128xi32, #tpu.memory_space<hbm>>) dst(%dma_wait3A_102 : memref<24x128xi32, #tpu.memory_space<vmem>>)
        tpu.yield
      }) : () -> ()
      %run_scoped3A_12 = arith.constant 1 : i32
      "tpu.region"() ({
        %run_scoped3A_73 = tpu.sem_alloc : memref<!tpu.dma_semaphore, #tpu.memory_space<semaphore_mem>>
        %dma_start3A_74 = arith.constant 0 : i32
        %dma_start3A_75 = arith.constant 0 : i32
        %dma_start3A_76 = tpu.memref_slice %arg8[%dma_start3A_74, %dma_start3A_75] : memref<24x128xi32, #tpu.memory_space<vmem>> -> memref<24x128xi32, #tpu.memory_space<vmem>>
        %dma_start3A_77 = arith.constant 0 : i32
        %dma_start3A_78 = arith.constant 0 : i32
        %dma_start3A_79 = tpu.memref_slice %arg2[%run_scoped3A_12, %dma_start3A_77, %dma_start3A_78] : memref<2x2500x128xi32, #tpu.memory_space<hbm>> -> memref<1x2500x128xi32, #tpu.memory_space<hbm>>
        %dma_start3A_80 = tpu.memref_squeeze %dma_start3A_79 : memref<1x2500x128xi32, #tpu.memory_space<hbm>> -> memref<2500x128xi32, #tpu.memory_space<hbm>>
        %dma_start3A_81 = arith.constant 0 : i32
        %dma_start3A_82 = tpu.memref_slice %dma_start3A_80[%mul3A_11, %dma_start3A_81] : memref<2500x128xi32, #tpu.memory_space<hbm>> -> memref<24x128xi32, #tpu.memory_space<hbm>>
        %dma_start3A_83 = arith.constant 0 : i32
        %dma_start3A_84 = arith.constant 0 : i32
        %dma_start3A_85 = tpu.memref_slice %arg8[%dma_start3A_83, %dma_start3A_84] : memref<24x128xi32, #tpu.memory_space<vmem>> -> memref<24x128xi32, #tpu.memory_space<vmem>>
        %dma_start3A_86 = arith.constant 0 : i32
        %dma_start3A_87 = arith.constant 0 : i32
        %dma_start3A_88 = tpu.memref_slice %arg2[%run_scoped3A_12, %dma_start3A_86, %dma_start3A_87] : memref<2x2500x128xi32, #tpu.memory_space<hbm>> -> memref<1x2500x128xi32, #tpu.memory_space<hbm>>
        %dma_start3A_89 = tpu.memref_squeeze %dma_start3A_88 : memref<1x2500x128xi32, #tpu.memory_space<hbm>> -> memref<2500x128xi32, #tpu.memory_space<hbm>>
        %dma_start3A_90 = arith.constant 0 : i32
        %dma_start3A_91 = tpu.memref_slice %dma_start3A_89[%mul3A_11, %dma_start3A_90] : memref<2500x128xi32, #tpu.memory_space<hbm>> -> memref<24x128xi32, #tpu.memory_space<hbm>>
        tpu.enqueue_dma source(%dma_start3A_91 : memref<24x128xi32, #tpu.memory_space<hbm>>) target(%dma_start3A_85 : memref<24x128xi32, #tpu.memory_space<vmem>>) target_semaphore(%run_scoped3A_73 : memref<!tpu.dma_semaphore, #tpu.memory_space<semaphore_mem>>)
        %dma_wait3A = arith.constant 0 : i32
        %dma_wait3A_92 = arith.constant 0 : i32
        %dma_wait3A_93 = tpu.memref_slice %arg8[%dma_wait3A, %dma_wait3A_92] : memref<24x128xi32, #tpu.memory_space<vmem>> -> memref<24x128xi32, #tpu.memory_space<vmem>>
        %dma_wait3A_94 = arith.constant 0 : i32
        %dma_wait3A_95 = arith.constant 0 : i32
        %dma_wait3A_96 = tpu.memref_slice %arg2[%run_scoped3A_12, %dma_wait3A_94, %dma_wait3A_95] : memref<2x2500x128xi32, #tpu.memory_space<hbm>> -> memref<1x2500x128xi32, #tpu.memory_space<hbm>>
        %dma_wait3A_97 = tpu.memref_squeeze %dma_wait3A_96 : memref<1x2500x128xi32, #tpu.memory_space<hbm>> -> memref<2500x128xi32, #tpu.memory_space<hbm>>
        %dma_wait3A_98 = arith.constant 0 : i32
        %dma_wait3A_99 = tpu.memref_slice %dma_wait3A_97[%mul3A_11, %dma_wait3A_98] : memref<2500x128xi32, #tpu.memory_space<hbm>> -> memref<24x128xi32, #tpu.memory_space<hbm>>
        %dma_wait3A_100 = arith.constant 0 : i32
        %dma_wait3A_101 = arith.constant 0 : i32
        %dma_wait3A_102 = tpu.memref_slice %arg8[%dma_wait3A_100, %dma_wait3A_101] : memref<24x128xi32, #tpu.memory_space<vmem>> -> memref<24x128xi32, #tpu.memory_space<vmem>>
        %dma_wait3A_103 = arith.constant 0 : i32
        %dma_wait3A_104 = arith.constant 0 : i32
        %dma_wait3A_105 = tpu.memref_slice %arg2[%run_scoped3A_12, %dma_wait3A_103, %dma_wait3A_104] : memref<2x2500x128xi32, #tpu.memory_space<hbm>> -> memref<1x2500x128xi32, #tpu.memory_space<hbm>>
        %dma_wait3A_106 = tpu.memref_squeeze %dma_wait3A_105 : memref<1x2500x128xi32, #tpu.memory_space<hbm>> -> memref<2500x128xi32, #tpu.memory_space<hbm>>
        %dma_wait3A_107 = arith.constant 0 : i32
        %dma_wait3A_108 = tpu.memref_slice %dma_wait3A_106[%mul3A_11, %dma_wait3A_107] : memref<2500x128xi32, #tpu.memory_space<hbm>> -> memref<24x128xi32, #tpu.memory_space<hbm>>
        tpu.wait_dma2 semaphore(%run_scoped3A_73 : memref<!tpu.dma_semaphore, #tpu.memory_space<semaphore_mem>>) src(%dma_wait3A_108 : memref<24x128xi32, #tpu.memory_space<hbm>>) dst(%dma_wait3A_102 : memref<24x128xi32, #tpu.memory_space<vmem>>)
        tpu.yield
      }) : () -> ()
      %dma_start3A = arith.constant 0 : i32
      %dma_start3A_13 = arith.constant 0 : i32
      %dma_start3A_14 = tpu.memref_slice %arg7[%dma_start3A, %dma_start3A_13] : memref<24x128xi32, #tpu.memory_space<vmem>> -> memref<1x128xi32, #tpu.memory_space<vmem>>
      %dma_start3A_15 = tpu.memref_squeeze %dma_start3A_14 : memref<1x128xi32, #tpu.memory_space<vmem>> -> memref<128xi32, #tpu.memory_space<vmem>>
      %dma_start3A_16 = arith.constant 0 : i32
      %dma_start3A_17 = arith.constant 0 : i32
      %dma_start3A_18 = tpu.memref_slice %arg4[%dma_start3A_16, %dma_start3A_17] : memref<10000x128xf32, #tpu.memory_space<hbm>> -> memref<10000x128xf32, #tpu.memory_space<hbm>>
      tpu.enqueue_indirect_dma source(%dma_start3A_18 : memref<10000x128xf32, #tpu.memory_space<hbm>>) target(%arg11 : memref<128x128xf32, #tpu.memory_space<vmem>>) offsets(%dma_start3A_15 : memref<128xi32, #tpu.memory_space<vmem>>) semaphore(%arg14 : memref<!tpu.dma_semaphore, #tpu.memory_space<semaphore_mem>>)
      %scan3A = arith.constant 0 : i32
      %scan3A_19 = arith.constant 12 : i32
      %scan3A_20 = arith.addi %scan3A, %scan3A_19 : i32
      %scan3A_21 = arith.constant 1 : i32
      scf.for %scan3A_73 = %scan3A to %scan3A_20 step %scan3A_21  : i32 {
        %mul3A_74 = arith.constant 2 : i32
        %mul3A_75 = arith.muli %scan3A_73, %mul3A_74 : i32
        %add3A_76 = arith.constant 0 : i32
        %add3A_77 = arith.addi %add3A_76, %mul3A_75 : i32
        %add3A_78 = arith.constant 1 : i32
        %add3A_79 = arith.addi %add3A_77, %add3A_78 : i32
        %dma_start3A_80 = arith.constant 0 : i32
        %dma_start3A_81 = tpu.memref_slice %arg7[%add3A_79, %dma_start3A_80] : memref<24x128xi32, #tpu.memory_space<vmem>> -> memref<1x128xi32, #tpu.memory_space<vmem>>
        %dma_start3A_82 = tpu.memref_squeeze %dma_start3A_81 : memref<1x128xi32, #tpu.memory_space<vmem>> -> memref<128xi32, #tpu.memory_space<vmem>>
        %dma_start3A_83 = arith.constant 0 : i32
        %dma_start3A_84 = arith.constant 0 : i32
        %dma_start3A_85 = tpu.memref_slice %arg4[%dma_start3A_83, %dma_start3A_84] : memref<10000x128xf32, #tpu.memory_space<hbm>> -> memref<10000x128xf32, #tpu.memory_space<hbm>>
        tpu.enqueue_indirect_dma source(%dma_start3A_85 : memref<10000x128xf32, #tpu.memory_space<hbm>>) target(%arg12 : memref<128x128xf32, #tpu.memory_space<vmem>>) offsets(%dma_start3A_82 : memref<128xi32, #tpu.memory_space<vmem>>) semaphore(%arg15 : memref<!tpu.dma_semaphore, #tpu.memory_space<semaphore_mem>>)
        %dma_wait3A = arith.constant 0 : i32
        %dma_wait3A_86 = tpu.memref_slice %arg7[%add3A_77, %dma_wait3A] : memref<24x128xi32, #tpu.memory_space<vmem>> -> memref<1x128xi32, #tpu.memory_space<vmem>>
        %dma_wait3A_87 = tpu.memref_squeeze %dma_wait3A_86 : memref<1x128xi32, #tpu.memory_space<vmem>> -> memref<128xi32, #tpu.memory_space<vmem>>
        %dma_wait3A_88 = arith.constant 0 : i32
        %dma_wait3A_89 = arith.constant 0 : i32
        %dma_wait3A_90 = tpu.memref_slice %arg4[%dma_wait3A_88, %dma_wait3A_89] : memref<10000x128xf32, #tpu.memory_space<hbm>> -> memref<10000x128xf32, #tpu.memory_space<hbm>>
        tpu.wait_indirect_dma semaphore(%arg14 : memref<!tpu.dma_semaphore, #tpu.memory_space<semaphore_mem>>) src(%dma_wait3A_90 : memref<10000x128xf32, #tpu.memory_space<hbm>>) dst(%arg11 : memref<128x128xf32, #tpu.memory_space<vmem>>)
        "tpu.region"() ({
          %run_scoped3A_108 = tpu.sem_alloc : memref<!tpu.dma_semaphore, #tpu.memory_space<semaphore_mem>>
          %dma_start3A_109 = arith.constant 0 : i32
          %dma_start3A_110 = tpu.memref_slice %arg8[%add3A_77, %dma_start3A_109] : memref<24x128xi32, #tpu.memory_space<vmem>> -> memref<1x128xi32, #tpu.memory_space<vmem>>
          %dma_start3A_111 = tpu.memref_squeeze %dma_start3A_110 : memref<1x128xi32, #tpu.memory_space<vmem>> -> memref<128xi32, #tpu.memory_space<vmem>>
          %dma_start3A_112 = arith.constant 0 : i32
          %dma_start3A_113 = arith.constant 0 : i32
          %dma_start3A_114 = tpu.memref_slice %arg13[%dma_start3A_112, %dma_start3A_113] : memref<10240x128xf32, #tpu.memory_space<vmem_shared>> -> memref<10240x128xf32, #tpu.memory_space<vmem_shared>>
          tpu.enqueue_indirect_dma source(%arg11 : memref<128x128xf32, #tpu.memory_space<vmem>>) target(%dma_start3A_114 : memref<10240x128xf32, #tpu.memory_space<vmem_shared>>) offsets(%dma_start3A_111 : memref<128xi32, #tpu.memory_space<vmem>>) semaphore(%run_scoped3A_108 : memref<!tpu.dma_semaphore, #tpu.memory_space<semaphore_mem>>) {add = true}
          %dma_wait3A_115 = arith.constant 0 : i32
          %dma_wait3A_116 = tpu.memref_slice %arg8[%add3A_77, %dma_wait3A_115] : memref<24x128xi32, #tpu.memory_space<vmem>> -> memref<1x128xi32, #tpu.memory_space<vmem>>
          %dma_wait3A_117 = tpu.memref_squeeze %dma_wait3A_116 : memref<1x128xi32, #tpu.memory_space<vmem>> -> memref<128xi32, #tpu.memory_space<vmem>>
          %dma_wait3A_118 = arith.constant 0 : i32
          %dma_wait3A_119 = arith.constant 0 : i32
          %dma_wait3A_120 = tpu.memref_slice %arg13[%dma_wait3A_118, %dma_wait3A_119] : memref<10240x128xf32, #tpu.memory_space<vmem_shared>> -> memref<10240x128xf32, #tpu.memory_space<vmem_shared>>
          tpu.wait_indirect_dma semaphore(%run_scoped3A_108 : memref<!tpu.dma_semaphore, #tpu.memory_space<semaphore_mem>>) src(%arg11 : memref<128x128xf32, #tpu.memory_space<vmem>>) dst(%dma_wait3A_120 : memref<10240x128xf32, #tpu.memory_space<vmem_shared>>)
          tpu.yield
        }) : () -> ()
        %add3A_91 = arith.constant 2 : i32
        %add3A_92 = arith.addi %add3A_77, %add3A_91 : i32
        %lt3A_93 = arith.constant 24 : i32
        %lt3A_94 = arith.cmpi slt, %add3A_92, %lt3A_93 : i32
        %convert_element_type3A_95 = arith.extui %lt3A_94 : i1 to i32
        %cond3A_96 = arith.constant 0 : i32
        %cond3A_97 = arith.cmpi ne, %convert_element_type3A_95, %cond3A_96 : i32
        scf.if %cond3A_97 {
          %add3A_108 = arith.constant 2 : i32
          %add3A_109 = arith.addi %add3A_77, %add3A_108 : i32
          %dma_start3A_110 = arith.constant 0 : i32
          %dma_start3A_111 = tpu.memref_slice %arg7[%add3A_109, %dma_start3A_110] : memref<24x128xi32, #tpu.memory_space<vmem>> -> memref<1x128xi32, #tpu.memory_space<vmem>>
          %dma_start3A_112 = tpu.memref_squeeze %dma_start3A_111 : memref<1x128xi32, #tpu.memory_space<vmem>> -> memref<128xi32, #tpu.memory_space<vmem>>
          %dma_start3A_113 = arith.constant 0 : i32
          %dma_start3A_114 = arith.constant 0 : i32
          %dma_start3A_115 = tpu.memref_slice %arg4[%dma_start3A_113, %dma_start3A_114] : memref<10000x128xf32, #tpu.memory_space<hbm>> -> memref<10000x128xf32, #tpu.memory_space<hbm>>
          tpu.enqueue_indirect_dma source(%dma_start3A_115 : memref<10000x128xf32, #tpu.memory_space<hbm>>) target(%arg11 : memref<128x128xf32, #tpu.memory_space<vmem>>) offsets(%dma_start3A_112 : memref<128xi32, #tpu.memory_space<vmem>>) semaphore(%arg14 : memref<!tpu.dma_semaphore, #tpu.memory_space<semaphore_mem>>)
        } else {
        }
        %add3A_98 = arith.constant 1 : i32
        %add3A_99 = arith.addi %add3A_77, %add3A_98 : i32
        %dma_wait3A_100 = arith.constant 0 : i32
        %dma_wait3A_101 = tpu.memref_slice %arg7[%add3A_99, %dma_wait3A_100] : memref<24x128xi32, #tpu.memory_space<vmem>> -> memref<1x128xi32, #tpu.memory_space<vmem>>
        %dma_wait3A_102 = tpu.memref_squeeze %dma_wait3A_101 : memref<1x128xi32, #tpu.memory_space<vmem>> -> memref<128xi32, #tpu.memory_space<vmem>>
        %dma_wait3A_103 = arith.constant 0 : i32
        %dma_wait3A_104 = arith.constant 0 : i32
        %dma_wait3A_105 = tpu.memref_slice %arg4[%dma_wait3A_103, %dma_wait3A_104] : memref<10000x128xf32, #tpu.memory_space<hbm>> -> memref<10000x128xf32, #tpu.memory_space<hbm>>
        tpu.wait_indirect_dma semaphore(%arg15 : memref<!tpu.dma_semaphore, #tpu.memory_space<semaphore_mem>>) src(%dma_wait3A_105 : memref<10000x128xf32, #tpu.memory_space<hbm>>) dst(%arg12 : memref<128x128xf32, #tpu.memory_space<vmem>>)
        %add3A_106 = arith.constant 1 : i32
        %add3A_107 = arith.addi %add3A_77, %add3A_106 : i32
        "tpu.region"() ({
          %run_scoped3A_108 = tpu.sem_alloc : memref<!tpu.dma_semaphore, #tpu.memory_space<semaphore_mem>>
          %dma_start3A_109 = arith.constant 0 : i32
          %dma_start3A_110 = tpu.memref_slice %arg8[%add3A_107, %dma_start3A_109] : memref<24x128xi32, #tpu.memory_space<vmem>> -> memref<1x128xi32, #tpu.memory_space<vmem>>
          %dma_start3A_111 = tpu.memref_squeeze %dma_start3A_110 : memref<1x128xi32, #tpu.memory_space<vmem>> -> memref<128xi32, #tpu.memory_space<vmem>>
          %dma_start3A_112 = arith.constant 0 : i32
          %dma_start3A_113 = arith.constant 0 : i32
          %dma_start3A_114 = tpu.memref_slice %arg13[%dma_start3A_112, %dma_start3A_113] : memref<10240x128xf32, #tpu.memory_space<vmem_shared>> -> memref<10240x128xf32, #tpu.memory_space<vmem_shared>>
          tpu.enqueue_indirect_dma source(%arg12 : memref<128x128xf32, #tpu.memory_space<vmem>>) target(%dma_start3A_114 : memref<10240x128xf32, #tpu.memory_space<vmem_shared>>) offsets(%dma_start3A_111 : memref<128xi32, #tpu.memory_space<vmem>>) semaphore(%run_scoped3A_108 : memref<!tpu.dma_semaphore, #tpu.memory_space<semaphore_mem>>) {add = true}
          %dma_wait3A_115 = arith.constant 0 : i32
          %dma_wait3A_116 = tpu.memref_slice %arg8[%add3A_107, %dma_wait3A_115] : memref<24x128xi32, #tpu.memory_space<vmem>> -> memref<1x128xi32, #tpu.memory_space<vmem>>
          %dma_wait3A_117 = tpu.memref_squeeze %dma_wait3A_116 : memref<1x128xi32, #tpu.memory_space<vmem>> -> memref<128xi32, #tpu.memory_space<vmem>>
          %dma_wait3A_118 = arith.constant 0 : i32
          %dma_wait3A_119 = arith.constant 0 : i32
          %dma_wait3A_120 = tpu.memref_slice %arg13[%dma_wait3A_118, %dma_wait3A_119] : memref<10240x128xf32, #tpu.memory_space<vmem_shared>> -> memref<10240x128xf32, #tpu.memory_space<vmem_shared>>
          tpu.wait_indirect_dma semaphore(%run_scoped3A_108 : memref<!tpu.dma_semaphore, #tpu.memory_space<semaphore_mem>>) src(%arg12 : memref<128x128xf32, #tpu.memory_space<vmem>>) dst(%dma_wait3A_120 : memref<10240x128xf32, #tpu.memory_space<vmem_shared>>)
          tpu.yield
        }) : () -> ()
      }
      %scan3A_22 = arith.constant 12 : i32
      %add3A_23 = arith.constant 24 : i32
      %add3A_24 = arith.addi %mul3A_11, %add3A_23 : i32
      %run_scoped3A_25 = arith.constant 0 : i32
      "tpu.region"() ({
        %run_scoped3A_73 = tpu.sem_alloc : memref<!tpu.dma_semaphore, #tpu.memory_space<semaphore_mem>>
        %dma_start3A_74 = arith.constant 0 : i32
        %dma_start3A_75 = arith.constant 0 : i32
        %dma_start3A_76 = tpu.memref_slice %arg7[%dma_start3A_74, %dma_start3A_75] : memref<24x128xi32, #tpu.memory_space<vmem>> -> memref<24x128xi32, #tpu.memory_space<vmem>>
        %dma_start3A_77 = arith.constant 0 : i32
        %dma_start3A_78 = arith.constant 0 : i32
        %dma_start3A_79 = tpu.memref_slice %arg2[%run_scoped3A_25, %dma_start3A_77, %dma_start3A_78] : memref<2x2500x128xi32, #tpu.memory_space<hbm>> -> memref<1x2500x128xi32, #tpu.memory_space<hbm>>
        %dma_start3A_80 = tpu.memref_squeeze %dma_start3A_79 : memref<1x2500x128xi32, #tpu.memory_space<hbm>> -> memref<2500x128xi32, #tpu.memory_space<hbm>>
        %dma_start3A_81 = arith.constant 0 : i32
        %dma_start3A_82 = tpu.memref_slice %dma_start3A_80[%add3A_24, %dma_start3A_81] : memref<2500x128xi32, #tpu.memory_space<hbm>> -> memref<24x128xi32, #tpu.memory_space<hbm>>
        %dma_start3A_83 = arith.constant 0 : i32
        %dma_start3A_84 = arith.constant 0 : i32
        %dma_start3A_85 = tpu.memref_slice %arg7[%dma_start3A_83, %dma_start3A_84] : memref<24x128xi32, #tpu.memory_space<vmem>> -> memref<24x128xi32, #tpu.memory_space<vmem>>
        %dma_start3A_86 = arith.constant 0 : i32
        %dma_start3A_87 = arith.constant 0 : i32
        %dma_start3A_88 = tpu.memref_slice %arg2[%run_scoped3A_25, %dma_start3A_86, %dma_start3A_87] : memref<2x2500x128xi32, #tpu.memory_space<hbm>> -> memref<1x2500x128xi32, #tpu.memory_space<hbm>>
        %dma_start3A_89 = tpu.memref_squeeze %dma_start3A_88 : memref<1x2500x128xi32, #tpu.memory_space<hbm>> -> memref<2500x128xi32, #tpu.memory_space<hbm>>
        %dma_start3A_90 = arith.constant 0 : i32
        %dma_start3A_91 = tpu.memref_slice %dma_start3A_89[%add3A_24, %dma_start3A_90] : memref<2500x128xi32, #tpu.memory_space<hbm>> -> memref<24x128xi32, #tpu.memory_space<hbm>>
        tpu.enqueue_dma source(%dma_start3A_91 : memref<24x128xi32, #tpu.memory_space<hbm>>) target(%dma_start3A_85 : memref<24x128xi32, #tpu.memory_space<vmem>>) target_semaphore(%run_scoped3A_73 : memref<!tpu.dma_semaphore, #tpu.memory_space<semaphore_mem>>)
        %dma_wait3A = arith.constant 0 : i32
        %dma_wait3A_92 = arith.constant 0 : i32
        %dma_wait3A_93 = tpu.memref_slice %arg7[%dma_wait3A, %dma_wait3A_92] : memref<24x128xi32, #tpu.memory_space<vmem>> -> memref<24x128xi32, #tpu.memory_space<vmem>>
        %dma_wait3A_94 = arith.constant 0 : i32
        %dma_wait3A_95 = arith.constant 0 : i32
        %dma_wait3A_96 = tpu.memref_slice %arg2[%run_scoped3A_25, %dma_wait3A_94, %dma_wait3A_95] : memref<2x2500x128xi32, #tpu.memory_space<hbm>> -> memref<1x2500x128xi32, #tpu.memory_space<hbm>>
        %dma_wait3A_97 = tpu.memref_squeeze %dma_wait3A_96 : memref<1x2500x128xi32, #tpu.memory_space<hbm>> -> memref<2500x128xi32, #tpu.memory_space<hbm>>
        %dma_wait3A_98 = arith.constant 0 : i32
        %dma_wait3A_99 = tpu.memref_slice %dma_wait3A_97[%add3A_24, %dma_wait3A_98] : memref<2500x128xi32, #tpu.memory_space<hbm>> -> memref<24x128xi32, #tpu.memory_space<hbm>>
        %dma_wait3A_100 = arith.constant 0 : i32
        %dma_wait3A_101 = arith.constant 0 : i32
        %dma_wait3A_102 = tpu.memref_slice %arg7[%dma_wait3A_100, %dma_wait3A_101] : memref<24x128xi32, #tpu.memory_space<vmem>> -> memref<24x128xi32, #tpu.memory_space<vmem>>
        %dma_wait3A_103 = arith.constant 0 : i32
        %dma_wait3A_104 = arith.constant 0 : i32
        %dma_wait3A_105 = tpu.memref_slice %arg2[%run_scoped3A_25, %dma_wait3A_103, %dma_wait3A_104] : memref<2x2500x128xi32, #tpu.memory_space<hbm>> -> memref<1x2500x128xi32, #tpu.memory_space<hbm>>
        %dma_wait3A_106 = tpu.memref_squeeze %dma_wait3A_105 : memref<1x2500x128xi32, #tpu.memory_space<hbm>> -> memref<2500x128xi32, #tpu.memory_space<hbm>>
        %dma_wait3A_107 = arith.constant 0 : i32
        %dma_wait3A_108 = tpu.memref_slice %dma_wait3A_106[%add3A_24, %dma_wait3A_107] : memref<2500x128xi32, #tpu.memory_space<hbm>> -> memref<24x128xi32, #tpu.memory_space<hbm>>
        tpu.wait_dma2 semaphore(%run_scoped3A_73 : memref<!tpu.dma_semaphore, #tpu.memory_space<semaphore_mem>>) src(%dma_wait3A_108 : memref<24x128xi32, #tpu.memory_space<hbm>>) dst(%dma_wait3A_102 : memref<24x128xi32, #tpu.memory_space<vmem>>)
        tpu.yield
      }) : () -> ()
      %run_scoped3A_26 = arith.constant 1 : i32
      "tpu.region"() ({
        %run_scoped3A_73 = tpu.sem_alloc : memref<!tpu.dma_semaphore, #tpu.memory_space<semaphore_mem>>
        %dma_start3A_74 = arith.constant 0 : i32
        %dma_start3A_75 = arith.constant 0 : i32
        %dma_start3A_76 = tpu.memref_slice %arg8[%dma_start3A_74, %dma_start3A_75] : memref<24x128xi32, #tpu.memory_space<vmem>> -> memref<24x128xi32, #tpu.memory_space<vmem>>
        %dma_start3A_77 = arith.constant 0 : i32
        %dma_start3A_78 = arith.constant 0 : i32
        %dma_start3A_79 = tpu.memref_slice %arg2[%run_scoped3A_26, %dma_start3A_77, %dma_start3A_78] : memref<2x2500x128xi32, #tpu.memory_space<hbm>> -> memref<1x2500x128xi32, #tpu.memory_space<hbm>>
        %dma_start3A_80 = tpu.memref_squeeze %dma_start3A_79 : memref<1x2500x128xi32, #tpu.memory_space<hbm>> -> memref<2500x128xi32, #tpu.memory_space<hbm>>
        %dma_start3A_81 = arith.constant 0 : i32
        %dma_start3A_82 = tpu.memref_slice %dma_start3A_80[%add3A_24, %dma_start3A_81] : memref<2500x128xi32, #tpu.memory_space<hbm>> -> memref<24x128xi32, #tpu.memory_space<hbm>>
        %dma_start3A_83 = arith.constant 0 : i32
        %dma_start3A_84 = arith.constant 0 : i32
        %dma_start3A_85 = tpu.memref_slice %arg8[%dma_start3A_83, %dma_start3A_84] : memref<24x128xi32, #tpu.memory_space<vmem>> -> memref<24x128xi32, #tpu.memory_space<vmem>>
        %dma_start3A_86 = arith.constant 0 : i32
        %dma_start3A_87 = arith.constant 0 : i32
        %dma_start3A_88 = tpu.memref_slice %arg2[%run_scoped3A_26, %dma_start3A_86, %dma_start3A_87] : memref<2x2500x128xi32, #tpu.memory_space<hbm>> -> memref<1x2500x128xi32, #tpu.memory_space<hbm>>
        %dma_start3A_89 = tpu.memref_squeeze %dma_start3A_88 : memref<1x2500x128xi32, #tpu.memory_space<hbm>> -> memref<2500x128xi32, #tpu.memory_space<hbm>>
        %dma_start3A_90 = arith.constant 0 : i32
        %dma_start3A_91 = tpu.memref_slice %dma_start3A_89[%add3A_24, %dma_start3A_90] : memref<2500x128xi32, #tpu.memory_space<hbm>> -> memref<24x128xi32, #tpu.memory_space<hbm>>
        tpu.enqueue_dma source(%dma_start3A_91 : memref<24x128xi32, #tpu.memory_space<hbm>>) target(%dma_start3A_85 : memref<24x128xi32, #tpu.memory_space<vmem>>) target_semaphore(%run_scoped3A_73 : memref<!tpu.dma_semaphore, #tpu.memory_space<semaphore_mem>>)
        %dma_wait3A = arith.constant 0 : i32
        %dma_wait3A_92 = arith.constant 0 : i32
        %dma_wait3A_93 = tpu.memref_slice %arg8[%dma_wait3A, %dma_wait3A_92] : memref<24x128xi32, #tpu.memory_space<vmem>> -> memref<24x128xi32, #tpu.memory_space<vmem>>
        %dma_wait3A_94 = arith.constant 0 : i32
        %dma_wait3A_95 = arith.constant 0 : i32
        %dma_wait3A_96 = tpu.memref_slice %arg2[%run_scoped3A_26, %dma_wait3A_94, %dma_wait3A_95] : memref<2x2500x128xi32, #tpu.memory_space<hbm>> -> memref<1x2500x128xi32, #tpu.memory_space<hbm>>
        %dma_wait3A_97 = tpu.memref_squeeze %dma_wait3A_96 : memref<1x2500x128xi32, #tpu.memory_space<hbm>> -> memref<2500x128xi32, #tpu.memory_space<hbm>>
        %dma_wait3A_98 = arith.constant 0 : i32
        %dma_wait3A_99 = tpu.memref_slice %dma_wait3A_97[%add3A_24, %dma_wait3A_98] : memref<2500x128xi32, #tpu.memory_space<hbm>> -> memref<24x128xi32, #tpu.memory_space<hbm>>
        %dma_wait3A_100 = arith.constant 0 : i32
        %dma_wait3A_101 = arith.constant 0 : i32
        %dma_wait3A_102 = tpu.memref_slice %arg8[%dma_wait3A_100, %dma_wait3A_101] : memref<24x128xi32, #tpu.memory_space<vmem>> -> memref<24x128xi32, #tpu.memory_space<vmem>>
        %dma_wait3A_103 = arith.constant 0 : i32
        %dma_wait3A_104 = arith.constant 0 : i32
        %dma_wait3A_105 = tpu.memref_slice %arg2[%run_scoped3A_26, %dma_wait3A_103, %dma_wait3A_104] : memref<2x2500x128xi32, #tpu.memory_space<hbm>> -> memref<1x2500x128xi32, #tpu.memory_space<hbm>>
        %dma_wait3A_106 = tpu.memref_squeeze %dma_wait3A_105 : memref<1x2500x128xi32, #tpu.memory_space<hbm>> -> memref<2500x128xi32, #tpu.memory_space<hbm>>
        %dma_wait3A_107 = arith.constant 0 : i32
        %dma_wait3A_108 = tpu.memref_slice %dma_wait3A_106[%add3A_24, %dma_wait3A_107] : memref<2500x128xi32, #tpu.memory_space<hbm>> -> memref<24x128xi32, #tpu.memory_space<hbm>>
        tpu.wait_dma2 semaphore(%run_scoped3A_73 : memref<!tpu.dma_semaphore, #tpu.memory_space<semaphore_mem>>) src(%dma_wait3A_108 : memref<24x128xi32, #tpu.memory_space<hbm>>) dst(%dma_wait3A_102 : memref<24x128xi32, #tpu.memory_space<vmem>>)
        tpu.yield
      }) : () -> ()
      %dma_start3A_27 = arith.constant 0 : i32
      %dma_start3A_28 = arith.constant 0 : i32
      %dma_start3A_29 = tpu.memref_slice %arg7[%dma_start3A_27, %dma_start3A_28] : memref<24x128xi32, #tpu.memory_space<vmem>> -> memref<1x128xi32, #tpu.memory_space<vmem>>
      %dma_start3A_30 = tpu.memref_squeeze %dma_start3A_29 : memref<1x128xi32, #tpu.memory_space<vmem>> -> memref<128xi32, #tpu.memory_space<vmem>>
      %dma_start3A_31 = arith.constant 0 : i32
      %dma_start3A_32 = arith.constant 0 : i32
      %dma_start3A_33 = tpu.memref_slice %arg4[%dma_start3A_31, %dma_start3A_32] : memref<10000x128xf32, #tpu.memory_space<hbm>> -> memref<10000x128xf32, #tpu.memory_space<hbm>>
      tpu.enqueue_indirect_dma source(%dma_start3A_33 : memref<10000x128xf32, #tpu.memory_space<hbm>>) target(%arg11 : memref<128x128xf32, #tpu.memory_space<vmem>>) offsets(%dma_start3A_30 : memref<128xi32, #tpu.memory_space<vmem>>) semaphore(%arg14 : memref<!tpu.dma_semaphore, #tpu.memory_space<semaphore_mem>>)
      %scan3A_34 = arith.constant 0 : i32
      %scan3A_35 = arith.constant 12 : i32
      %scan3A_36 = arith.addi %scan3A_34, %scan3A_35 : i32
      %scan3A_37 = arith.constant 1 : i32
      scf.for %scan3A_73 = %scan3A_34 to %scan3A_36 step %scan3A_37  : i32 {
        %mul3A_74 = arith.constant 2 : i32
        %mul3A_75 = arith.muli %scan3A_73, %mul3A_74 : i32
        %add3A_76 = arith.constant 0 : i32
        %add3A_77 = arith.addi %add3A_76, %mul3A_75 : i32
        %add3A_78 = arith.constant 1 : i32
        %add3A_79 = arith.addi %add3A_77, %add3A_78 : i32
        %dma_start3A_80 = arith.constant 0 : i32
        %dma_start3A_81 = tpu.memref_slice %arg7[%add3A_79, %dma_start3A_80] : memref<24x128xi32, #tpu.memory_space<vmem>> -> memref<1x128xi32, #tpu.memory_space<vmem>>
        %dma_start3A_82 = tpu.memref_squeeze %dma_start3A_81 : memref<1x128xi32, #tpu.memory_space<vmem>> -> memref<128xi32, #tpu.memory_space<vmem>>
        %dma_start3A_83 = arith.constant 0 : i32
        %dma_start3A_84 = arith.constant 0 : i32
        %dma_start3A_85 = tpu.memref_slice %arg4[%dma_start3A_83, %dma_start3A_84] : memref<10000x128xf32, #tpu.memory_space<hbm>> -> memref<10000x128xf32, #tpu.memory_space<hbm>>
        tpu.enqueue_indirect_dma source(%dma_start3A_85 : memref<10000x128xf32, #tpu.memory_space<hbm>>) target(%arg12 : memref<128x128xf32, #tpu.memory_space<vmem>>) offsets(%dma_start3A_82 : memref<128xi32, #tpu.memory_space<vmem>>) semaphore(%arg15 : memref<!tpu.dma_semaphore, #tpu.memory_space<semaphore_mem>>)
        %dma_wait3A = arith.constant 0 : i32
        %dma_wait3A_86 = tpu.memref_slice %arg7[%add3A_77, %dma_wait3A] : memref<24x128xi32, #tpu.memory_space<vmem>> -> memref<1x128xi32, #tpu.memory_space<vmem>>
        %dma_wait3A_87 = tpu.memref_squeeze %dma_wait3A_86 : memref<1x128xi32, #tpu.memory_space<vmem>> -> memref<128xi32, #tpu.memory_space<vmem>>
        %dma_wait3A_88 = arith.constant 0 : i32
        %dma_wait3A_89 = arith.constant 0 : i32
        %dma_wait3A_90 = tpu.memref_slice %arg4[%dma_wait3A_88, %dma_wait3A_89] : memref<10000x128xf32, #tpu.memory_space<hbm>> -> memref<10000x128xf32, #tpu.memory_space<hbm>>
        tpu.wait_indirect_dma semaphore(%arg14 : memref<!tpu.dma_semaphore, #tpu.memory_space<semaphore_mem>>) src(%dma_wait3A_90 : memref<10000x128xf32, #tpu.memory_space<hbm>>) dst(%arg11 : memref<128x128xf32, #tpu.memory_space<vmem>>)
        "tpu.region"() ({
          %run_scoped3A_108 = tpu.sem_alloc : memref<!tpu.dma_semaphore, #tpu.memory_space<semaphore_mem>>
          %dma_start3A_109 = arith.constant 0 : i32
          %dma_start3A_110 = tpu.memref_slice %arg8[%add3A_77, %dma_start3A_109] : memref<24x128xi32, #tpu.memory_space<vmem>> -> memref<1x128xi32, #tpu.memory_space<vmem>>
          %dma_start3A_111 = tpu.memref_squeeze %dma_start3A_110 : memref<1x128xi32, #tpu.memory_space<vmem>> -> memref<128xi32, #tpu.memory_space<vmem>>
          %dma_start3A_112 = arith.constant 0 : i32
          %dma_start3A_113 = arith.constant 0 : i32
          %dma_start3A_114 = tpu.memref_slice %arg13[%dma_start3A_112, %dma_start3A_113] : memref<10240x128xf32, #tpu.memory_space<vmem_shared>> -> memref<10240x128xf32, #tpu.memory_space<vmem_shared>>
          tpu.enqueue_indirect_dma source(%arg11 : memref<128x128xf32, #tpu.memory_space<vmem>>) target(%dma_start3A_114 : memref<10240x128xf32, #tpu.memory_space<vmem_shared>>) offsets(%dma_start3A_111 : memref<128xi32, #tpu.memory_space<vmem>>) semaphore(%run_scoped3A_108 : memref<!tpu.dma_semaphore, #tpu.memory_space<semaphore_mem>>) {add = true}
          %dma_wait3A_115 = arith.constant 0 : i32
          %dma_wait3A_116 = tpu.memref_slice %arg8[%add3A_77, %dma_wait3A_115] : memref<24x128xi32, #tpu.memory_space<vmem>> -> memref<1x128xi32, #tpu.memory_space<vmem>>
          %dma_wait3A_117 = tpu.memref_squeeze %dma_wait3A_116 : memref<1x128xi32, #tpu.memory_space<vmem>> -> memref<128xi32, #tpu.memory_space<vmem>>
          %dma_wait3A_118 = arith.constant 0 : i32
          %dma_wait3A_119 = arith.constant 0 : i32
          %dma_wait3A_120 = tpu.memref_slice %arg13[%dma_wait3A_118, %dma_wait3A_119] : memref<10240x128xf32, #tpu.memory_space<vmem_shared>> -> memref<10240x128xf32, #tpu.memory_space<vmem_shared>>
          tpu.wait_indirect_dma semaphore(%run_scoped3A_108 : memref<!tpu.dma_semaphore, #tpu.memory_space<semaphore_mem>>) src(%arg11 : memref<128x128xf32, #tpu.memory_space<vmem>>) dst(%dma_wait3A_120 : memref<10240x128xf32, #tpu.memory_space<vmem_shared>>)
          tpu.yield
        }) : () -> ()
        %add3A_91 = arith.constant 2 : i32
        %add3A_92 = arith.addi %add3A_77, %add3A_91 : i32
        %lt3A_93 = arith.constant 24 : i32
        %lt3A_94 = arith.cmpi slt, %add3A_92, %lt3A_93 : i32
        %convert_element_type3A_95 = arith.extui %lt3A_94 : i1 to i32
        %cond3A_96 = arith.constant 0 : i32
        %cond3A_97 = arith.cmpi ne, %convert_element_type3A_95, %cond3A_96 : i32
        scf.if %cond3A_97 {
          %add3A_108 = arith.constant 2 : i32
          %add3A_109 = arith.addi %add3A_77, %add3A_108 : i32
          %dma_start3A_110 = arith.constant 0 : i32
          %dma_start3A_111 = tpu.memref_slice %arg7[%add3A_109, %dma_start3A_110] : memref<24x128xi32, #tpu.memory_space<vmem>> -> memref<1x128xi32, #tpu.memory_space<vmem>>
          %dma_start3A_112 = tpu.memref_squeeze %dma_start3A_111 : memref<1x128xi32, #tpu.memory_space<vmem>> -> memref<128xi32, #tpu.memory_space<vmem>>
          %dma_start3A_113 = arith.constant 0 : i32
          %dma_start3A_114 = arith.constant 0 : i32
          %dma_start3A_115 = tpu.memref_slice %arg4[%dma_start3A_113, %dma_start3A_114] : memref<10000x128xf32, #tpu.memory_space<hbm>> -> memref<10000x128xf32, #tpu.memory_space<hbm>>
          tpu.enqueue_indirect_dma source(%dma_start3A_115 : memref<10000x128xf32, #tpu.memory_space<hbm>>) target(%arg11 : memref<128x128xf32, #tpu.memory_space<vmem>>) offsets(%dma_start3A_112 : memref<128xi32, #tpu.memory_space<vmem>>) semaphore(%arg14 : memref<!tpu.dma_semaphore, #tpu.memory_space<semaphore_mem>>)
        } else {
        }
        %add3A_98 = arith.constant 1 : i32
        %add3A_99 = arith.addi %add3A_77, %add3A_98 : i32
        %dma_wait3A_100 = arith.constant 0 : i32
        %dma_wait3A_101 = tpu.memref_slice %arg7[%add3A_99, %dma_wait3A_100] : memref<24x128xi32, #tpu.memory_space<vmem>> -> memref<1x128xi32, #tpu.memory_space<vmem>>
        %dma_wait3A_102 = tpu.memref_squeeze %dma_wait3A_101 : memref<1x128xi32, #tpu.memory_space<vmem>> -> memref<128xi32, #tpu.memory_space<vmem>>
        %dma_wait3A_103 = arith.constant 0 : i32
        %dma_wait3A_104 = arith.constant 0 : i32
        %dma_wait3A_105 = tpu.memref_slice %arg4[%dma_wait3A_103, %dma_wait3A_104] : memref<10000x128xf32, #tpu.memory_space<hbm>> -> memref<10000x128xf32, #tpu.memory_space<hbm>>
        tpu.wait_indirect_dma semaphore(%arg15 : memref<!tpu.dma_semaphore, #tpu.memory_space<semaphore_mem>>) src(%dma_wait3A_105 : memref<10000x128xf32, #tpu.memory_space<hbm>>) dst(%arg12 : memref<128x128xf32, #tpu.memory_space<vmem>>)
        %add3A_106 = arith.constant 1 : i32
        %add3A_107 = arith.addi %add3A_77, %add3A_106 : i32
        "tpu.region"() ({
          %run_scoped3A_108 = tpu.sem_alloc : memref<!tpu.dma_semaphore, #tpu.memory_space<semaphore_mem>>
          %dma_start3A_109 = arith.constant 0 : i32
          %dma_start3A_110 = tpu.memref_slice %arg8[%add3A_107, %dma_start3A_109] : memref<24x128xi32, #tpu.memory_space<vmem>> -> memref<1x128xi32, #tpu.memory_space<vmem>>
          %dma_start3A_111 = tpu.memref_squeeze %dma_start3A_110 : memref<1x128xi32, #tpu.memory_space<vmem>> -> memref<128xi32, #tpu.memory_space<vmem>>
          %dma_start3A_112 = arith.constant 0 : i32
          %dma_start3A_113 = arith.constant 0 : i32
          %dma_start3A_114 = tpu.memref_slice %arg13[%dma_start3A_112, %dma_start3A_113] : memref<10240x128xf32, #tpu.memory_space<vmem_shared>> -> memref<10240x128xf32, #tpu.memory_space<vmem_shared>>
          tpu.enqueue_indirect_dma source(%arg12 : memref<128x128xf32, #tpu.memory_space<vmem>>) target(%dma_start3A_114 : memref<10240x128xf32, #tpu.memory_space<vmem_shared>>) offsets(%dma_start3A_111 : memref<128xi32, #tpu.memory_space<vmem>>) semaphore(%run_scoped3A_108 : memref<!tpu.dma_semaphore, #tpu.memory_space<semaphore_mem>>) {add = true}
          %dma_wait3A_115 = arith.constant 0 : i32
          %dma_wait3A_116 = tpu.memref_slice %arg8[%add3A_107, %dma_wait3A_115] : memref<24x128xi32, #tpu.memory_space<vmem>> -> memref<1x128xi32, #tpu.memory_space<vmem>>
          %dma_wait3A_117 = tpu.memref_squeeze %dma_wait3A_116 : memref<1x128xi32, #tpu.memory_space<vmem>> -> memref<128xi32, #tpu.memory_space<vmem>>
          %dma_wait3A_118 = arith.constant 0 : i32
          %dma_wait3A_119 = arith.constant 0 : i32
          %dma_wait3A_120 = tpu.memref_slice %arg13[%dma_wait3A_118, %dma_wait3A_119] : memref<10240x128xf32, #tpu.memory_space<vmem_shared>> -> memref<10240x128xf32, #tpu.memory_space<vmem_shared>>
          tpu.wait_indirect_dma semaphore(%run_scoped3A_108 : memref<!tpu.dma_semaphore, #tpu.memory_space<semaphore_mem>>) src(%arg12 : memref<128x128xf32, #tpu.memory_space<vmem>>) dst(%dma_wait3A_120 : memref<10240x128xf32, #tpu.memory_space<vmem_shared>>)
          tpu.yield
        }) : () -> ()
      }
      %scan3A_38 = arith.constant 12 : i32
      %add3A_39 = arith.constant 24 : i32
      %add3A_40 = arith.addi %add3A_24, %add3A_39 : i32
      %run_scoped3A_41 = arith.constant 0 : i32
      "tpu.region"() ({
        %run_scoped3A_73 = tpu.sem_alloc : memref<!tpu.dma_semaphore, #tpu.memory_space<semaphore_mem>>
        %dma_start3A_74 = arith.constant 0 : i32
        %dma_start3A_75 = arith.constant 0 : i32
        %dma_start3A_76 = tpu.memref_slice %arg7[%dma_start3A_74, %dma_start3A_75] : memref<24x128xi32, #tpu.memory_space<vmem>> -> memref<24x128xi32, #tpu.memory_space<vmem>>
        %dma_start3A_77 = arith.constant 0 : i32
        %dma_start3A_78 = arith.constant 0 : i32
        %dma_start3A_79 = tpu.memref_slice %arg2[%run_scoped3A_41, %dma_start3A_77, %dma_start3A_78] : memref<2x2500x128xi32, #tpu.memory_space<hbm>> -> memref<1x2500x128xi32, #tpu.memory_space<hbm>>
        %dma_start3A_80 = tpu.memref_squeeze %dma_start3A_79 : memref<1x2500x128xi32, #tpu.memory_space<hbm>> -> memref<2500x128xi32, #tpu.memory_space<hbm>>
        %dma_start3A_81 = arith.constant 0 : i32
        %dma_start3A_82 = tpu.memref_slice %dma_start3A_80[%add3A_40, %dma_start3A_81] : memref<2500x128xi32, #tpu.memory_space<hbm>> -> memref<24x128xi32, #tpu.memory_space<hbm>>
        %dma_start3A_83 = arith.constant 0 : i32
        %dma_start3A_84 = arith.constant 0 : i32
        %dma_start3A_85 = tpu.memref_slice %arg7[%dma_start3A_83, %dma_start3A_84] : memref<24x128xi32, #tpu.memory_space<vmem>> -> memref<24x128xi32, #tpu.memory_space<vmem>>
        %dma_start3A_86 = arith.constant 0 : i32
        %dma_start3A_87 = arith.constant 0 : i32
        %dma_start3A_88 = tpu.memref_slice %arg2[%run_scoped3A_41, %dma_start3A_86, %dma_start3A_87] : memref<2x2500x128xi32, #tpu.memory_space<hbm>> -> memref<1x2500x128xi32, #tpu.memory_space<hbm>>
        %dma_start3A_89 = tpu.memref_squeeze %dma_start3A_88 : memref<1x2500x128xi32, #tpu.memory_space<hbm>> -> memref<2500x128xi32, #tpu.memory_space<hbm>>
        %dma_start3A_90 = arith.constant 0 : i32
        %dma_start3A_91 = tpu.memref_slice %dma_start3A_89[%add3A_40, %dma_start3A_90] : memref<2500x128xi32, #tpu.memory_space<hbm>> -> memref<24x128xi32, #tpu.memory_space<hbm>>
        tpu.enqueue_dma source(%dma_start3A_91 : memref<24x128xi32, #tpu.memory_space<hbm>>) target(%dma_start3A_85 : memref<24x128xi32, #tpu.memory_space<vmem>>) target_semaphore(%run_scoped3A_73 : memref<!tpu.dma_semaphore, #tpu.memory_space<semaphore_mem>>)
        %dma_wait3A = arith.constant 0 : i32
        %dma_wait3A_92 = arith.constant 0 : i32
        %dma_wait3A_93 = tpu.memref_slice %arg7[%dma_wait3A, %dma_wait3A_92] : memref<24x128xi32, #tpu.memory_space<vmem>> -> memref<24x128xi32, #tpu.memory_space<vmem>>
        %dma_wait3A_94 = arith.constant 0 : i32
        %dma_wait3A_95 = arith.constant 0 : i32
        %dma_wait3A_96 = tpu.memref_slice %arg2[%run_scoped3A_41, %dma_wait3A_94, %dma_wait3A_95] : memref<2x2500x128xi32, #tpu.memory_space<hbm>> -> memref<1x2500x128xi32, #tpu.memory_space<hbm>>
        %dma_wait3A_97 = tpu.memref_squeeze %dma_wait3A_96 : memref<1x2500x128xi32, #tpu.memory_space<hbm>> -> memref<2500x128xi32, #tpu.memory_space<hbm>>
        %dma_wait3A_98 = arith.constant 0 : i32
        %dma_wait3A_99 = tpu.memref_slice %dma_wait3A_97[%add3A_40, %dma_wait3A_98] : memref<2500x128xi32, #tpu.memory_space<hbm>> -> memref<24x128xi32, #tpu.memory_space<hbm>>
        %dma_wait3A_100 = arith.constant 0 : i32
        %dma_wait3A_101 = arith.constant 0 : i32
        %dma_wait3A_102 = tpu.memref_slice %arg7[%dma_wait3A_100, %dma_wait3A_101] : memref<24x128xi32, #tpu.memory_space<vmem>> -> memref<24x128xi32, #tpu.memory_space<vmem>>
        %dma_wait3A_103 = arith.constant 0 : i32
        %dma_wait3A_104 = arith.constant 0 : i32
        %dma_wait3A_105 = tpu.memref_slice %arg2[%run_scoped3A_41, %dma_wait3A_103, %dma_wait3A_104] : memref<2x2500x128xi32, #tpu.memory_space<hbm>> -> memref<1x2500x128xi32, #tpu.memory_space<hbm>>
        %dma_wait3A_106 = tpu.memref_squeeze %dma_wait3A_105 : memref<1x2500x128xi32, #tpu.memory_space<hbm>> -> memref<2500x128xi32, #tpu.memory_space<hbm>>
        %dma_wait3A_107 = arith.constant 0 : i32
        %dma_wait3A_108 = tpu.memref_slice %dma_wait3A_106[%add3A_40, %dma_wait3A_107] : memref<2500x128xi32, #tpu.memory_space<hbm>> -> memref<24x128xi32, #tpu.memory_space<hbm>>
        tpu.wait_dma2 semaphore(%run_scoped3A_73 : memref<!tpu.dma_semaphore, #tpu.memory_space<semaphore_mem>>) src(%dma_wait3A_108 : memref<24x128xi32, #tpu.memory_space<hbm>>) dst(%dma_wait3A_102 : memref<24x128xi32, #tpu.memory_space<vmem>>)
        tpu.yield
      }) : () -> ()
      %run_scoped3A_42 = arith.constant 1 : i32
      "tpu.region"() ({
        %run_scoped3A_73 = tpu.sem_alloc : memref<!tpu.dma_semaphore, #tpu.memory_space<semaphore_mem>>
        %dma_start3A_74 = arith.constant 0 : i32
        %dma_start3A_75 = arith.constant 0 : i32
        %dma_start3A_76 = tpu.memref_slice %arg8[%dma_start3A_74, %dma_start3A_75] : memref<24x128xi32, #tpu.memory_space<vmem>> -> memref<24x128xi32, #tpu.memory_space<vmem>>
        %dma_start3A_77 = arith.constant 0 : i32
        %dma_start3A_78 = arith.constant 0 : i32
        %dma_start3A_79 = tpu.memref_slice %arg2[%run_scoped3A_42, %dma_start3A_77, %dma_start3A_78] : memref<2x2500x128xi32, #tpu.memory_space<hbm>> -> memref<1x2500x128xi32, #tpu.memory_space<hbm>>
        %dma_start3A_80 = tpu.memref_squeeze %dma_start3A_79 : memref<1x2500x128xi32, #tpu.memory_space<hbm>> -> memref<2500x128xi32, #tpu.memory_space<hbm>>
        %dma_start3A_81 = arith.constant 0 : i32
        %dma_start3A_82 = tpu.memref_slice %dma_start3A_80[%add3A_40, %dma_start3A_81] : memref<2500x128xi32, #tpu.memory_space<hbm>> -> memref<24x128xi32, #tpu.memory_space<hbm>>
        %dma_start3A_83 = arith.constant 0 : i32
        %dma_start3A_84 = arith.constant 0 : i32
        %dma_start3A_85 = tpu.memref_slice %arg8[%dma_start3A_83, %dma_start3A_84] : memref<24x128xi32, #tpu.memory_space<vmem>> -> memref<24x128xi32, #tpu.memory_space<vmem>>
        %dma_start3A_86 = arith.constant 0 : i32
        %dma_start3A_87 = arith.constant 0 : i32
        %dma_start3A_88 = tpu.memref_slice %arg2[%run_scoped3A_42, %dma_start3A_86, %dma_start3A_87] : memref<2x2500x128xi32, #tpu.memory_space<hbm>> -> memref<1x2500x128xi32, #tpu.memory_space<hbm>>
        %dma_start3A_89 = tpu.memref_squeeze %dma_start3A_88 : memref<1x2500x128xi32, #tpu.memory_space<hbm>> -> memref<2500x128xi32, #tpu.memory_space<hbm>>
        %dma_start3A_90 = arith.constant 0 : i32
        %dma_start3A_91 = tpu.memref_slice %dma_start3A_89[%add3A_40, %dma_start3A_90] : memref<2500x128xi32, #tpu.memory_space<hbm>> -> memref<24x128xi32, #tpu.memory_space<hbm>>
        tpu.enqueue_dma source(%dma_start3A_91 : memref<24x128xi32, #tpu.memory_space<hbm>>) target(%dma_start3A_85 : memref<24x128xi32, #tpu.memory_space<vmem>>) target_semaphore(%run_scoped3A_73 : memref<!tpu.dma_semaphore, #tpu.memory_space<semaphore_mem>>)
        %dma_wait3A = arith.constant 0 : i32
        %dma_wait3A_92 = arith.constant 0 : i32
        %dma_wait3A_93 = tpu.memref_slice %arg8[%dma_wait3A, %dma_wait3A_92] : memref<24x128xi32, #tpu.memory_space<vmem>> -> memref<24x128xi32, #tpu.memory_space<vmem>>
        %dma_wait3A_94 = arith.constant 0 : i32
        %dma_wait3A_95 = arith.constant 0 : i32
        %dma_wait3A_96 = tpu.memref_slice %arg2[%run_scoped3A_42, %dma_wait3A_94, %dma_wait3A_95] : memref<2x2500x128xi32, #tpu.memory_space<hbm>> -> memref<1x2500x128xi32, #tpu.memory_space<hbm>>
        %dma_wait3A_97 = tpu.memref_squeeze %dma_wait3A_96 : memref<1x2500x128xi32, #tpu.memory_space<hbm>> -> memref<2500x128xi32, #tpu.memory_space<hbm>>
        %dma_wait3A_98 = arith.constant 0 : i32
        %dma_wait3A_99 = tpu.memref_slice %dma_wait3A_97[%add3A_40, %dma_wait3A_98] : memref<2500x128xi32, #tpu.memory_space<hbm>> -> memref<24x128xi32, #tpu.memory_space<hbm>>
        %dma_wait3A_100 = arith.constant 0 : i32
        %dma_wait3A_101 = arith.constant 0 : i32
        %dma_wait3A_102 = tpu.memref_slice %arg8[%dma_wait3A_100, %dma_wait3A_101] : memref<24x128xi32, #tpu.memory_space<vmem>> -> memref<24x128xi32, #tpu.memory_space<vmem>>
        %dma_wait3A_103 = arith.constant 0 : i32
        %dma_wait3A_104 = arith.constant 0 : i32
        %dma_wait3A_105 = tpu.memref_slice %arg2[%run_scoped3A_42, %dma_wait3A_103, %dma_wait3A_104] : memref<2x2500x128xi32, #tpu.memory_space<hbm>> -> memref<1x2500x128xi32, #tpu.memory_space<hbm>>
        %dma_wait3A_106 = tpu.memref_squeeze %dma_wait3A_105 : memref<1x2500x128xi32, #tpu.memory_space<hbm>> -> memref<2500x128xi32, #tpu.memory_space<hbm>>
        %dma_wait3A_107 = arith.constant 0 : i32
        %dma_wait3A_108 = tpu.memref_slice %dma_wait3A_106[%add3A_40, %dma_wait3A_107] : memref<2500x128xi32, #tpu.memory_space<hbm>> -> memref<24x128xi32, #tpu.memory_space<hbm>>
        tpu.wait_dma2 semaphore(%run_scoped3A_73 : memref<!tpu.dma_semaphore, #tpu.memory_space<semaphore_mem>>) src(%dma_wait3A_108 : memref<24x128xi32, #tpu.memory_space<hbm>>) dst(%dma_wait3A_102 : memref<24x128xi32, #tpu.memory_space<vmem>>)
        tpu.yield
      }) : () -> ()
      %dma_start3A_43 = arith.constant 0 : i32
      %dma_start3A_44 = arith.constant 0 : i32
      %dma_start3A_45 = tpu.memref_slice %arg7[%dma_start3A_43, %dma_start3A_44] : memref<24x128xi32, #tpu.memory_space<vmem>> -> memref<1x128xi32, #tpu.memory_space<vmem>>
      %dma_start3A_46 = tpu.memref_squeeze %dma_start3A_45 : memref<1x128xi32, #tpu.memory_space<vmem>> -> memref<128xi32, #tpu.memory_space<vmem>>
      %dma_start3A_47 = arith.constant 0 : i32
      %dma_start3A_48 = arith.constant 0 : i32
      %dma_start3A_49 = tpu.memref_slice %arg4[%dma_start3A_47, %dma_start3A_48] : memref<10000x128xf32, #tpu.memory_space<hbm>> -> memref<10000x128xf32, #tpu.memory_space<hbm>>
      tpu.enqueue_indirect_dma source(%dma_start3A_49 : memref<10000x128xf32, #tpu.memory_space<hbm>>) target(%arg11 : memref<128x128xf32, #tpu.memory_space<vmem>>) offsets(%dma_start3A_46 : memref<128xi32, #tpu.memory_space<vmem>>) semaphore(%arg14 : memref<!tpu.dma_semaphore, #tpu.memory_space<semaphore_mem>>)
      %scan3A_50 = arith.constant 0 : i32
      %scan3A_51 = arith.constant 12 : i32
      %scan3A_52 = arith.addi %scan3A_50, %scan3A_51 : i32
      %scan3A_53 = arith.constant 1 : i32
      scf.for %scan3A_73 = %scan3A_50 to %scan3A_52 step %scan3A_53  : i32 {
        %mul3A_74 = arith.constant 2 : i32
        %mul3A_75 = arith.muli %scan3A_73, %mul3A_74 : i32
        %add3A_76 = arith.constant 0 : i32
        %add3A_77 = arith.addi %add3A_76, %mul3A_75 : i32
        %add3A_78 = arith.constant 1 : i32
        %add3A_79 = arith.addi %add3A_77, %add3A_78 : i32
        %dma_start3A_80 = arith.constant 0 : i32
        %dma_start3A_81 = tpu.memref_slice %arg7[%add3A_79, %dma_start3A_80] : memref<24x128xi32, #tpu.memory_space<vmem>> -> memref<1x128xi32, #tpu.memory_space<vmem>>
        %dma_start3A_82 = tpu.memref_squeeze %dma_start3A_81 : memref<1x128xi32, #tpu.memory_space<vmem>> -> memref<128xi32, #tpu.memory_space<vmem>>
        %dma_start3A_83 = arith.constant 0 : i32
        %dma_start3A_84 = arith.constant 0 : i32
        %dma_start3A_85 = tpu.memref_slice %arg4[%dma_start3A_83, %dma_start3A_84] : memref<10000x128xf32, #tpu.memory_space<hbm>> -> memref<10000x128xf32, #tpu.memory_space<hbm>>
        tpu.enqueue_indirect_dma source(%dma_start3A_85 : memref<10000x128xf32, #tpu.memory_space<hbm>>) target(%arg12 : memref<128x128xf32, #tpu.memory_space<vmem>>) offsets(%dma_start3A_82 : memref<128xi32, #tpu.memory_space<vmem>>) semaphore(%arg15 : memref<!tpu.dma_semaphore, #tpu.memory_space<semaphore_mem>>)
        %dma_wait3A = arith.constant 0 : i32
        %dma_wait3A_86 = tpu.memref_slice %arg7[%add3A_77, %dma_wait3A] : memref<24x128xi32, #tpu.memory_space<vmem>> -> memref<1x128xi32, #tpu.memory_space<vmem>>
        %dma_wait3A_87 = tpu.memref_squeeze %dma_wait3A_86 : memref<1x128xi32, #tpu.memory_space<vmem>> -> memref<128xi32, #tpu.memory_space<vmem>>
        %dma_wait3A_88 = arith.constant 0 : i32
        %dma_wait3A_89 = arith.constant 0 : i32
        %dma_wait3A_90 = tpu.memref_slice %arg4[%dma_wait3A_88, %dma_wait3A_89] : memref<10000x128xf32, #tpu.memory_space<hbm>> -> memref<10000x128xf32, #tpu.memory_space<hbm>>
        tpu.wait_indirect_dma semaphore(%arg14 : memref<!tpu.dma_semaphore, #tpu.memory_space<semaphore_mem>>) src(%dma_wait3A_90 : memref<10000x128xf32, #tpu.memory_space<hbm>>) dst(%arg11 : memref<128x128xf32, #tpu.memory_space<vmem>>)
        "tpu.region"() ({
          %run_scoped3A_108 = tpu.sem_alloc : memref<!tpu.dma_semaphore, #tpu.memory_space<semaphore_mem>>
          %dma_start3A_109 = arith.constant 0 : i32
          %dma_start3A_110 = tpu.memref_slice %arg8[%add3A_77, %dma_start3A_109] : memref<24x128xi32, #tpu.memory_space<vmem>> -> memref<1x128xi32, #tpu.memory_space<vmem>>
          %dma_start3A_111 = tpu.memref_squeeze %dma_start3A_110 : memref<1x128xi32, #tpu.memory_space<vmem>> -> memref<128xi32, #tpu.memory_space<vmem>>
          %dma_start3A_112 = arith.constant 0 : i32
          %dma_start3A_113 = arith.constant 0 : i32
          %dma_start3A_114 = tpu.memref_slice %arg13[%dma_start3A_112, %dma_start3A_113] : memref<10240x128xf32, #tpu.memory_space<vmem_shared>> -> memref<10240x128xf32, #tpu.memory_space<vmem_shared>>
          tpu.enqueue_indirect_dma source(%arg11 : memref<128x128xf32, #tpu.memory_space<vmem>>) target(%dma_start3A_114 : memref<10240x128xf32, #tpu.memory_space<vmem_shared>>) offsets(%dma_start3A_111 : memref<128xi32, #tpu.memory_space<vmem>>) semaphore(%run_scoped3A_108 : memref<!tpu.dma_semaphore, #tpu.memory_space<semaphore_mem>>) {add = true}
          %dma_wait3A_115 = arith.constant 0 : i32
          %dma_wait3A_116 = tpu.memref_slice %arg8[%add3A_77, %dma_wait3A_115] : memref<24x128xi32, #tpu.memory_space<vmem>> -> memref<1x128xi32, #tpu.memory_space<vmem>>
          %dma_wait3A_117 = tpu.memref_squeeze %dma_wait3A_116 : memref<1x128xi32, #tpu.memory_space<vmem>> -> memref<128xi32, #tpu.memory_space<vmem>>
          %dma_wait3A_118 = arith.constant 0 : i32
          %dma_wait3A_119 = arith.constant 0 : i32
          %dma_wait3A_120 = tpu.memref_slice %arg13[%dma_wait3A_118, %dma_wait3A_119] : memref<10240x128xf32, #tpu.memory_space<vmem_shared>> -> memref<10240x128xf32, #tpu.memory_space<vmem_shared>>
          tpu.wait_indirect_dma semaphore(%run_scoped3A_108 : memref<!tpu.dma_semaphore, #tpu.memory_space<semaphore_mem>>) src(%arg11 : memref<128x128xf32, #tpu.memory_space<vmem>>) dst(%dma_wait3A_120 : memref<10240x128xf32, #tpu.memory_space<vmem_shared>>)
          tpu.yield
        }) : () -> ()
        %add3A_91 = arith.constant 2 : i32
        %add3A_92 = arith.addi %add3A_77, %add3A_91 : i32
        %lt3A_93 = arith.constant 24 : i32
        %lt3A_94 = arith.cmpi slt, %add3A_92, %lt3A_93 : i32
        %convert_element_type3A_95 = arith.extui %lt3A_94 : i1 to i32
        %cond3A_96 = arith.constant 0 : i32
        %cond3A_97 = arith.cmpi ne, %convert_element_type3A_95, %cond3A_96 : i32
        scf.if %cond3A_97 {
          %add3A_108 = arith.constant 2 : i32
          %add3A_109 = arith.addi %add3A_77, %add3A_108 : i32
          %dma_start3A_110 = arith.constant 0 : i32
          %dma_start3A_111 = tpu.memref_slice %arg7[%add3A_109, %dma_start3A_110] : memref<24x128xi32, #tpu.memory_space<vmem>> -> memref<1x128xi32, #tpu.memory_space<vmem>>
          %dma_start3A_112 = tpu.memref_squeeze %dma_start3A_111 : memref<1x128xi32, #tpu.memory_space<vmem>> -> memref<128xi32, #tpu.memory_space<vmem>>
          %dma_start3A_113 = arith.constant 0 : i32
          %dma_start3A_114 = arith.constant 0 : i32
          %dma_start3A_115 = tpu.memref_slice %arg4[%dma_start3A_113, %dma_start3A_114] : memref<10000x128xf32, #tpu.memory_space<hbm>> -> memref<10000x128xf32, #tpu.memory_space<hbm>>
          tpu.enqueue_indirect_dma source(%dma_start3A_115 : memref<10000x128xf32, #tpu.memory_space<hbm>>) target(%arg11 : memref<128x128xf32, #tpu.memory_space<vmem>>) offsets(%dma_start3A_112 : memref<128xi32, #tpu.memory_space<vmem>>) semaphore(%arg14 : memref<!tpu.dma_semaphore, #tpu.memory_space<semaphore_mem>>)
        } else {
        }
        %add3A_98 = arith.constant 1 : i32
        %add3A_99 = arith.addi %add3A_77, %add3A_98 : i32
        %dma_wait3A_100 = arith.constant 0 : i32
        %dma_wait3A_101 = tpu.memref_slice %arg7[%add3A_99, %dma_wait3A_100] : memref<24x128xi32, #tpu.memory_space<vmem>> -> memref<1x128xi32, #tpu.memory_space<vmem>>
        %dma_wait3A_102 = tpu.memref_squeeze %dma_wait3A_101 : memref<1x128xi32, #tpu.memory_space<vmem>> -> memref<128xi32, #tpu.memory_space<vmem>>
        %dma_wait3A_103 = arith.constant 0 : i32
        %dma_wait3A_104 = arith.constant 0 : i32
        %dma_wait3A_105 = tpu.memref_slice %arg4[%dma_wait3A_103, %dma_wait3A_104] : memref<10000x128xf32, #tpu.memory_space<hbm>> -> memref<10000x128xf32, #tpu.memory_space<hbm>>
        tpu.wait_indirect_dma semaphore(%arg15 : memref<!tpu.dma_semaphore, #tpu.memory_space<semaphore_mem>>) src(%dma_wait3A_105 : memref<10000x128xf32, #tpu.memory_space<hbm>>) dst(%arg12 : memref<128x128xf32, #tpu.memory_space<vmem>>)
        %add3A_106 = arith.constant 1 : i32
        %add3A_107 = arith.addi %add3A_77, %add3A_106 : i32
        "tpu.region"() ({
          %run_scoped3A_108 = tpu.sem_alloc : memref<!tpu.dma_semaphore, #tpu.memory_space<semaphore_mem>>
          %dma_start3A_109 = arith.constant 0 : i32
          %dma_start3A_110 = tpu.memref_slice %arg8[%add3A_107, %dma_start3A_109] : memref<24x128xi32, #tpu.memory_space<vmem>> -> memref<1x128xi32, #tpu.memory_space<vmem>>
          %dma_start3A_111 = tpu.memref_squeeze %dma_start3A_110 : memref<1x128xi32, #tpu.memory_space<vmem>> -> memref<128xi32, #tpu.memory_space<vmem>>
          %dma_start3A_112 = arith.constant 0 : i32
          %dma_start3A_113 = arith.constant 0 : i32
          %dma_start3A_114 = tpu.memref_slice %arg13[%dma_start3A_112, %dma_start3A_113] : memref<10240x128xf32, #tpu.memory_space<vmem_shared>> -> memref<10240x128xf32, #tpu.memory_space<vmem_shared>>
          tpu.enqueue_indirect_dma source(%arg12 : memref<128x128xf32, #tpu.memory_space<vmem>>) target(%dma_start3A_114 : memref<10240x128xf32, #tpu.memory_space<vmem_shared>>) offsets(%dma_start3A_111 : memref<128xi32, #tpu.memory_space<vmem>>) semaphore(%run_scoped3A_108 : memref<!tpu.dma_semaphore, #tpu.memory_space<semaphore_mem>>) {add = true}
          %dma_wait3A_115 = arith.constant 0 : i32
          %dma_wait3A_116 = tpu.memref_slice %arg8[%add3A_107, %dma_wait3A_115] : memref<24x128xi32, #tpu.memory_space<vmem>> -> memref<1x128xi32, #tpu.memory_space<vmem>>
          %dma_wait3A_117 = tpu.memref_squeeze %dma_wait3A_116 : memref<1x128xi32, #tpu.memory_space<vmem>> -> memref<128xi32, #tpu.memory_space<vmem>>
          %dma_wait3A_118 = arith.constant 0 : i32
          %dma_wait3A_119 = arith.constant 0 : i32
          %dma_wait3A_120 = tpu.memref_slice %arg13[%dma_wait3A_118, %dma_wait3A_119] : memref<10240x128xf32, #tpu.memory_space<vmem_shared>> -> memref<10240x128xf32, #tpu.memory_space<vmem_shared>>
          tpu.wait_indirect_dma semaphore(%run_scoped3A_108 : memref<!tpu.dma_semaphore, #tpu.memory_space<semaphore_mem>>) src(%arg12 : memref<128x128xf32, #tpu.memory_space<vmem>>) dst(%dma_wait3A_120 : memref<10240x128xf32, #tpu.memory_space<vmem_shared>>)
          tpu.yield
        }) : () -> ()
      }
      %scan3A_54 = arith.constant 12 : i32
      %add3A_55 = arith.constant 24 : i32
      %add3A_56 = arith.addi %add3A_40, %add3A_55 : i32
      %run_scoped3A_57 = arith.constant 0 : i32
      "tpu.region"() ({
        %run_scoped3A_73 = tpu.sem_alloc : memref<!tpu.dma_semaphore, #tpu.memory_space<semaphore_mem>>
        %dma_start3A_74 = arith.constant 0 : i32
        %dma_start3A_75 = arith.constant 0 : i32
        %dma_start3A_76 = tpu.memref_slice %arg7[%dma_start3A_74, %dma_start3A_75] : memref<24x128xi32, #tpu.memory_space<vmem>> -> memref<8x128xi32, #tpu.memory_space<vmem>>
        %dma_start3A_77 = arith.constant 0 : i32
        %dma_start3A_78 = arith.constant 0 : i32
        %dma_start3A_79 = tpu.memref_slice %arg2[%run_scoped3A_57, %dma_start3A_77, %dma_start3A_78] : memref<2x2500x128xi32, #tpu.memory_space<hbm>> -> memref<1x2500x128xi32, #tpu.memory_space<hbm>>
        %dma_start3A_80 = tpu.memref_squeeze %dma_start3A_79 : memref<1x2500x128xi32, #tpu.memory_space<hbm>> -> memref<2500x128xi32, #tpu.memory_space<hbm>>
        %dma_start3A_81 = arith.constant 0 : i32
        %dma_start3A_82 = tpu.memref_slice %dma_start3A_80[%add3A_56, %dma_start3A_81] : memref<2500x128xi32, #tpu.memory_space<hbm>> -> memref<8x128xi32, #tpu.memory_space<hbm>>
        %dma_start3A_83 = arith.constant 0 : i32
        %dma_start3A_84 = arith.constant 0 : i32
        %dma_start3A_85 = tpu.memref_slice %arg7[%dma_start3A_83, %dma_start3A_84] : memref<24x128xi32, #tpu.memory_space<vmem>> -> memref<8x128xi32, #tpu.memory_space<vmem>>
        %dma_start3A_86 = arith.constant 0 : i32
        %dma_start3A_87 = arith.constant 0 : i32
        %dma_start3A_88 = tpu.memref_slice %arg2[%run_scoped3A_57, %dma_start3A_86, %dma_start3A_87] : memref<2x2500x128xi32, #tpu.memory_space<hbm>> -> memref<1x2500x128xi32, #tpu.memory_space<hbm>>
        %dma_start3A_89 = tpu.memref_squeeze %dma_start3A_88 : memref<1x2500x128xi32, #tpu.memory_space<hbm>> -> memref<2500x128xi32, #tpu.memory_space<hbm>>
        %dma_start3A_90 = arith.constant 0 : i32
        %dma_start3A_91 = tpu.memref_slice %dma_start3A_89[%add3A_56, %dma_start3A_90] : memref<2500x128xi32, #tpu.memory_space<hbm>> -> memref<8x128xi32, #tpu.memory_space<hbm>>
        tpu.enqueue_dma source(%dma_start3A_91 : memref<8x128xi32, #tpu.memory_space<hbm>>) target(%dma_start3A_85 : memref<8x128xi32, #tpu.memory_space<vmem>>) target_semaphore(%run_scoped3A_73 : memref<!tpu.dma_semaphore, #tpu.memory_space<semaphore_mem>>)
        %dma_wait3A = arith.constant 0 : i32
        %dma_wait3A_92 = arith.constant 0 : i32
        %dma_wait3A_93 = tpu.memref_slice %arg7[%dma_wait3A, %dma_wait3A_92] : memref<24x128xi32, #tpu.memory_space<vmem>> -> memref<8x128xi32, #tpu.memory_space<vmem>>
        %dma_wait3A_94 = arith.constant 0 : i32
        %dma_wait3A_95 = arith.constant 0 : i32
        %dma_wait3A_96 = tpu.memref_slice %arg2[%run_scoped3A_57, %dma_wait3A_94, %dma_wait3A_95] : memref<2x2500x128xi32, #tpu.memory_space<hbm>> -> memref<1x2500x128xi32, #tpu.memory_space<hbm>>
        %dma_wait3A_97 = tpu.memref_squeeze %dma_wait3A_96 : memref<1x2500x128xi32, #tpu.memory_space<hbm>> -> memref<2500x128xi32, #tpu.memory_space<hbm>>
        %dma_wait3A_98 = arith.constant 0 : i32
        %dma_wait3A_99 = tpu.memref_slice %dma_wait3A_97[%add3A_56, %dma_wait3A_98] : memref<2500x128xi32, #tpu.memory_space<hbm>> -> memref<8x128xi32, #tpu.memory_space<hbm>>
        %dma_wait3A_100 = arith.constant 0 : i32
        %dma_wait3A_101 = arith.constant 0 : i32
        %dma_wait3A_102 = tpu.memref_slice %arg7[%dma_wait3A_100, %dma_wait3A_101] : memref<24x128xi32, #tpu.memory_space<vmem>> -> memref<8x128xi32, #tpu.memory_space<vmem>>
        %dma_wait3A_103 = arith.constant 0 : i32
        %dma_wait3A_104 = arith.constant 0 : i32
        %dma_wait3A_105 = tpu.memref_slice %arg2[%run_scoped3A_57, %dma_wait3A_103, %dma_wait3A_104] : memref<2x2500x128xi32, #tpu.memory_space<hbm>> -> memref<1x2500x128xi32, #tpu.memory_space<hbm>>
        %dma_wait3A_106 = tpu.memref_squeeze %dma_wait3A_105 : memref<1x2500x128xi32, #tpu.memory_space<hbm>> -> memref<2500x128xi32, #tpu.memory_space<hbm>>
        %dma_wait3A_107 = arith.constant 0 : i32
        %dma_wait3A_108 = tpu.memref_slice %dma_wait3A_106[%add3A_56, %dma_wait3A_107] : memref<2500x128xi32, #tpu.memory_space<hbm>> -> memref<8x128xi32, #tpu.memory_space<hbm>>
        tpu.wait_dma2 semaphore(%run_scoped3A_73 : memref<!tpu.dma_semaphore, #tpu.memory_space<semaphore_mem>>) src(%dma_wait3A_108 : memref<8x128xi32, #tpu.memory_space<hbm>>) dst(%dma_wait3A_102 : memref<8x128xi32, #tpu.memory_space<vmem>>)
        tpu.yield
      }) : () -> ()
      %run_scoped3A_58 = arith.constant 1 : i32
      "tpu.region"() ({
        %run_scoped3A_73 = tpu.sem_alloc : memref<!tpu.dma_semaphore, #tpu.memory_space<semaphore_mem>>
        %dma_start3A_74 = arith.constant 0 : i32
        %dma_start3A_75 = arith.constant 0 : i32
        %dma_start3A_76 = tpu.memref_slice %arg8[%dma_start3A_74, %dma_start3A_75] : memref<24x128xi32, #tpu.memory_space<vmem>> -> memref<8x128xi32, #tpu.memory_space<vmem>>
        %dma_start3A_77 = arith.constant 0 : i32
        %dma_start3A_78 = arith.constant 0 : i32
        %dma_start3A_79 = tpu.memref_slice %arg2[%run_scoped3A_58, %dma_start3A_77, %dma_start3A_78] : memref<2x2500x128xi32, #tpu.memory_space<hbm>> -> memref<1x2500x128xi32, #tpu.memory_space<hbm>>
        %dma_start3A_80 = tpu.memref_squeeze %dma_start3A_79 : memref<1x2500x128xi32, #tpu.memory_space<hbm>> -> memref<2500x128xi32, #tpu.memory_space<hbm>>
        %dma_start3A_81 = arith.constant 0 : i32
        %dma_start3A_82 = tpu.memref_slice %dma_start3A_80[%add3A_56, %dma_start3A_81] : memref<2500x128xi32, #tpu.memory_space<hbm>> -> memref<8x128xi32, #tpu.memory_space<hbm>>
        %dma_start3A_83 = arith.constant 0 : i32
        %dma_start3A_84 = arith.constant 0 : i32
        %dma_start3A_85 = tpu.memref_slice %arg8[%dma_start3A_83, %dma_start3A_84] : memref<24x128xi32, #tpu.memory_space<vmem>> -> memref<8x128xi32, #tpu.memory_space<vmem>>
        %dma_start3A_86 = arith.constant 0 : i32
        %dma_start3A_87 = arith.constant 0 : i32
        %dma_start3A_88 = tpu.memref_slice %arg2[%run_scoped3A_58, %dma_start3A_86, %dma_start3A_87] : memref<2x2500x128xi32, #tpu.memory_space<hbm>> -> memref<1x2500x128xi32, #tpu.memory_space<hbm>>
        %dma_start3A_89 = tpu.memref_squeeze %dma_start3A_88 : memref<1x2500x128xi32, #tpu.memory_space<hbm>> -> memref<2500x128xi32, #tpu.memory_space<hbm>>
        %dma_start3A_90 = arith.constant 0 : i32
        %dma_start3A_91 = tpu.memref_slice %dma_start3A_89[%add3A_56, %dma_start3A_90] : memref<2500x128xi32, #tpu.memory_space<hbm>> -> memref<8x128xi32, #tpu.memory_space<hbm>>
        tpu.enqueue_dma source(%dma_start3A_91 : memref<8x128xi32, #tpu.memory_space<hbm>>) target(%dma_start3A_85 : memref<8x128xi32, #tpu.memory_space<vmem>>) target_semaphore(%run_scoped3A_73 : memref<!tpu.dma_semaphore, #tpu.memory_space<semaphore_mem>>)
        %dma_wait3A = arith.constant 0 : i32
        %dma_wait3A_92 = arith.constant 0 : i32
        %dma_wait3A_93 = tpu.memref_slice %arg8[%dma_wait3A, %dma_wait3A_92] : memref<24x128xi32, #tpu.memory_space<vmem>> -> memref<8x128xi32, #tpu.memory_space<vmem>>
        %dma_wait3A_94 = arith.constant 0 : i32
        %dma_wait3A_95 = arith.constant 0 : i32
        %dma_wait3A_96 = tpu.memref_slice %arg2[%run_scoped3A_58, %dma_wait3A_94, %dma_wait3A_95] : memref<2x2500x128xi32, #tpu.memory_space<hbm>> -> memref<1x2500x128xi32, #tpu.memory_space<hbm>>
        %dma_wait3A_97 = tpu.memref_squeeze %dma_wait3A_96 : memref<1x2500x128xi32, #tpu.memory_space<hbm>> -> memref<2500x128xi32, #tpu.memory_space<hbm>>
        %dma_wait3A_98 = arith.constant 0 : i32
        %dma_wait3A_99 = tpu.memref_slice %dma_wait3A_97[%add3A_56, %dma_wait3A_98] : memref<2500x128xi32, #tpu.memory_space<hbm>> -> memref<8x128xi32, #tpu.memory_space<hbm>>
        %dma_wait3A_100 = arith.constant 0 : i32
        %dma_wait3A_101 = arith.constant 0 : i32
        %dma_wait3A_102 = tpu.memref_slice %arg8[%dma_wait3A_100, %dma_wait3A_101] : memref<24x128xi32, #tpu.memory_space<vmem>> -> memref<8x128xi32, #tpu.memory_space<vmem>>
        %dma_wait3A_103 = arith.constant 0 : i32
        %dma_wait3A_104 = arith.constant 0 : i32
        %dma_wait3A_105 = tpu.memref_slice %arg2[%run_scoped3A_58, %dma_wait3A_103, %dma_wait3A_104] : memref<2x2500x128xi32, #tpu.memory_space<hbm>> -> memref<1x2500x128xi32, #tpu.memory_space<hbm>>
        %dma_wait3A_106 = tpu.memref_squeeze %dma_wait3A_105 : memref<1x2500x128xi32, #tpu.memory_space<hbm>> -> memref<2500x128xi32, #tpu.memory_space<hbm>>
        %dma_wait3A_107 = arith.constant 0 : i32
        %dma_wait3A_108 = tpu.memref_slice %dma_wait3A_106[%add3A_56, %dma_wait3A_107] : memref<2500x128xi32, #tpu.memory_space<hbm>> -> memref<8x128xi32, #tpu.memory_space<hbm>>
        tpu.wait_dma2 semaphore(%run_scoped3A_73 : memref<!tpu.dma_semaphore, #tpu.memory_space<semaphore_mem>>) src(%dma_wait3A_108 : memref<8x128xi32, #tpu.memory_space<hbm>>) dst(%dma_wait3A_102 : memref<8x128xi32, #tpu.memory_space<vmem>>)
        tpu.yield
      }) : () -> ()
      %dma_start3A_59 = arith.constant 0 : i32
      %dma_start3A_60 = arith.constant 0 : i32
      %dma_start3A_61 = tpu.memref_slice %arg7[%dma_start3A_59, %dma_start3A_60] : memref<24x128xi32, #tpu.memory_space<vmem>> -> memref<1x128xi32, #tpu.memory_space<vmem>>
      %dma_start3A_62 = tpu.memref_squeeze %dma_start3A_61 : memref<1x128xi32, #tpu.memory_space<vmem>> -> memref<128xi32, #tpu.memory_space<vmem>>
      %dma_start3A_63 = arith.constant 0 : i32
      %dma_start3A_64 = arith.constant 0 : i32
      %dma_start3A_65 = tpu.memref_slice %arg4[%dma_start3A_63, %dma_start3A_64] : memref<10000x128xf32, #tpu.memory_space<hbm>> -> memref<10000x128xf32, #tpu.memory_space<hbm>>
      tpu.enqueue_indirect_dma source(%dma_start3A_65 : memref<10000x128xf32, #tpu.memory_space<hbm>>) target(%arg11 : memref<128x128xf32, #tpu.memory_space<vmem>>) offsets(%dma_start3A_62 : memref<128xi32, #tpu.memory_space<vmem>>) semaphore(%arg14 : memref<!tpu.dma_semaphore, #tpu.memory_space<semaphore_mem>>)
      %scan3A_66 = arith.constant 0 : i32
      %scan3A_67 = arith.constant 4 : i32
      %scan3A_68 = arith.addi %scan3A_66, %scan3A_67 : i32
      %scan3A_69 = arith.constant 1 : i32
      scf.for %scan3A_73 = %scan3A_66 to %scan3A_68 step %scan3A_69  : i32 {
        %mul3A_74 = arith.constant 2 : i32
        %mul3A_75 = arith.muli %scan3A_73, %mul3A_74 : i32
        %add3A_76 = arith.constant 0 : i32
        %add3A_77 = arith.addi %add3A_76, %mul3A_75 : i32
        %add3A_78 = arith.constant 1 : i32
        %add3A_79 = arith.addi %add3A_77, %add3A_78 : i32
        %dma_start3A_80 = arith.constant 0 : i32
        %dma_start3A_81 = tpu.memref_slice %arg7[%add3A_79, %dma_start3A_80] : memref<24x128xi32, #tpu.memory_space<vmem>> -> memref<1x128xi32, #tpu.memory_space<vmem>>
        %dma_start3A_82 = tpu.memref_squeeze %dma_start3A_81 : memref<1x128xi32, #tpu.memory_space<vmem>> -> memref<128xi32, #tpu.memory_space<vmem>>
        %dma_start3A_83 = arith.constant 0 : i32
        %dma_start3A_84 = arith.constant 0 : i32
        %dma_start3A_85 = tpu.memref_slice %arg4[%dma_start3A_83, %dma_start3A_84] : memref<10000x128xf32, #tpu.memory_space<hbm>> -> memref<10000x128xf32, #tpu.memory_space<hbm>>
        tpu.enqueue_indirect_dma source(%dma_start3A_85 : memref<10000x128xf32, #tpu.memory_space<hbm>>) target(%arg12 : memref<128x128xf32, #tpu.memory_space<vmem>>) offsets(%dma_start3A_82 : memref<128xi32, #tpu.memory_space<vmem>>) semaphore(%arg15 : memref<!tpu.dma_semaphore, #tpu.memory_space<semaphore_mem>>)
        %dma_wait3A = arith.constant 0 : i32
        %dma_wait3A_86 = tpu.memref_slice %arg7[%add3A_77, %dma_wait3A] : memref<24x128xi32, #tpu.memory_space<vmem>> -> memref<1x128xi32, #tpu.memory_space<vmem>>
        %dma_wait3A_87 = tpu.memref_squeeze %dma_wait3A_86 : memref<1x128xi32, #tpu.memory_space<vmem>> -> memref<128xi32, #tpu.memory_space<vmem>>
        %dma_wait3A_88 = arith.constant 0 : i32
        %dma_wait3A_89 = arith.constant 0 : i32
        %dma_wait3A_90 = tpu.memref_slice %arg4[%dma_wait3A_88, %dma_wait3A_89] : memref<10000x128xf32, #tpu.memory_space<hbm>> -> memref<10000x128xf32, #tpu.memory_space<hbm>>
        tpu.wait_indirect_dma semaphore(%arg14 : memref<!tpu.dma_semaphore, #tpu.memory_space<semaphore_mem>>) src(%dma_wait3A_90 : memref<10000x128xf32, #tpu.memory_space<hbm>>) dst(%arg11 : memref<128x128xf32, #tpu.memory_space<vmem>>)
        "tpu.region"() ({
          %run_scoped3A_108 = tpu.sem_alloc : memref<!tpu.dma_semaphore, #tpu.memory_space<semaphore_mem>>
          %dma_start3A_109 = arith.constant 0 : i32
          %dma_start3A_110 = tpu.memref_slice %arg8[%add3A_77, %dma_start3A_109] : memref<24x128xi32, #tpu.memory_space<vmem>> -> memref<1x128xi32, #tpu.memory_space<vmem>>
          %dma_start3A_111 = tpu.memref_squeeze %dma_start3A_110 : memref<1x128xi32, #tpu.memory_space<vmem>> -> memref<128xi32, #tpu.memory_space<vmem>>
          %dma_start3A_112 = arith.constant 0 : i32
          %dma_start3A_113 = arith.constant 0 : i32
          %dma_start3A_114 = tpu.memref_slice %arg13[%dma_start3A_112, %dma_start3A_113] : memref<10240x128xf32, #tpu.memory_space<vmem_shared>> -> memref<10240x128xf32, #tpu.memory_space<vmem_shared>>
          tpu.enqueue_indirect_dma source(%arg11 : memref<128x128xf32, #tpu.memory_space<vmem>>) target(%dma_start3A_114 : memref<10240x128xf32, #tpu.memory_space<vmem_shared>>) offsets(%dma_start3A_111 : memref<128xi32, #tpu.memory_space<vmem>>) semaphore(%run_scoped3A_108 : memref<!tpu.dma_semaphore, #tpu.memory_space<semaphore_mem>>) {add = true}
          %dma_wait3A_115 = arith.constant 0 : i32
          %dma_wait3A_116 = tpu.memref_slice %arg8[%add3A_77, %dma_wait3A_115] : memref<24x128xi32, #tpu.memory_space<vmem>> -> memref<1x128xi32, #tpu.memory_space<vmem>>
          %dma_wait3A_117 = tpu.memref_squeeze %dma_wait3A_116 : memref<1x128xi32, #tpu.memory_space<vmem>> -> memref<128xi32, #tpu.memory_space<vmem>>
          %dma_wait3A_118 = arith.constant 0 : i32
          %dma_wait3A_119 = arith.constant 0 : i32
          %dma_wait3A_120 = tpu.memref_slice %arg13[%dma_wait3A_118, %dma_wait3A_119] : memref<10240x128xf32, #tpu.memory_space<vmem_shared>> -> memref<10240x128xf32, #tpu.memory_space<vmem_shared>>
          tpu.wait_indirect_dma semaphore(%run_scoped3A_108 : memref<!tpu.dma_semaphore, #tpu.memory_space<semaphore_mem>>) src(%arg11 : memref<128x128xf32, #tpu.memory_space<vmem>>) dst(%dma_wait3A_120 : memref<10240x128xf32, #tpu.memory_space<vmem_shared>>)
          tpu.yield
        }) : () -> ()
        %add3A_91 = arith.constant 2 : i32
        %add3A_92 = arith.addi %add3A_77, %add3A_91 : i32
        %lt3A_93 = arith.constant 8 : i32
        %lt3A_94 = arith.cmpi slt, %add3A_92, %lt3A_93 : i32
        %convert_element_type3A_95 = arith.extui %lt3A_94 : i1 to i32
        %cond3A_96 = arith.constant 0 : i32
        %cond3A_97 = arith.cmpi ne, %convert_element_type3A_95, %cond3A_96 : i32
        scf.if %cond3A_97 {
          %add3A_108 = arith.constant 2 : i32
          %add3A_109 = arith.addi %add3A_77, %add3A_108 : i32
          %dma_start3A_110 = arith.constant 0 : i32
          %dma_start3A_111 = tpu.memref_slice %arg7[%add3A_109, %dma_start3A_110] : memref<24x128xi32, #tpu.memory_space<vmem>> -> memref<1x128xi32, #tpu.memory_space<vmem>>
          %dma_start3A_112 = tpu.memref_squeeze %dma_start3A_111 : memref<1x128xi32, #tpu.memory_space<vmem>> -> memref<128xi32, #tpu.memory_space<vmem>>
          %dma_start3A_113 = arith.constant 0 : i32
          %dma_start3A_114 = arith.constant 0 : i32
          %dma_start3A_115 = tpu.memref_slice %arg4[%dma_start3A_113, %dma_start3A_114] : memref<10000x128xf32, #tpu.memory_space<hbm>> -> memref<10000x128xf32, #tpu.memory_space<hbm>>
          tpu.enqueue_indirect_dma source(%dma_start3A_115 : memref<10000x128xf32, #tpu.memory_space<hbm>>) target(%arg11 : memref<128x128xf32, #tpu.memory_space<vmem>>) offsets(%dma_start3A_112 : memref<128xi32, #tpu.memory_space<vmem>>) semaphore(%arg14 : memref<!tpu.dma_semaphore, #tpu.memory_space<semaphore_mem>>)
        } else {
        }
        %add3A_98 = arith.constant 1 : i32
        %add3A_99 = arith.addi %add3A_77, %add3A_98 : i32
        %dma_wait3A_100 = arith.constant 0 : i32
        %dma_wait3A_101 = tpu.memref_slice %arg7[%add3A_99, %dma_wait3A_100] : memref<24x128xi32, #tpu.memory_space<vmem>> -> memref<1x128xi32, #tpu.memory_space<vmem>>
        %dma_wait3A_102 = tpu.memref_squeeze %dma_wait3A_101 : memref<1x128xi32, #tpu.memory_space<vmem>> -> memref<128xi32, #tpu.memory_space<vmem>>
        %dma_wait3A_103 = arith.constant 0 : i32
        %dma_wait3A_104 = arith.constant 0 : i32
        %dma_wait3A_105 = tpu.memref_slice %arg4[%dma_wait3A_103, %dma_wait3A_104] : memref<10000x128xf32, #tpu.memory_space<hbm>> -> memref<10000x128xf32, #tpu.memory_space<hbm>>
        tpu.wait_indirect_dma semaphore(%arg15 : memref<!tpu.dma_semaphore, #tpu.memory_space<semaphore_mem>>) src(%dma_wait3A_105 : memref<10000x128xf32, #tpu.memory_space<hbm>>) dst(%arg12 : memref<128x128xf32, #tpu.memory_space<vmem>>)
        %add3A_106 = arith.constant 1 : i32
        %add3A_107 = arith.addi %add3A_77, %add3A_106 : i32
        "tpu.region"() ({
          %run_scoped3A_108 = tpu.sem_alloc : memref<!tpu.dma_semaphore, #tpu.memory_space<semaphore_mem>>
          %dma_start3A_109 = arith.constant 0 : i32
          %dma_start3A_110 = tpu.memref_slice %arg8[%add3A_107, %dma_start3A_109] : memref<24x128xi32, #tpu.memory_space<vmem>> -> memref<1x128xi32, #tpu.memory_space<vmem>>
          %dma_start3A_111 = tpu.memref_squeeze %dma_start3A_110 : memref<1x128xi32, #tpu.memory_space<vmem>> -> memref<128xi32, #tpu.memory_space<vmem>>
          %dma_start3A_112 = arith.constant 0 : i32
          %dma_start3A_113 = arith.constant 0 : i32
          %dma_start3A_114 = tpu.memref_slice %arg13[%dma_start3A_112, %dma_start3A_113] : memref<10240x128xf32, #tpu.memory_space<vmem_shared>> -> memref<10240x128xf32, #tpu.memory_space<vmem_shared>>
          tpu.enqueue_indirect_dma source(%arg12 : memref<128x128xf32, #tpu.memory_space<vmem>>) target(%dma_start3A_114 : memref<10240x128xf32, #tpu.memory_space<vmem_shared>>) offsets(%dma_start3A_111 : memref<128xi32, #tpu.memory_space<vmem>>) semaphore(%run_scoped3A_108 : memref<!tpu.dma_semaphore, #tpu.memory_space<semaphore_mem>>) {add = true}
          %dma_wait3A_115 = arith.constant 0 : i32
          %dma_wait3A_116 = tpu.memref_slice %arg8[%add3A_107, %dma_wait3A_115] : memref<24x128xi32, #tpu.memory_space<vmem>> -> memref<1x128xi32, #tpu.memory_space<vmem>>
          %dma_wait3A_117 = tpu.memref_squeeze %dma_wait3A_116 : memref<1x128xi32, #tpu.memory_space<vmem>> -> memref<128xi32, #tpu.memory_space<vmem>>
          %dma_wait3A_118 = arith.constant 0 : i32
          %dma_wait3A_119 = arith.constant 0 : i32
          %dma_wait3A_120 = tpu.memref_slice %arg13[%dma_wait3A_118, %dma_wait3A_119] : memref<10240x128xf32, #tpu.memory_space<vmem_shared>> -> memref<10240x128xf32, #tpu.memory_space<vmem_shared>>
          tpu.wait_indirect_dma semaphore(%run_scoped3A_108 : memref<!tpu.dma_semaphore, #tpu.memory_space<semaphore_mem>>) src(%arg12 : memref<128x128xf32, #tpu.memory_space<vmem>>) dst(%dma_wait3A_120 : memref<10240x128xf32, #tpu.memory_space<vmem_shared>>)
          tpu.yield
        }) : () -> ()
      }
      %scan3A_70 = arith.constant 4 : i32
      %add3A_71 = arith.constant 8 : i32
      %add3A_72 = arith.addi %add3A_56, %add3A_71 : i32
    } else {
    }
    %eq3A = arith.constant 31 : i32
    %eq3A_5 = arith.cmpi eq, %add3A, %eq3A : i32
    %convert_element_type3A_6 = arith.extui %eq3A_5 : i1 to i32
    %cond3A_7 = arith.constant 0 : i32
    %cond3A_8 = arith.cmpi ne, %convert_element_type3A_6, %cond3A_7 : i32
    scf.if %cond3A_8 {
      %run_scoped3A = arith.constant 0 : i32
      "tpu.region"() ({
        %run_scoped3A_15 = tpu.sem_alloc : memref<!tpu.dma_semaphore, #tpu.memory_space<semaphore_mem>>
        %dma_start3A = arith.constant 0 : i32
        %dma_start3A_16 = arith.constant 0 : i32
        %dma_start3A_17 = tpu.memref_slice %arg3[%run_scoped3A, %dma_start3A, %dma_start3A_16] : memref<2x5000x64xi32, #tpu.memory_space<hbm>> -> memref<1x5000x64xi32, #tpu.memory_space<hbm>>
        %dma_start3A_18 = tpu.memref_squeeze %dma_start3A_17 : memref<1x5000x64xi32, #tpu.memory_space<hbm>> -> memref<5000x64xi32, #tpu.memory_space<hbm>>
        %dma_start3A_19 = arith.constant 4960 : i32
        %dma_start3A_20 = arith.constant 0 : i32
        %dma_start3A_21 = tpu.memref_slice %dma_start3A_18[%dma_start3A_19, %dma_start3A_20] : memref<5000x64xi32, #tpu.memory_space<hbm>> -> memref<40x64xi32, #tpu.memory_space<hbm>>
        %dma_start3A_22 = arith.constant 0 : i32
        %dma_start3A_23 = arith.constant 0 : i32
        %dma_start3A_24 = tpu.memref_slice %arg3[%run_scoped3A, %dma_start3A_22, %dma_start3A_23] : memref<2x5000x64xi32, #tpu.memory_space<hbm>> -> memref<1x5000x64xi32, #tpu.memory_space<hbm>>
        %dma_start3A_25 = tpu.memref_squeeze %dma_start3A_24 : memref<1x5000x64xi32, #tpu.memory_space<hbm>> -> memref<5000x64xi32, #tpu.memory_space<hbm>>
        %dma_start3A_26 = arith.constant 4960 : i32
        %dma_start3A_27 = arith.constant 0 : i32
        %dma_start3A_28 = tpu.memref_slice %dma_start3A_25[%dma_start3A_26, %dma_start3A_27] : memref<5000x64xi32, #tpu.memory_space<hbm>> -> memref<40x64xi32, #tpu.memory_space<hbm>>
        tpu.enqueue_dma source(%dma_start3A_28 : memref<40x64xi32, #tpu.memory_space<hbm>>) target(%arg9 : memref<40x64xi32, #tpu.memory_space<vmem>>) target_semaphore(%run_scoped3A_15 : memref<!tpu.dma_semaphore, #tpu.memory_space<semaphore_mem>>)
        %dma_wait3A = arith.constant 0 : i32
        %dma_wait3A_29 = arith.constant 0 : i32
        %dma_wait3A_30 = tpu.memref_slice %arg3[%run_scoped3A, %dma_wait3A, %dma_wait3A_29] : memref<2x5000x64xi32, #tpu.memory_space<hbm>> -> memref<1x5000x64xi32, #tpu.memory_space<hbm>>
        %dma_wait3A_31 = tpu.memref_squeeze %dma_wait3A_30 : memref<1x5000x64xi32, #tpu.memory_space<hbm>> -> memref<5000x64xi32, #tpu.memory_space<hbm>>
        %dma_wait3A_32 = arith.constant 4960 : i32
        %dma_wait3A_33 = arith.constant 0 : i32
        %dma_wait3A_34 = tpu.memref_slice %dma_wait3A_31[%dma_wait3A_32, %dma_wait3A_33] : memref<5000x64xi32, #tpu.memory_space<hbm>> -> memref<40x64xi32, #tpu.memory_space<hbm>>
        %dma_wait3A_35 = arith.constant 0 : i32
        %dma_wait3A_36 = arith.constant 0 : i32
        %dma_wait3A_37 = tpu.memref_slice %arg3[%run_scoped3A, %dma_wait3A_35, %dma_wait3A_36] : memref<2x5000x64xi32, #tpu.memory_space<hbm>> -> memref<1x5000x64xi32, #tpu.memory_space<hbm>>
        %dma_wait3A_38 = tpu.memref_squeeze %dma_wait3A_37 : memref<1x5000x64xi32, #tpu.memory_space<hbm>> -> memref<5000x64xi32, #tpu.memory_space<hbm>>
        %dma_wait3A_39 = arith.constant 4960 : i32
        %dma_wait3A_40 = arith.constant 0 : i32
        %dma_wait3A_41 = tpu.memref_slice %dma_wait3A_38[%dma_wait3A_39, %dma_wait3A_40] : memref<5000x64xi32, #tpu.memory_space<hbm>> -> memref<40x64xi32, #tpu.memory_space<hbm>>
        tpu.wait_dma2 semaphore(%run_scoped3A_15 : memref<!tpu.dma_semaphore, #tpu.memory_space<semaphore_mem>>) src(%dma_wait3A_41 : memref<40x64xi32, #tpu.memory_space<hbm>>) dst(%arg9 : memref<40x64xi32, #tpu.memory_space<vmem>>)
        tpu.yield
      }) : () -> ()
      %run_scoped3A_10 = arith.constant 1 : i32
      "tpu.region"() ({
        %run_scoped3A_15 = tpu.sem_alloc : memref<!tpu.dma_semaphore, #tpu.memory_space<semaphore_mem>>
        %dma_start3A = arith.constant 0 : i32
        %dma_start3A_16 = arith.constant 0 : i32
        %dma_start3A_17 = tpu.memref_slice %arg3[%run_scoped3A_10, %dma_start3A, %dma_start3A_16] : memref<2x5000x64xi32, #tpu.memory_space<hbm>> -> memref<1x5000x64xi32, #tpu.memory_space<hbm>>
        %dma_start3A_18 = tpu.memref_squeeze %dma_start3A_17 : memref<1x5000x64xi32, #tpu.memory_space<hbm>> -> memref<5000x64xi32, #tpu.memory_space<hbm>>
        %dma_start3A_19 = arith.constant 4960 : i32
        %dma_start3A_20 = arith.constant 0 : i32
        %dma_start3A_21 = tpu.memref_slice %dma_start3A_18[%dma_start3A_19, %dma_start3A_20] : memref<5000x64xi32, #tpu.memory_space<hbm>> -> memref<40x64xi32, #tpu.memory_space<hbm>>
        %dma_start3A_22 = arith.constant 0 : i32
        %dma_start3A_23 = arith.constant 0 : i32
        %dma_start3A_24 = tpu.memref_slice %arg3[%run_scoped3A_10, %dma_start3A_22, %dma_start3A_23] : memref<2x5000x64xi32, #tpu.memory_space<hbm>> -> memref<1x5000x64xi32, #tpu.memory_space<hbm>>
        %dma_start3A_25 = tpu.memref_squeeze %dma_start3A_24 : memref<1x5000x64xi32, #tpu.memory_space<hbm>> -> memref<5000x64xi32, #tpu.memory_space<hbm>>
        %dma_start3A_26 = arith.constant 4960 : i32
        %dma_start3A_27 = arith.constant 0 : i32
        %dma_start3A_28 = tpu.memref_slice %dma_start3A_25[%dma_start3A_26, %dma_start3A_27] : memref<5000x64xi32, #tpu.memory_space<hbm>> -> memref<40x64xi32, #tpu.memory_space<hbm>>
        tpu.enqueue_dma source(%dma_start3A_28 : memref<40x64xi32, #tpu.memory_space<hbm>>) target(%arg10 : memref<40x64xi32, #tpu.memory_space<vmem>>) target_semaphore(%run_scoped3A_15 : memref<!tpu.dma_semaphore, #tpu.memory_space<semaphore_mem>>)
        %dma_wait3A = arith.constant 0 : i32
        %dma_wait3A_29 = arith.constant 0 : i32
        %dma_wait3A_30 = tpu.memref_slice %arg3[%run_scoped3A_10, %dma_wait3A, %dma_wait3A_29] : memref<2x5000x64xi32, #tpu.memory_space<hbm>> -> memref<1x5000x64xi32, #tpu.memory_space<hbm>>
        %dma_wait3A_31 = tpu.memref_squeeze %dma_wait3A_30 : memref<1x5000x64xi32, #tpu.memory_space<hbm>> -> memref<5000x64xi32, #tpu.memory_space<hbm>>
        %dma_wait3A_32 = arith.constant 4960 : i32
        %dma_wait3A_33 = arith.constant 0 : i32
        %dma_wait3A_34 = tpu.memref_slice %dma_wait3A_31[%dma_wait3A_32, %dma_wait3A_33] : memref<5000x64xi32, #tpu.memory_space<hbm>> -> memref<40x64xi32, #tpu.memory_space<hbm>>
        %dma_wait3A_35 = arith.constant 0 : i32
        %dma_wait3A_36 = arith.constant 0 : i32
        %dma_wait3A_37 = tpu.memref_slice %arg3[%run_scoped3A_10, %dma_wait3A_35, %dma_wait3A_36] : memref<2x5000x64xi32, #tpu.memory_space<hbm>> -> memref<1x5000x64xi32, #tpu.memory_space<hbm>>
        %dma_wait3A_38 = tpu.memref_squeeze %dma_wait3A_37 : memref<1x5000x64xi32, #tpu.memory_space<hbm>> -> memref<5000x64xi32, #tpu.memory_space<hbm>>
        %dma_wait3A_39 = arith.constant 4960 : i32
        %dma_wait3A_40 = arith.constant 0 : i32
        %dma_wait3A_41 = tpu.memref_slice %dma_wait3A_38[%dma_wait3A_39, %dma_wait3A_40] : memref<5000x64xi32, #tpu.memory_space<hbm>> -> memref<40x64xi32, #tpu.memory_space<hbm>>
        tpu.wait_dma2 semaphore(%run_scoped3A_15 : memref<!tpu.dma_semaphore, #tpu.memory_space<semaphore_mem>>) src(%dma_wait3A_41 : memref<40x64xi32, #tpu.memory_space<hbm>>) dst(%arg10 : memref<40x64xi32, #tpu.memory_space<vmem>>)
        tpu.yield
      }) : () -> ()
      %scan3A = arith.constant 0 : i32
      %scan3A_11 = arith.constant 40 : i32
      %scan3A_12 = arith.addi %scan3A, %scan3A_11 : i32
      %scan3A_13 = arith.constant 1 : i32
      scf.for %scan3A_15 = %scan3A to %scan3A_12 step %scan3A_13  : i32 {
        %mul3A_16 = arith.constant 1 : i32
        %mul3A_17 = arith.muli %scan3A_15, %mul3A_16 : i32
        %add3A_18 = arith.constant 0 : i32
        %add3A_19 = arith.addi %add3A_18, %mul3A_17 : i32
        "tpu.region"() ({
          %run_scoped3A_20 = tpu.sem_alloc : memref<!tpu.dma_semaphore, #tpu.memory_space<semaphore_mem>>
          %dma_start3A = arith.constant 0 : i32
          %dma_start3A_21 = arith.constant 0 : i32
          %dma_start3A_22 = tpu.memref_slice %arg11[%dma_start3A, %dma_start3A_21] : memref<128x128xf32, #tpu.memory_space<vmem>> -> memref<64x128xf32, #tpu.memory_space<vmem>>
          %dma_start3A_23 = arith.constant 0 : i32
          %dma_start3A_24 = tpu.memref_slice %arg9[%add3A_19, %dma_start3A_23] : memref<40x64xi32, #tpu.memory_space<vmem>> -> memref<1x64xi32, #tpu.memory_space<vmem>>
          %dma_start3A_25 = tpu.memref_squeeze %dma_start3A_24 : memref<1x64xi32, #tpu.memory_space<vmem>> -> memref<64xi32, #tpu.memory_space<vmem>>
          %dma_start3A_26 = arith.constant 0 : i32
          %dma_start3A_27 = arith.constant 0 : i32
          %dma_start3A_28 = tpu.memref_slice %arg4[%dma_start3A_26, %dma_start3A_27] : memref<10000x128xf32, #tpu.memory_space<hbm>> -> memref<10000x128xf32, #tpu.memory_space<hbm>>
          tpu.enqueue_indirect_dma source(%dma_start3A_28 : memref<10000x128xf32, #tpu.memory_space<hbm>>) target(%dma_start3A_22 : memref<64x128xf32, #tpu.memory_space<vmem>>) offsets(%dma_start3A_25 : memref<64xi32, #tpu.memory_space<vmem>>) semaphore(%run_scoped3A_20 : memref<!tpu.dma_semaphore, #tpu.memory_space<semaphore_mem>>)
          %dma_wait3A = arith.constant 0 : i32
          %dma_wait3A_29 = arith.constant 0 : i32
          %dma_wait3A_30 = tpu.memref_slice %arg11[%dma_wait3A, %dma_wait3A_29] : memref<128x128xf32, #tpu.memory_space<vmem>> -> memref<64x128xf32, #tpu.memory_space<vmem>>
          %dma_wait3A_31 = arith.constant 0 : i32
          %dma_wait3A_32 = tpu.memref_slice %arg9[%add3A_19, %dma_wait3A_31] : memref<40x64xi32, #tpu.memory_space<vmem>> -> memref<1x64xi32, #tpu.memory_space<vmem>>
          %dma_wait3A_33 = tpu.memref_squeeze %dma_wait3A_32 : memref<1x64xi32, #tpu.memory_space<vmem>> -> memref<64xi32, #tpu.memory_space<vmem>>
          %dma_wait3A_34 = arith.constant 0 : i32
          %dma_wait3A_35 = arith.constant 0 : i32
          %dma_wait3A_36 = tpu.memref_slice %arg4[%dma_wait3A_34, %dma_wait3A_35] : memref<10000x128xf32, #tpu.memory_space<hbm>> -> memref<10000x128xf32, #tpu.memory_space<hbm>>
          tpu.wait_indirect_dma semaphore(%run_scoped3A_20 : memref<!tpu.dma_semaphore, #tpu.memory_space<semaphore_mem>>) src(%dma_wait3A_36 : memref<10000x128xf32, #tpu.memory_space<hbm>>) dst(%dma_wait3A_30 : memref<64x128xf32, #tpu.memory_space<vmem>>)
          tpu.yield
        }) : () -> ()
        "tpu.region"() ({
          %run_scoped3A_20 = tpu.sem_alloc : memref<!tpu.dma_semaphore, #tpu.memory_space<semaphore_mem>>
          %dma_start3A = arith.constant 0 : i32
          %dma_start3A_21 = arith.constant 0 : i32
          %dma_start3A_22 = tpu.memref_slice %arg11[%dma_start3A, %dma_start3A_21] : memref<128x128xf32, #tpu.memory_space<vmem>> -> memref<64x128xf32, #tpu.memory_space<vmem>>
          %dma_start3A_23 = arith.constant 0 : i32
          %dma_start3A_24 = tpu.memref_slice %arg10[%add3A_19, %dma_start3A_23] : memref<40x64xi32, #tpu.memory_space<vmem>> -> memref<1x64xi32, #tpu.memory_space<vmem>>
          %dma_start3A_25 = tpu.memref_squeeze %dma_start3A_24 : memref<1x64xi32, #tpu.memory_space<vmem>> -> memref<64xi32, #tpu.memory_space<vmem>>
          %dma_start3A_26 = arith.constant 0 : i32
          %dma_start3A_27 = arith.constant 0 : i32
          %dma_start3A_28 = tpu.memref_slice %arg13[%dma_start3A_26, %dma_start3A_27] : memref<10240x128xf32, #tpu.memory_space<vmem_shared>> -> memref<10240x128xf32, #tpu.memory_space<vmem_shared>>
          tpu.enqueue_indirect_dma source(%dma_start3A_22 : memref<64x128xf32, #tpu.memory_space<vmem>>) target(%dma_start3A_28 : memref<10240x128xf32, #tpu.memory_space<vmem_shared>>) offsets(%dma_start3A_25 : memref<64xi32, #tpu.memory_space<vmem>>) semaphore(%run_scoped3A_20 : memref<!tpu.dma_semaphore, #tpu.memory_space<semaphore_mem>>) {add = true}
          %dma_wait3A = arith.constant 0 : i32
          %dma_wait3A_29 = arith.constant 0 : i32
          %dma_wait3A_30 = tpu.memref_slice %arg11[%dma_wait3A, %dma_wait3A_29] : memref<128x128xf32, #tpu.memory_space<vmem>> -> memref<64x128xf32, #tpu.memory_space<vmem>>
          %dma_wait3A_31 = arith.constant 0 : i32
          %dma_wait3A_32 = tpu.memref_slice %arg10[%add3A_19, %dma_wait3A_31] : memref<40x64xi32, #tpu.memory_space<vmem>> -> memref<1x64xi32, #tpu.memory_space<vmem>>
          %dma_wait3A_33 = tpu.memref_squeeze %dma_wait3A_32 : memref<1x64xi32, #tpu.memory_space<vmem>> -> memref<64xi32, #tpu.memory_space<vmem>>
          %dma_wait3A_34 = arith.constant 0 : i32
          %dma_wait3A_35 = arith.constant 0 : i32
          %dma_wait3A_36 = tpu.memref_slice %arg13[%dma_wait3A_34, %dma_wait3A_35] : memref<10240x128xf32, #tpu.memory_space<vmem_shared>> -> memref<10240x128xf32, #tpu.memory_space<vmem_shared>>
          tpu.wait_indirect_dma semaphore(%run_scoped3A_20 : memref<!tpu.dma_semaphore, #tpu.memory_space<semaphore_mem>>) src(%dma_wait3A_30 : memref<64x128xf32, #tpu.memory_space<vmem>>) dst(%dma_wait3A_36 : memref<10240x128xf32, #tpu.memory_space<vmem_shared>>)
          tpu.yield
        }) : () -> ()
      }
      %scan3A_14 = arith.constant 40 : i32
    } else {
    }
    %barrier3A_9 = arith.constant 0 : index
    tpu.barrier barrier_id(%barrier3A_9)
    "tpu.region"() ({
      %run_scoped3A = tpu.sem_alloc : memref<!tpu.dma_semaphore, #tpu.memory_space<semaphore_mem>>
      %dma_start3A = arith.constant 0 : i32
      %dma_start3A_10 = arith.constant 0 : i32
      %dma_start3A_11 = tpu.memref_slice %arg6[%arg0, %dma_start3A, %dma_start3A_10] : memref<2x10240x128xf32, #tpu.memory_space<hbm>> -> memref<1x10240x128xf32, #tpu.memory_space<hbm>>
      %dma_start3A_12 = tpu.memref_squeeze %dma_start3A_11 : memref<1x10240x128xf32, #tpu.memory_space<hbm>> -> memref<10240x128xf32, #tpu.memory_space<hbm>>
      %dma_start3A_13 = arith.constant 0 : i32
      %dma_start3A_14 = tpu.memref_slice %dma_start3A_12[%mul3A_2, %dma_start3A_13] : memref<10240x128xf32, #tpu.memory_space<hbm>> -> memref<640x128xf32, #tpu.memory_space<hbm>>
      %dma_start3A_15 = arith.constant 0 : i32
      %dma_start3A_16 = tpu.memref_slice %arg13[%mul3A_2, %dma_start3A_15] : memref<10240x128xf32, #tpu.memory_space<vmem_shared>> -> memref<640x128xf32, #tpu.memory_space<vmem_shared>>
      tpu.enqueue_dma source(%dma_start3A_16 : memref<640x128xf32, #tpu.memory_space<vmem_shared>>) target(%dma_start3A_14 : memref<640x128xf32, #tpu.memory_space<hbm>>) target_semaphore(%run_scoped3A : memref<!tpu.dma_semaphore, #tpu.memory_space<semaphore_mem>>)
      %dma_wait3A = arith.constant 0 : i32
      %dma_wait3A_17 = arith.constant 0 : i32
      %dma_wait3A_18 = tpu.memref_slice %arg6[%arg0, %dma_wait3A, %dma_wait3A_17] : memref<2x10240x128xf32, #tpu.memory_space<hbm>> -> memref<1x10240x128xf32, #tpu.memory_space<hbm>>
      %dma_wait3A_19 = tpu.memref_squeeze %dma_wait3A_18 : memref<1x10240x128xf32, #tpu.memory_space<hbm>> -> memref<10240x128xf32, #tpu.memory_space<hbm>>
      %dma_wait3A_20 = arith.constant 0 : i32
      %dma_wait3A_21 = tpu.memref_slice %dma_wait3A_19[%mul3A_2, %dma_wait3A_20] : memref<10240x128xf32, #tpu.memory_space<hbm>> -> memref<640x128xf32, #tpu.memory_space<hbm>>
      %dma_wait3A_22 = arith.constant 0 : i32
      %dma_wait3A_23 = tpu.memref_slice %arg13[%mul3A_2, %dma_wait3A_22] : memref<10240x128xf32, #tpu.memory_space<vmem_shared>> -> memref<640x128xf32, #tpu.memory_space<vmem_shared>>
      tpu.wait_dma2 semaphore(%run_scoped3A : memref<!tpu.dma_semaphore, #tpu.memory_space<semaphore_mem>>) src(%dma_wait3A_23 : memref<640x128xf32, #tpu.memory_space<vmem_shared>>) dst(%dma_wait3A_21 : memref<640x128xf32, #tpu.memory_space<hbm>>)
      tpu.yield
    }) : () -> ()
    return
  }
}

#map = affine_map<(d0, d1) -> (0, 0, 0)>
#map1 = affine_map<(d0, d1) -> (0, 0)>
module attributes {stable_mosaic.version = 14 : i64} {
  func.func @_mp(%arg0: i32, %arg1: i32, %arg2: memref<2x2500x128xi32, #tpu.memory_space<hbm>>, %arg3: memref<2x5000x64xi32, #tpu.memory_space<hbm>>, %arg4: memref<10240x128xf32, #tpu.memory_space<hbm>>, %arg5: memref<10240x128xf32, #tpu.memory_space<hbm>>, %arg6: memref<2x10240x128xf32, #tpu.memory_space<hbm>>, %arg7: memref<24x128xi32, #tpu.memory_space<vmem>>, %arg8: memref<24x128xi32, #tpu.memory_space<vmem>>, %arg9: memref<40x64xi32, #tpu.memory_space<vmem>>, %arg10: memref<40x64xi32, #tpu.memory_space<vmem>>, %arg11: memref<128x128xf32, #tpu.memory_space<vmem>>, %arg12: memref<128x128xf32, #tpu.memory_space<vmem>>, %arg13: memref<10240x128xf32, #tpu.memory_space<vmem_shared>>, %arg14: memref<!tpu.dma_semaphore, #tpu.memory_space<semaphore_mem>>, %arg15: memref<!tpu.dma_semaphore, #tpu.memory_space<semaphore_mem>>) attributes {dimension_semantics = [#tpu.dimension_semantics<core_parallel>, #tpu.dimension_semantics<subcore_parallel>], iteration_bounds = array<i64: 2, 16>, scalar_prefetch = 0 : i64, scratch_operands = 9 : i64, tpu.core_type = #tpu.core_type<sc_vector_subcore>, window_params = [{transform_indices = #map}, {transform_indices = #map}, {transform_indices = #map1}, {transform_indices = #map1}, {transform_indices = #map}]} {
    %mul3A = arith.constant 2 : i32
    %mul3A_0 = arith.muli %arg1, %mul3A : i32
    %add3A = arith.addi %mul3A_0, %arg0 : i32
    %mul3A_1 = arith.constant 640 : i32
    %mul3A_2 = arith.muli %arg1, %mul3A_1 : i32
    "tpu.region"() ({
      %run_scoped3A = tpu.sem_alloc : memref<!tpu.dma_semaphore, #tpu.memory_space<semaphore_mem>>
      %dma_start3A = arith.constant 0 : i32
      %dma_start3A_10 = tpu.memref_slice %arg13[%mul3A_2, %dma_start3A] : memref<10240x128xf32, #tpu.memory_space<vmem_shared>> -> memref<640x128xf32, #tpu.memory_space<vmem_shared>>
      %dma_start3A_11 = arith.constant 0 : i32
      %dma_start3A_12 = tpu.memref_slice %arg5[%mul3A_2, %dma_start3A_11] : memref<10240x128xf32, #tpu.memory_space<hbm>> -> memref<640x128xf32, #tpu.memory_space<hbm>>
      tpu.enqueue_dma source(%dma_start3A_12 : memref<640x128xf32, #tpu.memory_space<hbm>>) target(%dma_start3A_10 : memref<640x128xf32, #tpu.memory_space<vmem_shared>>) target_semaphore(%run_scoped3A : memref<!tpu.dma_semaphore, #tpu.memory_space<semaphore_mem>>)
      %dma_wait3A = arith.constant 0 : i32
      %dma_wait3A_13 = tpu.memref_slice %arg13[%mul3A_2, %dma_wait3A] : memref<10240x128xf32, #tpu.memory_space<vmem_shared>> -> memref<640x128xf32, #tpu.memory_space<vmem_shared>>
      %dma_wait3A_14 = arith.constant 0 : i32
      %dma_wait3A_15 = tpu.memref_slice %arg5[%mul3A_2, %dma_wait3A_14] : memref<10240x128xf32, #tpu.memory_space<hbm>> -> memref<640x128xf32, #tpu.memory_space<hbm>>
      tpu.wait_dma2 semaphore(%run_scoped3A : memref<!tpu.dma_semaphore, #tpu.memory_space<semaphore_mem>>) src(%dma_wait3A_15 : memref<640x128xf32, #tpu.memory_space<hbm>>) dst(%dma_wait3A_13 : memref<640x128xf32, #tpu.memory_space<vmem_shared>>)
      tpu.yield
    }) : () -> ()
    %barrier3A = arith.constant 0 : index
    tpu.barrier barrier_id(%barrier3A)
    %lt3A = arith.constant 31 : i32
    %lt3A_3 = arith.cmpi slt, %add3A, %lt3A : i32
    %convert_element_type3A = arith.extui %lt3A_3 : i1 to i32
    %cond3A = arith.constant 0 : i32
    %cond3A_4 = arith.cmpi ne, %convert_element_type3A, %cond3A : i32
    scf.if %cond3A_4 {
      %mul3A_10 = arith.constant 80 : i32
      %mul3A_11 = arith.muli %add3A, %mul3A_10 : i32
      %run_scoped3A = arith.constant 0 : i32
      "tpu.region"() ({
        %run_scoped3A_73 = tpu.sem_alloc : memref<!tpu.dma_semaphore, #tpu.memory_space<semaphore_mem>>
        %dma_start3A_74 = arith.constant 0 : i32
        %dma_start3A_75 = arith.constant 0 : i32
        %dma_start3A_76 = tpu.memref_slice %arg7[%dma_start3A_74, %dma_start3A_75] : memref<24x128xi32, #tpu.memory_space<vmem>> -> memref<24x128xi32, #tpu.memory_space<vmem>>
        %dma_start3A_77 = arith.constant 0 : i32
        %dma_start3A_78 = arith.constant 0 : i32
        %dma_start3A_79 = tpu.memref_slice %arg2[%run_scoped3A, %dma_start3A_77, %dma_start3A_78] : memref<2x2500x128xi32, #tpu.memory_space<hbm>> -> memref<1x2500x128xi32, #tpu.memory_space<hbm>>
        %dma_start3A_80 = tpu.memref_squeeze %dma_start3A_79 : memref<1x2500x128xi32, #tpu.memory_space<hbm>> -> memref<2500x128xi32, #tpu.memory_space<hbm>>
        %dma_start3A_81 = arith.constant 0 : i32
        %dma_start3A_82 = tpu.memref_slice %dma_start3A_80[%mul3A_11, %dma_start3A_81] : memref<2500x128xi32, #tpu.memory_space<hbm>> -> memref<24x128xi32, #tpu.memory_space<hbm>>
        %dma_start3A_83 = arith.constant 0 : i32
        %dma_start3A_84 = arith.constant 0 : i32
        %dma_start3A_85 = tpu.memref_slice %arg7[%dma_start3A_83, %dma_start3A_84] : memref<24x128xi32, #tpu.memory_space<vmem>> -> memref<24x128xi32, #tpu.memory_space<vmem>>
        %dma_start3A_86 = arith.constant 0 : i32
        %dma_start3A_87 = arith.constant 0 : i32
        %dma_start3A_88 = tpu.memref_slice %arg2[%run_scoped3A, %dma_start3A_86, %dma_start3A_87] : memref<2x2500x128xi32, #tpu.memory_space<hbm>> -> memref<1x2500x128xi32, #tpu.memory_space<hbm>>
        %dma_start3A_89 = tpu.memref_squeeze %dma_start3A_88 : memref<1x2500x128xi32, #tpu.memory_space<hbm>> -> memref<2500x128xi32, #tpu.memory_space<hbm>>
        %dma_start3A_90 = arith.constant 0 : i32
        %dma_start3A_91 = tpu.memref_slice %dma_start3A_89[%mul3A_11, %dma_start3A_90] : memref<2500x128xi32, #tpu.memory_space<hbm>> -> memref<24x128xi32, #tpu.memory_space<hbm>>
        tpu.enqueue_dma source(%dma_start3A_91 : memref<24x128xi32, #tpu.memory_space<hbm>>) target(%dma_start3A_85 : memref<24x128xi32, #tpu.memory_space<vmem>>) target_semaphore(%run_scoped3A_73 : memref<!tpu.dma_semaphore, #tpu.memory_space<semaphore_mem>>)
        %dma_wait3A = arith.constant 0 : i32
        %dma_wait3A_92 = arith.constant 0 : i32
        %dma_wait3A_93 = tpu.memref_slice %arg7[%dma_wait3A, %dma_wait3A_92] : memref<24x128xi32, #tpu.memory_space<vmem>> -> memref<24x128xi32, #tpu.memory_space<vmem>>
        %dma_wait3A_94 = arith.constant 0 : i32
        %dma_wait3A_95 = arith.constant 0 : i32
        %dma_wait3A_96 = tpu.memref_slice %arg2[%run_scoped3A, %dma_wait3A_94, %dma_wait3A_95] : memref<2x2500x128xi32, #tpu.memory_space<hbm>> -> memref<1x2500x128xi32, #tpu.memory_space<hbm>>
        %dma_wait3A_97 = tpu.memref_squeeze %dma_wait3A_96 : memref<1x2500x128xi32, #tpu.memory_space<hbm>> -> memref<2500x128xi32, #tpu.memory_space<hbm>>
        %dma_wait3A_98 = arith.constant 0 : i32
        %dma_wait3A_99 = tpu.memref_slice %dma_wait3A_97[%mul3A_11, %dma_wait3A_98] : memref<2500x128xi32, #tpu.memory_space<hbm>> -> memref<24x128xi32, #tpu.memory_space<hbm>>
        %dma_wait3A_100 = arith.constant 0 : i32
        %dma_wait3A_101 = arith.constant 0 : i32
        %dma_wait3A_102 = tpu.memref_slice %arg7[%dma_wait3A_100, %dma_wait3A_101] : memref<24x128xi32, #tpu.memory_space<vmem>> -> memref<24x128xi32, #tpu.memory_space<vmem>>
        %dma_wait3A_103 = arith.constant 0 : i32
        %dma_wait3A_104 = arith.constant 0 : i32
        %dma_wait3A_105 = tpu.memref_slice %arg2[%run_scoped3A, %dma_wait3A_103, %dma_wait3A_104] : memref<2x2500x128xi32, #tpu.memory_space<hbm>> -> memref<1x2500x128xi32, #tpu.memory_space<hbm>>
        %dma_wait3A_106 = tpu.memref_squeeze %dma_wait3A_105 : memref<1x2500x128xi32, #tpu.memory_space<hbm>> -> memref<2500x128xi32, #tpu.memory_space<hbm>>
        %dma_wait3A_107 = arith.constant 0 : i32
        %dma_wait3A_108 = tpu.memref_slice %dma_wait3A_106[%mul3A_11, %dma_wait3A_107] : memref<2500x128xi32, #tpu.memory_space<hbm>> -> memref<24x128xi32, #tpu.memory_space<hbm>>
        tpu.wait_dma2 semaphore(%run_scoped3A_73 : memref<!tpu.dma_semaphore, #tpu.memory_space<semaphore_mem>>) src(%dma_wait3A_108 : memref<24x128xi32, #tpu.memory_space<hbm>>) dst(%dma_wait3A_102 : memref<24x128xi32, #tpu.memory_space<vmem>>)
        tpu.yield
      }) : () -> ()
      %run_scoped3A_12 = arith.constant 1 : i32
      "tpu.region"() ({
        %run_scoped3A_73 = tpu.sem_alloc : memref<!tpu.dma_semaphore, #tpu.memory_space<semaphore_mem>>
        %dma_start3A_74 = arith.constant 0 : i32
        %dma_start3A_75 = arith.constant 0 : i32
        %dma_start3A_76 = tpu.memref_slice %arg8[%dma_start3A_74, %dma_start3A_75] : memref<24x128xi32, #tpu.memory_space<vmem>> -> memref<24x128xi32, #tpu.memory_space<vmem>>
        %dma_start3A_77 = arith.constant 0 : i32
        %dma_start3A_78 = arith.constant 0 : i32
        %dma_start3A_79 = tpu.memref_slice %arg2[%run_scoped3A_12, %dma_start3A_77, %dma_start3A_78] : memref<2x2500x128xi32, #tpu.memory_space<hbm>> -> memref<1x2500x128xi32, #tpu.memory_space<hbm>>
        %dma_start3A_80 = tpu.memref_squeeze %dma_start3A_79 : memref<1x2500x128xi32, #tpu.memory_space<hbm>> -> memref<2500x128xi32, #tpu.memory_space<hbm>>
        %dma_start3A_81 = arith.constant 0 : i32
        %dma_start3A_82 = tpu.memref_slice %dma_start3A_80[%mul3A_11, %dma_start3A_81] : memref<2500x128xi32, #tpu.memory_space<hbm>> -> memref<24x128xi32, #tpu.memory_space<hbm>>
        %dma_start3A_83 = arith.constant 0 : i32
        %dma_start3A_84 = arith.constant 0 : i32
        %dma_start3A_85 = tpu.memref_slice %arg8[%dma_start3A_83, %dma_start3A_84] : memref<24x128xi32, #tpu.memory_space<vmem>> -> memref<24x128xi32, #tpu.memory_space<vmem>>
        %dma_start3A_86 = arith.constant 0 : i32
        %dma_start3A_87 = arith.constant 0 : i32
        %dma_start3A_88 = tpu.memref_slice %arg2[%run_scoped3A_12, %dma_start3A_86, %dma_start3A_87] : memref<2x2500x128xi32, #tpu.memory_space<hbm>> -> memref<1x2500x128xi32, #tpu.memory_space<hbm>>
        %dma_start3A_89 = tpu.memref_squeeze %dma_start3A_88 : memref<1x2500x128xi32, #tpu.memory_space<hbm>> -> memref<2500x128xi32, #tpu.memory_space<hbm>>
        %dma_start3A_90 = arith.constant 0 : i32
        %dma_start3A_91 = tpu.memref_slice %dma_start3A_89[%mul3A_11, %dma_start3A_90] : memref<2500x128xi32, #tpu.memory_space<hbm>> -> memref<24x128xi32, #tpu.memory_space<hbm>>
        tpu.enqueue_dma source(%dma_start3A_91 : memref<24x128xi32, #tpu.memory_space<hbm>>) target(%dma_start3A_85 : memref<24x128xi32, #tpu.memory_space<vmem>>) target_semaphore(%run_scoped3A_73 : memref<!tpu.dma_semaphore, #tpu.memory_space<semaphore_mem>>)
        %dma_wait3A = arith.constant 0 : i32
        %dma_wait3A_92 = arith.constant 0 : i32
        %dma_wait3A_93 = tpu.memref_slice %arg8[%dma_wait3A, %dma_wait3A_92] : memref<24x128xi32, #tpu.memory_space<vmem>> -> memref<24x128xi32, #tpu.memory_space<vmem>>
        %dma_wait3A_94 = arith.constant 0 : i32
        %dma_wait3A_95 = arith.constant 0 : i32
        %dma_wait3A_96 = tpu.memref_slice %arg2[%run_scoped3A_12, %dma_wait3A_94, %dma_wait3A_95] : memref<2x2500x128xi32, #tpu.memory_space<hbm>> -> memref<1x2500x128xi32, #tpu.memory_space<hbm>>
        %dma_wait3A_97 = tpu.memref_squeeze %dma_wait3A_96 : memref<1x2500x128xi32, #tpu.memory_space<hbm>> -> memref<2500x128xi32, #tpu.memory_space<hbm>>
        %dma_wait3A_98 = arith.constant 0 : i32
        %dma_wait3A_99 = tpu.memref_slice %dma_wait3A_97[%mul3A_11, %dma_wait3A_98] : memref<2500x128xi32, #tpu.memory_space<hbm>> -> memref<24x128xi32, #tpu.memory_space<hbm>>
        %dma_wait3A_100 = arith.constant 0 : i32
        %dma_wait3A_101 = arith.constant 0 : i32
        %dma_wait3A_102 = tpu.memref_slice %arg8[%dma_wait3A_100, %dma_wait3A_101] : memref<24x128xi32, #tpu.memory_space<vmem>> -> memref<24x128xi32, #tpu.memory_space<vmem>>
        %dma_wait3A_103 = arith.constant 0 : i32
        %dma_wait3A_104 = arith.constant 0 : i32
        %dma_wait3A_105 = tpu.memref_slice %arg2[%run_scoped3A_12, %dma_wait3A_103, %dma_wait3A_104] : memref<2x2500x128xi32, #tpu.memory_space<hbm>> -> memref<1x2500x128xi32, #tpu.memory_space<hbm>>
        %dma_wait3A_106 = tpu.memref_squeeze %dma_wait3A_105 : memref<1x2500x128xi32, #tpu.memory_space<hbm>> -> memref<2500x128xi32, #tpu.memory_space<hbm>>
        %dma_wait3A_107 = arith.constant 0 : i32
        %dma_wait3A_108 = tpu.memref_slice %dma_wait3A_106[%mul3A_11, %dma_wait3A_107] : memref<2500x128xi32, #tpu.memory_space<hbm>> -> memref<24x128xi32, #tpu.memory_space<hbm>>
        tpu.wait_dma2 semaphore(%run_scoped3A_73 : memref<!tpu.dma_semaphore, #tpu.memory_space<semaphore_mem>>) src(%dma_wait3A_108 : memref<24x128xi32, #tpu.memory_space<hbm>>) dst(%dma_wait3A_102 : memref<24x128xi32, #tpu.memory_space<vmem>>)
        tpu.yield
      }) : () -> ()
      %dma_start3A = arith.constant 0 : i32
      %dma_start3A_13 = arith.constant 0 : i32
      %dma_start3A_14 = tpu.memref_slice %arg7[%dma_start3A, %dma_start3A_13] : memref<24x128xi32, #tpu.memory_space<vmem>> -> memref<1x128xi32, #tpu.memory_space<vmem>>
      %dma_start3A_15 = tpu.memref_squeeze %dma_start3A_14 : memref<1x128xi32, #tpu.memory_space<vmem>> -> memref<128xi32, #tpu.memory_space<vmem>>
      %dma_start3A_16 = arith.constant 0 : i32
      %dma_start3A_17 = arith.constant 0 : i32
      %dma_start3A_18 = tpu.memref_slice %arg4[%dma_start3A_16, %dma_start3A_17] : memref<10240x128xf32, #tpu.memory_space<hbm>> -> memref<10240x128xf32, #tpu.memory_space<hbm>>
      tpu.enqueue_indirect_dma source(%dma_start3A_18 : memref<10240x128xf32, #tpu.memory_space<hbm>>) target(%arg11 : memref<128x128xf32, #tpu.memory_space<vmem>>) offsets(%dma_start3A_15 : memref<128xi32, #tpu.memory_space<vmem>>) semaphore(%arg14 : memref<!tpu.dma_semaphore, #tpu.memory_space<semaphore_mem>>)
      %scan3A = arith.constant 0 : i32
      %scan3A_19 = arith.constant 12 : i32
      %scan3A_20 = arith.addi %scan3A, %scan3A_19 : i32
      %scan3A_21 = arith.constant 1 : i32
      scf.for %scan3A_73 = %scan3A to %scan3A_20 step %scan3A_21  : i32 {
        %mul3A_74 = arith.constant 2 : i32
        %mul3A_75 = arith.muli %scan3A_73, %mul3A_74 : i32
        %add3A_76 = arith.constant 0 : i32
        %add3A_77 = arith.addi %add3A_76, %mul3A_75 : i32
        %add3A_78 = arith.constant 1 : i32
        %add3A_79 = arith.addi %add3A_77, %add3A_78 : i32
        %dma_start3A_80 = arith.constant 0 : i32
        %dma_start3A_81 = tpu.memref_slice %arg7[%add3A_79, %dma_start3A_80] : memref<24x128xi32, #tpu.memory_space<vmem>> -> memref<1x128xi32, #tpu.memory_space<vmem>>
        %dma_start3A_82 = tpu.memref_squeeze %dma_start3A_81 : memref<1x128xi32, #tpu.memory_space<vmem>> -> memref<128xi32, #tpu.memory_space<vmem>>
        %dma_start3A_83 = arith.constant 0 : i32
        %dma_start3A_84 = arith.constant 0 : i32
        %dma_start3A_85 = tpu.memref_slice %arg4[%dma_start3A_83, %dma_start3A_84] : memref<10240x128xf32, #tpu.memory_space<hbm>> -> memref<10240x128xf32, #tpu.memory_space<hbm>>
        tpu.enqueue_indirect_dma source(%dma_start3A_85 : memref<10240x128xf32, #tpu.memory_space<hbm>>) target(%arg12 : memref<128x128xf32, #tpu.memory_space<vmem>>) offsets(%dma_start3A_82 : memref<128xi32, #tpu.memory_space<vmem>>) semaphore(%arg15 : memref<!tpu.dma_semaphore, #tpu.memory_space<semaphore_mem>>)
        %dma_wait3A = arith.constant 0 : i32
        %dma_wait3A_86 = tpu.memref_slice %arg7[%add3A_77, %dma_wait3A] : memref<24x128xi32, #tpu.memory_space<vmem>> -> memref<1x128xi32, #tpu.memory_space<vmem>>
        %dma_wait3A_87 = tpu.memref_squeeze %dma_wait3A_86 : memref<1x128xi32, #tpu.memory_space<vmem>> -> memref<128xi32, #tpu.memory_space<vmem>>
        %dma_wait3A_88 = arith.constant 0 : i32
        %dma_wait3A_89 = arith.constant 0 : i32
        %dma_wait3A_90 = tpu.memref_slice %arg4[%dma_wait3A_88, %dma_wait3A_89] : memref<10240x128xf32, #tpu.memory_space<hbm>> -> memref<10240x128xf32, #tpu.memory_space<hbm>>
        tpu.wait_indirect_dma semaphore(%arg14 : memref<!tpu.dma_semaphore, #tpu.memory_space<semaphore_mem>>) src(%dma_wait3A_90 : memref<10240x128xf32, #tpu.memory_space<hbm>>) dst(%arg11 : memref<128x128xf32, #tpu.memory_space<vmem>>)
        "tpu.region"() ({
          %run_scoped3A_108 = tpu.sem_alloc : memref<!tpu.dma_semaphore, #tpu.memory_space<semaphore_mem>>
          %dma_start3A_109 = arith.constant 0 : i32
          %dma_start3A_110 = tpu.memref_slice %arg8[%add3A_77, %dma_start3A_109] : memref<24x128xi32, #tpu.memory_space<vmem>> -> memref<1x128xi32, #tpu.memory_space<vmem>>
          %dma_start3A_111 = tpu.memref_squeeze %dma_start3A_110 : memref<1x128xi32, #tpu.memory_space<vmem>> -> memref<128xi32, #tpu.memory_space<vmem>>
          %dma_start3A_112 = arith.constant 0 : i32
          %dma_start3A_113 = arith.constant 0 : i32
          %dma_start3A_114 = tpu.memref_slice %arg13[%dma_start3A_112, %dma_start3A_113] : memref<10240x128xf32, #tpu.memory_space<vmem_shared>> -> memref<10240x128xf32, #tpu.memory_space<vmem_shared>>
          tpu.enqueue_indirect_dma source(%arg11 : memref<128x128xf32, #tpu.memory_space<vmem>>) target(%dma_start3A_114 : memref<10240x128xf32, #tpu.memory_space<vmem_shared>>) offsets(%dma_start3A_111 : memref<128xi32, #tpu.memory_space<vmem>>) semaphore(%run_scoped3A_108 : memref<!tpu.dma_semaphore, #tpu.memory_space<semaphore_mem>>) {add = true}
          %dma_wait3A_115 = arith.constant 0 : i32
          %dma_wait3A_116 = tpu.memref_slice %arg8[%add3A_77, %dma_wait3A_115] : memref<24x128xi32, #tpu.memory_space<vmem>> -> memref<1x128xi32, #tpu.memory_space<vmem>>
          %dma_wait3A_117 = tpu.memref_squeeze %dma_wait3A_116 : memref<1x128xi32, #tpu.memory_space<vmem>> -> memref<128xi32, #tpu.memory_space<vmem>>
          %dma_wait3A_118 = arith.constant 0 : i32
          %dma_wait3A_119 = arith.constant 0 : i32
          %dma_wait3A_120 = tpu.memref_slice %arg13[%dma_wait3A_118, %dma_wait3A_119] : memref<10240x128xf32, #tpu.memory_space<vmem_shared>> -> memref<10240x128xf32, #tpu.memory_space<vmem_shared>>
          tpu.wait_indirect_dma semaphore(%run_scoped3A_108 : memref<!tpu.dma_semaphore, #tpu.memory_space<semaphore_mem>>) src(%arg11 : memref<128x128xf32, #tpu.memory_space<vmem>>) dst(%dma_wait3A_120 : memref<10240x128xf32, #tpu.memory_space<vmem_shared>>)
          tpu.yield
        }) : () -> ()
        %add3A_91 = arith.constant 2 : i32
        %add3A_92 = arith.addi %add3A_77, %add3A_91 : i32
        %lt3A_93 = arith.constant 24 : i32
        %lt3A_94 = arith.cmpi slt, %add3A_92, %lt3A_93 : i32
        %convert_element_type3A_95 = arith.extui %lt3A_94 : i1 to i32
        %cond3A_96 = arith.constant 0 : i32
        %cond3A_97 = arith.cmpi ne, %convert_element_type3A_95, %cond3A_96 : i32
        scf.if %cond3A_97 {
          %add3A_108 = arith.constant 2 : i32
          %add3A_109 = arith.addi %add3A_77, %add3A_108 : i32
          %dma_start3A_110 = arith.constant 0 : i32
          %dma_start3A_111 = tpu.memref_slice %arg7[%add3A_109, %dma_start3A_110] : memref<24x128xi32, #tpu.memory_space<vmem>> -> memref<1x128xi32, #tpu.memory_space<vmem>>
          %dma_start3A_112 = tpu.memref_squeeze %dma_start3A_111 : memref<1x128xi32, #tpu.memory_space<vmem>> -> memref<128xi32, #tpu.memory_space<vmem>>
          %dma_start3A_113 = arith.constant 0 : i32
          %dma_start3A_114 = arith.constant 0 : i32
          %dma_start3A_115 = tpu.memref_slice %arg4[%dma_start3A_113, %dma_start3A_114] : memref<10240x128xf32, #tpu.memory_space<hbm>> -> memref<10240x128xf32, #tpu.memory_space<hbm>>
          tpu.enqueue_indirect_dma source(%dma_start3A_115 : memref<10240x128xf32, #tpu.memory_space<hbm>>) target(%arg11 : memref<128x128xf32, #tpu.memory_space<vmem>>) offsets(%dma_start3A_112 : memref<128xi32, #tpu.memory_space<vmem>>) semaphore(%arg14 : memref<!tpu.dma_semaphore, #tpu.memory_space<semaphore_mem>>)
        } else {
        }
        %add3A_98 = arith.constant 1 : i32
        %add3A_99 = arith.addi %add3A_77, %add3A_98 : i32
        %dma_wait3A_100 = arith.constant 0 : i32
        %dma_wait3A_101 = tpu.memref_slice %arg7[%add3A_99, %dma_wait3A_100] : memref<24x128xi32, #tpu.memory_space<vmem>> -> memref<1x128xi32, #tpu.memory_space<vmem>>
        %dma_wait3A_102 = tpu.memref_squeeze %dma_wait3A_101 : memref<1x128xi32, #tpu.memory_space<vmem>> -> memref<128xi32, #tpu.memory_space<vmem>>
        %dma_wait3A_103 = arith.constant 0 : i32
        %dma_wait3A_104 = arith.constant 0 : i32
        %dma_wait3A_105 = tpu.memref_slice %arg4[%dma_wait3A_103, %dma_wait3A_104] : memref<10240x128xf32, #tpu.memory_space<hbm>> -> memref<10240x128xf32, #tpu.memory_space<hbm>>
        tpu.wait_indirect_dma semaphore(%arg15 : memref<!tpu.dma_semaphore, #tpu.memory_space<semaphore_mem>>) src(%dma_wait3A_105 : memref<10240x128xf32, #tpu.memory_space<hbm>>) dst(%arg12 : memref<128x128xf32, #tpu.memory_space<vmem>>)
        %add3A_106 = arith.constant 1 : i32
        %add3A_107 = arith.addi %add3A_77, %add3A_106 : i32
        "tpu.region"() ({
          %run_scoped3A_108 = tpu.sem_alloc : memref<!tpu.dma_semaphore, #tpu.memory_space<semaphore_mem>>
          %dma_start3A_109 = arith.constant 0 : i32
          %dma_start3A_110 = tpu.memref_slice %arg8[%add3A_107, %dma_start3A_109] : memref<24x128xi32, #tpu.memory_space<vmem>> -> memref<1x128xi32, #tpu.memory_space<vmem>>
          %dma_start3A_111 = tpu.memref_squeeze %dma_start3A_110 : memref<1x128xi32, #tpu.memory_space<vmem>> -> memref<128xi32, #tpu.memory_space<vmem>>
          %dma_start3A_112 = arith.constant 0 : i32
          %dma_start3A_113 = arith.constant 0 : i32
          %dma_start3A_114 = tpu.memref_slice %arg13[%dma_start3A_112, %dma_start3A_113] : memref<10240x128xf32, #tpu.memory_space<vmem_shared>> -> memref<10240x128xf32, #tpu.memory_space<vmem_shared>>
          tpu.enqueue_indirect_dma source(%arg12 : memref<128x128xf32, #tpu.memory_space<vmem>>) target(%dma_start3A_114 : memref<10240x128xf32, #tpu.memory_space<vmem_shared>>) offsets(%dma_start3A_111 : memref<128xi32, #tpu.memory_space<vmem>>) semaphore(%run_scoped3A_108 : memref<!tpu.dma_semaphore, #tpu.memory_space<semaphore_mem>>) {add = true}
          %dma_wait3A_115 = arith.constant 0 : i32
          %dma_wait3A_116 = tpu.memref_slice %arg8[%add3A_107, %dma_wait3A_115] : memref<24x128xi32, #tpu.memory_space<vmem>> -> memref<1x128xi32, #tpu.memory_space<vmem>>
          %dma_wait3A_117 = tpu.memref_squeeze %dma_wait3A_116 : memref<1x128xi32, #tpu.memory_space<vmem>> -> memref<128xi32, #tpu.memory_space<vmem>>
          %dma_wait3A_118 = arith.constant 0 : i32
          %dma_wait3A_119 = arith.constant 0 : i32
          %dma_wait3A_120 = tpu.memref_slice %arg13[%dma_wait3A_118, %dma_wait3A_119] : memref<10240x128xf32, #tpu.memory_space<vmem_shared>> -> memref<10240x128xf32, #tpu.memory_space<vmem_shared>>
          tpu.wait_indirect_dma semaphore(%run_scoped3A_108 : memref<!tpu.dma_semaphore, #tpu.memory_space<semaphore_mem>>) src(%arg12 : memref<128x128xf32, #tpu.memory_space<vmem>>) dst(%dma_wait3A_120 : memref<10240x128xf32, #tpu.memory_space<vmem_shared>>)
          tpu.yield
        }) : () -> ()
      }
      %scan3A_22 = arith.constant 12 : i32
      %add3A_23 = arith.constant 24 : i32
      %add3A_24 = arith.addi %mul3A_11, %add3A_23 : i32
      %run_scoped3A_25 = arith.constant 0 : i32
      "tpu.region"() ({
        %run_scoped3A_73 = tpu.sem_alloc : memref<!tpu.dma_semaphore, #tpu.memory_space<semaphore_mem>>
        %dma_start3A_74 = arith.constant 0 : i32
        %dma_start3A_75 = arith.constant 0 : i32
        %dma_start3A_76 = tpu.memref_slice %arg7[%dma_start3A_74, %dma_start3A_75] : memref<24x128xi32, #tpu.memory_space<vmem>> -> memref<24x128xi32, #tpu.memory_space<vmem>>
        %dma_start3A_77 = arith.constant 0 : i32
        %dma_start3A_78 = arith.constant 0 : i32
        %dma_start3A_79 = tpu.memref_slice %arg2[%run_scoped3A_25, %dma_start3A_77, %dma_start3A_78] : memref<2x2500x128xi32, #tpu.memory_space<hbm>> -> memref<1x2500x128xi32, #tpu.memory_space<hbm>>
        %dma_start3A_80 = tpu.memref_squeeze %dma_start3A_79 : memref<1x2500x128xi32, #tpu.memory_space<hbm>> -> memref<2500x128xi32, #tpu.memory_space<hbm>>
        %dma_start3A_81 = arith.constant 0 : i32
        %dma_start3A_82 = tpu.memref_slice %dma_start3A_80[%add3A_24, %dma_start3A_81] : memref<2500x128xi32, #tpu.memory_space<hbm>> -> memref<24x128xi32, #tpu.memory_space<hbm>>
        %dma_start3A_83 = arith.constant 0 : i32
        %dma_start3A_84 = arith.constant 0 : i32
        %dma_start3A_85 = tpu.memref_slice %arg7[%dma_start3A_83, %dma_start3A_84] : memref<24x128xi32, #tpu.memory_space<vmem>> -> memref<24x128xi32, #tpu.memory_space<vmem>>
        %dma_start3A_86 = arith.constant 0 : i32
        %dma_start3A_87 = arith.constant 0 : i32
        %dma_start3A_88 = tpu.memref_slice %arg2[%run_scoped3A_25, %dma_start3A_86, %dma_start3A_87] : memref<2x2500x128xi32, #tpu.memory_space<hbm>> -> memref<1x2500x128xi32, #tpu.memory_space<hbm>>
        %dma_start3A_89 = tpu.memref_squeeze %dma_start3A_88 : memref<1x2500x128xi32, #tpu.memory_space<hbm>> -> memref<2500x128xi32, #tpu.memory_space<hbm>>
        %dma_start3A_90 = arith.constant 0 : i32
        %dma_start3A_91 = tpu.memref_slice %dma_start3A_89[%add3A_24, %dma_start3A_90] : memref<2500x128xi32, #tpu.memory_space<hbm>> -> memref<24x128xi32, #tpu.memory_space<hbm>>
        tpu.enqueue_dma source(%dma_start3A_91 : memref<24x128xi32, #tpu.memory_space<hbm>>) target(%dma_start3A_85 : memref<24x128xi32, #tpu.memory_space<vmem>>) target_semaphore(%run_scoped3A_73 : memref<!tpu.dma_semaphore, #tpu.memory_space<semaphore_mem>>)
        %dma_wait3A = arith.constant 0 : i32
        %dma_wait3A_92 = arith.constant 0 : i32
        %dma_wait3A_93 = tpu.memref_slice %arg7[%dma_wait3A, %dma_wait3A_92] : memref<24x128xi32, #tpu.memory_space<vmem>> -> memref<24x128xi32, #tpu.memory_space<vmem>>
        %dma_wait3A_94 = arith.constant 0 : i32
        %dma_wait3A_95 = arith.constant 0 : i32
        %dma_wait3A_96 = tpu.memref_slice %arg2[%run_scoped3A_25, %dma_wait3A_94, %dma_wait3A_95] : memref<2x2500x128xi32, #tpu.memory_space<hbm>> -> memref<1x2500x128xi32, #tpu.memory_space<hbm>>
        %dma_wait3A_97 = tpu.memref_squeeze %dma_wait3A_96 : memref<1x2500x128xi32, #tpu.memory_space<hbm>> -> memref<2500x128xi32, #tpu.memory_space<hbm>>
        %dma_wait3A_98 = arith.constant 0 : i32
        %dma_wait3A_99 = tpu.memref_slice %dma_wait3A_97[%add3A_24, %dma_wait3A_98] : memref<2500x128xi32, #tpu.memory_space<hbm>> -> memref<24x128xi32, #tpu.memory_space<hbm>>
        %dma_wait3A_100 = arith.constant 0 : i32
        %dma_wait3A_101 = arith.constant 0 : i32
        %dma_wait3A_102 = tpu.memref_slice %arg7[%dma_wait3A_100, %dma_wait3A_101] : memref<24x128xi32, #tpu.memory_space<vmem>> -> memref<24x128xi32, #tpu.memory_space<vmem>>
        %dma_wait3A_103 = arith.constant 0 : i32
        %dma_wait3A_104 = arith.constant 0 : i32
        %dma_wait3A_105 = tpu.memref_slice %arg2[%run_scoped3A_25, %dma_wait3A_103, %dma_wait3A_104] : memref<2x2500x128xi32, #tpu.memory_space<hbm>> -> memref<1x2500x128xi32, #tpu.memory_space<hbm>>
        %dma_wait3A_106 = tpu.memref_squeeze %dma_wait3A_105 : memref<1x2500x128xi32, #tpu.memory_space<hbm>> -> memref<2500x128xi32, #tpu.memory_space<hbm>>
        %dma_wait3A_107 = arith.constant 0 : i32
        %dma_wait3A_108 = tpu.memref_slice %dma_wait3A_106[%add3A_24, %dma_wait3A_107] : memref<2500x128xi32, #tpu.memory_space<hbm>> -> memref<24x128xi32, #tpu.memory_space<hbm>>
        tpu.wait_dma2 semaphore(%run_scoped3A_73 : memref<!tpu.dma_semaphore, #tpu.memory_space<semaphore_mem>>) src(%dma_wait3A_108 : memref<24x128xi32, #tpu.memory_space<hbm>>) dst(%dma_wait3A_102 : memref<24x128xi32, #tpu.memory_space<vmem>>)
        tpu.yield
      }) : () -> ()
      %run_scoped3A_26 = arith.constant 1 : i32
      "tpu.region"() ({
        %run_scoped3A_73 = tpu.sem_alloc : memref<!tpu.dma_semaphore, #tpu.memory_space<semaphore_mem>>
        %dma_start3A_74 = arith.constant 0 : i32
        %dma_start3A_75 = arith.constant 0 : i32
        %dma_start3A_76 = tpu.memref_slice %arg8[%dma_start3A_74, %dma_start3A_75] : memref<24x128xi32, #tpu.memory_space<vmem>> -> memref<24x128xi32, #tpu.memory_space<vmem>>
        %dma_start3A_77 = arith.constant 0 : i32
        %dma_start3A_78 = arith.constant 0 : i32
        %dma_start3A_79 = tpu.memref_slice %arg2[%run_scoped3A_26, %dma_start3A_77, %dma_start3A_78] : memref<2x2500x128xi32, #tpu.memory_space<hbm>> -> memref<1x2500x128xi32, #tpu.memory_space<hbm>>
        %dma_start3A_80 = tpu.memref_squeeze %dma_start3A_79 : memref<1x2500x128xi32, #tpu.memory_space<hbm>> -> memref<2500x128xi32, #tpu.memory_space<hbm>>
        %dma_start3A_81 = arith.constant 0 : i32
        %dma_start3A_82 = tpu.memref_slice %dma_start3A_80[%add3A_24, %dma_start3A_81] : memref<2500x128xi32, #tpu.memory_space<hbm>> -> memref<24x128xi32, #tpu.memory_space<hbm>>
        %dma_start3A_83 = arith.constant 0 : i32
        %dma_start3A_84 = arith.constant 0 : i32
        %dma_start3A_85 = tpu.memref_slice %arg8[%dma_start3A_83, %dma_start3A_84] : memref<24x128xi32, #tpu.memory_space<vmem>> -> memref<24x128xi32, #tpu.memory_space<vmem>>
        %dma_start3A_86 = arith.constant 0 : i32
        %dma_start3A_87 = arith.constant 0 : i32
        %dma_start3A_88 = tpu.memref_slice %arg2[%run_scoped3A_26, %dma_start3A_86, %dma_start3A_87] : memref<2x2500x128xi32, #tpu.memory_space<hbm>> -> memref<1x2500x128xi32, #tpu.memory_space<hbm>>
        %dma_start3A_89 = tpu.memref_squeeze %dma_start3A_88 : memref<1x2500x128xi32, #tpu.memory_space<hbm>> -> memref<2500x128xi32, #tpu.memory_space<hbm>>
        %dma_start3A_90 = arith.constant 0 : i32
        %dma_start3A_91 = tpu.memref_slice %dma_start3A_89[%add3A_24, %dma_start3A_90] : memref<2500x128xi32, #tpu.memory_space<hbm>> -> memref<24x128xi32, #tpu.memory_space<hbm>>
        tpu.enqueue_dma source(%dma_start3A_91 : memref<24x128xi32, #tpu.memory_space<hbm>>) target(%dma_start3A_85 : memref<24x128xi32, #tpu.memory_space<vmem>>) target_semaphore(%run_scoped3A_73 : memref<!tpu.dma_semaphore, #tpu.memory_space<semaphore_mem>>)
        %dma_wait3A = arith.constant 0 : i32
        %dma_wait3A_92 = arith.constant 0 : i32
        %dma_wait3A_93 = tpu.memref_slice %arg8[%dma_wait3A, %dma_wait3A_92] : memref<24x128xi32, #tpu.memory_space<vmem>> -> memref<24x128xi32, #tpu.memory_space<vmem>>
        %dma_wait3A_94 = arith.constant 0 : i32
        %dma_wait3A_95 = arith.constant 0 : i32
        %dma_wait3A_96 = tpu.memref_slice %arg2[%run_scoped3A_26, %dma_wait3A_94, %dma_wait3A_95] : memref<2x2500x128xi32, #tpu.memory_space<hbm>> -> memref<1x2500x128xi32, #tpu.memory_space<hbm>>
        %dma_wait3A_97 = tpu.memref_squeeze %dma_wait3A_96 : memref<1x2500x128xi32, #tpu.memory_space<hbm>> -> memref<2500x128xi32, #tpu.memory_space<hbm>>
        %dma_wait3A_98 = arith.constant 0 : i32
        %dma_wait3A_99 = tpu.memref_slice %dma_wait3A_97[%add3A_24, %dma_wait3A_98] : memref<2500x128xi32, #tpu.memory_space<hbm>> -> memref<24x128xi32, #tpu.memory_space<hbm>>
        %dma_wait3A_100 = arith.constant 0 : i32
        %dma_wait3A_101 = arith.constant 0 : i32
        %dma_wait3A_102 = tpu.memref_slice %arg8[%dma_wait3A_100, %dma_wait3A_101] : memref<24x128xi32, #tpu.memory_space<vmem>> -> memref<24x128xi32, #tpu.memory_space<vmem>>
        %dma_wait3A_103 = arith.constant 0 : i32
        %dma_wait3A_104 = arith.constant 0 : i32
        %dma_wait3A_105 = tpu.memref_slice %arg2[%run_scoped3A_26, %dma_wait3A_103, %dma_wait3A_104] : memref<2x2500x128xi32, #tpu.memory_space<hbm>> -> memref<1x2500x128xi32, #tpu.memory_space<hbm>>
        %dma_wait3A_106 = tpu.memref_squeeze %dma_wait3A_105 : memref<1x2500x128xi32, #tpu.memory_space<hbm>> -> memref<2500x128xi32, #tpu.memory_space<hbm>>
        %dma_wait3A_107 = arith.constant 0 : i32
        %dma_wait3A_108 = tpu.memref_slice %dma_wait3A_106[%add3A_24, %dma_wait3A_107] : memref<2500x128xi32, #tpu.memory_space<hbm>> -> memref<24x128xi32, #tpu.memory_space<hbm>>
        tpu.wait_dma2 semaphore(%run_scoped3A_73 : memref<!tpu.dma_semaphore, #tpu.memory_space<semaphore_mem>>) src(%dma_wait3A_108 : memref<24x128xi32, #tpu.memory_space<hbm>>) dst(%dma_wait3A_102 : memref<24x128xi32, #tpu.memory_space<vmem>>)
        tpu.yield
      }) : () -> ()
      %dma_start3A_27 = arith.constant 0 : i32
      %dma_start3A_28 = arith.constant 0 : i32
      %dma_start3A_29 = tpu.memref_slice %arg7[%dma_start3A_27, %dma_start3A_28] : memref<24x128xi32, #tpu.memory_space<vmem>> -> memref<1x128xi32, #tpu.memory_space<vmem>>
      %dma_start3A_30 = tpu.memref_squeeze %dma_start3A_29 : memref<1x128xi32, #tpu.memory_space<vmem>> -> memref<128xi32, #tpu.memory_space<vmem>>
      %dma_start3A_31 = arith.constant 0 : i32
      %dma_start3A_32 = arith.constant 0 : i32
      %dma_start3A_33 = tpu.memref_slice %arg4[%dma_start3A_31, %dma_start3A_32] : memref<10240x128xf32, #tpu.memory_space<hbm>> -> memref<10240x128xf32, #tpu.memory_space<hbm>>
      tpu.enqueue_indirect_dma source(%dma_start3A_33 : memref<10240x128xf32, #tpu.memory_space<hbm>>) target(%arg11 : memref<128x128xf32, #tpu.memory_space<vmem>>) offsets(%dma_start3A_30 : memref<128xi32, #tpu.memory_space<vmem>>) semaphore(%arg14 : memref<!tpu.dma_semaphore, #tpu.memory_space<semaphore_mem>>)
      %scan3A_34 = arith.constant 0 : i32
      %scan3A_35 = arith.constant 12 : i32
      %scan3A_36 = arith.addi %scan3A_34, %scan3A_35 : i32
      %scan3A_37 = arith.constant 1 : i32
      scf.for %scan3A_73 = %scan3A_34 to %scan3A_36 step %scan3A_37  : i32 {
        %mul3A_74 = arith.constant 2 : i32
        %mul3A_75 = arith.muli %scan3A_73, %mul3A_74 : i32
        %add3A_76 = arith.constant 0 : i32
        %add3A_77 = arith.addi %add3A_76, %mul3A_75 : i32
        %add3A_78 = arith.constant 1 : i32
        %add3A_79 = arith.addi %add3A_77, %add3A_78 : i32
        %dma_start3A_80 = arith.constant 0 : i32
        %dma_start3A_81 = tpu.memref_slice %arg7[%add3A_79, %dma_start3A_80] : memref<24x128xi32, #tpu.memory_space<vmem>> -> memref<1x128xi32, #tpu.memory_space<vmem>>
        %dma_start3A_82 = tpu.memref_squeeze %dma_start3A_81 : memref<1x128xi32, #tpu.memory_space<vmem>> -> memref<128xi32, #tpu.memory_space<vmem>>
        %dma_start3A_83 = arith.constant 0 : i32
        %dma_start3A_84 = arith.constant 0 : i32
        %dma_start3A_85 = tpu.memref_slice %arg4[%dma_start3A_83, %dma_start3A_84] : memref<10240x128xf32, #tpu.memory_space<hbm>> -> memref<10240x128xf32, #tpu.memory_space<hbm>>
        tpu.enqueue_indirect_dma source(%dma_start3A_85 : memref<10240x128xf32, #tpu.memory_space<hbm>>) target(%arg12 : memref<128x128xf32, #tpu.memory_space<vmem>>) offsets(%dma_start3A_82 : memref<128xi32, #tpu.memory_space<vmem>>) semaphore(%arg15 : memref<!tpu.dma_semaphore, #tpu.memory_space<semaphore_mem>>)
        %dma_wait3A = arith.constant 0 : i32
        %dma_wait3A_86 = tpu.memref_slice %arg7[%add3A_77, %dma_wait3A] : memref<24x128xi32, #tpu.memory_space<vmem>> -> memref<1x128xi32, #tpu.memory_space<vmem>>
        %dma_wait3A_87 = tpu.memref_squeeze %dma_wait3A_86 : memref<1x128xi32, #tpu.memory_space<vmem>> -> memref<128xi32, #tpu.memory_space<vmem>>
        %dma_wait3A_88 = arith.constant 0 : i32
        %dma_wait3A_89 = arith.constant 0 : i32
        %dma_wait3A_90 = tpu.memref_slice %arg4[%dma_wait3A_88, %dma_wait3A_89] : memref<10240x128xf32, #tpu.memory_space<hbm>> -> memref<10240x128xf32, #tpu.memory_space<hbm>>
        tpu.wait_indirect_dma semaphore(%arg14 : memref<!tpu.dma_semaphore, #tpu.memory_space<semaphore_mem>>) src(%dma_wait3A_90 : memref<10240x128xf32, #tpu.memory_space<hbm>>) dst(%arg11 : memref<128x128xf32, #tpu.memory_space<vmem>>)
        "tpu.region"() ({
          %run_scoped3A_108 = tpu.sem_alloc : memref<!tpu.dma_semaphore, #tpu.memory_space<semaphore_mem>>
          %dma_start3A_109 = arith.constant 0 : i32
          %dma_start3A_110 = tpu.memref_slice %arg8[%add3A_77, %dma_start3A_109] : memref<24x128xi32, #tpu.memory_space<vmem>> -> memref<1x128xi32, #tpu.memory_space<vmem>>
          %dma_start3A_111 = tpu.memref_squeeze %dma_start3A_110 : memref<1x128xi32, #tpu.memory_space<vmem>> -> memref<128xi32, #tpu.memory_space<vmem>>
          %dma_start3A_112 = arith.constant 0 : i32
          %dma_start3A_113 = arith.constant 0 : i32
          %dma_start3A_114 = tpu.memref_slice %arg13[%dma_start3A_112, %dma_start3A_113] : memref<10240x128xf32, #tpu.memory_space<vmem_shared>> -> memref<10240x128xf32, #tpu.memory_space<vmem_shared>>
          tpu.enqueue_indirect_dma source(%arg11 : memref<128x128xf32, #tpu.memory_space<vmem>>) target(%dma_start3A_114 : memref<10240x128xf32, #tpu.memory_space<vmem_shared>>) offsets(%dma_start3A_111 : memref<128xi32, #tpu.memory_space<vmem>>) semaphore(%run_scoped3A_108 : memref<!tpu.dma_semaphore, #tpu.memory_space<semaphore_mem>>) {add = true}
          %dma_wait3A_115 = arith.constant 0 : i32
          %dma_wait3A_116 = tpu.memref_slice %arg8[%add3A_77, %dma_wait3A_115] : memref<24x128xi32, #tpu.memory_space<vmem>> -> memref<1x128xi32, #tpu.memory_space<vmem>>
          %dma_wait3A_117 = tpu.memref_squeeze %dma_wait3A_116 : memref<1x128xi32, #tpu.memory_space<vmem>> -> memref<128xi32, #tpu.memory_space<vmem>>
          %dma_wait3A_118 = arith.constant 0 : i32
          %dma_wait3A_119 = arith.constant 0 : i32
          %dma_wait3A_120 = tpu.memref_slice %arg13[%dma_wait3A_118, %dma_wait3A_119] : memref<10240x128xf32, #tpu.memory_space<vmem_shared>> -> memref<10240x128xf32, #tpu.memory_space<vmem_shared>>
          tpu.wait_indirect_dma semaphore(%run_scoped3A_108 : memref<!tpu.dma_semaphore, #tpu.memory_space<semaphore_mem>>) src(%arg11 : memref<128x128xf32, #tpu.memory_space<vmem>>) dst(%dma_wait3A_120 : memref<10240x128xf32, #tpu.memory_space<vmem_shared>>)
          tpu.yield
        }) : () -> ()
        %add3A_91 = arith.constant 2 : i32
        %add3A_92 = arith.addi %add3A_77, %add3A_91 : i32
        %lt3A_93 = arith.constant 24 : i32
        %lt3A_94 = arith.cmpi slt, %add3A_92, %lt3A_93 : i32
        %convert_element_type3A_95 = arith.extui %lt3A_94 : i1 to i32
        %cond3A_96 = arith.constant 0 : i32
        %cond3A_97 = arith.cmpi ne, %convert_element_type3A_95, %cond3A_96 : i32
        scf.if %cond3A_97 {
          %add3A_108 = arith.constant 2 : i32
          %add3A_109 = arith.addi %add3A_77, %add3A_108 : i32
          %dma_start3A_110 = arith.constant 0 : i32
          %dma_start3A_111 = tpu.memref_slice %arg7[%add3A_109, %dma_start3A_110] : memref<24x128xi32, #tpu.memory_space<vmem>> -> memref<1x128xi32, #tpu.memory_space<vmem>>
          %dma_start3A_112 = tpu.memref_squeeze %dma_start3A_111 : memref<1x128xi32, #tpu.memory_space<vmem>> -> memref<128xi32, #tpu.memory_space<vmem>>
          %dma_start3A_113 = arith.constant 0 : i32
          %dma_start3A_114 = arith.constant 0 : i32
          %dma_start3A_115 = tpu.memref_slice %arg4[%dma_start3A_113, %dma_start3A_114] : memref<10240x128xf32, #tpu.memory_space<hbm>> -> memref<10240x128xf32, #tpu.memory_space<hbm>>
          tpu.enqueue_indirect_dma source(%dma_start3A_115 : memref<10240x128xf32, #tpu.memory_space<hbm>>) target(%arg11 : memref<128x128xf32, #tpu.memory_space<vmem>>) offsets(%dma_start3A_112 : memref<128xi32, #tpu.memory_space<vmem>>) semaphore(%arg14 : memref<!tpu.dma_semaphore, #tpu.memory_space<semaphore_mem>>)
        } else {
        }
        %add3A_98 = arith.constant 1 : i32
        %add3A_99 = arith.addi %add3A_77, %add3A_98 : i32
        %dma_wait3A_100 = arith.constant 0 : i32
        %dma_wait3A_101 = tpu.memref_slice %arg7[%add3A_99, %dma_wait3A_100] : memref<24x128xi32, #tpu.memory_space<vmem>> -> memref<1x128xi32, #tpu.memory_space<vmem>>
        %dma_wait3A_102 = tpu.memref_squeeze %dma_wait3A_101 : memref<1x128xi32, #tpu.memory_space<vmem>> -> memref<128xi32, #tpu.memory_space<vmem>>
        %dma_wait3A_103 = arith.constant 0 : i32
        %dma_wait3A_104 = arith.constant 0 : i32
        %dma_wait3A_105 = tpu.memref_slice %arg4[%dma_wait3A_103, %dma_wait3A_104] : memref<10240x128xf32, #tpu.memory_space<hbm>> -> memref<10240x128xf32, #tpu.memory_space<hbm>>
        tpu.wait_indirect_dma semaphore(%arg15 : memref<!tpu.dma_semaphore, #tpu.memory_space<semaphore_mem>>) src(%dma_wait3A_105 : memref<10240x128xf32, #tpu.memory_space<hbm>>) dst(%arg12 : memref<128x128xf32, #tpu.memory_space<vmem>>)
        %add3A_106 = arith.constant 1 : i32
        %add3A_107 = arith.addi %add3A_77, %add3A_106 : i32
        "tpu.region"() ({
          %run_scoped3A_108 = tpu.sem_alloc : memref<!tpu.dma_semaphore, #tpu.memory_space<semaphore_mem>>
          %dma_start3A_109 = arith.constant 0 : i32
          %dma_start3A_110 = tpu.memref_slice %arg8[%add3A_107, %dma_start3A_109] : memref<24x128xi32, #tpu.memory_space<vmem>> -> memref<1x128xi32, #tpu.memory_space<vmem>>
          %dma_start3A_111 = tpu.memref_squeeze %dma_start3A_110 : memref<1x128xi32, #tpu.memory_space<vmem>> -> memref<128xi32, #tpu.memory_space<vmem>>
          %dma_start3A_112 = arith.constant 0 : i32
          %dma_start3A_113 = arith.constant 0 : i32
          %dma_start3A_114 = tpu.memref_slice %arg13[%dma_start3A_112, %dma_start3A_113] : memref<10240x128xf32, #tpu.memory_space<vmem_shared>> -> memref<10240x128xf32, #tpu.memory_space<vmem_shared>>
          tpu.enqueue_indirect_dma source(%arg12 : memref<128x128xf32, #tpu.memory_space<vmem>>) target(%dma_start3A_114 : memref<10240x128xf32, #tpu.memory_space<vmem_shared>>) offsets(%dma_start3A_111 : memref<128xi32, #tpu.memory_space<vmem>>) semaphore(%run_scoped3A_108 : memref<!tpu.dma_semaphore, #tpu.memory_space<semaphore_mem>>) {add = true}
          %dma_wait3A_115 = arith.constant 0 : i32
          %dma_wait3A_116 = tpu.memref_slice %arg8[%add3A_107, %dma_wait3A_115] : memref<24x128xi32, #tpu.memory_space<vmem>> -> memref<1x128xi32, #tpu.memory_space<vmem>>
          %dma_wait3A_117 = tpu.memref_squeeze %dma_wait3A_116 : memref<1x128xi32, #tpu.memory_space<vmem>> -> memref<128xi32, #tpu.memory_space<vmem>>
          %dma_wait3A_118 = arith.constant 0 : i32
          %dma_wait3A_119 = arith.constant 0 : i32
          %dma_wait3A_120 = tpu.memref_slice %arg13[%dma_wait3A_118, %dma_wait3A_119] : memref<10240x128xf32, #tpu.memory_space<vmem_shared>> -> memref<10240x128xf32, #tpu.memory_space<vmem_shared>>
          tpu.wait_indirect_dma semaphore(%run_scoped3A_108 : memref<!tpu.dma_semaphore, #tpu.memory_space<semaphore_mem>>) src(%arg12 : memref<128x128xf32, #tpu.memory_space<vmem>>) dst(%dma_wait3A_120 : memref<10240x128xf32, #tpu.memory_space<vmem_shared>>)
          tpu.yield
        }) : () -> ()
      }
      %scan3A_38 = arith.constant 12 : i32
      %add3A_39 = arith.constant 24 : i32
      %add3A_40 = arith.addi %add3A_24, %add3A_39 : i32
      %run_scoped3A_41 = arith.constant 0 : i32
      "tpu.region"() ({
        %run_scoped3A_73 = tpu.sem_alloc : memref<!tpu.dma_semaphore, #tpu.memory_space<semaphore_mem>>
        %dma_start3A_74 = arith.constant 0 : i32
        %dma_start3A_75 = arith.constant 0 : i32
        %dma_start3A_76 = tpu.memref_slice %arg7[%dma_start3A_74, %dma_start3A_75] : memref<24x128xi32, #tpu.memory_space<vmem>> -> memref<24x128xi32, #tpu.memory_space<vmem>>
        %dma_start3A_77 = arith.constant 0 : i32
        %dma_start3A_78 = arith.constant 0 : i32
        %dma_start3A_79 = tpu.memref_slice %arg2[%run_scoped3A_41, %dma_start3A_77, %dma_start3A_78] : memref<2x2500x128xi32, #tpu.memory_space<hbm>> -> memref<1x2500x128xi32, #tpu.memory_space<hbm>>
        %dma_start3A_80 = tpu.memref_squeeze %dma_start3A_79 : memref<1x2500x128xi32, #tpu.memory_space<hbm>> -> memref<2500x128xi32, #tpu.memory_space<hbm>>
        %dma_start3A_81 = arith.constant 0 : i32
        %dma_start3A_82 = tpu.memref_slice %dma_start3A_80[%add3A_40, %dma_start3A_81] : memref<2500x128xi32, #tpu.memory_space<hbm>> -> memref<24x128xi32, #tpu.memory_space<hbm>>
        %dma_start3A_83 = arith.constant 0 : i32
        %dma_start3A_84 = arith.constant 0 : i32
        %dma_start3A_85 = tpu.memref_slice %arg7[%dma_start3A_83, %dma_start3A_84] : memref<24x128xi32, #tpu.memory_space<vmem>> -> memref<24x128xi32, #tpu.memory_space<vmem>>
        %dma_start3A_86 = arith.constant 0 : i32
        %dma_start3A_87 = arith.constant 0 : i32
        %dma_start3A_88 = tpu.memref_slice %arg2[%run_scoped3A_41, %dma_start3A_86, %dma_start3A_87] : memref<2x2500x128xi32, #tpu.memory_space<hbm>> -> memref<1x2500x128xi32, #tpu.memory_space<hbm>>
        %dma_start3A_89 = tpu.memref_squeeze %dma_start3A_88 : memref<1x2500x128xi32, #tpu.memory_space<hbm>> -> memref<2500x128xi32, #tpu.memory_space<hbm>>
        %dma_start3A_90 = arith.constant 0 : i32
        %dma_start3A_91 = tpu.memref_slice %dma_start3A_89[%add3A_40, %dma_start3A_90] : memref<2500x128xi32, #tpu.memory_space<hbm>> -> memref<24x128xi32, #tpu.memory_space<hbm>>
        tpu.enqueue_dma source(%dma_start3A_91 : memref<24x128xi32, #tpu.memory_space<hbm>>) target(%dma_start3A_85 : memref<24x128xi32, #tpu.memory_space<vmem>>) target_semaphore(%run_scoped3A_73 : memref<!tpu.dma_semaphore, #tpu.memory_space<semaphore_mem>>)
        %dma_wait3A = arith.constant 0 : i32
        %dma_wait3A_92 = arith.constant 0 : i32
        %dma_wait3A_93 = tpu.memref_slice %arg7[%dma_wait3A, %dma_wait3A_92] : memref<24x128xi32, #tpu.memory_space<vmem>> -> memref<24x128xi32, #tpu.memory_space<vmem>>
        %dma_wait3A_94 = arith.constant 0 : i32
        %dma_wait3A_95 = arith.constant 0 : i32
        %dma_wait3A_96 = tpu.memref_slice %arg2[%run_scoped3A_41, %dma_wait3A_94, %dma_wait3A_95] : memref<2x2500x128xi32, #tpu.memory_space<hbm>> -> memref<1x2500x128xi32, #tpu.memory_space<hbm>>
        %dma_wait3A_97 = tpu.memref_squeeze %dma_wait3A_96 : memref<1x2500x128xi32, #tpu.memory_space<hbm>> -> memref<2500x128xi32, #tpu.memory_space<hbm>>
        %dma_wait3A_98 = arith.constant 0 : i32
        %dma_wait3A_99 = tpu.memref_slice %dma_wait3A_97[%add3A_40, %dma_wait3A_98] : memref<2500x128xi32, #tpu.memory_space<hbm>> -> memref<24x128xi32, #tpu.memory_space<hbm>>
        %dma_wait3A_100 = arith.constant 0 : i32
        %dma_wait3A_101 = arith.constant 0 : i32
        %dma_wait3A_102 = tpu.memref_slice %arg7[%dma_wait3A_100, %dma_wait3A_101] : memref<24x128xi32, #tpu.memory_space<vmem>> -> memref<24x128xi32, #tpu.memory_space<vmem>>
        %dma_wait3A_103 = arith.constant 0 : i32
        %dma_wait3A_104 = arith.constant 0 : i32
        %dma_wait3A_105 = tpu.memref_slice %arg2[%run_scoped3A_41, %dma_wait3A_103, %dma_wait3A_104] : memref<2x2500x128xi32, #tpu.memory_space<hbm>> -> memref<1x2500x128xi32, #tpu.memory_space<hbm>>
        %dma_wait3A_106 = tpu.memref_squeeze %dma_wait3A_105 : memref<1x2500x128xi32, #tpu.memory_space<hbm>> -> memref<2500x128xi32, #tpu.memory_space<hbm>>
        %dma_wait3A_107 = arith.constant 0 : i32
        %dma_wait3A_108 = tpu.memref_slice %dma_wait3A_106[%add3A_40, %dma_wait3A_107] : memref<2500x128xi32, #tpu.memory_space<hbm>> -> memref<24x128xi32, #tpu.memory_space<hbm>>
        tpu.wait_dma2 semaphore(%run_scoped3A_73 : memref<!tpu.dma_semaphore, #tpu.memory_space<semaphore_mem>>) src(%dma_wait3A_108 : memref<24x128xi32, #tpu.memory_space<hbm>>) dst(%dma_wait3A_102 : memref<24x128xi32, #tpu.memory_space<vmem>>)
        tpu.yield
      }) : () -> ()
      %run_scoped3A_42 = arith.constant 1 : i32
      "tpu.region"() ({
        %run_scoped3A_73 = tpu.sem_alloc : memref<!tpu.dma_semaphore, #tpu.memory_space<semaphore_mem>>
        %dma_start3A_74 = arith.constant 0 : i32
        %dma_start3A_75 = arith.constant 0 : i32
        %dma_start3A_76 = tpu.memref_slice %arg8[%dma_start3A_74, %dma_start3A_75] : memref<24x128xi32, #tpu.memory_space<vmem>> -> memref<24x128xi32, #tpu.memory_space<vmem>>
        %dma_start3A_77 = arith.constant 0 : i32
        %dma_start3A_78 = arith.constant 0 : i32
        %dma_start3A_79 = tpu.memref_slice %arg2[%run_scoped3A_42, %dma_start3A_77, %dma_start3A_78] : memref<2x2500x128xi32, #tpu.memory_space<hbm>> -> memref<1x2500x128xi32, #tpu.memory_space<hbm>>
        %dma_start3A_80 = tpu.memref_squeeze %dma_start3A_79 : memref<1x2500x128xi32, #tpu.memory_space<hbm>> -> memref<2500x128xi32, #tpu.memory_space<hbm>>
        %dma_start3A_81 = arith.constant 0 : i32
        %dma_start3A_82 = tpu.memref_slice %dma_start3A_80[%add3A_40, %dma_start3A_81] : memref<2500x128xi32, #tpu.memory_space<hbm>> -> memref<24x128xi32, #tpu.memory_space<hbm>>
        %dma_start3A_83 = arith.constant 0 : i32
        %dma_start3A_84 = arith.constant 0 : i32
        %dma_start3A_85 = tpu.memref_slice %arg8[%dma_start3A_83, %dma_start3A_84] : memref<24x128xi32, #tpu.memory_space<vmem>> -> memref<24x128xi32, #tpu.memory_space<vmem>>
        %dma_start3A_86 = arith.constant 0 : i32
        %dma_start3A_87 = arith.constant 0 : i32
        %dma_start3A_88 = tpu.memref_slice %arg2[%run_scoped3A_42, %dma_start3A_86, %dma_start3A_87] : memref<2x2500x128xi32, #tpu.memory_space<hbm>> -> memref<1x2500x128xi32, #tpu.memory_space<hbm>>
        %dma_start3A_89 = tpu.memref_squeeze %dma_start3A_88 : memref<1x2500x128xi32, #tpu.memory_space<hbm>> -> memref<2500x128xi32, #tpu.memory_space<hbm>>
        %dma_start3A_90 = arith.constant 0 : i32
        %dma_start3A_91 = tpu.memref_slice %dma_start3A_89[%add3A_40, %dma_start3A_90] : memref<2500x128xi32, #tpu.memory_space<hbm>> -> memref<24x128xi32, #tpu.memory_space<hbm>>
        tpu.enqueue_dma source(%dma_start3A_91 : memref<24x128xi32, #tpu.memory_space<hbm>>) target(%dma_start3A_85 : memref<24x128xi32, #tpu.memory_space<vmem>>) target_semaphore(%run_scoped3A_73 : memref<!tpu.dma_semaphore, #tpu.memory_space<semaphore_mem>>)
        %dma_wait3A = arith.constant 0 : i32
        %dma_wait3A_92 = arith.constant 0 : i32
        %dma_wait3A_93 = tpu.memref_slice %arg8[%dma_wait3A, %dma_wait3A_92] : memref<24x128xi32, #tpu.memory_space<vmem>> -> memref<24x128xi32, #tpu.memory_space<vmem>>
        %dma_wait3A_94 = arith.constant 0 : i32
        %dma_wait3A_95 = arith.constant 0 : i32
        %dma_wait3A_96 = tpu.memref_slice %arg2[%run_scoped3A_42, %dma_wait3A_94, %dma_wait3A_95] : memref<2x2500x128xi32, #tpu.memory_space<hbm>> -> memref<1x2500x128xi32, #tpu.memory_space<hbm>>
        %dma_wait3A_97 = tpu.memref_squeeze %dma_wait3A_96 : memref<1x2500x128xi32, #tpu.memory_space<hbm>> -> memref<2500x128xi32, #tpu.memory_space<hbm>>
        %dma_wait3A_98 = arith.constant 0 : i32
        %dma_wait3A_99 = tpu.memref_slice %dma_wait3A_97[%add3A_40, %dma_wait3A_98] : memref<2500x128xi32, #tpu.memory_space<hbm>> -> memref<24x128xi32, #tpu.memory_space<hbm>>
        %dma_wait3A_100 = arith.constant 0 : i32
        %dma_wait3A_101 = arith.constant 0 : i32
        %dma_wait3A_102 = tpu.memref_slice %arg8[%dma_wait3A_100, %dma_wait3A_101] : memref<24x128xi32, #tpu.memory_space<vmem>> -> memref<24x128xi32, #tpu.memory_space<vmem>>
        %dma_wait3A_103 = arith.constant 0 : i32
        %dma_wait3A_104 = arith.constant 0 : i32
        %dma_wait3A_105 = tpu.memref_slice %arg2[%run_scoped3A_42, %dma_wait3A_103, %dma_wait3A_104] : memref<2x2500x128xi32, #tpu.memory_space<hbm>> -> memref<1x2500x128xi32, #tpu.memory_space<hbm>>
        %dma_wait3A_106 = tpu.memref_squeeze %dma_wait3A_105 : memref<1x2500x128xi32, #tpu.memory_space<hbm>> -> memref<2500x128xi32, #tpu.memory_space<hbm>>
        %dma_wait3A_107 = arith.constant 0 : i32
        %dma_wait3A_108 = tpu.memref_slice %dma_wait3A_106[%add3A_40, %dma_wait3A_107] : memref<2500x128xi32, #tpu.memory_space<hbm>> -> memref<24x128xi32, #tpu.memory_space<hbm>>
        tpu.wait_dma2 semaphore(%run_scoped3A_73 : memref<!tpu.dma_semaphore, #tpu.memory_space<semaphore_mem>>) src(%dma_wait3A_108 : memref<24x128xi32, #tpu.memory_space<hbm>>) dst(%dma_wait3A_102 : memref<24x128xi32, #tpu.memory_space<vmem>>)
        tpu.yield
      }) : () -> ()
      %dma_start3A_43 = arith.constant 0 : i32
      %dma_start3A_44 = arith.constant 0 : i32
      %dma_start3A_45 = tpu.memref_slice %arg7[%dma_start3A_43, %dma_start3A_44] : memref<24x128xi32, #tpu.memory_space<vmem>> -> memref<1x128xi32, #tpu.memory_space<vmem>>
      %dma_start3A_46 = tpu.memref_squeeze %dma_start3A_45 : memref<1x128xi32, #tpu.memory_space<vmem>> -> memref<128xi32, #tpu.memory_space<vmem>>
      %dma_start3A_47 = arith.constant 0 : i32
      %dma_start3A_48 = arith.constant 0 : i32
      %dma_start3A_49 = tpu.memref_slice %arg4[%dma_start3A_47, %dma_start3A_48] : memref<10240x128xf32, #tpu.memory_space<hbm>> -> memref<10240x128xf32, #tpu.memory_space<hbm>>
      tpu.enqueue_indirect_dma source(%dma_start3A_49 : memref<10240x128xf32, #tpu.memory_space<hbm>>) target(%arg11 : memref<128x128xf32, #tpu.memory_space<vmem>>) offsets(%dma_start3A_46 : memref<128xi32, #tpu.memory_space<vmem>>) semaphore(%arg14 : memref<!tpu.dma_semaphore, #tpu.memory_space<semaphore_mem>>)
      %scan3A_50 = arith.constant 0 : i32
      %scan3A_51 = arith.constant 12 : i32
      %scan3A_52 = arith.addi %scan3A_50, %scan3A_51 : i32
      %scan3A_53 = arith.constant 1 : i32
      scf.for %scan3A_73 = %scan3A_50 to %scan3A_52 step %scan3A_53  : i32 {
        %mul3A_74 = arith.constant 2 : i32
        %mul3A_75 = arith.muli %scan3A_73, %mul3A_74 : i32
        %add3A_76 = arith.constant 0 : i32
        %add3A_77 = arith.addi %add3A_76, %mul3A_75 : i32
        %add3A_78 = arith.constant 1 : i32
        %add3A_79 = arith.addi %add3A_77, %add3A_78 : i32
        %dma_start3A_80 = arith.constant 0 : i32
        %dma_start3A_81 = tpu.memref_slice %arg7[%add3A_79, %dma_start3A_80] : memref<24x128xi32, #tpu.memory_space<vmem>> -> memref<1x128xi32, #tpu.memory_space<vmem>>
        %dma_start3A_82 = tpu.memref_squeeze %dma_start3A_81 : memref<1x128xi32, #tpu.memory_space<vmem>> -> memref<128xi32, #tpu.memory_space<vmem>>
        %dma_start3A_83 = arith.constant 0 : i32
        %dma_start3A_84 = arith.constant 0 : i32
        %dma_start3A_85 = tpu.memref_slice %arg4[%dma_start3A_83, %dma_start3A_84] : memref<10240x128xf32, #tpu.memory_space<hbm>> -> memref<10240x128xf32, #tpu.memory_space<hbm>>
        tpu.enqueue_indirect_dma source(%dma_start3A_85 : memref<10240x128xf32, #tpu.memory_space<hbm>>) target(%arg12 : memref<128x128xf32, #tpu.memory_space<vmem>>) offsets(%dma_start3A_82 : memref<128xi32, #tpu.memory_space<vmem>>) semaphore(%arg15 : memref<!tpu.dma_semaphore, #tpu.memory_space<semaphore_mem>>)
        %dma_wait3A = arith.constant 0 : i32
        %dma_wait3A_86 = tpu.memref_slice %arg7[%add3A_77, %dma_wait3A] : memref<24x128xi32, #tpu.memory_space<vmem>> -> memref<1x128xi32, #tpu.memory_space<vmem>>
        %dma_wait3A_87 = tpu.memref_squeeze %dma_wait3A_86 : memref<1x128xi32, #tpu.memory_space<vmem>> -> memref<128xi32, #tpu.memory_space<vmem>>
        %dma_wait3A_88 = arith.constant 0 : i32
        %dma_wait3A_89 = arith.constant 0 : i32
        %dma_wait3A_90 = tpu.memref_slice %arg4[%dma_wait3A_88, %dma_wait3A_89] : memref<10240x128xf32, #tpu.memory_space<hbm>> -> memref<10240x128xf32, #tpu.memory_space<hbm>>
        tpu.wait_indirect_dma semaphore(%arg14 : memref<!tpu.dma_semaphore, #tpu.memory_space<semaphore_mem>>) src(%dma_wait3A_90 : memref<10240x128xf32, #tpu.memory_space<hbm>>) dst(%arg11 : memref<128x128xf32, #tpu.memory_space<vmem>>)
        "tpu.region"() ({
          %run_scoped3A_108 = tpu.sem_alloc : memref<!tpu.dma_semaphore, #tpu.memory_space<semaphore_mem>>
          %dma_start3A_109 = arith.constant 0 : i32
          %dma_start3A_110 = tpu.memref_slice %arg8[%add3A_77, %dma_start3A_109] : memref<24x128xi32, #tpu.memory_space<vmem>> -> memref<1x128xi32, #tpu.memory_space<vmem>>
          %dma_start3A_111 = tpu.memref_squeeze %dma_start3A_110 : memref<1x128xi32, #tpu.memory_space<vmem>> -> memref<128xi32, #tpu.memory_space<vmem>>
          %dma_start3A_112 = arith.constant 0 : i32
          %dma_start3A_113 = arith.constant 0 : i32
          %dma_start3A_114 = tpu.memref_slice %arg13[%dma_start3A_112, %dma_start3A_113] : memref<10240x128xf32, #tpu.memory_space<vmem_shared>> -> memref<10240x128xf32, #tpu.memory_space<vmem_shared>>
          tpu.enqueue_indirect_dma source(%arg11 : memref<128x128xf32, #tpu.memory_space<vmem>>) target(%dma_start3A_114 : memref<10240x128xf32, #tpu.memory_space<vmem_shared>>) offsets(%dma_start3A_111 : memref<128xi32, #tpu.memory_space<vmem>>) semaphore(%run_scoped3A_108 : memref<!tpu.dma_semaphore, #tpu.memory_space<semaphore_mem>>) {add = true}
          %dma_wait3A_115 = arith.constant 0 : i32
          %dma_wait3A_116 = tpu.memref_slice %arg8[%add3A_77, %dma_wait3A_115] : memref<24x128xi32, #tpu.memory_space<vmem>> -> memref<1x128xi32, #tpu.memory_space<vmem>>
          %dma_wait3A_117 = tpu.memref_squeeze %dma_wait3A_116 : memref<1x128xi32, #tpu.memory_space<vmem>> -> memref<128xi32, #tpu.memory_space<vmem>>
          %dma_wait3A_118 = arith.constant 0 : i32
          %dma_wait3A_119 = arith.constant 0 : i32
          %dma_wait3A_120 = tpu.memref_slice %arg13[%dma_wait3A_118, %dma_wait3A_119] : memref<10240x128xf32, #tpu.memory_space<vmem_shared>> -> memref<10240x128xf32, #tpu.memory_space<vmem_shared>>
          tpu.wait_indirect_dma semaphore(%run_scoped3A_108 : memref<!tpu.dma_semaphore, #tpu.memory_space<semaphore_mem>>) src(%arg11 : memref<128x128xf32, #tpu.memory_space<vmem>>) dst(%dma_wait3A_120 : memref<10240x128xf32, #tpu.memory_space<vmem_shared>>)
          tpu.yield
        }) : () -> ()
        %add3A_91 = arith.constant 2 : i32
        %add3A_92 = arith.addi %add3A_77, %add3A_91 : i32
        %lt3A_93 = arith.constant 24 : i32
        %lt3A_94 = arith.cmpi slt, %add3A_92, %lt3A_93 : i32
        %convert_element_type3A_95 = arith.extui %lt3A_94 : i1 to i32
        %cond3A_96 = arith.constant 0 : i32
        %cond3A_97 = arith.cmpi ne, %convert_element_type3A_95, %cond3A_96 : i32
        scf.if %cond3A_97 {
          %add3A_108 = arith.constant 2 : i32
          %add3A_109 = arith.addi %add3A_77, %add3A_108 : i32
          %dma_start3A_110 = arith.constant 0 : i32
          %dma_start3A_111 = tpu.memref_slice %arg7[%add3A_109, %dma_start3A_110] : memref<24x128xi32, #tpu.memory_space<vmem>> -> memref<1x128xi32, #tpu.memory_space<vmem>>
          %dma_start3A_112 = tpu.memref_squeeze %dma_start3A_111 : memref<1x128xi32, #tpu.memory_space<vmem>> -> memref<128xi32, #tpu.memory_space<vmem>>
          %dma_start3A_113 = arith.constant 0 : i32
          %dma_start3A_114 = arith.constant 0 : i32
          %dma_start3A_115 = tpu.memref_slice %arg4[%dma_start3A_113, %dma_start3A_114] : memref<10240x128xf32, #tpu.memory_space<hbm>> -> memref<10240x128xf32, #tpu.memory_space<hbm>>
          tpu.enqueue_indirect_dma source(%dma_start3A_115 : memref<10240x128xf32, #tpu.memory_space<hbm>>) target(%arg11 : memref<128x128xf32, #tpu.memory_space<vmem>>) offsets(%dma_start3A_112 : memref<128xi32, #tpu.memory_space<vmem>>) semaphore(%arg14 : memref<!tpu.dma_semaphore, #tpu.memory_space<semaphore_mem>>)
        } else {
        }
        %add3A_98 = arith.constant 1 : i32
        %add3A_99 = arith.addi %add3A_77, %add3A_98 : i32
        %dma_wait3A_100 = arith.constant 0 : i32
        %dma_wait3A_101 = tpu.memref_slice %arg7[%add3A_99, %dma_wait3A_100] : memref<24x128xi32, #tpu.memory_space<vmem>> -> memref<1x128xi32, #tpu.memory_space<vmem>>
        %dma_wait3A_102 = tpu.memref_squeeze %dma_wait3A_101 : memref<1x128xi32, #tpu.memory_space<vmem>> -> memref<128xi32, #tpu.memory_space<vmem>>
        %dma_wait3A_103 = arith.constant 0 : i32
        %dma_wait3A_104 = arith.constant 0 : i32
        %dma_wait3A_105 = tpu.memref_slice %arg4[%dma_wait3A_103, %dma_wait3A_104] : memref<10240x128xf32, #tpu.memory_space<hbm>> -> memref<10240x128xf32, #tpu.memory_space<hbm>>
        tpu.wait_indirect_dma semaphore(%arg15 : memref<!tpu.dma_semaphore, #tpu.memory_space<semaphore_mem>>) src(%dma_wait3A_105 : memref<10240x128xf32, #tpu.memory_space<hbm>>) dst(%arg12 : memref<128x128xf32, #tpu.memory_space<vmem>>)
        %add3A_106 = arith.constant 1 : i32
        %add3A_107 = arith.addi %add3A_77, %add3A_106 : i32
        "tpu.region"() ({
          %run_scoped3A_108 = tpu.sem_alloc : memref<!tpu.dma_semaphore, #tpu.memory_space<semaphore_mem>>
          %dma_start3A_109 = arith.constant 0 : i32
          %dma_start3A_110 = tpu.memref_slice %arg8[%add3A_107, %dma_start3A_109] : memref<24x128xi32, #tpu.memory_space<vmem>> -> memref<1x128xi32, #tpu.memory_space<vmem>>
          %dma_start3A_111 = tpu.memref_squeeze %dma_start3A_110 : memref<1x128xi32, #tpu.memory_space<vmem>> -> memref<128xi32, #tpu.memory_space<vmem>>
          %dma_start3A_112 = arith.constant 0 : i32
          %dma_start3A_113 = arith.constant 0 : i32
          %dma_start3A_114 = tpu.memref_slice %arg13[%dma_start3A_112, %dma_start3A_113] : memref<10240x128xf32, #tpu.memory_space<vmem_shared>> -> memref<10240x128xf32, #tpu.memory_space<vmem_shared>>
          tpu.enqueue_indirect_dma source(%arg12 : memref<128x128xf32, #tpu.memory_space<vmem>>) target(%dma_start3A_114 : memref<10240x128xf32, #tpu.memory_space<vmem_shared>>) offsets(%dma_start3A_111 : memref<128xi32, #tpu.memory_space<vmem>>) semaphore(%run_scoped3A_108 : memref<!tpu.dma_semaphore, #tpu.memory_space<semaphore_mem>>) {add = true}
          %dma_wait3A_115 = arith.constant 0 : i32
          %dma_wait3A_116 = tpu.memref_slice %arg8[%add3A_107, %dma_wait3A_115] : memref<24x128xi32, #tpu.memory_space<vmem>> -> memref<1x128xi32, #tpu.memory_space<vmem>>
          %dma_wait3A_117 = tpu.memref_squeeze %dma_wait3A_116 : memref<1x128xi32, #tpu.memory_space<vmem>> -> memref<128xi32, #tpu.memory_space<vmem>>
          %dma_wait3A_118 = arith.constant 0 : i32
          %dma_wait3A_119 = arith.constant 0 : i32
          %dma_wait3A_120 = tpu.memref_slice %arg13[%dma_wait3A_118, %dma_wait3A_119] : memref<10240x128xf32, #tpu.memory_space<vmem_shared>> -> memref<10240x128xf32, #tpu.memory_space<vmem_shared>>
          tpu.wait_indirect_dma semaphore(%run_scoped3A_108 : memref<!tpu.dma_semaphore, #tpu.memory_space<semaphore_mem>>) src(%arg12 : memref<128x128xf32, #tpu.memory_space<vmem>>) dst(%dma_wait3A_120 : memref<10240x128xf32, #tpu.memory_space<vmem_shared>>)
          tpu.yield
        }) : () -> ()
      }
      %scan3A_54 = arith.constant 12 : i32
      %add3A_55 = arith.constant 24 : i32
      %add3A_56 = arith.addi %add3A_40, %add3A_55 : i32
      %run_scoped3A_57 = arith.constant 0 : i32
      "tpu.region"() ({
        %run_scoped3A_73 = tpu.sem_alloc : memref<!tpu.dma_semaphore, #tpu.memory_space<semaphore_mem>>
        %dma_start3A_74 = arith.constant 0 : i32
        %dma_start3A_75 = arith.constant 0 : i32
        %dma_start3A_76 = tpu.memref_slice %arg7[%dma_start3A_74, %dma_start3A_75] : memref<24x128xi32, #tpu.memory_space<vmem>> -> memref<8x128xi32, #tpu.memory_space<vmem>>
        %dma_start3A_77 = arith.constant 0 : i32
        %dma_start3A_78 = arith.constant 0 : i32
        %dma_start3A_79 = tpu.memref_slice %arg2[%run_scoped3A_57, %dma_start3A_77, %dma_start3A_78] : memref<2x2500x128xi32, #tpu.memory_space<hbm>> -> memref<1x2500x128xi32, #tpu.memory_space<hbm>>
        %dma_start3A_80 = tpu.memref_squeeze %dma_start3A_79 : memref<1x2500x128xi32, #tpu.memory_space<hbm>> -> memref<2500x128xi32, #tpu.memory_space<hbm>>
        %dma_start3A_81 = arith.constant 0 : i32
        %dma_start3A_82 = tpu.memref_slice %dma_start3A_80[%add3A_56, %dma_start3A_81] : memref<2500x128xi32, #tpu.memory_space<hbm>> -> memref<8x128xi32, #tpu.memory_space<hbm>>
        %dma_start3A_83 = arith.constant 0 : i32
        %dma_start3A_84 = arith.constant 0 : i32
        %dma_start3A_85 = tpu.memref_slice %arg7[%dma_start3A_83, %dma_start3A_84] : memref<24x128xi32, #tpu.memory_space<vmem>> -> memref<8x128xi32, #tpu.memory_space<vmem>>
        %dma_start3A_86 = arith.constant 0 : i32
        %dma_start3A_87 = arith.constant 0 : i32
        %dma_start3A_88 = tpu.memref_slice %arg2[%run_scoped3A_57, %dma_start3A_86, %dma_start3A_87] : memref<2x2500x128xi32, #tpu.memory_space<hbm>> -> memref<1x2500x128xi32, #tpu.memory_space<hbm>>
        %dma_start3A_89 = tpu.memref_squeeze %dma_start3A_88 : memref<1x2500x128xi32, #tpu.memory_space<hbm>> -> memref<2500x128xi32, #tpu.memory_space<hbm>>
        %dma_start3A_90 = arith.constant 0 : i32
        %dma_start3A_91 = tpu.memref_slice %dma_start3A_89[%add3A_56, %dma_start3A_90] : memref<2500x128xi32, #tpu.memory_space<hbm>> -> memref<8x128xi32, #tpu.memory_space<hbm>>
        tpu.enqueue_dma source(%dma_start3A_91 : memref<8x128xi32, #tpu.memory_space<hbm>>) target(%dma_start3A_85 : memref<8x128xi32, #tpu.memory_space<vmem>>) target_semaphore(%run_scoped3A_73 : memref<!tpu.dma_semaphore, #tpu.memory_space<semaphore_mem>>)
        %dma_wait3A = arith.constant 0 : i32
        %dma_wait3A_92 = arith.constant 0 : i32
        %dma_wait3A_93 = tpu.memref_slice %arg7[%dma_wait3A, %dma_wait3A_92] : memref<24x128xi32, #tpu.memory_space<vmem>> -> memref<8x128xi32, #tpu.memory_space<vmem>>
        %dma_wait3A_94 = arith.constant 0 : i32
        %dma_wait3A_95 = arith.constant 0 : i32
        %dma_wait3A_96 = tpu.memref_slice %arg2[%run_scoped3A_57, %dma_wait3A_94, %dma_wait3A_95] : memref<2x2500x128xi32, #tpu.memory_space<hbm>> -> memref<1x2500x128xi32, #tpu.memory_space<hbm>>
        %dma_wait3A_97 = tpu.memref_squeeze %dma_wait3A_96 : memref<1x2500x128xi32, #tpu.memory_space<hbm>> -> memref<2500x128xi32, #tpu.memory_space<hbm>>
        %dma_wait3A_98 = arith.constant 0 : i32
        %dma_wait3A_99 = tpu.memref_slice %dma_wait3A_97[%add3A_56, %dma_wait3A_98] : memref<2500x128xi32, #tpu.memory_space<hbm>> -> memref<8x128xi32, #tpu.memory_space<hbm>>
        %dma_wait3A_100 = arith.constant 0 : i32
        %dma_wait3A_101 = arith.constant 0 : i32
        %dma_wait3A_102 = tpu.memref_slice %arg7[%dma_wait3A_100, %dma_wait3A_101] : memref<24x128xi32, #tpu.memory_space<vmem>> -> memref<8x128xi32, #tpu.memory_space<vmem>>
        %dma_wait3A_103 = arith.constant 0 : i32
        %dma_wait3A_104 = arith.constant 0 : i32
        %dma_wait3A_105 = tpu.memref_slice %arg2[%run_scoped3A_57, %dma_wait3A_103, %dma_wait3A_104] : memref<2x2500x128xi32, #tpu.memory_space<hbm>> -> memref<1x2500x128xi32, #tpu.memory_space<hbm>>
        %dma_wait3A_106 = tpu.memref_squeeze %dma_wait3A_105 : memref<1x2500x128xi32, #tpu.memory_space<hbm>> -> memref<2500x128xi32, #tpu.memory_space<hbm>>
        %dma_wait3A_107 = arith.constant 0 : i32
        %dma_wait3A_108 = tpu.memref_slice %dma_wait3A_106[%add3A_56, %dma_wait3A_107] : memref<2500x128xi32, #tpu.memory_space<hbm>> -> memref<8x128xi32, #tpu.memory_space<hbm>>
        tpu.wait_dma2 semaphore(%run_scoped3A_73 : memref<!tpu.dma_semaphore, #tpu.memory_space<semaphore_mem>>) src(%dma_wait3A_108 : memref<8x128xi32, #tpu.memory_space<hbm>>) dst(%dma_wait3A_102 : memref<8x128xi32, #tpu.memory_space<vmem>>)
        tpu.yield
      }) : () -> ()
      %run_scoped3A_58 = arith.constant 1 : i32
      "tpu.region"() ({
        %run_scoped3A_73 = tpu.sem_alloc : memref<!tpu.dma_semaphore, #tpu.memory_space<semaphore_mem>>
        %dma_start3A_74 = arith.constant 0 : i32
        %dma_start3A_75 = arith.constant 0 : i32
        %dma_start3A_76 = tpu.memref_slice %arg8[%dma_start3A_74, %dma_start3A_75] : memref<24x128xi32, #tpu.memory_space<vmem>> -> memref<8x128xi32, #tpu.memory_space<vmem>>
        %dma_start3A_77 = arith.constant 0 : i32
        %dma_start3A_78 = arith.constant 0 : i32
        %dma_start3A_79 = tpu.memref_slice %arg2[%run_scoped3A_58, %dma_start3A_77, %dma_start3A_78] : memref<2x2500x128xi32, #tpu.memory_space<hbm>> -> memref<1x2500x128xi32, #tpu.memory_space<hbm>>
        %dma_start3A_80 = tpu.memref_squeeze %dma_start3A_79 : memref<1x2500x128xi32, #tpu.memory_space<hbm>> -> memref<2500x128xi32, #tpu.memory_space<hbm>>
        %dma_start3A_81 = arith.constant 0 : i32
        %dma_start3A_82 = tpu.memref_slice %dma_start3A_80[%add3A_56, %dma_start3A_81] : memref<2500x128xi32, #tpu.memory_space<hbm>> -> memref<8x128xi32, #tpu.memory_space<hbm>>
        %dma_start3A_83 = arith.constant 0 : i32
        %dma_start3A_84 = arith.constant 0 : i32
        %dma_start3A_85 = tpu.memref_slice %arg8[%dma_start3A_83, %dma_start3A_84] : memref<24x128xi32, #tpu.memory_space<vmem>> -> memref<8x128xi32, #tpu.memory_space<vmem>>
        %dma_start3A_86 = arith.constant 0 : i32
        %dma_start3A_87 = arith.constant 0 : i32
        %dma_start3A_88 = tpu.memref_slice %arg2[%run_scoped3A_58, %dma_start3A_86, %dma_start3A_87] : memref<2x2500x128xi32, #tpu.memory_space<hbm>> -> memref<1x2500x128xi32, #tpu.memory_space<hbm>>
        %dma_start3A_89 = tpu.memref_squeeze %dma_start3A_88 : memref<1x2500x128xi32, #tpu.memory_space<hbm>> -> memref<2500x128xi32, #tpu.memory_space<hbm>>
        %dma_start3A_90 = arith.constant 0 : i32
        %dma_start3A_91 = tpu.memref_slice %dma_start3A_89[%add3A_56, %dma_start3A_90] : memref<2500x128xi32, #tpu.memory_space<hbm>> -> memref<8x128xi32, #tpu.memory_space<hbm>>
        tpu.enqueue_dma source(%dma_start3A_91 : memref<8x128xi32, #tpu.memory_space<hbm>>) target(%dma_start3A_85 : memref<8x128xi32, #tpu.memory_space<vmem>>) target_semaphore(%run_scoped3A_73 : memref<!tpu.dma_semaphore, #tpu.memory_space<semaphore_mem>>)
        %dma_wait3A = arith.constant 0 : i32
        %dma_wait3A_92 = arith.constant 0 : i32
        %dma_wait3A_93 = tpu.memref_slice %arg8[%dma_wait3A, %dma_wait3A_92] : memref<24x128xi32, #tpu.memory_space<vmem>> -> memref<8x128xi32, #tpu.memory_space<vmem>>
        %dma_wait3A_94 = arith.constant 0 : i32
        %dma_wait3A_95 = arith.constant 0 : i32
        %dma_wait3A_96 = tpu.memref_slice %arg2[%run_scoped3A_58, %dma_wait3A_94, %dma_wait3A_95] : memref<2x2500x128xi32, #tpu.memory_space<hbm>> -> memref<1x2500x128xi32, #tpu.memory_space<hbm>>
        %dma_wait3A_97 = tpu.memref_squeeze %dma_wait3A_96 : memref<1x2500x128xi32, #tpu.memory_space<hbm>> -> memref<2500x128xi32, #tpu.memory_space<hbm>>
        %dma_wait3A_98 = arith.constant 0 : i32
        %dma_wait3A_99 = tpu.memref_slice %dma_wait3A_97[%add3A_56, %dma_wait3A_98] : memref<2500x128xi32, #tpu.memory_space<hbm>> -> memref<8x128xi32, #tpu.memory_space<hbm>>
        %dma_wait3A_100 = arith.constant 0 : i32
        %dma_wait3A_101 = arith.constant 0 : i32
        %dma_wait3A_102 = tpu.memref_slice %arg8[%dma_wait3A_100, %dma_wait3A_101] : memref<24x128xi32, #tpu.memory_space<vmem>> -> memref<8x128xi32, #tpu.memory_space<vmem>>
        %dma_wait3A_103 = arith.constant 0 : i32
        %dma_wait3A_104 = arith.constant 0 : i32
        %dma_wait3A_105 = tpu.memref_slice %arg2[%run_scoped3A_58, %dma_wait3A_103, %dma_wait3A_104] : memref<2x2500x128xi32, #tpu.memory_space<hbm>> -> memref<1x2500x128xi32, #tpu.memory_space<hbm>>
        %dma_wait3A_106 = tpu.memref_squeeze %dma_wait3A_105 : memref<1x2500x128xi32, #tpu.memory_space<hbm>> -> memref<2500x128xi32, #tpu.memory_space<hbm>>
        %dma_wait3A_107 = arith.constant 0 : i32
        %dma_wait3A_108 = tpu.memref_slice %dma_wait3A_106[%add3A_56, %dma_wait3A_107] : memref<2500x128xi32, #tpu.memory_space<hbm>> -> memref<8x128xi32, #tpu.memory_space<hbm>>
        tpu.wait_dma2 semaphore(%run_scoped3A_73 : memref<!tpu.dma_semaphore, #tpu.memory_space<semaphore_mem>>) src(%dma_wait3A_108 : memref<8x128xi32, #tpu.memory_space<hbm>>) dst(%dma_wait3A_102 : memref<8x128xi32, #tpu.memory_space<vmem>>)
        tpu.yield
      }) : () -> ()
      %dma_start3A_59 = arith.constant 0 : i32
      %dma_start3A_60 = arith.constant 0 : i32
      %dma_start3A_61 = tpu.memref_slice %arg7[%dma_start3A_59, %dma_start3A_60] : memref<24x128xi32, #tpu.memory_space<vmem>> -> memref<1x128xi32, #tpu.memory_space<vmem>>
      %dma_start3A_62 = tpu.memref_squeeze %dma_start3A_61 : memref<1x128xi32, #tpu.memory_space<vmem>> -> memref<128xi32, #tpu.memory_space<vmem>>
      %dma_start3A_63 = arith.constant 0 : i32
      %dma_start3A_64 = arith.constant 0 : i32
      %dma_start3A_65 = tpu.memref_slice %arg4[%dma_start3A_63, %dma_start3A_64] : memref<10240x128xf32, #tpu.memory_space<hbm>> -> memref<10240x128xf32, #tpu.memory_space<hbm>>
      tpu.enqueue_indirect_dma source(%dma_start3A_65 : memref<10240x128xf32, #tpu.memory_space<hbm>>) target(%arg11 : memref<128x128xf32, #tpu.memory_space<vmem>>) offsets(%dma_start3A_62 : memref<128xi32, #tpu.memory_space<vmem>>) semaphore(%arg14 : memref<!tpu.dma_semaphore, #tpu.memory_space<semaphore_mem>>)
      %scan3A_66 = arith.constant 0 : i32
      %scan3A_67 = arith.constant 4 : i32
      %scan3A_68 = arith.addi %scan3A_66, %scan3A_67 : i32
      %scan3A_69 = arith.constant 1 : i32
      scf.for %scan3A_73 = %scan3A_66 to %scan3A_68 step %scan3A_69  : i32 {
        %mul3A_74 = arith.constant 2 : i32
        %mul3A_75 = arith.muli %scan3A_73, %mul3A_74 : i32
        %add3A_76 = arith.constant 0 : i32
        %add3A_77 = arith.addi %add3A_76, %mul3A_75 : i32
        %add3A_78 = arith.constant 1 : i32
        %add3A_79 = arith.addi %add3A_77, %add3A_78 : i32
        %dma_start3A_80 = arith.constant 0 : i32
        %dma_start3A_81 = tpu.memref_slice %arg7[%add3A_79, %dma_start3A_80] : memref<24x128xi32, #tpu.memory_space<vmem>> -> memref<1x128xi32, #tpu.memory_space<vmem>>
        %dma_start3A_82 = tpu.memref_squeeze %dma_start3A_81 : memref<1x128xi32, #tpu.memory_space<vmem>> -> memref<128xi32, #tpu.memory_space<vmem>>
        %dma_start3A_83 = arith.constant 0 : i32
        %dma_start3A_84 = arith.constant 0 : i32
        %dma_start3A_85 = tpu.memref_slice %arg4[%dma_start3A_83, %dma_start3A_84] : memref<10240x128xf32, #tpu.memory_space<hbm>> -> memref<10240x128xf32, #tpu.memory_space<hbm>>
        tpu.enqueue_indirect_dma source(%dma_start3A_85 : memref<10240x128xf32, #tpu.memory_space<hbm>>) target(%arg12 : memref<128x128xf32, #tpu.memory_space<vmem>>) offsets(%dma_start3A_82 : memref<128xi32, #tpu.memory_space<vmem>>) semaphore(%arg15 : memref<!tpu.dma_semaphore, #tpu.memory_space<semaphore_mem>>)
        %dma_wait3A = arith.constant 0 : i32
        %dma_wait3A_86 = tpu.memref_slice %arg7[%add3A_77, %dma_wait3A] : memref<24x128xi32, #tpu.memory_space<vmem>> -> memref<1x128xi32, #tpu.memory_space<vmem>>
        %dma_wait3A_87 = tpu.memref_squeeze %dma_wait3A_86 : memref<1x128xi32, #tpu.memory_space<vmem>> -> memref<128xi32, #tpu.memory_space<vmem>>
        %dma_wait3A_88 = arith.constant 0 : i32
        %dma_wait3A_89 = arith.constant 0 : i32
        %dma_wait3A_90 = tpu.memref_slice %arg4[%dma_wait3A_88, %dma_wait3A_89] : memref<10240x128xf32, #tpu.memory_space<hbm>> -> memref<10240x128xf32, #tpu.memory_space<hbm>>
        tpu.wait_indirect_dma semaphore(%arg14 : memref<!tpu.dma_semaphore, #tpu.memory_space<semaphore_mem>>) src(%dma_wait3A_90 : memref<10240x128xf32, #tpu.memory_space<hbm>>) dst(%arg11 : memref<128x128xf32, #tpu.memory_space<vmem>>)
        "tpu.region"() ({
          %run_scoped3A_108 = tpu.sem_alloc : memref<!tpu.dma_semaphore, #tpu.memory_space<semaphore_mem>>
          %dma_start3A_109 = arith.constant 0 : i32
          %dma_start3A_110 = tpu.memref_slice %arg8[%add3A_77, %dma_start3A_109] : memref<24x128xi32, #tpu.memory_space<vmem>> -> memref<1x128xi32, #tpu.memory_space<vmem>>
          %dma_start3A_111 = tpu.memref_squeeze %dma_start3A_110 : memref<1x128xi32, #tpu.memory_space<vmem>> -> memref<128xi32, #tpu.memory_space<vmem>>
          %dma_start3A_112 = arith.constant 0 : i32
          %dma_start3A_113 = arith.constant 0 : i32
          %dma_start3A_114 = tpu.memref_slice %arg13[%dma_start3A_112, %dma_start3A_113] : memref<10240x128xf32, #tpu.memory_space<vmem_shared>> -> memref<10240x128xf32, #tpu.memory_space<vmem_shared>>
          tpu.enqueue_indirect_dma source(%arg11 : memref<128x128xf32, #tpu.memory_space<vmem>>) target(%dma_start3A_114 : memref<10240x128xf32, #tpu.memory_space<vmem_shared>>) offsets(%dma_start3A_111 : memref<128xi32, #tpu.memory_space<vmem>>) semaphore(%run_scoped3A_108 : memref<!tpu.dma_semaphore, #tpu.memory_space<semaphore_mem>>) {add = true}
          %dma_wait3A_115 = arith.constant 0 : i32
          %dma_wait3A_116 = tpu.memref_slice %arg8[%add3A_77, %dma_wait3A_115] : memref<24x128xi32, #tpu.memory_space<vmem>> -> memref<1x128xi32, #tpu.memory_space<vmem>>
          %dma_wait3A_117 = tpu.memref_squeeze %dma_wait3A_116 : memref<1x128xi32, #tpu.memory_space<vmem>> -> memref<128xi32, #tpu.memory_space<vmem>>
          %dma_wait3A_118 = arith.constant 0 : i32
          %dma_wait3A_119 = arith.constant 0 : i32
          %dma_wait3A_120 = tpu.memref_slice %arg13[%dma_wait3A_118, %dma_wait3A_119] : memref<10240x128xf32, #tpu.memory_space<vmem_shared>> -> memref<10240x128xf32, #tpu.memory_space<vmem_shared>>
          tpu.wait_indirect_dma semaphore(%run_scoped3A_108 : memref<!tpu.dma_semaphore, #tpu.memory_space<semaphore_mem>>) src(%arg11 : memref<128x128xf32, #tpu.memory_space<vmem>>) dst(%dma_wait3A_120 : memref<10240x128xf32, #tpu.memory_space<vmem_shared>>)
          tpu.yield
        }) : () -> ()
        %add3A_91 = arith.constant 2 : i32
        %add3A_92 = arith.addi %add3A_77, %add3A_91 : i32
        %lt3A_93 = arith.constant 8 : i32
        %lt3A_94 = arith.cmpi slt, %add3A_92, %lt3A_93 : i32
        %convert_element_type3A_95 = arith.extui %lt3A_94 : i1 to i32
        %cond3A_96 = arith.constant 0 : i32
        %cond3A_97 = arith.cmpi ne, %convert_element_type3A_95, %cond3A_96 : i32
        scf.if %cond3A_97 {
          %add3A_108 = arith.constant 2 : i32
          %add3A_109 = arith.addi %add3A_77, %add3A_108 : i32
          %dma_start3A_110 = arith.constant 0 : i32
          %dma_start3A_111 = tpu.memref_slice %arg7[%add3A_109, %dma_start3A_110] : memref<24x128xi32, #tpu.memory_space<vmem>> -> memref<1x128xi32, #tpu.memory_space<vmem>>
          %dma_start3A_112 = tpu.memref_squeeze %dma_start3A_111 : memref<1x128xi32, #tpu.memory_space<vmem>> -> memref<128xi32, #tpu.memory_space<vmem>>
          %dma_start3A_113 = arith.constant 0 : i32
          %dma_start3A_114 = arith.constant 0 : i32
          %dma_start3A_115 = tpu.memref_slice %arg4[%dma_start3A_113, %dma_start3A_114] : memref<10240x128xf32, #tpu.memory_space<hbm>> -> memref<10240x128xf32, #tpu.memory_space<hbm>>
          tpu.enqueue_indirect_dma source(%dma_start3A_115 : memref<10240x128xf32, #tpu.memory_space<hbm>>) target(%arg11 : memref<128x128xf32, #tpu.memory_space<vmem>>) offsets(%dma_start3A_112 : memref<128xi32, #tpu.memory_space<vmem>>) semaphore(%arg14 : memref<!tpu.dma_semaphore, #tpu.memory_space<semaphore_mem>>)
        } else {
        }
        %add3A_98 = arith.constant 1 : i32
        %add3A_99 = arith.addi %add3A_77, %add3A_98 : i32
        %dma_wait3A_100 = arith.constant 0 : i32
        %dma_wait3A_101 = tpu.memref_slice %arg7[%add3A_99, %dma_wait3A_100] : memref<24x128xi32, #tpu.memory_space<vmem>> -> memref<1x128xi32, #tpu.memory_space<vmem>>
        %dma_wait3A_102 = tpu.memref_squeeze %dma_wait3A_101 : memref<1x128xi32, #tpu.memory_space<vmem>> -> memref<128xi32, #tpu.memory_space<vmem>>
        %dma_wait3A_103 = arith.constant 0 : i32
        %dma_wait3A_104 = arith.constant 0 : i32
        %dma_wait3A_105 = tpu.memref_slice %arg4[%dma_wait3A_103, %dma_wait3A_104] : memref<10240x128xf32, #tpu.memory_space<hbm>> -> memref<10240x128xf32, #tpu.memory_space<hbm>>
        tpu.wait_indirect_dma semaphore(%arg15 : memref<!tpu.dma_semaphore, #tpu.memory_space<semaphore_mem>>) src(%dma_wait3A_105 : memref<10240x128xf32, #tpu.memory_space<hbm>>) dst(%arg12 : memref<128x128xf32, #tpu.memory_space<vmem>>)
        %add3A_106 = arith.constant 1 : i32
        %add3A_107 = arith.addi %add3A_77, %add3A_106 : i32
        "tpu.region"() ({
          %run_scoped3A_108 = tpu.sem_alloc : memref<!tpu.dma_semaphore, #tpu.memory_space<semaphore_mem>>
          %dma_start3A_109 = arith.constant 0 : i32
          %dma_start3A_110 = tpu.memref_slice %arg8[%add3A_107, %dma_start3A_109] : memref<24x128xi32, #tpu.memory_space<vmem>> -> memref<1x128xi32, #tpu.memory_space<vmem>>
          %dma_start3A_111 = tpu.memref_squeeze %dma_start3A_110 : memref<1x128xi32, #tpu.memory_space<vmem>> -> memref<128xi32, #tpu.memory_space<vmem>>
          %dma_start3A_112 = arith.constant 0 : i32
          %dma_start3A_113 = arith.constant 0 : i32
          %dma_start3A_114 = tpu.memref_slice %arg13[%dma_start3A_112, %dma_start3A_113] : memref<10240x128xf32, #tpu.memory_space<vmem_shared>> -> memref<10240x128xf32, #tpu.memory_space<vmem_shared>>
          tpu.enqueue_indirect_dma source(%arg12 : memref<128x128xf32, #tpu.memory_space<vmem>>) target(%dma_start3A_114 : memref<10240x128xf32, #tpu.memory_space<vmem_shared>>) offsets(%dma_start3A_111 : memref<128xi32, #tpu.memory_space<vmem>>) semaphore(%run_scoped3A_108 : memref<!tpu.dma_semaphore, #tpu.memory_space<semaphore_mem>>) {add = true}
          %dma_wait3A_115 = arith.constant 0 : i32
          %dma_wait3A_116 = tpu.memref_slice %arg8[%add3A_107, %dma_wait3A_115] : memref<24x128xi32, #tpu.memory_space<vmem>> -> memref<1x128xi32, #tpu.memory_space<vmem>>
          %dma_wait3A_117 = tpu.memref_squeeze %dma_wait3A_116 : memref<1x128xi32, #tpu.memory_space<vmem>> -> memref<128xi32, #tpu.memory_space<vmem>>
          %dma_wait3A_118 = arith.constant 0 : i32
          %dma_wait3A_119 = arith.constant 0 : i32
          %dma_wait3A_120 = tpu.memref_slice %arg13[%dma_wait3A_118, %dma_wait3A_119] : memref<10240x128xf32, #tpu.memory_space<vmem_shared>> -> memref<10240x128xf32, #tpu.memory_space<vmem_shared>>
          tpu.wait_indirect_dma semaphore(%run_scoped3A_108 : memref<!tpu.dma_semaphore, #tpu.memory_space<semaphore_mem>>) src(%arg12 : memref<128x128xf32, #tpu.memory_space<vmem>>) dst(%dma_wait3A_120 : memref<10240x128xf32, #tpu.memory_space<vmem_shared>>)
          tpu.yield
        }) : () -> ()
      }
      %scan3A_70 = arith.constant 4 : i32
      %add3A_71 = arith.constant 8 : i32
      %add3A_72 = arith.addi %add3A_56, %add3A_71 : i32
    } else {
    }
    %eq3A = arith.constant 31 : i32
    %eq3A_5 = arith.cmpi eq, %add3A, %eq3A : i32
    %convert_element_type3A_6 = arith.extui %eq3A_5 : i1 to i32
    %cond3A_7 = arith.constant 0 : i32
    %cond3A_8 = arith.cmpi ne, %convert_element_type3A_6, %cond3A_7 : i32
    scf.if %cond3A_8 {
      %run_scoped3A = arith.constant 0 : i32
      "tpu.region"() ({
        %run_scoped3A_15 = tpu.sem_alloc : memref<!tpu.dma_semaphore, #tpu.memory_space<semaphore_mem>>
        %dma_start3A = arith.constant 0 : i32
        %dma_start3A_16 = arith.constant 0 : i32
        %dma_start3A_17 = tpu.memref_slice %arg3[%run_scoped3A, %dma_start3A, %dma_start3A_16] : memref<2x5000x64xi32, #tpu.memory_space<hbm>> -> memref<1x5000x64xi32, #tpu.memory_space<hbm>>
        %dma_start3A_18 = tpu.memref_squeeze %dma_start3A_17 : memref<1x5000x64xi32, #tpu.memory_space<hbm>> -> memref<5000x64xi32, #tpu.memory_space<hbm>>
        %dma_start3A_19 = arith.constant 4960 : i32
        %dma_start3A_20 = arith.constant 0 : i32
        %dma_start3A_21 = tpu.memref_slice %dma_start3A_18[%dma_start3A_19, %dma_start3A_20] : memref<5000x64xi32, #tpu.memory_space<hbm>> -> memref<40x64xi32, #tpu.memory_space<hbm>>
        %dma_start3A_22 = arith.constant 0 : i32
        %dma_start3A_23 = arith.constant 0 : i32
        %dma_start3A_24 = tpu.memref_slice %arg3[%run_scoped3A, %dma_start3A_22, %dma_start3A_23] : memref<2x5000x64xi32, #tpu.memory_space<hbm>> -> memref<1x5000x64xi32, #tpu.memory_space<hbm>>
        %dma_start3A_25 = tpu.memref_squeeze %dma_start3A_24 : memref<1x5000x64xi32, #tpu.memory_space<hbm>> -> memref<5000x64xi32, #tpu.memory_space<hbm>>
        %dma_start3A_26 = arith.constant 4960 : i32
        %dma_start3A_27 = arith.constant 0 : i32
        %dma_start3A_28 = tpu.memref_slice %dma_start3A_25[%dma_start3A_26, %dma_start3A_27] : memref<5000x64xi32, #tpu.memory_space<hbm>> -> memref<40x64xi32, #tpu.memory_space<hbm>>
        tpu.enqueue_dma source(%dma_start3A_28 : memref<40x64xi32, #tpu.memory_space<hbm>>) target(%arg9 : memref<40x64xi32, #tpu.memory_space<vmem>>) target_semaphore(%run_scoped3A_15 : memref<!tpu.dma_semaphore, #tpu.memory_space<semaphore_mem>>)
        %dma_wait3A = arith.constant 0 : i32
        %dma_wait3A_29 = arith.constant 0 : i32
        %dma_wait3A_30 = tpu.memref_slice %arg3[%run_scoped3A, %dma_wait3A, %dma_wait3A_29] : memref<2x5000x64xi32, #tpu.memory_space<hbm>> -> memref<1x5000x64xi32, #tpu.memory_space<hbm>>
        %dma_wait3A_31 = tpu.memref_squeeze %dma_wait3A_30 : memref<1x5000x64xi32, #tpu.memory_space<hbm>> -> memref<5000x64xi32, #tpu.memory_space<hbm>>
        %dma_wait3A_32 = arith.constant 4960 : i32
        %dma_wait3A_33 = arith.constant 0 : i32
        %dma_wait3A_34 = tpu.memref_slice %dma_wait3A_31[%dma_wait3A_32, %dma_wait3A_33] : memref<5000x64xi32, #tpu.memory_space<hbm>> -> memref<40x64xi32, #tpu.memory_space<hbm>>
        %dma_wait3A_35 = arith.constant 0 : i32
        %dma_wait3A_36 = arith.constant 0 : i32
        %dma_wait3A_37 = tpu.memref_slice %arg3[%run_scoped3A, %dma_wait3A_35, %dma_wait3A_36] : memref<2x5000x64xi32, #tpu.memory_space<hbm>> -> memref<1x5000x64xi32, #tpu.memory_space<hbm>>
        %dma_wait3A_38 = tpu.memref_squeeze %dma_wait3A_37 : memref<1x5000x64xi32, #tpu.memory_space<hbm>> -> memref<5000x64xi32, #tpu.memory_space<hbm>>
        %dma_wait3A_39 = arith.constant 4960 : i32
        %dma_wait3A_40 = arith.constant 0 : i32
        %dma_wait3A_41 = tpu.memref_slice %dma_wait3A_38[%dma_wait3A_39, %dma_wait3A_40] : memref<5000x64xi32, #tpu.memory_space<hbm>> -> memref<40x64xi32, #tpu.memory_space<hbm>>
        tpu.wait_dma2 semaphore(%run_scoped3A_15 : memref<!tpu.dma_semaphore, #tpu.memory_space<semaphore_mem>>) src(%dma_wait3A_41 : memref<40x64xi32, #tpu.memory_space<hbm>>) dst(%arg9 : memref<40x64xi32, #tpu.memory_space<vmem>>)
        tpu.yield
      }) : () -> ()
      %run_scoped3A_10 = arith.constant 1 : i32
      "tpu.region"() ({
        %run_scoped3A_15 = tpu.sem_alloc : memref<!tpu.dma_semaphore, #tpu.memory_space<semaphore_mem>>
        %dma_start3A = arith.constant 0 : i32
        %dma_start3A_16 = arith.constant 0 : i32
        %dma_start3A_17 = tpu.memref_slice %arg3[%run_scoped3A_10, %dma_start3A, %dma_start3A_16] : memref<2x5000x64xi32, #tpu.memory_space<hbm>> -> memref<1x5000x64xi32, #tpu.memory_space<hbm>>
        %dma_start3A_18 = tpu.memref_squeeze %dma_start3A_17 : memref<1x5000x64xi32, #tpu.memory_space<hbm>> -> memref<5000x64xi32, #tpu.memory_space<hbm>>
        %dma_start3A_19 = arith.constant 4960 : i32
        %dma_start3A_20 = arith.constant 0 : i32
        %dma_start3A_21 = tpu.memref_slice %dma_start3A_18[%dma_start3A_19, %dma_start3A_20] : memref<5000x64xi32, #tpu.memory_space<hbm>> -> memref<40x64xi32, #tpu.memory_space<hbm>>
        %dma_start3A_22 = arith.constant 0 : i32
        %dma_start3A_23 = arith.constant 0 : i32
        %dma_start3A_24 = tpu.memref_slice %arg3[%run_scoped3A_10, %dma_start3A_22, %dma_start3A_23] : memref<2x5000x64xi32, #tpu.memory_space<hbm>> -> memref<1x5000x64xi32, #tpu.memory_space<hbm>>
        %dma_start3A_25 = tpu.memref_squeeze %dma_start3A_24 : memref<1x5000x64xi32, #tpu.memory_space<hbm>> -> memref<5000x64xi32, #tpu.memory_space<hbm>>
        %dma_start3A_26 = arith.constant 4960 : i32
        %dma_start3A_27 = arith.constant 0 : i32
        %dma_start3A_28 = tpu.memref_slice %dma_start3A_25[%dma_start3A_26, %dma_start3A_27] : memref<5000x64xi32, #tpu.memory_space<hbm>> -> memref<40x64xi32, #tpu.memory_space<hbm>>
        tpu.enqueue_dma source(%dma_start3A_28 : memref<40x64xi32, #tpu.memory_space<hbm>>) target(%arg10 : memref<40x64xi32, #tpu.memory_space<vmem>>) target_semaphore(%run_scoped3A_15 : memref<!tpu.dma_semaphore, #tpu.memory_space<semaphore_mem>>)
        %dma_wait3A = arith.constant 0 : i32
        %dma_wait3A_29 = arith.constant 0 : i32
        %dma_wait3A_30 = tpu.memref_slice %arg3[%run_scoped3A_10, %dma_wait3A, %dma_wait3A_29] : memref<2x5000x64xi32, #tpu.memory_space<hbm>> -> memref<1x5000x64xi32, #tpu.memory_space<hbm>>
        %dma_wait3A_31 = tpu.memref_squeeze %dma_wait3A_30 : memref<1x5000x64xi32, #tpu.memory_space<hbm>> -> memref<5000x64xi32, #tpu.memory_space<hbm>>
        %dma_wait3A_32 = arith.constant 4960 : i32
        %dma_wait3A_33 = arith.constant 0 : i32
        %dma_wait3A_34 = tpu.memref_slice %dma_wait3A_31[%dma_wait3A_32, %dma_wait3A_33] : memref<5000x64xi32, #tpu.memory_space<hbm>> -> memref<40x64xi32, #tpu.memory_space<hbm>>
        %dma_wait3A_35 = arith.constant 0 : i32
        %dma_wait3A_36 = arith.constant 0 : i32
        %dma_wait3A_37 = tpu.memref_slice %arg3[%run_scoped3A_10, %dma_wait3A_35, %dma_wait3A_36] : memref<2x5000x64xi32, #tpu.memory_space<hbm>> -> memref<1x5000x64xi32, #tpu.memory_space<hbm>>
        %dma_wait3A_38 = tpu.memref_squeeze %dma_wait3A_37 : memref<1x5000x64xi32, #tpu.memory_space<hbm>> -> memref<5000x64xi32, #tpu.memory_space<hbm>>
        %dma_wait3A_39 = arith.constant 4960 : i32
        %dma_wait3A_40 = arith.constant 0 : i32
        %dma_wait3A_41 = tpu.memref_slice %dma_wait3A_38[%dma_wait3A_39, %dma_wait3A_40] : memref<5000x64xi32, #tpu.memory_space<hbm>> -> memref<40x64xi32, #tpu.memory_space<hbm>>
        tpu.wait_dma2 semaphore(%run_scoped3A_15 : memref<!tpu.dma_semaphore, #tpu.memory_space<semaphore_mem>>) src(%dma_wait3A_41 : memref<40x64xi32, #tpu.memory_space<hbm>>) dst(%arg10 : memref<40x64xi32, #tpu.memory_space<vmem>>)
        tpu.yield
      }) : () -> ()
      %scan3A = arith.constant 0 : i32
      %scan3A_11 = arith.constant 40 : i32
      %scan3A_12 = arith.addi %scan3A, %scan3A_11 : i32
      %scan3A_13 = arith.constant 1 : i32
      scf.for %scan3A_15 = %scan3A to %scan3A_12 step %scan3A_13  : i32 {
        %mul3A_16 = arith.constant 1 : i32
        %mul3A_17 = arith.muli %scan3A_15, %mul3A_16 : i32
        %add3A_18 = arith.constant 0 : i32
        %add3A_19 = arith.addi %add3A_18, %mul3A_17 : i32
        "tpu.region"() ({
          %run_scoped3A_20 = tpu.sem_alloc : memref<!tpu.dma_semaphore, #tpu.memory_space<semaphore_mem>>
          %dma_start3A = arith.constant 0 : i32
          %dma_start3A_21 = arith.constant 0 : i32
          %dma_start3A_22 = tpu.memref_slice %arg11[%dma_start3A, %dma_start3A_21] : memref<128x128xf32, #tpu.memory_space<vmem>> -> memref<64x128xf32, #tpu.memory_space<vmem>>
          %dma_start3A_23 = arith.constant 0 : i32
          %dma_start3A_24 = tpu.memref_slice %arg9[%add3A_19, %dma_start3A_23] : memref<40x64xi32, #tpu.memory_space<vmem>> -> memref<1x64xi32, #tpu.memory_space<vmem>>
          %dma_start3A_25 = tpu.memref_squeeze %dma_start3A_24 : memref<1x64xi32, #tpu.memory_space<vmem>> -> memref<64xi32, #tpu.memory_space<vmem>>
          %dma_start3A_26 = arith.constant 0 : i32
          %dma_start3A_27 = arith.constant 0 : i32
          %dma_start3A_28 = tpu.memref_slice %arg4[%dma_start3A_26, %dma_start3A_27] : memref<10240x128xf32, #tpu.memory_space<hbm>> -> memref<10240x128xf32, #tpu.memory_space<hbm>>
          tpu.enqueue_indirect_dma source(%dma_start3A_28 : memref<10240x128xf32, #tpu.memory_space<hbm>>) target(%dma_start3A_22 : memref<64x128xf32, #tpu.memory_space<vmem>>) offsets(%dma_start3A_25 : memref<64xi32, #tpu.memory_space<vmem>>) semaphore(%run_scoped3A_20 : memref<!tpu.dma_semaphore, #tpu.memory_space<semaphore_mem>>)
          %dma_wait3A = arith.constant 0 : i32
          %dma_wait3A_29 = arith.constant 0 : i32
          %dma_wait3A_30 = tpu.memref_slice %arg11[%dma_wait3A, %dma_wait3A_29] : memref<128x128xf32, #tpu.memory_space<vmem>> -> memref<64x128xf32, #tpu.memory_space<vmem>>
          %dma_wait3A_31 = arith.constant 0 : i32
          %dma_wait3A_32 = tpu.memref_slice %arg9[%add3A_19, %dma_wait3A_31] : memref<40x64xi32, #tpu.memory_space<vmem>> -> memref<1x64xi32, #tpu.memory_space<vmem>>
          %dma_wait3A_33 = tpu.memref_squeeze %dma_wait3A_32 : memref<1x64xi32, #tpu.memory_space<vmem>> -> memref<64xi32, #tpu.memory_space<vmem>>
          %dma_wait3A_34 = arith.constant 0 : i32
          %dma_wait3A_35 = arith.constant 0 : i32
          %dma_wait3A_36 = tpu.memref_slice %arg4[%dma_wait3A_34, %dma_wait3A_35] : memref<10240x128xf32, #tpu.memory_space<hbm>> -> memref<10240x128xf32, #tpu.memory_space<hbm>>
          tpu.wait_indirect_dma semaphore(%run_scoped3A_20 : memref<!tpu.dma_semaphore, #tpu.memory_space<semaphore_mem>>) src(%dma_wait3A_36 : memref<10240x128xf32, #tpu.memory_space<hbm>>) dst(%dma_wait3A_30 : memref<64x128xf32, #tpu.memory_space<vmem>>)
          tpu.yield
        }) : () -> ()
        "tpu.region"() ({
          %run_scoped3A_20 = tpu.sem_alloc : memref<!tpu.dma_semaphore, #tpu.memory_space<semaphore_mem>>
          %dma_start3A = arith.constant 0 : i32
          %dma_start3A_21 = arith.constant 0 : i32
          %dma_start3A_22 = tpu.memref_slice %arg11[%dma_start3A, %dma_start3A_21] : memref<128x128xf32, #tpu.memory_space<vmem>> -> memref<64x128xf32, #tpu.memory_space<vmem>>
          %dma_start3A_23 = arith.constant 0 : i32
          %dma_start3A_24 = tpu.memref_slice %arg10[%add3A_19, %dma_start3A_23] : memref<40x64xi32, #tpu.memory_space<vmem>> -> memref<1x64xi32, #tpu.memory_space<vmem>>
          %dma_start3A_25 = tpu.memref_squeeze %dma_start3A_24 : memref<1x64xi32, #tpu.memory_space<vmem>> -> memref<64xi32, #tpu.memory_space<vmem>>
          %dma_start3A_26 = arith.constant 0 : i32
          %dma_start3A_27 = arith.constant 0 : i32
          %dma_start3A_28 = tpu.memref_slice %arg13[%dma_start3A_26, %dma_start3A_27] : memref<10240x128xf32, #tpu.memory_space<vmem_shared>> -> memref<10240x128xf32, #tpu.memory_space<vmem_shared>>
          tpu.enqueue_indirect_dma source(%dma_start3A_22 : memref<64x128xf32, #tpu.memory_space<vmem>>) target(%dma_start3A_28 : memref<10240x128xf32, #tpu.memory_space<vmem_shared>>) offsets(%dma_start3A_25 : memref<64xi32, #tpu.memory_space<vmem>>) semaphore(%run_scoped3A_20 : memref<!tpu.dma_semaphore, #tpu.memory_space<semaphore_mem>>) {add = true}
          %dma_wait3A = arith.constant 0 : i32
          %dma_wait3A_29 = arith.constant 0 : i32
          %dma_wait3A_30 = tpu.memref_slice %arg11[%dma_wait3A, %dma_wait3A_29] : memref<128x128xf32, #tpu.memory_space<vmem>> -> memref<64x128xf32, #tpu.memory_space<vmem>>
          %dma_wait3A_31 = arith.constant 0 : i32
          %dma_wait3A_32 = tpu.memref_slice %arg10[%add3A_19, %dma_wait3A_31] : memref<40x64xi32, #tpu.memory_space<vmem>> -> memref<1x64xi32, #tpu.memory_space<vmem>>
          %dma_wait3A_33 = tpu.memref_squeeze %dma_wait3A_32 : memref<1x64xi32, #tpu.memory_space<vmem>> -> memref<64xi32, #tpu.memory_space<vmem>>
          %dma_wait3A_34 = arith.constant 0 : i32
          %dma_wait3A_35 = arith.constant 0 : i32
          %dma_wait3A_36 = tpu.memref_slice %arg13[%dma_wait3A_34, %dma_wait3A_35] : memref<10240x128xf32, #tpu.memory_space<vmem_shared>> -> memref<10240x128xf32, #tpu.memory_space<vmem_shared>>
          tpu.wait_indirect_dma semaphore(%run_scoped3A_20 : memref<!tpu.dma_semaphore, #tpu.memory_space<semaphore_mem>>) src(%dma_wait3A_30 : memref<64x128xf32, #tpu.memory_space<vmem>>) dst(%dma_wait3A_36 : memref<10240x128xf32, #tpu.memory_space<vmem_shared>>)
          tpu.yield
        }) : () -> ()
      }
      %scan3A_14 = arith.constant 40 : i32
    } else {
    }
    %barrier3A_9 = arith.constant 0 : index
    tpu.barrier barrier_id(%barrier3A_9)
    "tpu.region"() ({
      %run_scoped3A = tpu.sem_alloc : memref<!tpu.dma_semaphore, #tpu.memory_space<semaphore_mem>>
      %dma_start3A = arith.constant 0 : i32
      %dma_start3A_10 = arith.constant 0 : i32
      %dma_start3A_11 = tpu.memref_slice %arg6[%arg0, %dma_start3A, %dma_start3A_10] : memref<2x10240x128xf32, #tpu.memory_space<hbm>> -> memref<1x10240x128xf32, #tpu.memory_space<hbm>>
      %dma_start3A_12 = tpu.memref_squeeze %dma_start3A_11 : memref<1x10240x128xf32, #tpu.memory_space<hbm>> -> memref<10240x128xf32, #tpu.memory_space<hbm>>
      %dma_start3A_13 = arith.constant 0 : i32
      %dma_start3A_14 = tpu.memref_slice %dma_start3A_12[%mul3A_2, %dma_start3A_13] : memref<10240x128xf32, #tpu.memory_space<hbm>> -> memref<640x128xf32, #tpu.memory_space<hbm>>
      %dma_start3A_15 = arith.constant 0 : i32
      %dma_start3A_16 = tpu.memref_slice %arg13[%mul3A_2, %dma_start3A_15] : memref<10240x128xf32, #tpu.memory_space<vmem_shared>> -> memref<640x128xf32, #tpu.memory_space<vmem_shared>>
      tpu.enqueue_dma source(%dma_start3A_16 : memref<640x128xf32, #tpu.memory_space<vmem_shared>>) target(%dma_start3A_14 : memref<640x128xf32, #tpu.memory_space<hbm>>) target_semaphore(%run_scoped3A : memref<!tpu.dma_semaphore, #tpu.memory_space<semaphore_mem>>)
      %dma_wait3A = arith.constant 0 : i32
      %dma_wait3A_17 = arith.constant 0 : i32
      %dma_wait3A_18 = tpu.memref_slice %arg6[%arg0, %dma_wait3A, %dma_wait3A_17] : memref<2x10240x128xf32, #tpu.memory_space<hbm>> -> memref<1x10240x128xf32, #tpu.memory_space<hbm>>
      %dma_wait3A_19 = tpu.memref_squeeze %dma_wait3A_18 : memref<1x10240x128xf32, #tpu.memory_space<hbm>> -> memref<10240x128xf32, #tpu.memory_space<hbm>>
      %dma_wait3A_20 = arith.constant 0 : i32
      %dma_wait3A_21 = tpu.memref_slice %dma_wait3A_19[%mul3A_2, %dma_wait3A_20] : memref<10240x128xf32, #tpu.memory_space<hbm>> -> memref<640x128xf32, #tpu.memory_space<hbm>>
      %dma_wait3A_22 = arith.constant 0 : i32
      %dma_wait3A_23 = tpu.memref_slice %arg13[%mul3A_2, %dma_wait3A_22] : memref<10240x128xf32, #tpu.memory_space<vmem_shared>> -> memref<640x128xf32, #tpu.memory_space<vmem_shared>>
      tpu.wait_dma2 semaphore(%run_scoped3A : memref<!tpu.dma_semaphore, #tpu.memory_space<semaphore_mem>>) src(%dma_wait3A_23 : memref<640x128xf32, #tpu.memory_space<vmem_shared>>) dst(%dma_wait3A_21 : memref<640x128xf32, #tpu.memory_space<hbm>>)
      tpu.yield
    }) : () -> ()
    return
  }
}

#map = affine_map<(d0, d1) -> (0, 0, 0)>
#map1 = affine_map<(d0, d1) -> (0)>
#map2 = affine_map<(d0, d1) -> (0, 0)>
module attributes {stable_mosaic.version = 14 : i64} {
  func.func @_sc_degrees(%arg0: i32, %arg1: i32, %arg2: memref<2x2500x128xi32, #tpu.memory_space<hbm>>, %arg3: memref<2x5000x64xi32, #tpu.memory_space<hbm>>, %arg4: memref<10240xf32, #tpu.memory_space<hbm>>, %arg5: memref<2x10240xf32, #tpu.memory_space<hbm>>, %arg6: memref<160x128xi32, #tpu.memory_space<vmem>>, %arg7: memref<200x64xi32, #tpu.memory_space<vmem>>, %arg8: memref<128xf32, #tpu.memory_space<vmem>>, %arg9: memref<10240xf32, #tpu.memory_space<vmem_shared>>) attributes {dimension_semantics = [#tpu.dimension_semantics<core_parallel>, #tpu.dimension_semantics<subcore_parallel>], iteration_bounds = array<i64: 2, 16>, scalar_prefetch = 0 : i64, scratch_operands = 4 : i64, tpu.core_type = #tpu.core_type<sc_vector_subcore>, window_params = [{transform_indices = #map}, {transform_indices = #map}, {transform_indices = #map1}, {transform_indices = #map2}]} {
    %scan3A = arith.constant 0 : i32
    %scan3A_0 = arith.constant 8 : i32
    %scan3A_1 = arith.addi %scan3A, %scan3A_0 : i32
    %scan3A_2 = arith.constant 1 : i32
    scf.for %scan3A_27 = %scan3A to %scan3A_1 step %scan3A_2  : i32 {
      %mul3A_28 = arith.constant 16 : i32
      %mul3A_29 = arith.muli %scan3A_27, %mul3A_28 : i32
      %add3A = arith.constant 0 : i32
      %add3A_30 = arith.addi %add3A, %mul3A_29 : i32
      %broadcast_in_dim3A = arith.constant 1.000000e+00 : f32
      %broadcast_in_dim3A_31 = vector.broadcast %broadcast_in_dim3A : f32 to vector<16xf32>
      %swap3A = arith.index_cast %add3A_30 : i32 to index
      %swap3A_32 = tpu.vector_load %arg8[%swap3A] {strides = array<i32>} : memref<128xf32, #tpu.memory_space<vmem>>, vector<16xf32>,
      %swap3A_33 = vector.shape_cast %swap3A_32 : vector<16xf32> to vector<16xf32>
      %swap3A_34 = vector.shape_cast %broadcast_in_dim3A_31 : vector<16xf32> to vector<16xf32>
      tpu.vector_store %arg8[%swap3A], %swap3A_34 {strides = array<i32>} : memref<128xf32, #tpu.memory_space<vmem>>, vector<16xf32>,
    }
    %scan3A_3 = arith.constant 8 : i32
    %eq3A = arith.constant 0 : i32
    %eq3A_4 = arith.cmpi eq, %arg1, %eq3A : i32
    %convert_element_type3A = arith.extui %eq3A_4 : i1 to i32
    %cond3A = arith.constant 0 : i32
    %cond3A_5 = arith.cmpi ne, %convert_element_type3A, %cond3A : i32
    scf.if %cond3A_5 {
      "tpu.region"() ({
        %run_scoped3A = tpu.sem_alloc : memref<!tpu.dma_semaphore, #tpu.memory_space<semaphore_mem>>
        tpu.enqueue_dma source(%arg4 : memref<10240xf32, #tpu.memory_space<hbm>>) target(%arg9 : memref<10240xf32, #tpu.memory_space<vmem_shared>>) target_semaphore(%run_scoped3A : memref<!tpu.dma_semaphore, #tpu.memory_space<semaphore_mem>>)
        tpu.wait_dma2 semaphore(%run_scoped3A : memref<!tpu.dma_semaphore, #tpu.memory_space<semaphore_mem>>) src(%arg4 : memref<10240xf32, #tpu.memory_space<hbm>>) dst(%arg9 : memref<10240xf32, #tpu.memory_space<vmem_shared>>)
        tpu.yield
      }) : () -> ()
    } else {
    }
    %lt3A = arith.constant 15 : i32
    %lt3A_6 = arith.cmpi slt, %arg1, %lt3A : i32
    %convert_element_type3A_7 = arith.extui %lt3A_6 : i1 to i32
    %cond3A_8 = arith.constant 0 : i32
    %cond3A_9 = arith.cmpi ne, %convert_element_type3A_7, %cond3A_8 : i32
    scf.if %cond3A_9 {
      %mul3A_27 = arith.constant 160 : i32
      %mul3A_28 = arith.muli %arg1, %mul3A_27 : i32
      "tpu.region"() ({
        %run_scoped3A = tpu.sem_alloc : memref<!tpu.dma_semaphore, #tpu.memory_space<semaphore_mem>>
        %dma_start3A = arith.constant 0 : i32
        %dma_start3A_29 = arith.constant 0 : i32
        %dma_start3A_30 = tpu.memref_slice %arg2[%arg0, %dma_start3A, %dma_start3A_29] : memref<2x2500x128xi32, #tpu.memory_space<hbm>> -> memref<1x2500x128xi32, #tpu.memory_space<hbm>>
        %dma_start3A_31 = tpu.memref_squeeze %dma_start3A_30 : memref<1x2500x128xi32, #tpu.memory_space<hbm>> -> memref<2500x128xi32, #tpu.memory_space<hbm>>
        %dma_start3A_32 = arith.constant 0 : i32
        %dma_start3A_33 = tpu.memref_slice %dma_start3A_31[%mul3A_28, %dma_start3A_32] : memref<2500x128xi32, #tpu.memory_space<hbm>> -> memref<160x128xi32, #tpu.memory_space<hbm>>
        %dma_start3A_34 = arith.constant 0 : i32
        %dma_start3A_35 = arith.constant 0 : i32
        %dma_start3A_36 = tpu.memref_slice %arg2[%arg0, %dma_start3A_34, %dma_start3A_35] : memref<2x2500x128xi32, #tpu.memory_space<hbm>> -> memref<1x2500x128xi32, #tpu.memory_space<hbm>>
        %dma_start3A_37 = tpu.memref_squeeze %dma_start3A_36 : memref<1x2500x128xi32, #tpu.memory_space<hbm>> -> memref<2500x128xi32, #tpu.memory_space<hbm>>
        %dma_start3A_38 = arith.constant 0 : i32
        %dma_start3A_39 = tpu.memref_slice %dma_start3A_37[%mul3A_28, %dma_start3A_38] : memref<2500x128xi32, #tpu.memory_space<hbm>> -> memref<160x128xi32, #tpu.memory_space<hbm>>
        tpu.enqueue_dma source(%dma_start3A_39 : memref<160x128xi32, #tpu.memory_space<hbm>>) target(%arg6 : memref<160x128xi32, #tpu.memory_space<vmem>>) target_semaphore(%run_scoped3A : memref<!tpu.dma_semaphore, #tpu.memory_space<semaphore_mem>>)
        %dma_wait3A = arith.constant 0 : i32
        %dma_wait3A_40 = arith.constant 0 : i32
        %dma_wait3A_41 = tpu.memref_slice %arg2[%arg0, %dma_wait3A, %dma_wait3A_40] : memref<2x2500x128xi32, #tpu.memory_space<hbm>> -> memref<1x2500x128xi32, #tpu.memory_space<hbm>>
        %dma_wait3A_42 = tpu.memref_squeeze %dma_wait3A_41 : memref<1x2500x128xi32, #tpu.memory_space<hbm>> -> memref<2500x128xi32, #tpu.memory_space<hbm>>
        %dma_wait3A_43 = arith.constant 0 : i32
        %dma_wait3A_44 = tpu.memref_slice %dma_wait3A_42[%mul3A_28, %dma_wait3A_43] : memref<2500x128xi32, #tpu.memory_space<hbm>> -> memref<160x128xi32, #tpu.memory_space<hbm>>
        %dma_wait3A_45 = arith.constant 0 : i32
        %dma_wait3A_46 = arith.constant 0 : i32
        %dma_wait3A_47 = tpu.memref_slice %arg2[%arg0, %dma_wait3A_45, %dma_wait3A_46] : memref<2x2500x128xi32, #tpu.memory_space<hbm>> -> memref<1x2500x128xi32, #tpu.memory_space<hbm>>
        %dma_wait3A_48 = tpu.memref_squeeze %dma_wait3A_47 : memref<1x2500x128xi32, #tpu.memory_space<hbm>> -> memref<2500x128xi32, #tpu.memory_space<hbm>>
        %dma_wait3A_49 = arith.constant 0 : i32
        %dma_wait3A_50 = tpu.memref_slice %dma_wait3A_48[%mul3A_28, %dma_wait3A_49] : memref<2500x128xi32, #tpu.memory_space<hbm>> -> memref<160x128xi32, #tpu.memory_space<hbm>>
        tpu.wait_dma2 semaphore(%run_scoped3A : memref<!tpu.dma_semaphore, #tpu.memory_space<semaphore_mem>>) src(%dma_wait3A_50 : memref<160x128xi32, #tpu.memory_space<hbm>>) dst(%arg6 : memref<160x128xi32, #tpu.memory_space<vmem>>)
        tpu.yield
      }) : () -> ()
    } else {
    }
    %eq3A_10 = arith.constant 15 : i32
    %eq3A_11 = arith.cmpi eq, %arg1, %eq3A_10 : i32
    %convert_element_type3A_12 = arith.extui %eq3A_11 : i1 to i32
    %cond3A_13 = arith.constant 0 : i32
    %cond3A_14 = arith.cmpi ne, %convert_element_type3A_12, %cond3A_13 : i32
    scf.if %cond3A_14 {
      "tpu.region"() ({
        %run_scoped3A = tpu.sem_alloc : memref<!tpu.dma_semaphore, #tpu.memory_space<semaphore_mem>>
        %dma_start3A = arith.constant 0 : i32
        %dma_start3A_27 = arith.constant 0 : i32
        %dma_start3A_28 = tpu.memref_slice %arg3[%arg0, %dma_start3A, %dma_start3A_27] : memref<2x5000x64xi32, #tpu.memory_space<hbm>> -> memref<1x5000x64xi32, #tpu.memory_space<hbm>>
        %dma_start3A_29 = tpu.memref_squeeze %dma_start3A_28 : memref<1x5000x64xi32, #tpu.memory_space<hbm>> -> memref<5000x64xi32, #tpu.memory_space<hbm>>
        %dma_start3A_30 = arith.constant 4800 : i32
        %dma_start3A_31 = arith.constant 0 : i32
        %dma_start3A_32 = tpu.memref_slice %dma_start3A_29[%dma_start3A_30, %dma_start3A_31] : memref<5000x64xi32, #tpu.memory_space<hbm>> -> memref<200x64xi32, #tpu.memory_space<hbm>>
        %dma_start3A_33 = arith.constant 0 : i32
        %dma_start3A_34 = arith.constant 0 : i32
        %dma_start3A_35 = tpu.memref_slice %arg3[%arg0, %dma_start3A_33, %dma_start3A_34] : memref<2x5000x64xi32, #tpu.memory_space<hbm>> -> memref<1x5000x64xi32, #tpu.memory_space<hbm>>
        %dma_start3A_36 = tpu.memref_squeeze %dma_start3A_35 : memref<1x5000x64xi32, #tpu.memory_space<hbm>> -> memref<5000x64xi32, #tpu.memory_space<hbm>>
        %dma_start3A_37 = arith.constant 4800 : i32
        %dma_start3A_38 = arith.constant 0 : i32
        %dma_start3A_39 = tpu.memref_slice %dma_start3A_36[%dma_start3A_37, %dma_start3A_38] : memref<5000x64xi32, #tpu.memory_space<hbm>> -> memref<200x64xi32, #tpu.memory_space<hbm>>
        tpu.enqueue_dma source(%dma_start3A_39 : memref<200x64xi32, #tpu.memory_space<hbm>>) target(%arg7 : memref<200x64xi32, #tpu.memory_space<vmem>>) target_semaphore(%run_scoped3A : memref<!tpu.dma_semaphore, #tpu.memory_space<semaphore_mem>>)
        %dma_wait3A = arith.constant 0 : i32
        %dma_wait3A_40 = arith.constant 0 : i32
        %dma_wait3A_41 = tpu.memref_slice %arg3[%arg0, %dma_wait3A, %dma_wait3A_40] : memref<2x5000x64xi32, #tpu.memory_space<hbm>> -> memref<1x5000x64xi32, #tpu.memory_space<hbm>>
        %dma_wait3A_42 = tpu.memref_squeeze %dma_wait3A_41 : memref<1x5000x64xi32, #tpu.memory_space<hbm>> -> memref<5000x64xi32, #tpu.memory_space<hbm>>
        %dma_wait3A_43 = arith.constant 4800 : i32
        %dma_wait3A_44 = arith.constant 0 : i32
        %dma_wait3A_45 = tpu.memref_slice %dma_wait3A_42[%dma_wait3A_43, %dma_wait3A_44] : memref<5000x64xi32, #tpu.memory_space<hbm>> -> memref<200x64xi32, #tpu.memory_space<hbm>>
        %dma_wait3A_46 = arith.constant 0 : i32
        %dma_wait3A_47 = arith.constant 0 : i32
        %dma_wait3A_48 = tpu.memref_slice %arg3[%arg0, %dma_wait3A_46, %dma_wait3A_47] : memref<2x5000x64xi32, #tpu.memory_space<hbm>> -> memref<1x5000x64xi32, #tpu.memory_space<hbm>>
        %dma_wait3A_49 = tpu.memref_squeeze %dma_wait3A_48 : memref<1x5000x64xi32, #tpu.memory_space<hbm>> -> memref<5000x64xi32, #tpu.memory_space<hbm>>
        %dma_wait3A_50 = arith.constant 4800 : i32
        %dma_wait3A_51 = arith.constant 0 : i32
        %dma_wait3A_52 = tpu.memref_slice %dma_wait3A_49[%dma_wait3A_50, %dma_wait3A_51] : memref<5000x64xi32, #tpu.memory_space<hbm>> -> memref<200x64xi32, #tpu.memory_space<hbm>>
        tpu.wait_dma2 semaphore(%run_scoped3A : memref<!tpu.dma_semaphore, #tpu.memory_space<semaphore_mem>>) src(%dma_wait3A_52 : memref<200x64xi32, #tpu.memory_space<hbm>>) dst(%arg7 : memref<200x64xi32, #tpu.memory_space<vmem>>)
        tpu.yield
      }) : () -> ()
    } else {
    }
    %barrier3A = arith.constant 0 : index
    tpu.barrier barrier_id(%barrier3A)
    %lt3A_15 = arith.constant 15 : i32
    %lt3A_16 = arith.cmpi slt, %arg1, %lt3A_15 : i32
    %convert_element_type3A_17 = arith.extui %lt3A_16 : i1 to i32
    %cond3A_18 = arith.constant 0 : i32
    %cond3A_19 = arith.cmpi ne, %convert_element_type3A_17, %cond3A_18 : i32
    scf.if %cond3A_19 {
      %scan3A_27 = arith.constant 0 : i32
      %scan3A_28 = arith.constant 160 : i32
      %scan3A_29 = arith.addi %scan3A_27, %scan3A_28 : i32
      %scan3A_30 = arith.constant 1 : i32
      scf.for %scan3A_32 = %scan3A_27 to %scan3A_29 step %scan3A_30  : i32 {
        %mul3A_33 = arith.constant 1 : i32
        %mul3A_34 = arith.muli %scan3A_32, %mul3A_33 : i32
        %add3A = arith.constant 0 : i32
        %add3A_35 = arith.addi %add3A, %mul3A_34 : i32
        "tpu.region"() ({
          %run_scoped3A = tpu.sem_alloc : memref<!tpu.dma_semaphore, #tpu.memory_space<semaphore_mem>>
          %dma_start3A = arith.constant 0 : i32
          %dma_start3A_36 = tpu.memref_slice %arg6[%add3A_35, %dma_start3A] : memref<160x128xi32, #tpu.memory_space<vmem>> -> memref<1x128xi32, #tpu.memory_space<vmem>>
          %dma_start3A_37 = tpu.memref_squeeze %dma_start3A_36 : memref<1x128xi32, #tpu.memory_space<vmem>> -> memref<128xi32, #tpu.memory_space<vmem>>
          %dma_start3A_38 = arith.constant 0 : i32
          %dma_start3A_39 = tpu.memref_slice %arg9[%dma_start3A_38] : memref<10240xf32, #tpu.memory_space<vmem_shared>> -> memref<10240xf32, #tpu.memory_space<vmem_shared>>
          tpu.enqueue_indirect_dma source(%arg8 : memref<128xf32, #tpu.memory_space<vmem>>) target(%dma_start3A_39 : memref<10240xf32, #tpu.memory_space<vmem_shared>>) offsets(%dma_start3A_37 : memref<128xi32, #tpu.memory_space<vmem>>) semaphore(%run_scoped3A : memref<!tpu.dma_semaphore, #tpu.memory_space<semaphore_mem>>) {add = true}
          %dma_wait3A = arith.constant 0 : i32
          %dma_wait3A_40 = tpu.memref_slice %arg6[%add3A_35, %dma_wait3A] : memref<160x128xi32, #tpu.memory_space<vmem>> -> memref<1x128xi32, #tpu.memory_space<vmem>>
          %dma_wait3A_41 = tpu.memref_squeeze %dma_wait3A_40 : memref<1x128xi32, #tpu.memory_space<vmem>> -> memref<128xi32, #tpu.memory_space<vmem>>
          %dma_wait3A_42 = arith.constant 0 : i32
          %dma_wait3A_43 = tpu.memref_slice %arg9[%dma_wait3A_42] : memref<10240xf32, #tpu.memory_space<vmem_shared>> -> memref<10240xf32, #tpu.memory_space<vmem_shared>>
          tpu.wait_indirect_dma semaphore(%run_scoped3A : memref<!tpu.dma_semaphore, #tpu.memory_space<semaphore_mem>>) src(%arg8 : memref<128xf32, #tpu.memory_space<vmem>>) dst(%dma_wait3A_43 : memref<10240xf32, #tpu.memory_space<vmem_shared>>)
          tpu.yield
        }) : () -> ()
      }
      %scan3A_31 = arith.constant 160 : i32
    } else {
    }
    %eq3A_20 = arith.constant 15 : i32
    %eq3A_21 = arith.cmpi eq, %arg1, %eq3A_20 : i32
    %convert_element_type3A_22 = arith.extui %eq3A_21 : i1 to i32
    %cond3A_23 = arith.constant 0 : i32
    %cond3A_24 = arith.cmpi ne, %convert_element_type3A_22, %cond3A_23 : i32
    scf.if %cond3A_24 {
      %scan3A_27 = arith.constant 0 : i32
      %scan3A_28 = arith.constant 200 : i32
      %scan3A_29 = arith.addi %scan3A_27, %scan3A_28 : i32
      %scan3A_30 = arith.constant 1 : i32
      scf.for %scan3A_32 = %scan3A_27 to %scan3A_29 step %scan3A_30  : i32 {
        %mul3A_33 = arith.constant 1 : i32
        %mul3A_34 = arith.muli %scan3A_32, %mul3A_33 : i32
        %add3A = arith.constant 0 : i32
        %add3A_35 = arith.addi %add3A, %mul3A_34 : i32
        "tpu.region"() ({
          %run_scoped3A = tpu.sem_alloc : memref<!tpu.dma_semaphore, #tpu.memory_space<semaphore_mem>>
          %dma_start3A = arith.constant 0 : i32
          %dma_start3A_36 = tpu.memref_slice %arg8[%dma_start3A] : memref<128xf32, #tpu.memory_space<vmem>> -> memref<64xf32, #tpu.memory_space<vmem>>
          %dma_start3A_37 = arith.constant 0 : i32
          %dma_start3A_38 = tpu.memref_slice %arg7[%add3A_35, %dma_start3A_37] : memref<200x64xi32, #tpu.memory_space<vmem>> -> memref<1x64xi32, #tpu.memory_space<vmem>>
          %dma_start3A_39 = tpu.memref_squeeze %dma_start3A_38 : memref<1x64xi32, #tpu.memory_space<vmem>> -> memref<64xi32, #tpu.memory_space<vmem>>
          %dma_start3A_40 = arith.constant 0 : i32
          %dma_start3A_41 = tpu.memref_slice %arg9[%dma_start3A_40] : memref<10240xf32, #tpu.memory_space<vmem_shared>> -> memref<10240xf32, #tpu.memory_space<vmem_shared>>
          tpu.enqueue_indirect_dma source(%dma_start3A_36 : memref<64xf32, #tpu.memory_space<vmem>>) target(%dma_start3A_41 : memref<10240xf32, #tpu.memory_space<vmem_shared>>) offsets(%dma_start3A_39 : memref<64xi32, #tpu.memory_space<vmem>>) semaphore(%run_scoped3A : memref<!tpu.dma_semaphore, #tpu.memory_space<semaphore_mem>>) {add = true}
          %dma_wait3A = arith.constant 0 : i32
          %dma_wait3A_42 = tpu.memref_slice %arg8[%dma_wait3A] : memref<128xf32, #tpu.memory_space<vmem>> -> memref<64xf32, #tpu.memory_space<vmem>>
          %dma_wait3A_43 = arith.constant 0 : i32
          %dma_wait3A_44 = tpu.memref_slice %arg7[%add3A_35, %dma_wait3A_43] : memref<200x64xi32, #tpu.memory_space<vmem>> -> memref<1x64xi32, #tpu.memory_space<vmem>>
          %dma_wait3A_45 = tpu.memref_squeeze %dma_wait3A_44 : memref<1x64xi32, #tpu.memory_space<vmem>> -> memref<64xi32, #tpu.memory_space<vmem>>
          %dma_wait3A_46 = arith.constant 0 : i32
          %dma_wait3A_47 = tpu.memref_slice %arg9[%dma_wait3A_46] : memref<10240xf32, #tpu.memory_space<vmem_shared>> -> memref<10240xf32, #tpu.memory_space<vmem_shared>>
          tpu.wait_indirect_dma semaphore(%run_scoped3A : memref<!tpu.dma_semaphore, #tpu.memory_space<semaphore_mem>>) src(%dma_wait3A_42 : memref<64xf32, #tpu.memory_space<vmem>>) dst(%dma_wait3A_47 : memref<10240xf32, #tpu.memory_space<vmem_shared>>)
          tpu.yield
        }) : () -> ()
      }
      %scan3A_31 = arith.constant 200 : i32
    } else {
    }
    %barrier3A_25 = arith.constant 0 : index
    tpu.barrier barrier_id(%barrier3A_25)
    %mul3A = arith.constant 640 : i32
    %mul3A_26 = arith.muli %arg1, %mul3A : i32
    "tpu.region"() ({
      %run_scoped3A = tpu.sem_alloc : memref<!tpu.dma_semaphore, #tpu.memory_space<semaphore_mem>>
      %dma_start3A = arith.constant 0 : i32
      %dma_start3A_27 = tpu.memref_slice %arg5[%arg0, %dma_start3A] : memref<2x10240xf32, #tpu.memory_space<hbm>> -> memref<1x10240xf32, #tpu.memory_space<hbm>>
      %dma_start3A_28 = tpu.memref_squeeze %dma_start3A_27 : memref<1x10240xf32, #tpu.memory_space<hbm>> -> memref<10240xf32, #tpu.memory_space<hbm>>
      %dma_start3A_29 = tpu.memref_slice %dma_start3A_28[%mul3A_26] : memref<10240xf32, #tpu.memory_space<hbm>> -> memref<640xf32, #tpu.memory_space<hbm>>
      %dma_start3A_30 = tpu.memref_slice %arg9[%mul3A_26] : memref<10240xf32, #tpu.memory_space<vmem_shared>> -> memref<640xf32, #tpu.memory_space<vmem_shared>>
      tpu.enqueue_dma source(%dma_start3A_30 : memref<640xf32, #tpu.memory_space<vmem_shared>>) target(%dma_start3A_29 : memref<640xf32, #tpu.memory_space<hbm>>) target_semaphore(%run_scoped3A : memref<!tpu.dma_semaphore, #tpu.memory_space<semaphore_mem>>)
      %dma_wait3A = arith.constant 0 : i32
      %dma_wait3A_31 = tpu.memref_slice %arg5[%arg0, %dma_wait3A] : memref<2x10240xf32, #tpu.memory_space<hbm>> -> memref<1x10240xf32, #tpu.memory_space<hbm>>
      %dma_wait3A_32 = tpu.memref_squeeze %dma_wait3A_31 : memref<1x10240xf32, #tpu.memory_space<hbm>> -> memref<10240xf32, #tpu.memory_space<hbm>>
      %dma_wait3A_33 = tpu.memref_slice %dma_wait3A_32[%mul3A_26] : memref<10240xf32, #tpu.memory_space<hbm>> -> memref<640xf32, #tpu.memory_space<hbm>>
      %dma_wait3A_34 = tpu.memref_slice %arg9[%mul3A_26] : memref<10240xf32, #tpu.memory_space<vmem_shared>> -> memref<640xf32, #tpu.memory_space<vmem_shared>>
      tpu.wait_dma2 semaphore(%run_scoped3A : memref<!tpu.dma_semaphore, #tpu.memory_space<semaphore_mem>>) src(%dma_wait3A_34 : memref<640xf32, #tpu.memory_space<vmem_shared>>) dst(%dma_wait3A_33 : memref<640xf32, #tpu.memory_space<hbm>>)
      tpu.yield
    }) : () -> ()
    return
  }
}

module attributes {stable_mosaic.version = 14 : i64} {
  func.func @_tc_mm_body(%arg0: i32, %arg1: memref<1000x128xf32, #tpu.memory_space<vmem>>, %arg2: memref<128x128xf32, #tpu.memory_space<vmem>>, %arg3: memref<1000x128xf32, #tpu.memory_space<vmem>>) attributes {dimension_semantics = [#tpu.dimension_semantics<arbitrary>], iteration_bounds = array<i64: 10>, scalar_prefetch = 0 : i64, scratch_operands = 0 : i64, tpu.core_type = #tpu.core_type<tc>, window_params = [{transform_indices = @transform_0, window_bounds = array<i64: 1000, 128>}, {pipeline_mode = #tpu.pipeline_mode<synchronous>, transform_indices = @transform_1, window_bounds = array<i64: 128, 128>}, {transform_indices = @transform_2, window_bounds = array<i64: 1000, 128>}]} {
    %get3A = arith.constant 0 : index
    %get3A_0 = arith.constant 0 : index
    %get3A_1 = vector.load %arg1[%get3A, %get3A_0] : memref<1000x128xf32, #tpu.memory_space<vmem>>, vector<1000x128xf32>
    %get3A_2 = arith.constant 0 : index
    %get3A_3 = arith.constant 0 : index
    %get3A_4 = vector.load %arg2[%get3A_2, %get3A_3] : memref<128x128xf32, #tpu.memory_space<vmem>>, vector<128x128xf32>
    %dot_general3A = arith.constant dense<0.000000e+00> : vector<1000x128xf32>
    %dot_general3A_5 = tpu.matmul %get3A_1, %get3A_4, %dot_general3A {dimension_numbers = #tpu.dot_dimension_numbers<[1], [0], [0], [1], [0, 0, 1, 1], [], []>, transpose_lhs_hint = false} : vector<1000x128xf32>, vector<128x128xf32>, vector<1000x128xf32> -> vector<1000x128xf32>
    %swap3A = arith.constant 0 : index
    %swap3A_6 = arith.constant 0 : index
    %swap3A_7 = vector.load %arg3[%swap3A, %swap3A_6] : memref<1000x128xf32, #tpu.memory_space<vmem>>, vector<1000x128xf32>
    tpu.vector_store %arg3[%swap3A, %swap3A_6], %dot_general3A_5 {strides = array<i32>} : memref<1000x128xf32, #tpu.memory_space<vmem>>, vector<1000x128xf32>,
    return
  }
  func.func @transform_0(%arg0: i32) -> (i32, i32) {
    %c0_i32 = arith.constant 0 : i32
    %c0_i32_0 = arith.constant 0 : i32
    return %arg0, %c0_i32 : i32, i32
  }
  func.func @transform_1(%arg0: i32) -> (i32, i32) {
    %c0_i32 = arith.constant 0 : i32
    %c0_i32_0 = arith.constant 0 : i32
    %c0_i32_1 = arith.constant 0 : i32
    return %c0_i32, %c0_i32_0 : i32, i32
  }
  func.func @transform_2(%arg0: i32) -> (i32, i32) {
    %c0_i32 = arith.constant 0 : i32
    %c0_i32_0 = arith.constant 0 : i32
    return %arg0, %c0_i32 : i32, i32
  }
}

module attributes {stable_mosaic.version = 14 : i64} {
  func.func @_tc_scale_body(%arg0: i32, %arg1: memref<1000x1xf32, #tpu.memory_space<vmem>>, %arg2: memref<1000x128xf32, #tpu.memory_space<vmem>>, %arg3: memref<1000x128xf32, #tpu.memory_space<vmem>>) attributes {dimension_semantics = [#tpu.dimension_semantics<arbitrary>], iteration_bounds = array<i64: 10>, scalar_prefetch = 0 : i64, scratch_operands = 0 : i64, tpu.core_type = #tpu.core_type<tc>, window_params = [{transform_indices = @transform_0, window_bounds = array<i64: 1000, 1>}, {transform_indices = @transform_1, window_bounds = array<i64: 1000, 128>}, {transform_indices = @transform_2, window_bounds = array<i64: 1000, 128>}]} {
    %get3A = arith.constant 0 : index
    %get3A_0 = arith.constant 0 : index
    %get3A_1 = vector.load %arg2[%get3A, %get3A_0] : memref<1000x128xf32, #tpu.memory_space<vmem>>, vector<1000x128xf32>
    %get3A_2 = arith.constant 0 : index
    %get3A_3 = arith.constant 0 : index
    %get3A_4 = vector.load %arg1[%get3A_2, %get3A_3] : memref<1000x1xf32, #tpu.memory_space<vmem>>, vector<1000x1xf32>
    %gt3A = arith.constant 0.000000e+00 : f32
    %gt3A_5 = vector.broadcast %gt3A : f32 to vector<1000x1xf32>
    %gt3A_6 = arith.cmpf ogt, %get3A_4, %gt3A_5 : vector<1000x1xf32>
    %max3A = arith.constant 1.000000e+00 : f32
    %max3A_7 = vector.broadcast %max3A : f32 to vector<1000x1xf32>
    %max3A_8 = arith.maximumf %get3A_4, %max3A_7 : vector<1000x1xf32>
    %rsqrt3A = math.rsqrt %max3A_8 : vector<1000x1xf32>
    %jit3A = arith.constant 0.000000e+00 : f32
    %broadcast_in_dim3A = vector.broadcast %jit3A : f32 to vector<1000x1xf32>
    %select_n3A = arith.select %gt3A_6, %rsqrt3A, %broadcast_in_dim3A : vector<1000x1xi1>, vector<1000x1xf32>
    %mul3A = vector.broadcast %select_n3A : vector<1000x1xf32> to vector<1000x128xf32>
    %mul3A_9 = arith.mulf %get3A_1, %mul3A : vector<1000x128xf32>
    %swap3A = arith.constant 0 : index
    %swap3A_10 = arith.constant 0 : index
    %swap3A_11 = vector.load %arg3[%swap3A, %swap3A_10] : memref<1000x128xf32, #tpu.memory_space<vmem>>, vector<1000x128xf32>
    tpu.vector_store %arg3[%swap3A, %swap3A_10], %mul3A_9 {strides = array<i32>} : memref<1000x128xf32, #tpu.memory_space<vmem>>, vector<1000x128xf32>,
    return
  }
  func.func @transform_0(%arg0: i32) -> (i32, i32) {
    %c0_i32 = arith.constant 0 : i32
    %c0_i32_0 = arith.constant 0 : i32
    return %arg0, %c0_i32 : i32, i32
  }
  func.func @transform_1(%arg0: i32) -> (i32, i32) {
    %c0_i32 = arith.constant 0 : i32
    %c0_i32_0 = arith.constant 0 : i32
    return %arg0, %c0_i32 : i32, i32
  }
  func.func @transform_2(%arg0: i32) -> (i32, i32) {
    %c0_i32 = arith.constant 0 : i32
    %c0_i32_0 = arith.constant 0 : i32
    return %arg0, %c0_i32 : i32, i32
  }
}

module attributes {stable_mosaic.version = 14 : i64} {
  func.func @_tc_mid_body(%arg0: i32, %arg1: memref<2x1000x128xf32, #tpu.memory_space<vmem>>, %arg2: memref<1000x1xf32, #tpu.memory_space<vmem>>, %arg3: memref<1000x1xf32, #tpu.memory_space<vmem>>, %arg4: memref<1x128xf32, #tpu.memory_space<vmem>>, %arg5: memref<128x16xf32, #tpu.memory_space<vmem>>, %arg6: memref<1000x128xf32, #tpu.memory_space<vmem>>) attributes {dimension_semantics = [#tpu.dimension_semantics<arbitrary>], iteration_bounds = array<i64: 10>, scalar_prefetch = 0 : i64, scratch_operands = 0 : i64, tpu.core_type = #tpu.core_type<tc>, window_params = [{transform_indices = @transform_0, window_bounds = array<i64: 2, 1000, 128>}, {transform_indices = @transform_1, window_bounds = array<i64: 1000, 1>}, {transform_indices = @transform_2, window_bounds = array<i64: 1000, 1>}, {pipeline_mode = #tpu.pipeline_mode<synchronous>, transform_indices = @transform_3, window_bounds = array<i64: 1, 128>}, {pipeline_mode = #tpu.pipeline_mode<synchronous>, transform_indices = @transform_4, window_bounds = array<i64: 128, 16>}, {transform_indices = @transform_5, window_bounds = array<i64: 1000, 128>}]} {
    %get3A = arith.constant 0 : index
    %get3A_0 = arith.constant 0 : index
    %get3A_1 = vector.load %arg2[%get3A, %get3A_0] : memref<1000x1xf32, #tpu.memory_space<vmem>>, vector<1000x1xf32>
    %gt3A = arith.constant 0.000000e+00 : f32
    %gt3A_2 = vector.broadcast %gt3A : f32 to vector<1000x1xf32>
    %gt3A_3 = arith.cmpf ogt, %get3A_1, %gt3A_2 : vector<1000x1xf32>
    %max3A = arith.constant 1.000000e+00 : f32
    %max3A_4 = vector.broadcast %max3A : f32 to vector<1000x1xf32>
    %max3A_5 = arith.maximumf %get3A_1, %max3A_4 : vector<1000x1xf32>
    %rsqrt3A = math.rsqrt %max3A_5 : vector<1000x1xf32>
    %jit3A = arith.constant 0.000000e+00 : f32
    %broadcast_in_dim3A = vector.broadcast %jit3A : f32 to vector<1000x1xf32>
    %select_n3A = arith.select %gt3A_3, %rsqrt3A, %broadcast_in_dim3A : vector<1000x1xi1>, vector<1000x1xf32>
    %get3A_6 = arith.constant 0 : index
    %get3A_7 = arith.constant 0 : index
    %get3A_8 = vector.load %arg3[%get3A_6, %get3A_7] : memref<1000x1xf32, #tpu.memory_space<vmem>>, vector<1000x1xf32>
    %gt3A_9 = arith.constant 0.000000e+00 : f32
    %gt3A_10 = vector.broadcast %gt3A_9 : f32 to vector<1000x1xf32>
    %gt3A_11 = arith.cmpf ogt, %get3A_8, %gt3A_10 : vector<1000x1xf32>
    %max3A_12 = arith.constant 1.000000e+00 : f32
    %max3A_13 = vector.broadcast %max3A_12 : f32 to vector<1000x1xf32>
    %max3A_14 = arith.maximumf %get3A_8, %max3A_13 : vector<1000x1xf32>
    %rsqrt3A_15 = math.rsqrt %max3A_14 : vector<1000x1xf32>
    %jit3A_16 = arith.constant 0.000000e+00 : f32
    %broadcast_in_dim3A_17 = vector.broadcast %jit3A_16 : f32 to vector<1000x1xf32>
    %select_n3A_18 = arith.select %gt3A_11, %rsqrt3A_15, %broadcast_in_dim3A_17 : vector<1000x1xi1>, vector<1000x1xf32>
    %get3A_19 = arith.constant 0 : index
    %get3A_20 = arith.constant 0 : index
    %get3A_21 = arith.constant 0 : index
    %get3A_22 = vector.load %arg1[%get3A_19, %get3A_20, %get3A_21] : memref<2x1000x128xf32, #tpu.memory_space<vmem>>, vector<2x1000x128xf32>
    %slice3A = vector.extract_strided_slice %get3A_22 {offsets = [0, 0, 0], sizes = [1, 1000, 128], strides = [1, 1, 1]} : vector<2x1000x128xf32> to vector<1x1000x128xf32>
    %squeeze3A = vector.shape_cast %slice3A : vector<1x1000x128xf32> to vector<1000x128xf32>
    %slice3A_23 = vector.extract_strided_slice %get3A_22 {offsets = [1, 0, 0], sizes = [1, 1000, 128], strides = [1, 1, 1]} : vector<2x1000x128xf32> to vector<1x1000x128xf32>
    %squeeze3A_24 = vector.shape_cast %slice3A_23 : vector<1x1000x128xf32> to vector<1000x128xf32>
    %add3A = arith.addf %squeeze3A, %squeeze3A_24 : vector<1000x128xf32>
    %mul3A = vector.broadcast %select_n3A : vector<1000x1xf32> to vector<1000x128xf32>
    %mul3A_25 = arith.mulf %add3A, %mul3A : vector<1000x128xf32>
    %get3A_26 = arith.constant 0 : index
    %get3A_27 = arith.constant 0 : index
    %get3A_28 = vector.load %arg4[%get3A_26, %get3A_27] : memref<1x128xf32, #tpu.memory_space<vmem>>, vector<1x128xf32>
    %add3A_29 = vector.broadcast %get3A_28 : vector<1x128xf32> to vector<1000x128xf32>
    %add3A_30 = arith.addf %mul3A_25, %add3A_29 : vector<1000x128xf32>
    %max3A_31 = arith.constant 0.000000e+00 : f32
    %max3A_32 = vector.broadcast %max3A_31 : f32 to vector<1000x128xf32>
    %max3A_33 = arith.maximumf %add3A_30, %max3A_32 : vector<1000x128xf32>
    %get3A_34 = arith.constant 0 : index
    %get3A_35 = arith.constant 0 : index
    %get3A_36 = vector.load %arg5[%get3A_34, %get3A_35] : memref<128x16xf32, #tpu.memory_space<vmem>>, vector<128x16xf32>
    %dot_general3A = arith.constant dense<0.000000e+00> : vector<1000x16xf32>
    %dot_general3A_37 = tpu.matmul %max3A_33, %get3A_36, %dot_general3A {dimension_numbers = #tpu.dot_dimension_numbers<[1], [0], [0], [1], [0, 0, 1, 1], [], []>, transpose_lhs_hint = false} : vector<1000x128xf32>, vector<128x16xf32>, vector<1000x16xf32> -> vector<1000x16xf32>
    %mul3A_38 = vector.broadcast %select_n3A_18 : vector<1000x1xf32> to vector<1000x16xf32>
    %mul3A_39 = arith.mulf %dot_general3A_37, %mul3A_38 : vector<1000x16xf32>
    %broadcast_in_dim3A_40 = arith.constant 0.000000e+00 : f32
    %broadcast_in_dim3A_41 = vector.broadcast %broadcast_in_dim3A_40 : f32 to vector<1000x112xf32>
    %concatenate3A = tpu.concatenate %mul3A_39, %broadcast_in_dim3A_41 in 1 : vector<1000x16xf32>, vector<1000x112xf32> -> vector<1000x128xf32>
    %swap3A = arith.constant 0 : index
    %swap3A_42 = arith.constant 0 : index
    %swap3A_43 = vector.load %arg6[%swap3A, %swap3A_42] : memref<1000x128xf32, #tpu.memory_space<vmem>>, vector<1000x128xf32>
    tpu.vector_store %arg6[%swap3A, %swap3A_42], %concatenate3A {strides = array<i32>} : memref<1000x128xf32, #tpu.memory_space<vmem>>, vector<1000x128xf32>,
    return
  }
  func.func @transform_0(%arg0: i32) -> (i32, i32, i32) {
    %c0_i32 = arith.constant 0 : i32
    %c0_i32_0 = arith.constant 0 : i32
    %c0_i32_1 = arith.constant 0 : i32
    return %c0_i32, %arg0, %c0_i32_0 : i32, i32, i32
  }
  func.func @transform_1(%arg0: i32) -> (i32, i32) {
    %c0_i32 = arith.constant 0 : i32
    %c0_i32_0 = arith.constant 0 : i32
    return %arg0, %c0_i32 : i32, i32
  }
  func.func @transform_2(%arg0: i32) -> (i32, i32) {
    %c0_i32 = arith.constant 0 : i32
    %c0_i32_0 = arith.constant 0 : i32
    return %arg0, %c0_i32 : i32, i32
  }
  func.func @transform_3(%arg0: i32) -> (i32, i32) {
    %c0_i32 = arith.constant 0 : i32
    %c0_i32_0 = arith.constant 0 : i32
    %c0_i32_1 = arith.constant 0 : i32
    return %c0_i32, %c0_i32_0 : i32, i32
  }
  func.func @transform_4(%arg0: i32) -> (i32, i32) {
    %c0_i32 = arith.constant 0 : i32
    %c0_i32_0 = arith.constant 0 : i32
    %c0_i32_1 = arith.constant 0 : i32
    return %c0_i32, %c0_i32_0 : i32, i32
  }
  func.func @transform_5(%arg0: i32) -> (i32, i32) {
    %c0_i32 = arith.constant 0 : i32
    %c0_i32_0 = arith.constant 0 : i32
    return %arg0, %c0_i32 : i32, i32
  }
}

module attributes {stable_mosaic.version = 14 : i64} {
  func.func @_tc_out_body(%arg0: i32, %arg1: memref<2x1000x128xf32, #tpu.memory_space<vmem>>, %arg2: memref<1000x1xf32, #tpu.memory_space<vmem>>, %arg3: memref<1x16xf32, #tpu.memory_space<vmem>>, %arg4: memref<1000x16xf32, #tpu.memory_space<vmem>>) attributes {dimension_semantics = [#tpu.dimension_semantics<arbitrary>], iteration_bounds = array<i64: 10>, scalar_prefetch = 0 : i64, scratch_operands = 0 : i64, tpu.core_type = #tpu.core_type<tc>, window_params = [{transform_indices = @transform_0, window_bounds = array<i64: 2, 1000, 128>}, {transform_indices = @transform_1, window_bounds = array<i64: 1000, 1>}, {pipeline_mode = #tpu.pipeline_mode<synchronous>, transform_indices = @transform_2, window_bounds = array<i64: 1, 16>}, {transform_indices = @transform_3, window_bounds = array<i64: 1000, 16>}]} {
    %get3A = arith.constant 0 : index
    %get3A_0 = arith.constant 0 : index
    %get3A_1 = vector.load %arg2[%get3A, %get3A_0] : memref<1000x1xf32, #tpu.memory_space<vmem>>, vector<1000x1xf32>
    %gt3A = arith.constant 0.000000e+00 : f32
    %gt3A_2 = vector.broadcast %gt3A : f32 to vector<1000x1xf32>
    %gt3A_3 = arith.cmpf ogt, %get3A_1, %gt3A_2 : vector<1000x1xf32>
    %max3A = arith.constant 1.000000e+00 : f32
    %max3A_4 = vector.broadcast %max3A : f32 to vector<1000x1xf32>
    %max3A_5 = arith.maximumf %get3A_1, %max3A_4 : vector<1000x1xf32>
    %rsqrt3A = math.rsqrt %max3A_5 : vector<1000x1xf32>
    %jit3A = arith.constant 0.000000e+00 : f32
    %broadcast_in_dim3A = vector.broadcast %jit3A : f32 to vector<1000x1xf32>
    %select_n3A = arith.select %gt3A_3, %rsqrt3A, %broadcast_in_dim3A : vector<1000x1xi1>, vector<1000x1xf32>
    %get3A_6 = arith.constant 0 : index
    %get3A_7 = arith.constant 0 : index
    %get3A_8 = arith.constant 0 : index
    %get3A_9 = vector.load %arg1[%get3A_6, %get3A_7, %get3A_8] : memref<2x1000x128xf32, #tpu.memory_space<vmem>>, vector<2x1000x128xf32>
    %slice3A = vector.extract_strided_slice %get3A_9 {offsets = [0, 0, 0], sizes = [1, 1000, 16], strides = [1, 1, 1]} : vector<2x1000x128xf32> to vector<1x1000x16xf32>
    %squeeze3A = vector.shape_cast %slice3A : vector<1x1000x16xf32> to vector<1000x16xf32>
    %slice3A_10 = vector.extract_strided_slice %get3A_9 {offsets = [1, 0, 0], sizes = [1, 1000, 16], strides = [1, 1, 1]} : vector<2x1000x128xf32> to vector<1x1000x16xf32>
    %squeeze3A_11 = vector.shape_cast %slice3A_10 : vector<1x1000x16xf32> to vector<1000x16xf32>
    %add3A = arith.addf %squeeze3A, %squeeze3A_11 : vector<1000x16xf32>
    %mul3A = vector.broadcast %select_n3A : vector<1000x1xf32> to vector<1000x16xf32>
    %mul3A_12 = arith.mulf %add3A, %mul3A : vector<1000x16xf32>
    %get3A_13 = arith.constant 0 : index
    %get3A_14 = arith.constant 0 : index
    %get3A_15 = vector.load %arg3[%get3A_13, %get3A_14] : memref<1x16xf32, #tpu.memory_space<vmem>>, vector<1x16xf32>
    %add3A_16 = vector.broadcast %get3A_15 : vector<1x16xf32> to vector<1000x16xf32>
    %add3A_17 = arith.addf %mul3A_12, %add3A_16 : vector<1000x16xf32>
    %swap3A = arith.constant 0 : index
    %swap3A_18 = arith.constant 0 : index
    %swap3A_19 = vector.load %arg4[%swap3A, %swap3A_18] : memref<1000x16xf32, #tpu.memory_space<vmem>>, vector<1000x16xf32>
    tpu.vector_store %arg4[%swap3A, %swap3A_18], %add3A_17 {strides = array<i32>} : memref<1000x16xf32, #tpu.memory_space<vmem>>, vector<1000x16xf32>,
    return
  }
  func.func @transform_0(%arg0: i32) -> (i32, i32, i32) {
    %c0_i32 = arith.constant 0 : i32
    %c0_i32_0 = arith.constant 0 : i32
    %c0_i32_1 = arith.constant 0 : i32
    return %c0_i32, %arg0, %c0_i32_0 : i32, i32, i32
  }
  func.func @transform_1(%arg0: i32) -> (i32, i32) {
    %c0_i32 = arith.constant 0 : i32
    %c0_i32_0 = arith.constant 0 : i32
    return %arg0, %c0_i32 : i32, i32
  }
  func.func @transform_2(%arg0: i32) -> (i32, i32) {
    %c0_i32 = arith.constant 0 : i32
    %c0_i32_0 = arith.constant 0 : i32
    %c0_i32_1 = arith.constant 0 : i32
    return %c0_i32, %c0_i32_0 : i32, i32
  }
  func.func @transform_3(%arg0: i32) -> (i32, i32) {
    %c0_i32 = arith.constant 0 : i32
    %c0_i32_0 = arith.constant 0 : i32
    return %arg0, %c0_i32 : i32, i32
  }
}

</mosaic_0001>

<sc_bundles>
// kernel: kernel.12.cloned.1.call-start
scs
__scs_entry_jumppad:
0x0: {  	(pc) =	sbr.rel $0x88, $3  }
0x1: {  	(tag) =	ssettag $0x0;
	lr =	simm.s32 $0x1  }
0x2: {  	[smem:$0x3F9B] =	sst lr;
	_ =	strace $0xD0000000  }
0x3: {  	_ = 	snop  }
0x4: {  	_ = 	snop  }
0x5: {  	_ = 	snop  }
0x6: {  	_ = 	snop  }
0x7: {  	_ = 	snop  }
__scs_overlays_trampoline_lowered:
0x8: {  	[smem:$0x3FAA] =	sst s0  }
0x9: {  	[smem:$0x3FAB] =	sst s1  }
0xa: {  	[smem:$0x3FAC] =	sst s2  }
0xb: {  	[smem:$0x3FAD] =	sst s3  }
0xc: {  	[smem:$0x3FAE] =	sst s4  }
0xd: {  	[smem:$0x3FAF] =	sst s5  }
0xe: {  	[smem:$0x3FB0] =	sst s6  }
0xf: {  	[smem:$0x3FB1] =	sst s7  }
0x10: {  	[smem:$0x3FB2] =	sst s8  }
0x11: {  	[smem:$0x3FB3] =	sst s9;
	s0 =	simm.s32 @!p0 $0x0  }
0x12: {  	s1 =	sld [smem:$0x3F99];
	s0 =	simm.s32 @p0 $0x1  }
0x13: {  	[smem:$0x3FB4] =	sst s0;
	s0 =	simm.s32 @!p1 $0x0  }
0x14: {  	s2 =	sld [smem:$0x3F98];
	s0 =	simm.s32 @p1 $0x1  }
0x15: {  	[smem:$0x3FB5] =	sst s0;
	s0 =	simm.s32 @!p2 $0x0  }
0x16: {  	s3 =	sld [smem:$0x3FDB];
	s0 =	simm.s32 @p2 $0x1  }
0x17: {  	s4 =	simm.s32 $0x1BF5;
	[smem:$0x3FB7] =	sst s0  }
0x18: {  	s0 =	sld [smem:$0x3F9A];
	_ =	swait.ge [sflag:s4], $0x0  }
0x19: {  	s7 =	sld [smem:$0x3F9B]  }
0x1a: {  	s8 =	sadd.s32 $0xFFFFE003, lr  }
0x1b: {  	s9 =	sadd.s32 $0xFFFFFEF7, lr;
	s5 =	simm.s32 $0xFFFFFFFF;
	p2 =	slt.u32 s8, $0xFFFFF086  }
0x1c: {  	p1 =	slt.u32 s9, $0xF7A;
	s5 =	simm.s32 @!p2 $0x0  }
0x1d: {  	s5 =	simm.s32 @p1 $0x1;
	p0 =	seq.s32 s7, s2  }
0x1e: {  	s7 =	smul.u32 @!p0 $0xF7A, s2;
	p2 =	seq.s32 @!p0 s5, $0x0  }
0x1f: {  	s9 =	smul.u32 $0xF7A, s1;
	s8 =	simm.s32 @!p0 $0x1BF5;
	p2 =	por !p2, p0  }
0x20: {  	[sflag:s8] =	ssyncset.s32 @!p0 $0xFFFFF086;
	s6 =	sadd.s32 @!p0 s3, s7;
	s7 =	simm.s32 @!p0 $0x108  }
0x21: {  	s3 =	sadd.s32 s3, s9;
	s6 =	sadd.s32 @!p0 $0x88, s6;
	s7 =	simm.s32 @p2 $0x1082  }
0x22: {  	[simem:s7], [sflag:s8] =	dma.local @!p0 [hbm:s6], $0xF7A  }
0x23: {  	s9 =	sor.u32 $0xD0000000, s2;
	s6 =	simm.s32 $0x108;
	_ =	swait.ge @!p0 [sflag:s8], $0x0  }
0x24: {  	s3 =	sadd.s32 $0x88, s3;
	s6 =	simm.s32 @!p1 $0x1082;
	[sflag:s4] =	ssyncset.s32 $0xFFFFF086  }
0x25: {  	[simem:s6], [sflag:s4] =	dma.local [hbm:s3], $0xF7A  }
0x26: {  	[smem:$0x3F9B] =	sst s1;
	(tag) =	ssettag s2;
	_ =	strace s9  }
0x27: {  	s1 =	sld [smem:$0x3FAB]  }
0x28: {  	s2 =	sld [smem:$0x3FAC]  }
0x29: {  	s4 =	sld [smem:$0x3FAE]  }
0x2a: {  	p0 =	seq.s32 s5, $0x0;
	s5 =	sld [smem:$0x3FAF]  }
0x2b: {  	s6 =	sld [smem:$0x3FB0]  }
0x2c: {  	s7 =	sld [smem:$0x3FB1]  }
0x2d: {  	s3 =	simm.s32 $0x108;
	s8 =	sld [smem:$0x3FB2]  }
0x2e: {  	s3 =	simm.s32 @!p0 $0x1082;
	s9 =	sld [smem:$0x3FB3]  }
0x2f: {  	lr =	sadd.s32 s0, s3;
	s0 =	sld [smem:$0x3FAA]  }
0x30: {  	s3 =	sld [smem:$0x3FAD]  }
0x31: {  	[smem:$0x3FB6] =	sst s10  }
0x32: {  	s10 =	sld [smem:$0x3FB4];
	_ =	sdelay $0x3  }
0x33: {  	p0 =	seq.s32 s10, $0x1;
	s10 =	sld [smem:$0x3FB6];
	_ =	sdelay $0x3  }
0x34: {  	[smem:$0x3FB6] =	sst s10  }
0x35: {  	s10 =	sld [smem:$0x3FB5];
	_ =	sdelay $0x3  }
0x36: {  	p1 =	seq.s32 s10, $0x1;
	s10 =	sld [smem:$0x3FB6];
	_ =	sdelay $0x3  }
0x37: {  	[smem:$0x3FB6] =	sst s10  }
0x38: {  	s10 =	sld [smem:$0x3FB7]  }
0x39: {  	_ = 	snop;
	(pc) =	sbr.ind lr, $3  }
0x3a: {  	_ = 	snop  }
0x3b: {  	_ = 	snop  }
0x3c: {  	p2 =	seq.s32 s10, $0x1;
	s10 =	sld [smem:$0x3FB6]  }
0x3d: {  	_ =	shalt  }
0x3e: {  	_ =	shalt  }
0x3f: {  	_ =	shalt  }
0x40: {  	_ =	shalt  }
0x41: {  	_ =	shalt  }
0x42: {  	_ =	shalt  }
0x43: {  	_ =	shalt  }
0x44: {  	_ =	shalt  }
0x45: {  	_ =	shalt  }
0x46: {  	_ =	shalt  }
0x47: {  	_ =	shalt  }
0x48: {  	_ =	shalt  }
0x49: {  	_ =	shalt  }
0x4a: {  	_ =	shalt  }
0x4b: {  	_ =	shalt  }
0x4c: {  	_ =	shalt  }
0x4d: {  	_ =	shalt  }
0x4e: {  	_ =	shalt  }
0x4f: {  	_ =	shalt  }
0x50: {  	_ =	shalt  }
0x51: {  	_ =	shalt  }
0x52: {  	_ =	shalt  }
0x53: {  	_ =	shalt  }
0x54: {  	_ =	shalt  }
0x55: {  	_ =	shalt  }
0x56: {  	_ =	shalt  }
0x57: {  	_ =	shalt  }
0x58: {  	_ =	shalt  }
0x59: {  	_ =	shalt  }
0x5a: {  	_ =	shalt  }
0x5b: {  	_ =	shalt  }
0x5c: {  	_ =	shalt  }
0x5d: {  	_ =	shalt  }
0x5e: {  	_ =	shalt  }
0x5f: {  	_ =	shalt  }
0x60: {  	_ =	shalt  }
0x61: {  	_ =	shalt  }
0x62: {  	_ =	shalt  }
0x63: {  	_ =	shalt  }
0x64: {  	_ =	shalt  }
0x65: {  	_ =	shalt  }
0x66: {  	_ =	shalt  }
0x67: {  	_ =	shalt  }
0x68: {  	_ =	shalt  }
0x69: {  	_ =	shalt  }
0x6a: {  	_ =	shalt  }
0x6b: {  	_ =	shalt  }
0x6c: {  	_ =	shalt  }
0x6d: {  	_ =	shalt  }
0x6e: {  	_ =	shalt  }
0x6f: {  	_ =	shalt  }
0x70: {  	_ =	shalt  }
0x71: {  	_ =	shalt  }
0x72: {  	_ =	shalt  }
0x73: {  	_ =	shalt  }
0x74: {  	_ =	shalt  }
0x75: {  	_ =	shalt  }
0x76: {  	_ =	shalt  }
0x77: {  	_ =	shalt  }
0x78: {  	_ =	shalt  }
0x79: {  	_ =	shalt  }
0x7a: {  	_ =	shalt  }
0x7b: {  	_ =	shalt  }
0x7c: {  	_ =	shalt  }
0x7d: {  	_ =	shalt  }
0x7e: {  	_ =	shalt  }
0x7f: {  	_ =	shalt  }
0x80: {  	_ =	shalt  }
0x81: {  	_ =	shalt  }
0x82: {  	_ =	shalt  }
0x83: {  	_ =	shalt  }
0x84: {  	_ =	shalt  }
0x85: {  	_ =	shalt  }
0x86: {  	_ =	shalt  }
0x87: {  	_ =	shalt  }
.Lfunc_end0:
.L_simem_size_0:
called_computation.1_lowered:
.L_overlay_start_0:
0x88: {  	s2 =	sld [smem:$0x3FD9]  }
0x89: {  	s3 =	sld [smem:$0x3FFE];
	_ =	sdelay $0x1  }
0x8a: {  	s1 =	srdreg.scid  }
0x8b: {  	s0 =	sand.u32 $0x1, s1  }
0x8c: {  	s16 =	sshll.u32 s0, $0xA;
	s2 =	sadd.s32 s3, s2  }
0x8d: {  	s2 =	sadd.s32 s2, s16  }
0x8e: {  	[smem:$0x3FC2] =	sst s2  }
0x8f: {  	_ = 	snop  }
0x90: {  	(tm) =	ssettm $0x1  }
0x91: {  	s17 =	sld [smem:$0x3FFB];
	_ =	sdelay $0x3  }
0x92: {  	_ =	strace s17  }
0x93: {  	s2 =	sld [smem:$0x3FFC];
	_ =	sdelay $0x3  }
0x94: {  	_ =	strace s2  }
0x95: {  	s2 =	sld [smem:$0x3FFD];
	_ =	sdelay $0x3  }
0x96: {  	_ =	strace s2  }
0x97: {  	_ =	strace $0x8FFFFFFF  }
0x98: {  	s18 =	sld [smem:$0x3FDB];
	_ =	sdelay $0x1  }
0x99: {  	s19 =	simm.s32 $_scs_section_size  }
0x9a: {  	s4 =	simm.s32 $_size__tile_overlayer_lowered;
	s5 =	simm.s32 $_tile_overlayer_lowered  }
0x9b: {  	s22 =	simm.s32 $0x1BFF;
	s21 =	sshll.u32 s5, $0x1;
	s2 =	sadd.s32 s19, s18  }
0x9c: {  	s6 =	simm.s32 $0x0;
	s20 =	sshll.u32 s4, $0x1;
	s4 =	sadd.s32 s21, s2  }
0x9d: {  	[timem:s6], [sflag:s22] =	dma.local [hbm:s4], s20  }
0x9e: {  	_ =	swait.ge [sflag:s22], s20  }
0x9f: {  	s3 =	ssub.s32 $0x0, s20;
	[sflag:s22] =	ssyncset.done $0x0  }
0xa0: {  	[sflag:s22] =	ssyncadd.s32 s3;
	_ =	sdelay $0x1  }
0xa1: {  	s23 =	simm.s32 $0x1B8B  }
0xa2: {  	_ =	swait.ge [sflag:s23], $0x1  }
0xa3: {  	[sflag:s23] =	ssyncset.done $0x0  }
0xa4: {  	s25 =	simm.s32 $0x1B8E;
	s24 =	sld [smem:$0x3FFE];
	[sflag:s23] =	ssyncadd.s32 $0xFFFFFFFF  }
0xa5: {  	s26 =	simm.s32 $execute0_lowered;
	[smem:$0x3FD2] =	sst s25  }
0xa6: {  	s4 =	sshll.u32 s26, $0x1;
	_ =	strace $0x80000049;
	[dreg:$0x1] =	wrdreg $0xFFFFFFFF  }
0xa7: {  	s28 =	simm.s32 $_size_execute0_lowered;
	s2 =	sadd.s32 s2, s4;
	[dreg:$0x0] =	wrdreg $0x0  }
0xa8: {  	s4 =	sshll.u32 s28, $0x1;
	[dreg:$0x2] =	wrdreg s2  }
0xa9: {  	[dreg:$0x3] =	wrdreg s4  }
0xaa: {  	[dreg:$0x4] =	wrdreg $0xC0  }
0xab: {  	_ =	task [dreg:s6], $0x5FFFF  }
0xac: {  	[dreg:$0x1] =	wrdreg $0xFFFFFFFF  }
0xad: {  	[dreg:$0x0] =	wrdreg $0x60  }
0xae: {  	[dreg:$0x2] =	wrdreg s24  }
0xaf: {  	[dreg:$0x3] =	wrdreg $0xC0000  }
0xb0: {  	[dreg:$0x4] =	wrdreg $0x9  }
0xb1: {  	_ =	task.clear_ibuf [dreg:s6], $0x5FFFF;
	_ =	strace $0x90000049  }
0xb2: {  	s29 =	simm.s32 $0x9;
	_ =	strace $0x8000004B  }
0xb3: {  	_ =	swait.ge [sflag:s29], $0x1  }
0xb4: {  	[sflag:s29] =	ssyncadd.s32 $0xFFFFFFFF  }
0xb5: {  	_ =	strace $0x9000004B  }
0xb6: {  	_ =	sfence  }
0xb7: {  	s30 =	sld [smem:$0x0];
	_ =	sdelay $0x2  }
0xb8: {  	s31 =	sshll.u32 s1, $0xD;
	s1 =	sshrl.u32 s1, $0x2  }
0xb9: {  	s3 =	sand.u32 $0x4000, s31;
	s1 =	sadd.s32 s1, s30  }
0xba: {  	s0 =	sor.u32 s3, s0;
	s1 =	sshll.u32 s1, $0x11  }
0xbb: {  	s0 =	sor.u32 s1, s0  }
0xbc: {  	s0 =	sadd.s32 $0x8F2B, s0  }
0xbd: {  	[sflag:s0] =	ssyncadd.remote.s32 $0x1  }
0xbe: {  	_ =	sfence.sel $0xFFFF  }
0xbf: {  	[dreg:$0x0] =	wrdreg $0xFFFFFFFF;
	(pc) =	sbr.abs _section_cstart, $3  }
0xc0: {  	[dreg:$0x1] =	wrdreg $0xFFFFFFFF  }
0xc1: {  	_ =	task.clear_ibuf [dreg:s6], $0x2FFFF;
	_ =	strace $0x9FFFFFFF  }
0xc2: {  	(tm) =	ssettm $0x7FFFFFFF  }
0xc3: {  	_ =	shalt  }
tec
execute0_lowered:
.L_overlay_start_1:
0x0: {  	(tag) =	ssettag $0x1  }
0x1: {  	s0 =	rddreg [dreg:$0x0]  }
0x2: {  	s2 =	rddreg [dreg:$0x1]  }
0x3: {  	s3 =	simm.s32 $0x0;
	s11 =	stileid.u32;
	s5 =	srdreg.scid  }
0x4: {  	s28 =	simm.s32 $0x80;
	s29 =	simm.s32 $0x8000;
	s30 =	simm.s32 $0x1  }
0x5: {  	s31 =	simm.s32 $0x2;
	[smem:$0x7FF] =	sst s3;
	s1 =	smul.u32 $0x2800, s11  }
0x6: {  	s8 =	sadd.s32 $0x2600, s0;
	s4 =	sadd.s32 $0x3D200, s0;
	s5 =	sand.u32 $0x1, s5  }
0x7: {  	s9 =	sshll.u32 s11, $0x1;
	s16 =	smul.u32 $0x50000, s11;
	s22 =	sshll.u32 s11, $0x6  }
0x8: {  	s25 =	sadd.s32 $0x29600, s0;
	_ =	strace $0x8000004A;
	s7 =	smul.u32 $0x28000, s5  }
0x9: {  	s10 =	ssub.s32 $0x2, s5;
	s12 =	sor.u32 s5, s9;
	s9 =	sadd.s32 $0xC280, s0  }
0xa: {  	[dreg:$0x7] =	wrdreg s25;
	s25 =	simm.s32 $0x4000;
	s6 =	sadd.s32 s1, s0  }
0xb: {  	s19 =	sshrl.u32 s10, $0x1;
	s5 =	smul.u32 $0x500, s12;
	s20 =	sshrl.u32 s16, $0x2  }
0xc: {  	s21 =	smul.u32 $0x2800, s12;
	p0 =	seq.s32 s12, $0x1F;
	s17 =	sadd.s32 s7, s0  }
0xd: {  	s18 =	ssub.s32 s10, s19;
	s19 =	sadd.s32 s20, s2;
	s6 =	sadd.s32 $0x64400, s6  }
0xe: {  	s7 =	sor.u32 $0x1C03, s22;
	s0 =	sadd.s32 $0x29880, s0;
	s20 =	simm.s32 $0x1780  }
0xf: {  	s22 =	simm.s32 $0x0;
	s23 =	sadd.s32 s8, s5;
	s14 =	sshrl.u32 s21, $0x3  }
0x10: {  	s26 =	sadd.s32 $0x8C400, s17;
	s17 =	smax.u32 s18, $0x1;
	s18 =	sshrl.u32 s19, $0x3  }
0x11: {  	s19 =	simm.s32 $0x3;
	[dreg:$0x3] =	wrdreg s23;
	s10 =	sadd.s32 $0x180, s14  }
.Ltmp0:
0x12: {  	s11 =	sadd.s32 $0x300, s14;
	s13 =	sadd.s32 s8, s10;
	(pc) =	sbr.rel .LBB2_1-.Ltmp0, $4  }
0x13: {  	s14 =	sadd.s32 $0x480, s14;
	s24 =	sadd.s32 s8, s11;
	[dreg:$0x4] =	wrdreg s13  }
0x14: {  	s21 =	sadd.s32 $0x13600, s0;
	s8 =	sadd.s32 s8, s14;
	[dreg:$0x5] =	wrdreg s24  }
0x15: {  	s0 =	simm.s32 $0xB80;
	s23 =	simm.s32 $0x40;
	[dreg:$0x6] =	wrdreg s8  }
0x16: {  	s24 =	sadd.s32 s1, s26;
	s26 =	simm.s32 $0xC00;
	s1 =	simm.s32 $0x1700  }
.LBB2_11:
0x17: {  	s12 =	sadd.s32 $0x1800, s8;
	[sflag:s19] =	ssyncadd.s32 $0xFFFFE000  }
0x18: {  	[tilespmem:s25], [sflag:$0x3] =	stream.indirect.gather [hbm4b:s4+s23], $0x80, s12, s23, $0xb8;
	v63 =	vld [tilespmem:$0x0]  }
0x19: {  	_ =	swait.ge [sflag:s19], $0x2000  }
0x1a: {  	[sflag:s19] =	ssyncset.done $0x0  }
0x1b: {  	s16 =	sadd.s32 $0x2C00, s8;
	[sflag:s19] =	ssyncadd.s32 $0xFFFFE000  }
0x1c: {  	[spmem:s2] =	stream.indirect.scatter.add.f32 [tilespmem:s25], [sflag:$0x3], $0x80, s16, s23, $0xb8;
	v63 =	vld [tilespmem:$0x0]  }
0x1d: {  	_ =	swait.ge [sflag:s19], $0x2000  }
0x1e: {  	[sflag:s19] =	ssyncset.done $0x0  }
0x1f: {  	[sflag:s19] =	ssyncadd.s32 $0xFFFFE000  }
.LBB2_12:
0x20: {  	s22 =	sadd.s32 $0x1, s22  }
0x21: {  	p1 =	sne.s32 s22, s17  }
.Ltmp1:
0x22: {  	[bflag:$0x0] =	sbarrier.arrive $0xFFFF;
	(pc) =	sbr.rel @!p1 .LBB2_13-.Ltmp1, $4  }
0x23: {  	[hbm:s24], [sflag:s7] =	dma.local [spmem:s18], $0x2800  }
0x24: {  	_ =	swait.ge [sflag:s19], $0x2800  }
0x25: {  	[sflag:s19] =	ssyncset.done $0x0  }
0x26: {  	[sflag:s19] =	ssyncadd.s32 $0xFFFFD800  }
.LBB2_1:
0x27: {  	[spmem:s18], [sflag:s7] =	dma.local [hbm:s6], $0x2800  }
.Ltmp2:
0x28: {  	_ =	swait.ge [sflag:s19], $0x2800;
	(pc) =	sbr.rel @!p0 .LBB2_2-.Ltmp2, $4  }
0x29: {  	[sflag:s19] =	ssyncset.done $0x0  }
0x2a: {  	[sflag:s19] =	ssyncadd.s32 $0xFFFFD800  }
0x2b: {  	[bflag:$0x0] =	sbarrier.arrive $0xFFFF  }
0x2c: {  	s8 =	simm.s32 $0x0  }
0x2d: {  	s12 =	rddreg [dreg:$0x7];
	s13 =	simm.s32 $0x1800  }
0x2e: {  	[tilespmem:s13], [sflag:$0x3] =	stream.linear.gather [hbm4b:s12+s8], $0x1400, $0x38;
	v63 =	vld [tilespmem:$0x0]  }
0x2f: {  	_ =	swait.ge [sflag:s19], $0x1400  }
0x30: {  	[sflag:s19] =	ssyncset.done $0x0  }
0x31: {  	s13 =	simm.s32 $0x2C00;
	[sflag:s19] =	ssyncadd.s32 $0xFFFFEC00  }
0x32: {  	[tilespmem:s13], [sflag:$0x3] =	stream.linear.gather [hbm4b:s21+s8], $0x1400, $0x38;
	v63 =	vld [tilespmem:$0x0]  }
0x33: {  	_ =	swait.ge [sflag:s19], $0x1400  }
0x34: {  	[sflag:s19] =	ssyncset.done $0x0  }
0x35: {  	s15 =	simm.s32 $0x1800;
	[sflag:s19] =	ssyncadd.s32 $0xFFFFEC00  }
0x36: {  	[tilespmem:s25], [sflag:$0x3] =	stream.indirect.gather [hbm4b:s4+s23], $0x80, s15, s23, $0xb8;
	v63 =	vld [tilespmem:$0x0]  }
0x37: {  	_ =	swait.ge [sflag:s19], $0x2000  }
0x38: {  	[sflag:s19] =	ssyncset.done $0x0  }
0x39: {  	s16 =	simm.s32 $0x2C00;
	[sflag:s19] =	ssyncadd.s32 $0xFFFFE000  }
0x3a: {  	[spmem:s2] =	stream.indirect.scatter.add.f32 [tilespmem:s25], [sflag:$0x3], $0x80, s16, s23, $0xb8;
	v63 =	vld [tilespmem:$0x0]  }
0x3b: {  	_ =	swait.ge [sflag:s19], $0x2000  }
0x3c: {  	s12 =	simm.s32 $0x400;
	s8 =	simm.s32 $0x80;
	[sflag:s19] =	ssyncset.done $0x0  }
.LBB2_10:
0x3d: {  	s13 =	sadd.s32 $0x1800, s8  }
0x3e: {  	[sflag:s19] =	ssyncadd.s32 $0xFFFFE000;
	s15 =	smov.u32 s12;
	s16 =	sadd.s32 $0x200, s12  }
0x3f: {  	[tilespmem:s25], [sflag:$0x3] =	stream.indirect.gather [hbm4b:s4+s23], $0x80, s13, s23, $0xb8;
	v63 =	vld [tilespmem:$0x0]  }
0x40: {  	p1 =	sne.s32 s12, $0x4E00;
	_ =	swait.ge [sflag:s19], $0x2000  }
.Ltmp3:
0x41: {  	[sflag:s19] =	ssyncset.done $0x0;
	(pc) =	sbr.rel @p1 .LBB2_10-.Ltmp3, $4  }
0x42: {  	s8 =	sadd.s32 $0x2C00, s8;
	[sflag:s19] =	ssyncadd.s32 $0xFFFFE000  }
0x43: {  	[spmem:s2] =	stream.indirect.scatter.add.f32 [tilespmem:s25], [sflag:$0x3], $0x80, s8, s23, $0xb8;
	v63 =	vld [tilespmem:$0x0]  }
0x44: {  	_ =	swait.ge [sflag:s19], $0x2000  }
0x45: {  	s12 =	smov.u32 s16;
	s8 =	sshra.s32 s15, $0x2;
	[sflag:s19] =	ssyncset.done $0x0  }
.Ltmp4:
0x46: {  	_ = 	snop;
	(pc) =	sbr.rel .LBB2_11-.Ltmp4, $1  }
0x47: {  	_ =	sdelay $0x3  }
.LBB2_2:
0x48: {  	s12 =	rddreg [dreg:$0x3]  }
0x49: {  	[tilespmem:s8], [sflag:$0x3] =	stream.linear.gather [hbm4b:s12+s8], $0xC00, $0x38;
	v63 =	vld [tilespmem:$0x0]  }
0x4a: {  	_ =	swait.ge [sflag:s19], $0xC00  }
0x4b: {  	[sflag:s19] =	ssyncset.done $0x0  }
0x4c: {  	s16 =	sadd.s32 s5, s9;
	[sflag:s19] =	ssyncadd.s32 $0xFFFFF400  }
0x4d: {  	[tilespmem:s26], [sflag:$0x3] =	stream.linear.gather [hbm4b:s16+s8], $0xC00, $0x38;
	v63 =	vld [tilespmem:$0x0]  }
0x4e: {  	_ =	swait.ge [sflag:s19], $0xC00  }
0x4f: {  	[sflag:s19] =	ssyncset.done $0x0  }
0x50: {  	[sflag:s19] =	ssyncadd.s32 $0xFFFFF400  }
0x51: {  	[tilespmem:s25], [sflag:$0x1] =	stream.indirect.gather [hbm4b:s4+s28], $0x80, s8, s28, $0xb8;
	v63 =	vld [tilespmem:$0x0]  }
0x52: {  	s12 =	simm.s32 $0x80  }
0x53: {  	[tilespmem:s29], [sflag:$0x2] =	stream.indirect.gather [hbm4b:s4+s28], $0x80, s12, s28, $0xb8;
	v63 =	vld [tilespmem:$0x0]  }
0x54: {  	_ =	swait.ge [sflag:s30], $0x4000  }
0x55: {  	[sflag:s30] =	ssyncset.done $0x0  }
0x56: {  	s13 =	simm.s32 $0xC00;
	[sflag:s30] =	ssyncadd.s32 $0xFFFFC000  }
0x57: {  	[spmem:s2] =	stream.indirect.scatter.add.f32 [tilespmem:s25], [sflag:$0x3], $0x80, s13, s28, $0xb8;
	v63 =	vld [tilespmem:$0x0]  }
0x58: {  	_ =	swait.ge [sflag:s19], $0x4000  }
0x59: {  	[sflag:s19] =	ssyncset.done $0x0  }
0x5a: {  	s15 =	simm.s32 $0x100;
	[sflag:s19] =	ssyncadd.s32 $0xFFFFC000  }
0x5b: {  	[tilespmem:s25], [sflag:$0x1] =	stream.indirect.gather [hbm4b:s4+s28], $0x80, s15, s28, $0xb8;
	v63 =	vld [tilespmem:$0x0]  }
0x5c: {  	_ =	swait.ge [sflag:s31], $0x4000  }
0x5d: {  	[sflag:s31] =	ssyncset.done $0x0  }
0x5e: {  	s16 =	simm.s32 $0xC80;
	[sflag:s31] =	ssyncadd.s32 $0xFFFFC000  }
0x5f: {  	[spmem:s2] =	stream.indirect.scatter.add.f32 [tilespmem:s29], [sflag:$0x3], $0x80, s16, s28, $0xb8;
	v63 =	vld [tilespmem:$0x0]  }
0x60: {  	_ =	swait.ge [sflag:s19], $0x4000  }
0x61: {  	s8 =	simm.s32 $0x100;
	s12 =	simm.s32 $0x800;
	[sflag:s19] =	ssyncset.done $0x0  }
.LBB2_3:
0x62: {  	s13 =	sadd.s32 $0x80, s8  }
0x63: {  	[sflag:s19] =	ssyncadd.s32 $0xFFFFC000;
	s15 =	smov.u32 s12;
	s16 =	sadd.s32 $0x400, s12  }
0x64: {  	[tilespmem:s29], [sflag:$0x2] =	stream.indirect.gather [hbm4b:s4+s28], $0x80, s13, s28, $0xb8;
	v63 =	vld [tilespmem:$0x0]  }
0x65: {  	p1 =	sne.s32 s12, $0x2800;
	_ =	swait.ge [sflag:s30], $0x4000  }
0x66: {  	[sflag:s30] =	ssyncset.done $0x0  }
0x67: {  	s12 =	sadd.s32 $0xC00, s8;
	[sflag:s30] =	ssyncadd.s32 $0xFFFFC000  }
0x68: {  	[spmem:s2] =	stream.indirect.scatter.add.f32 [tilespmem:s25], [sflag:$0x3], $0x80, s12, s28, $0xb8;
	v63 =	vld [tilespmem:$0x0]  }
0x69: {  	_ =	swait.ge [sflag:s19], $0x4000  }
0x6a: {  	[sflag:s19] =	ssyncset.done $0x0  }
0x6b: {  	s12 =	sadd.s32 $0x100, s8;
	[sflag:s19] =	ssyncadd.s32 $0xFFFFC000  }
0x6c: {  	[tilespmem:s25], [sflag:$0x1] =	stream.indirect.gather [hbm4b:s4+s28], $0x80, s12, s28, $0xb8;
	v63 =	vld [tilespmem:$0x0]  }
0x6d: {  	_ =	swait.ge [sflag:s31], $0x4000  }
.Ltmp5:
0x6e: {  	[sflag:s31] =	ssyncset.done $0x0;
	(pc) =	sbr.rel @p1 .LBB2_3-.Ltmp5, $4  }
0x6f: {  	s8 =	sadd.s32 $0xC80, s8;
	[sflag:s31] =	ssyncadd.s32 $0xFFFFC000  }
0x70: {  	[spmem:s2] =	stream.indirect.scatter.add.f32 [tilespmem:s29], [sflag:$0x3], $0x80, s8, s28, $0xb8;
	v63 =	vld [tilespmem:$0x0]  }
0x71: {  	_ =	swait.ge [sflag:s19], $0x4000  }
0x72: {  	s12 =	smov.u32 s16;
	s8 =	sshra.s32 s15, $0x2;
	[sflag:s19] =	ssyncset.done $0x0  }
0x73: {  	s12 =	sadd.s32 $0x80, s8;
	[sflag:s19] =	ssyncadd.s32 $0xFFFFC000  }
0x74: {  	[tilespmem:s29], [sflag:$0x2] =	stream.indirect.gather [hbm4b:s4+s28], $0x80, s12, s28, $0xb8;
	v63 =	vld [tilespmem:$0x0]  }
0x75: {  	_ =	swait.ge [sflag:s30], $0x4000  }
0x76: {  	[sflag:s30] =	ssyncset.done $0x0  }
0x77: {  	s15 =	sadd.s32 $0xC00, s8;
	[sflag:s30] =	ssyncadd.s32 $0xFFFFC000  }
0x78: {  	[spmem:s2] =	stream.indirect.scatter.add.f32 [tilespmem:s25], [sflag:$0x3], $0x80, s15, s28, $0xb8;
	v63 =	vld [tilespmem:$0x0]  }
0x79: {  	_ =	swait.ge [sflag:s19], $0x4000  }
0x7a: {  	[sflag:s19] =	ssyncset.done $0x0  }
0x7b: {  	s16 =	sadd.s32 $0x100, s8;
	[sflag:s19] =	ssyncadd.s32 $0xFFFFC000  }
0x7c: {  	[tilespmem:s25], [sflag:$0x1] =	stream.indirect.gather [hbm4b:s4+s28], $0x80, s16, s28, $0xb8;
	v63 =	vld [tilespmem:$0x0]  }
0x7d: {  	_ =	swait.ge [sflag:s31], $0x4000  }
0x7e: {  	[sflag:s31] =	ssyncset.done $0x0  }
0x7f: {  	s12 =	sadd.s32 $0xC80, s8;
	[sflag:s31] =	ssyncadd.s32 $0xFFFFC000  }
0x80: {  	[spmem:s2] =	stream.indirect.scatter.add.f32 [tilespmem:s29], [sflag:$0x3], $0x80, s12, s28, $0xb8;
	v63 =	vld [tilespmem:$0x0]  }
0x81: {  	_ =	swait.ge [sflag:s19], $0x4000  }
0x82: {  	[sflag:s19] =	ssyncset.done $0x0  }
0x83: {  	[sflag:s19] =	ssyncadd.s32 $0xFFFFC000  }
0x84: {  	[tilespmem:s29], [sflag:$0x2] =	stream.indirect.gather [hbm4b:s4+s28], $0x80, s0, s28, $0xb8;
	v63 =	vld [tilespmem:$0x0]  }
0x85: {  	_ =	swait.ge [sflag:s30], $0x4000  }
0x86: {  	[sflag:s30] =	ssyncset.done $0x0  }
0x87: {  	[sflag:s30] =	ssyncadd.s32 $0xFFFFC000  }
0x88: {  	[spmem:s2] =	stream.indirect.scatter.add.f32 [tilespmem:s25], [sflag:$0x3], $0x80, s1, s28, $0xb8;
	v63 =	vld [tilespmem:$0x0]  }
0x89: {  	_ =	swait.ge [sflag:s19], $0x4000  }
0x8a: {  	[sflag:s19] =	ssyncset.done $0x0  }
0x8b: {  	[sflag:s19] =	ssyncadd.s32 $0xFFFFC000  }
0x8c: {  	_ =	swait.ge [sflag:s31], $0x4000  }
0x8d: {  	[sflag:s31] =	ssyncset.done $0x0  }
0x8e: {  	[sflag:s31] =	ssyncadd.s32 $0xFFFFC000  }
0x8f: {  	[spmem:s2] =	stream.indirect.scatter.add.f32 [tilespmem:s29], [sflag:$0x3], $0x80, s20, s28, $0xb8;
	v63 =	vld [tilespmem:$0x0]  }
0x90: {  	_ =	swait.ge [sflag:s19], $0x4000  }
0x91: {  	[sflag:s19] =	ssyncset.done $0x0  }
0x92: {  	s13 =	simm.s32 $0x0;
	s15 =	rddreg [dreg:$0x4];
	[sflag:s19] =	ssyncadd.s32 $0xFFFFC000  }
0x93: {  	[tilespmem:s13], [sflag:$0x3] =	stream.linear.gather [hbm4b:s15+s13], $0xC00, $0x38;
	v63 =	vld [tilespmem:$0x0]  }
0x94: {  	_ =	swait.ge [sflag:s19], $0xC00  }
0x95: {  	[sflag:s19] =	ssyncset.done $0x0  }
0x96: {  	s16 =	sadd.s32 s10, s9;
	[sflag:s19] =	ssyncadd.s32 $0xFFFFF400  }
0x97: {  	[tilespmem:s26], [sflag:$0x3] =	stream.linear.gather [hbm4b:s16+s13], $0xC00, $0x38;
	v63 =	vld [tilespmem:$0x0]  }
0x98: {  	_ =	swait.ge [sflag:s19], $0xC00  }
0x99: {  	[sflag:s19] =	ssyncset.done $0x0  }
0x9a: {  	[sflag:s19] =	ssyncadd.s32 $0xFFFFF400  }
0x9b: {  	[tilespmem:s25], [sflag:$0x1] =	stream.indirect.gather [hbm4b:s4+s28], $0x80, s13, s28, $0xb8;
	v63 =	vld [tilespmem:$0x0]  }
0x9c: {  	s12 =	simm.s32 $0x80  }
0x9d: {  	[tilespmem:s29], [sflag:$0x2] =	stream.indirect.gather [hbm4b:s4+s28], $0x80, s12, s28, $0xb8;
	v63 =	vld [tilespmem:$0x0]  }
0x9e: {  	_ =	swait.ge [sflag:s30], $0x4000  }
0x9f: {  	[sflag:s30] =	ssyncset.done $0x0  }
0xa0: {  	s13 =	simm.s32 $0xC00;
	[sflag:s30] =	ssyncadd.s32 $0xFFFFC000  }
0xa1: {  	[spmem:s2] =	stream.indirect.scatter.add.f32 [tilespmem:s25], [sflag:$0x3], $0x80, s13, s28, $0xb8;
	v63 =	vld [tilespmem:$0x0]  }
0xa2: {  	_ =	swait.ge [sflag:s19], $0x4000  }
0xa3: {  	[sflag:s19] =	ssyncset.done $0x0  }
0xa4: {  	s15 =	simm.s32 $0x100;
	[sflag:s19] =	ssyncadd.s32 $0xFFFFC000  }
0xa5: {  	[tilespmem:s25], [sflag:$0x1] =	stream.indirect.gather [hbm4b:s4+s28], $0x80, s15, s28, $0xb8;
	v63 =	vld [tilespmem:$0x0]  }
0xa6: {  	_ =	swait.ge [sflag:s31], $0x4000  }
0xa7: {  	[sflag:s31] =	ssyncset.done $0x0  }
0xa8: {  	s16 =	simm.s32 $0xC80;
	[sflag:s31] =	ssyncadd.s32 $0xFFFFC000  }
0xa9: {  	[spmem:s2] =	stream.indirect.scatter.add.f32 [tilespmem:s29], [sflag:$0x3], $0x80, s16, s28, $0xb8;
	v63 =	vld [tilespmem:$0x0]  }
0xaa: {  	_ =	swait.ge [sflag:s19], $0x4000  }
0xab: {  	s8 =	simm.s32 $0x100;
	s12 =	simm.s32 $0x800;
	[sflag:s19] =	ssyncset.done $0x0  }
.LBB2_5:
0xac: {  	s13 =	sadd.s32 $0x80, s8  }
0xad: {  	[sflag:s19] =	ssyncadd.s32 $0xFFFFC000;
	s15 =	smov.u32 s12;
	s16 =	sadd.s32 $0x400, s12  }
0xae: {  	[tilespmem:s29], [sflag:$0x2] =	stream.indirect.gather [hbm4b:s4+s28], $0x80, s13, s28, $0xb8;
	v63 =	vld [tilespmem:$0x0]  }
0xaf: {  	p1 =	sne.s32 s12, $0x2800;
	_ =	swait.ge [sflag:s30], $0x4000  }
0xb0: {  	[sflag:s30] =	ssyncset.done $0x0  }
0xb1: {  	s12 =	sadd.s32 $0xC00, s8;
	[sflag:s30] =	ssyncadd.s32 $0xFFFFC000  }
0xb2: {  	[spmem:s2] =	stream.indirect.scatter.add.f32 [tilespmem:s25], [sflag:$0x3], $0x80, s12, s28, $0xb8;
	v63 =	vld [tilespmem:$0x0]  }
0xb3: {  	_ =	swait.ge [sflag:s19], $0x4000  }
0xb4: {  	[sflag:s19] =	ssyncset.done $0x0  }
0xb5: {  	s12 =	sadd.s32 $0x100, s8;
	[sflag:s19] =	ssyncadd.s32 $0xFFFFC000  }
0xb6: {  	[tilespmem:s25], [sflag:$0x1] =	stream.indirect.gather [hbm4b:s4+s28], $0x80, s12, s28, $0xb8;
	v63 =	vld [tilespmem:$0x0]  }
0xb7: {  	_ =	swait.ge [sflag:s31], $0x4000  }
.Ltmp6:
0xb8: {  	[sflag:s31] =	ssyncset.done $0x0;
	(pc) =	sbr.rel @p1 .LBB2_5-.Ltmp6, $4  }
0xb9: {  	s8 =	sadd.s32 $0xC80, s8;
	[sflag:s31] =	ssyncadd.s32 $0xFFFFC000  }
0xba: {  	[spmem:s2] =	stream.indirect.scatter.add.f32 [tilespmem:s29], [sflag:$0x3], $0x80, s8, s28, $0xb8;
	v63 =	vld [tilespmem:$0x0]  }
0xbb: {  	_ =	swait.ge [sflag:s19], $0x4000  }
0xbc: {  	s12 =	smov.u32 s16;
	s8 =	sshra.s32 s15, $0x2;
	[sflag:s19] =	ssyncset.done $0x0  }
0xbd: {  	s12 =	sadd.s32 $0x80, s8;
	[sflag:s19] =	ssyncadd.s32 $0xFFFFC000  }
0xbe: {  	[tilespmem:s29], [sflag:$0x2] =	stream.indirect.gather [hbm4b:s4+s28], $0x80, s12, s28, $0xb8;
	v63 =	vld [tilespmem:$0x0]  }
0xbf: {  	_ =	swait.ge [sflag:s30], $0x4000  }
0xc0: {  	[sflag:s30] =	ssyncset.done $0x0  }
0xc1: {  	s15 =	sadd.s32 $0xC00, s8;
	[sflag:s30] =	ssyncadd.s32 $0xFFFFC000  }
0xc2: {  	[spmem:s2] =	stream.indirect.scatter.add.f32 [tilespmem:s25], [sflag:$0x3], $0x80, s15, s28, $0xb8;
	v63 =	vld [tilespmem:$0x0]  }
0xc3: {  	_ =	swait.ge [sflag:s19], $0x4000  }
0xc4: {  	[sflag:s19] =	ssyncset.done $0x0  }
0xc5: {  	s16 =	sadd.s32 $0x100, s8;
	[sflag:s19] =	ssyncadd.s32 $0xFFFFC000  }
0xc6: {  	[tilespmem:s25], [sflag:$0x1] =	stream.indirect.gather [hbm4b:s4+s28], $0x80, s16, s28, $0xb8;
	v63 =	vld [tilespmem:$0x0]  }
0xc7: {  	_ =	swait.ge [sflag:s31], $0x4000  }
0xc8: {  	[sflag:s31] =	ssyncset.done $0x0  }
0xc9: {  	s12 =	sadd.s32 $0xC80, s8;
	[sflag:s31] =	ssyncadd.s32 $0xFFFFC000  }
0xca: {  	[spmem:s2] =	stream.indirect.scatter.add.f32 [tilespmem:s29], [sflag:$0x3], $0x80, s12, s28, $0xb8;
	v63 =	vld [tilespmem:$0x0]  }
0xcb: {  	_ =	swait.ge [sflag:s19], $0x4000  }
0xcc: {  	[sflag:s19] =	ssyncset.done $0x0  }
0xcd: {  	[sflag:s19] =	ssyncadd.s32 $0xFFFFC000  }
0xce: {  	[tilespmem:s29], [sflag:$0x2] =	stream.indirect.gather [hbm4b:s4+s28], $0x80, s0, s28, $0xb8;
	v63 =	vld [tilespmem:$0x0]  }
0xcf: {  	_ =	swait.ge [sflag:s30], $0x4000  }
0xd0: {  	[sflag:s30] =	ssyncset.done $0x0  }
0xd1: {  	[sflag:s30] =	ssyncadd.s32 $0xFFFFC000  }
0xd2: {  	[spmem:s2] =	stream.indirect.scatter.add.f32 [tilespmem:s25], [sflag:$0x3], $0x80, s1, s28, $0xb8;
	v63 =	vld [tilespmem:$0x0]  }
0xd3: {  	_ =	swait.ge [sflag:s19], $0x4000  }
0xd4: {  	[sflag:s19] =	ssyncset.done $0x0  }
0xd5: {  	[sflag:s19] =	ssyncadd.s32 $0xFFFFC000  }
0xd6: {  	_ =	swait.ge [sflag:s31], $0x4000  }
0xd7: {  	[sflag:s31] =	ssyncset.done $0x0  }
0xd8: {  	[sflag:s31] =	ssyncadd.s32 $0xFFFFC000  }
0xd9: {  	[spmem:s2] =	stream.indirect.scatter.add.f32 [tilespmem:s29], [sflag:$0x3], $0x80, s20, s28, $0xb8;
	v63 =	vld [tilespmem:$0x0]  }
0xda: {  	_ =	swait.ge [sflag:s19], $0x4000  }
0xdb: {  	[sflag:s19] =	ssyncset.done $0x0  }
0xdc: {  	s13 =	simm.s32 $0x0;
	s15 =	rddreg [dreg:$0x5];
	[sflag:s19] =	ssyncadd.s32 $0xFFFFC000  }
0xdd: {  	[tilespmem:s13], [sflag:$0x3] =	stream.linear.gather [hbm4b:s15+s13], $0xC00, $0x38;
	v63 =	vld [tilespmem:$0x0]  }
0xde: {  	_ =	swait.ge [sflag:s19], $0xC00  }
0xdf: {  	[sflag:s19] =	ssyncset.done $0x0  }
0xe0: {  	s16 =	sadd.s32 s11, s9;
	[sflag:s19] =	ssyncadd.s32 $0xFFFFF400  }
0xe1: {  	[tilespmem:s26], [sflag:$0x3] =	stream.linear.gather [hbm4b:s16+s13], $0xC00, $0x38;
	v63 =	vld [tilespmem:$0x0]  }
0xe2: {  	_ =	swait.ge [sflag:s19], $0xC00  }
0xe3: {  	[sflag:s19] =	ssyncset.done $0x0  }
0xe4: {  	[sflag:s19] =	ssyncadd.s32 $0xFFFFF400  }
0xe5: {  	[tilespmem:s25], [sflag:$0x1] =	stream.indirect.gather [hbm4b:s4+s28], $0x80, s13, s28, $0xb8;
	v63 =	vld [tilespmem:$0x0]  }
0xe6: {  	s12 =	simm.s32 $0x80  }
0xe7: {  	[tilespmem:s29], [sflag:$0x2] =	stream.indirect.gather [hbm4b:s4+s28], $0x80, s12, s28, $0xb8;
	v63 =	vld [tilespmem:$0x0]  }
0xe8: {  	_ =	swait.ge [sflag:s30], $0x4000  }
0xe9: {  	[sflag:s30] =	ssyncset.done $0x0  }
0xea: {  	s13 =	simm.s32 $0xC00;
	[sflag:s30] =	ssyncadd.s32 $0xFFFFC000  }
0xeb: {  	[spmem:s2] =	stream.indirect.scatter.add.f32 [tilespmem:s25], [sflag:$0x3], $0x80, s13, s28, $0xb8;
	v63 =	vld [tilespmem:$0x0]  }
0xec: {  	_ =	swait.ge [sflag:s19], $0x4000  }
0xed: {  	[sflag:s19] =	ssyncset.done $0x0  }
0xee: {  	s15 =	simm.s32 $0x100;
	[sflag:s19] =	ssyncadd.s32 $0xFFFFC000  }
0xef: {  	[tilespmem:s25], [sflag:$0x1] =	stream.indirect.gather [hbm4b:s4+s28], $0x80, s15, s28, $0xb8;
	v63 =	vld [tilespmem:$0x0]  }
0xf0: {  	_ =	swait.ge [sflag:s31], $0x4000  }
0xf1: {  	[sflag:s31] =	ssyncset.done $0x0  }
0xf2: {  	s16 =	simm.s32 $0xC80;
	[sflag:s31] =	ssyncadd.s32 $0xFFFFC000  }
0xf3: {  	[spmem:s2] =	stream.indirect.scatter.add.f32 [tilespmem:s29], [sflag:$0x3], $0x80, s16, s28, $0xb8;
	v63 =	vld [tilespmem:$0x0]  }
0xf4: {  	_ =	swait.ge [sflag:s19], $0x4000  }
0xf5: {  	s8 =	simm.s32 $0x100;
	s12 =	simm.s32 $0x800;
	[sflag:s19] =	ssyncset.done $0x0  }
.LBB2_7:
0xf6: {  	s13 =	sadd.s32 $0x80, s8  }
0xf7: {  	[sflag:s19] =	ssyncadd.s32 $0xFFFFC000;
	s15 =	smov.u32 s12;
	s16 =	sadd.s32 $0x400, s12  }
0xf8: {  	[tilespmem:s29], [sflag:$0x2] =	stream.indirect.gather [hbm4b:s4+s28], $0x80, s13, s28, $0xb8;
	v63 =	vld [tilespmem:$0x0]  }
0xf9: {  	p1 =	sne.s32 s12, $0x2800;
	_ =	swait.ge [sflag:s30], $0x4000  }
0xfa: {  	[sflag:s30] =	ssyncset.done $0x0  }
0xfb: {  	s12 =	sadd.s32 $0xC00, s8;
	[sflag:s30] =	ssyncadd.s32 $0xFFFFC000  }
0xfc: {  	[spmem:s2] =	stream.indirect.scatter.add.f32 [tilespmem:s25], [sflag:$0x3], $0x80, s12, s28, $0xb8;
	v63 =	vld [tilespmem:$0x0]  }
0xfd: {  	_ =	swait.ge [sflag:s19], $0x4000  }
0xfe: {  	[sflag:s19] =	ssyncset.done $0x0  }
0xff: {  	s12 =	sadd.s32 $0x100, s8;
	[sflag:s19] =	ssyncadd.s32 $0xFFFFC000  }
0x100: {  	[tilespmem:s25], [sflag:$0x1] =	stream.indirect.gather [hbm4b:s4+s28], $0x80, s12, s28, $0xb8;
	v63 =	vld [tilespmem:$0x0]  }
0x101: {  	_ =	swait.ge [sflag:s31], $0x4000  }
.Ltmp7:
0x102: {  	[sflag:s31] =	ssyncset.done $0x0;
	(pc) =	sbr.rel @p1 .LBB2_7-.Ltmp7, $4  }
0x103: {  	s8 =	sadd.s32 $0xC80, s8;
	[sflag:s31] =	ssyncadd.s32 $0xFFFFC000  }
0x104: {  	[spmem:s2] =	stream.indirect.scatter.add.f32 [tilespmem:s29], [sflag:$0x3], $0x80, s8, s28, $0xb8;
	v63 =	vld [tilespmem:$0x0]  }
0x105: {  	_ =	swait.ge [sflag:s19], $0x4000  }
0x106: {  	s12 =	smov.u32 s16;
	s8 =	sshra.s32 s15, $0x2;
	[sflag:s19] =	ssyncset.done $0x0  }
0x107: {  	s12 =	sadd.s32 $0x80, s8;
	[sflag:s19] =	ssyncadd.s32 $0xFFFFC000  }
0x108: {  	[tilespmem:s29], [sflag:$0x2] =	stream.indirect.gather [hbm4b:s4+s28], $0x80, s12, s28, $0xb8;
	v63 =	vld [tilespmem:$0x0]  }
0x109: {  	_ =	swait.ge [sflag:s30], $0x4000  }
0x10a: {  	[sflag:s30] =	ssyncset.done $0x0  }
0x10b: {  	s15 =	sadd.s32 $0xC00, s8;
	[sflag:s30] =	ssyncadd.s32 $0xFFFFC000  }
0x10c: {  	[spmem:s2] =	stream.indirect.scatter.add.f32 [tilespmem:s25], [sflag:$0x3], $0x80, s15, s28, $0xb8;
	v63 =	vld [tilespmem:$0x0]  }
0x10d: {  	_ =	swait.ge [sflag:s19], $0x4000  }
0x10e: {  	[sflag:s19] =	ssyncset.done $0x0  }
0x10f: {  	s16 =	sadd.s32 $0x100, s8;
	[sflag:s19] =	ssyncadd.s32 $0xFFFFC000  }
0x110: {  	[tilespmem:s25], [sflag:$0x1] =	stream.indirect.gather [hbm4b:s4+s28], $0x80, s16, s28, $0xb8;
	v63 =	vld [tilespmem:$0x0]  }
0x111: {  	_ =	swait.ge [sflag:s31], $0x4000  }
0x112: {  	[sflag:s31] =	ssyncset.done $0x0  }
0x113: {  	s12 =	sadd.s32 $0xC80, s8;
	[sflag:s31] =	ssyncadd.s32 $0xFFFFC000  }
0x114: {  	[spmem:s2] =	stream.indirect.scatter.add.f32 [tilespmem:s29], [sflag:$0x3], $0x80, s12, s28, $0xb8;
	v63 =	vld [tilespmem:$0x0]  }
0x115: {  	_ =	swait.ge [sflag:s19], $0x4000  }
0x116: {  	[sflag:s19] =	ssyncset.done $0x0  }
0x117: {  	[sflag:s19] =	ssyncadd.s32 $0xFFFFC000  }
0x118: {  	[tilespmem:s29], [sflag:$0x2] =	stream.indirect.gather [hbm4b:s4+s28], $0x80, s0, s28, $0xb8;
	v63 =	vld [tilespmem:$0x0]  }
0x119: {  	_ =	swait.ge [sflag:s30], $0x4000  }
0x11a: {  	[sflag:s30] =	ssyncset.done $0x0  }
0x11b: {  	[sflag:s30] =	ssyncadd.s32 $0xFFFFC000  }
0x11c: {  	[spmem:s2] =	stream.indirect.scatter.add.f32 [tilespmem:s25], [sflag:$0x3], $0x80, s1, s28, $0xb8;
	v63 =	vld [tilespmem:$0x0]  }
0x11d: {  	_ =	swait.ge [sflag:s19], $0x4000  }
0x11e: {  	[sflag:s19] =	ssyncset.done $0x0  }
0x11f: {  	[sflag:s19] =	ssyncadd.s32 $0xFFFFC000  }
0x120: {  	_ =	swait.ge [sflag:s31], $0x4000  }
0x121: {  	[sflag:s31] =	ssyncset.done $0x0  }
0x122: {  	[sflag:s31] =	ssyncadd.s32 $0xFFFFC000  }
0x123: {  	[spmem:s2] =	stream.indirect.scatter.add.f32 [tilespmem:s29], [sflag:$0x3], $0x80, s20, s28, $0xb8;
	v63 =	vld [tilespmem:$0x0]  }
0x124: {  	_ =	swait.ge [sflag:s19], $0x4000  }
0x125: {  	[sflag:s19] =	ssyncset.done $0x0  }
0x126: {  	s13 =	rddreg [dreg:$0x6];
	[sflag:s19] =	ssyncadd.s32 $0xFFFFC000  }
0x127: {  	[tilespmem:s3], [sflag:$0x3] =	stream.linear.gather [hbm4b:s13+s3], $0x400, $0x38;
	v63 =	vld [tilespmem:$0x0]  }
0x128: {  	_ =	swait.ge [sflag:s19], $0x400  }
0x129: {  	[sflag:s19] =	ssyncset.done $0x0  }
0x12a: {  	s15 =	sadd.s32 s14, s9;
	[sflag:s19] =	ssyncadd.s32 $0xFFFFFC00  }
0x12b: {  	[tilespmem:s26], [sflag:$0x3] =	stream.linear.gather [hbm4b:s15+s3], $0x400, $0x38;
	v63 =	vld [tilespmem:$0x0]  }
0x12c: {  	_ =	swait.ge [sflag:s19], $0x400  }
0x12d: {  	[sflag:s19] =	ssyncset.done $0x0  }
0x12e: {  	[sflag:s19] =	ssyncadd.s32 $0xFFFFFC00  }
0x12f: {  	[tilespmem:s25], [sflag:$0x1] =	stream.indirect.gather [hbm4b:s4+s28], $0x80, s3, s28, $0xb8;
	v63 =	vld [tilespmem:$0x0]  }
0x130: {  	_ = 	snop  }
0x131: {  	[tilespmem:s29], [sflag:$0x2] =	stream.indirect.gather [hbm4b:s4+s28], $0x80, s28, s28, $0xb8;
	v63 =	vld [tilespmem:$0x0]  }
0x132: {  	_ =	swait.ge [sflag:s30], $0x4000  }
0x133: {  	[sflag:s30] =	ssyncset.done $0x0  }
0x134: {  	[sflag:s30] =	ssyncadd.s32 $0xFFFFC000  }
0x135: {  	[spmem:s2] =	stream.indirect.scatter.add.f32 [tilespmem:s25], [sflag:$0x3], $0x80, s26, s28, $0xb8;
	v63 =	vld [tilespmem:$0x0]  }
0x136: {  	_ =	swait.ge [sflag:s19], $0x4000  }
0x137: {  	[sflag:s19] =	ssyncset.done $0x0  }
0x138: {  	s16 =	simm.s32 $0x100;
	[sflag:s19] =	ssyncadd.s32 $0xFFFFC000  }
0x139: {  	[tilespmem:s25], [sflag:$0x1] =	stream.indirect.gather [hbm4b:s4+s28], $0x80, s16, s28, $0xb8;
	v63 =	vld [tilespmem:$0x0]  }
0x13a: {  	_ =	swait.ge [sflag:s31], $0x4000  }
0x13b: {  	[sflag:s31] =	ssyncset.done $0x0  }
0x13c: {  	s12 =	simm.s32 $0xC80;
	[sflag:s31] =	ssyncadd.s32 $0xFFFFC000  }
0x13d: {  	[spmem:s2] =	stream.indirect.scatter.add.f32 [tilespmem:s29], [sflag:$0x3], $0x80, s12, s28, $0xb8;
	v63 =	vld [tilespmem:$0x0]  }
0x13e: {  	_ =	swait.ge [sflag:s19], $0x4000  }
0x13f: {  	[sflag:s19] =	ssyncset.done $0x0  }
0x140: {  	s13 =	simm.s32 $0x180;
	[sflag:s19] =	ssyncadd.s32 $0xFFFFC000  }
0x141: {  	[tilespmem:s29], [sflag:$0x2] =	stream.indirect.gather [hbm4b:s4+s28], $0x80, s13, s28, $0xb8;
	v63 =	vld [tilespmem:$0x0]  }
0x142: {  	_ =	swait.ge [sflag:s30], $0x4000  }
0x143: {  	[sflag:s30] =	ssyncset.done $0x0  }
0x144: {  	s15 =	simm.s32 $0xD00;
	[sflag:s30] =	ssyncadd.s32 $0xFFFFC000  }
0x145: {  	[spmem:s2] =	stream.indirect.scatter.add.f32 [tilespmem:s25], [sflag:$0x3], $0x80, s15, s28, $0xb8;
	v63 =	vld [tilespmem:$0x0]  }
0x146: {  	_ =	swait.ge [sflag:s19], $0x4000  }
0x147: {  	[sflag:s19] =	ssyncset.done $0x0  }
0x148: {  	s16 =	simm.s32 $0x200;
	[sflag:s19] =	ssyncadd.s32 $0xFFFFC000  }
0x149: {  	[tilespmem:s25], [sflag:$0x1] =	stream.indirect.gather [hbm4b:s4+s28], $0x80, s16, s28, $0xb8;
	v63 =	vld [tilespmem:$0x0]  }
0x14a: {  	_ =	swait.ge [sflag:s31], $0x4000  }
0x14b: {  	[sflag:s31] =	ssyncset.done $0x0  }
0x14c: {  	s12 =	simm.s32 $0xD80;
	[sflag:s31] =	ssyncadd.s32 $0xFFFFC000  }
0x14d: {  	[spmem:s2] =	stream.indirect.scatter.add.f32 [tilespmem:s29], [sflag:$0x3], $0x80, s12, s28, $0xb8;
	v63 =	vld [tilespmem:$0x0]  }
0x14e: {  	_ =	swait.ge [sflag:s19], $0x4000  }
0x14f: {  	[sflag:s19] =	ssyncset.done $0x0  }
0x150: {  	s13 =	simm.s32 $0x280;
	[sflag:s19] =	ssyncadd.s32 $0xFFFFC000  }
0x151: {  	[tilespmem:s29], [sflag:$0x2] =	stream.indirect.gather [hbm4b:s4+s28], $0x80, s13, s28, $0xb8;
	v63 =	vld [tilespmem:$0x0]  }
0x152: {  	_ =	swait.ge [sflag:s30], $0x4000  }
0x153: {  	[sflag:s30] =	ssyncset.done $0x0  }
0x154: {  	s15 =	simm.s32 $0xE00;
	[sflag:s30] =	ssyncadd.s32 $0xFFFFC000  }
0x155: {  	[spmem:s2] =	stream.indirect.scatter.add.f32 [tilespmem:s25], [sflag:$0x3], $0x80, s15, s28, $0xb8;
	v63 =	vld [tilespmem:$0x0]  }
0x156: {  	_ =	swait.ge [sflag:s19], $0x4000  }
0x157: {  	[sflag:s19] =	ssyncset.done $0x0  }
0x158: {  	s16 =	simm.s32 $0x300;
	[sflag:s19] =	ssyncadd.s32 $0xFFFFC000  }
0x159: {  	[tilespmem:s25], [sflag:$0x1] =	stream.indirect.gather [hbm4b:s4+s28], $0x80, s16, s28, $0xb8;
	v63 =	vld [tilespmem:$0x0]  }
0x15a: {  	_ =	swait.ge [sflag:s31], $0x4000  }
0x15b: {  	[sflag:s31] =	ssyncset.done $0x0  }
0x15c: {  	s12 =	simm.s32 $0xE80;
	[sflag:s31] =	ssyncadd.s32 $0xFFFFC000  }
0x15d: {  	[spmem:s2] =	stream.indirect.scatter.add.f32 [tilespmem:s29], [sflag:$0x3], $0x80, s12, s28, $0xb8;
	v63 =	vld [tilespmem:$0x0]  }
0x15e: {  	_ =	swait.ge [sflag:s19], $0x4000  }
0x15f: {  	[sflag:s19] =	ssyncset.done $0x0  }
0x160: {  	s13 =	simm.s32 $0x380;
	[sflag:s19] =	ssyncadd.s32 $0xFFFFC000  }
0x161: {  	[tilespmem:s29], [sflag:$0x2] =	stream.indirect.gather [hbm4b:s4+s28], $0x80, s13, s28, $0xb8;
	v63 =	vld [tilespmem:$0x0]  }
0x162: {  	_ =	swait.ge [sflag:s30], $0x4000  }
0x163: {  	[sflag:s30] =	ssyncset.done $0x0  }
0x164: {  	s15 =	simm.s32 $0xF00;
	[sflag:s30] =	ssyncadd.s32 $0xFFFFC000  }
0x165: {  	[spmem:s2] =	stream.indirect.scatter.add.f32 [tilespmem:s25], [sflag:$0x3], $0x80, s15, s28, $0xb8;
	v63 =	vld [tilespmem:$0x0]  }
0x166: {  	_ =	swait.ge [sflag:s19], $0x4000  }
0x167: {  	[sflag:s19] =	ssyncset.done $0x0  }
0x168: {  	[sflag:s19] =	ssyncadd.s32 $0xFFFFC000  }
0x169: {  	_ =	swait.ge [sflag:s31], $0x4000  }
0x16a: {  	[sflag:s31] =	ssyncset.done $0x0  }
.Ltmp8:
0x16b: {  	s16 =	simm.s32 $0xF80;
	[sflag:s31] =	ssyncadd.s32 $0xFFFFC000;
	(pc) =	sbr.rel .LBB2_12-.Ltmp8, $4  }
0x16c: {  	[spmem:s2] =	stream.indirect.scatter.add.f32 [tilespmem:s29], [sflag:$0x3], $0x80, s16, s28, $0xb8;
	v63 =	vld [tilespmem:$0x0]  }
0x16d: {  	_ =	swait.ge [sflag:s19], $0x4000  }
0x16e: {  	[sflag:s19] =	ssyncset.done $0x0  }
0x16f: {  	[sflag:s19] =	ssyncadd.s32 $0xFFFFC000  }
.LBB2_13:
0x170: {  	_ =	sfence.sel $0x180000  }
0x171: {  	[bflag:$0x0] =	sbarrier.arrive $0xFFFF  }
0x172: {  	_ =	strace $0x9000004A  }
0x173: {  	s0 =	stileid.u32;
	[bflag:$0x2] =	sbarrier.arrive $0xFFFF  }
0x174: {  	p0 =	sne.s32 s0, $0x0;
	s0 =	rddreg [dreg:$0x2]  }
0x175: {  	s0 =	sadd.s32 @!p0 $0x100000, s0  }
0x176: {  	[sflag:s0] =	ssyncadd.tile.s32 @!p0 $0x1;
	_ =	shalt  }
.Lfunc_end2:
_tile_overlayer_lowered:
.L_overlay_start_2:
0x177: {  	(tag) =	ssettag $0x2  }
0x178: {  	s0 =	rddreg [dreg:$0x0];
	s2 =	stileid.u32  }
0x179: {  	s1 =	rddreg [dreg:$0x1];
	p0 =	sne.s32 s2, $0x0  }
0x17a: {  	s3 =	rddreg [dreg:$0x2];
	[bflag:$0x3] =	sbarrier.arrive $0xFFFF;
	s2 =	simm.s32 @!p0 $0x1C03  }
0x17b: {  	[timem:s3], [sflag:s2] =	dma.local @!p0 [hbm:s0], s1  }
0x17c: {  	s0 =	simm.s32 @!p0 $0x3  }
0x17d: {  	_ =	swait.ge @!p0 [sflag:s0], s1  }
0x17e: {  	s1 =	ssub.s32 @!p0 $0x0, s1;
	[sflag:s0] =	ssyncset.done @!p0 $0x0  }
0x17f: {  	[sflag:s0] =	ssyncadd.s32 @!p0 s1  }
0x180: {  	[bflag:$0x3] =	sbarrier.arrive $0xFFFF  }
0x181: {  	_ =	shalt  }

// kernel: kernel.15.cloned.1.call-start
scs
__scs_entry_jumppad:
0x0: {  	(pc) =	sbr.rel $0x88, $3  }
0x1: {  	(tag) =	ssettag $0x0;
	lr =	simm.s32 $0x1  }
0x2: {  	[smem:$0x3F9B] =	sst lr;
	_ =	strace $0xD0000000  }
0x3: {  	_ = 	snop  }
0x4: {  	_ = 	snop  }
0x5: {  	_ = 	snop  }
0x6: {  	_ = 	snop  }
0x7: {  	_ = 	snop  }
__scs_overlays_trampoline_lowered:
0x8: {  	[smem:$0x3FAA] =	sst s0  }
0x9: {  	[smem:$0x3FAB] =	sst s1  }
0xa: {  	[smem:$0x3FAC] =	sst s2  }
0xb: {  	[smem:$0x3FAD] =	sst s3  }
0xc: {  	[smem:$0x3FAE] =	sst s4  }
0xd: {  	[smem:$0x3FAF] =	sst s5  }
0xe: {  	[smem:$0x3FB0] =	sst s6  }
0xf: {  	[smem:$0x3FB1] =	sst s7  }
0x10: {  	[smem:$0x3FB2] =	sst s8  }
0x11: {  	[smem:$0x3FB3] =	sst s9;
	s0 =	simm.s32 @!p0 $0x0  }
0x12: {  	s1 =	sld [smem:$0x3F99];
	s0 =	simm.s32 @p0 $0x1  }
0x13: {  	[smem:$0x3FB4] =	sst s0;
	s0 =	simm.s32 @!p1 $0x0  }
0x14: {  	s2 =	sld [smem:$0x3F98];
	s0 =	simm.s32 @p1 $0x1  }
0x15: {  	[smem:$0x3FB5] =	sst s0;
	s0 =	simm.s32 @!p2 $0x0  }
0x16: {  	s3 =	sld [smem:$0x3FDB];
	s0 =	simm.s32 @p2 $0x1  }
0x17: {  	s4 =	simm.s32 $0x1BF5;
	[smem:$0x3FB7] =	sst s0  }
0x18: {  	s0 =	sld [smem:$0x3F9A];
	_ =	swait.ge [sflag:s4], $0x0  }
0x19: {  	s7 =	sld [smem:$0x3F9B]  }
0x1a: {  	s8 =	sadd.s32 $0xFFFFE003, lr  }
0x1b: {  	s9 =	sadd.s32 $0xFFFFFEF7, lr;
	s5 =	simm.s32 $0xFFFFFFFF;
	p2 =	slt.u32 s8, $0xFFFFF086  }
0x1c: {  	p1 =	slt.u32 s9, $0xF7A;
	s5 =	simm.s32 @!p2 $0x0  }
0x1d: {  	s5 =	simm.s32 @p1 $0x1;
	p0 =	seq.s32 s7, s2  }
0x1e: {  	s7 =	smul.u32 @!p0 $0xF7A, s2;
	p2 =	seq.s32 @!p0 s5, $0x0  }
0x1f: {  	s9 =	smul.u32 $0xF7A, s1;
	s8 =	simm.s32 @!p0 $0x1BF5;
	p2 =	por !p2, p0  }
0x20: {  	[sflag:s8] =	ssyncset.s32 @!p0 $0xFFFFF086;
	s6 =	sadd.s32 @!p0 s3, s7;
	s7 =	simm.s32 @!p0 $0x108  }
0x21: {  	s3 =	sadd.s32 s3, s9;
	s6 =	sadd.s32 @!p0 $0x88, s6;
	s7 =	simm.s32 @p2 $0x1082  }
0x22: {  	[simem:s7], [sflag:s8] =	dma.local @!p0 [hbm:s6], $0xF7A  }
0x23: {  	s9 =	sor.u32 $0xD0000000, s2;
	s6 =	simm.s32 $0x108;
	_ =	swait.ge @!p0 [sflag:s8], $0x0  }
0x24: {  	s3 =	sadd.s32 $0x88, s3;
	s6 =	simm.s32 @!p1 $0x1082;
	[sflag:s4] =	ssyncset.s32 $0xFFFFF086  }
0x25: {  	[simem:s6], [sflag:s4] =	dma.local [hbm:s3], $0xF7A  }
0x26: {  	[smem:$0x3F9B] =	sst s1;
	(tag) =	ssettag s2;
	_ =	strace s9  }
0x27: {  	s1 =	sld [smem:$0x3FAB]  }
0x28: {  	s2 =	sld [smem:$0x3FAC]  }
0x29: {  	s4 =	sld [smem:$0x3FAE]  }
0x2a: {  	p0 =	seq.s32 s5, $0x0;
	s5 =	sld [smem:$0x3FAF]  }
0x2b: {  	s6 =	sld [smem:$0x3FB0]  }
0x2c: {  	s7 =	sld [smem:$0x3FB1]  }
0x2d: {  	s3 =	simm.s32 $0x108;
	s8 =	sld [smem:$0x3FB2]  }
0x2e: {  	s3 =	simm.s32 @!p0 $0x1082;
	s9 =	sld [smem:$0x3FB3]  }
0x2f: {  	lr =	sadd.s32 s0, s3;
	s0 =	sld [smem:$0x3FAA]  }
0x30: {  	s3 =	sld [smem:$0x3FAD]  }
0x31: {  	[smem:$0x3FB6] =	sst s10  }
0x32: {  	s10 =	sld [smem:$0x3FB4];
	_ =	sdelay $0x3  }
0x33: {  	p0 =	seq.s32 s10, $0x1;
	s10 =	sld [smem:$0x3FB6];
	_ =	sdelay $0x3  }
0x34: {  	[smem:$0x3FB6] =	sst s10  }
0x35: {  	s10 =	sld [smem:$0x3FB5];
	_ =	sdelay $0x3  }
0x36: {  	p1 =	seq.s32 s10, $0x1;
	s10 =	sld [smem:$0x3FB6];
	_ =	sdelay $0x3  }
0x37: {  	[smem:$0x3FB6] =	sst s10  }
0x38: {  	s10 =	sld [smem:$0x3FB7]  }
0x39: {  	_ = 	snop;
	(pc) =	sbr.ind lr, $3  }
0x3a: {  	_ = 	snop  }
0x3b: {  	_ = 	snop  }
0x3c: {  	p2 =	seq.s32 s10, $0x1;
	s10 =	sld [smem:$0x3FB6]  }
0x3d: {  	_ =	shalt  }
0x3e: {  	_ =	shalt  }
0x3f: {  	_ =	shalt  }
0x40: {  	_ =	shalt  }
0x41: {  	_ =	shalt  }
0x42: {  	_ =	shalt  }
0x43: {  	_ =	shalt  }
0x44: {  	_ =	shalt  }
0x45: {  	_ =	shalt  }
0x46: {  	_ =	shalt  }
0x47: {  	_ =	shalt  }
0x48: {  	_ =	shalt  }
0x49: {  	_ =	shalt  }
0x4a: {  	_ =	shalt  }
0x4b: {  	_ =	shalt  }
0x4c: {  	_ =	shalt  }
0x4d: {  	_ =	shalt  }
0x4e: {  	_ =	shalt  }
0x4f: {  	_ =	shalt  }
0x50: {  	_ =	shalt  }
0x51: {  	_ =	shalt  }
0x52: {  	_ =	shalt  }
0x53: {  	_ =	shalt  }
0x54: {  	_ =	shalt  }
0x55: {  	_ =	shalt  }
0x56: {  	_ =	shalt  }
0x57: {  	_ =	shalt  }
0x58: {  	_ =	shalt  }
0x59: {  	_ =	shalt  }
0x5a: {  	_ =	shalt  }
0x5b: {  	_ =	shalt  }
0x5c: {  	_ =	shalt  }
0x5d: {  	_ =	shalt  }
0x5e: {  	_ =	shalt  }
0x5f: {  	_ =	shalt  }
0x60: {  	_ =	shalt  }
0x61: {  	_ =	shalt  }
0x62: {  	_ =	shalt  }
0x63: {  	_ =	shalt  }
0x64: {  	_ =	shalt  }
0x65: {  	_ =	shalt  }
0x66: {  	_ =	shalt  }
0x67: {  	_ =	shalt  }
0x68: {  	_ =	shalt  }
0x69: {  	_ =	shalt  }
0x6a: {  	_ =	shalt  }
0x6b: {  	_ =	shalt  }
0x6c: {  	_ =	shalt  }
0x6d: {  	_ =	shalt  }
0x6e: {  	_ =	shalt  }
0x6f: {  	_ =	shalt  }
0x70: {  	_ =	shalt  }
0x71: {  	_ =	shalt  }
0x72: {  	_ =	shalt  }
0x73: {  	_ =	shalt  }
0x74: {  	_ =	shalt  }
0x75: {  	_ =	shalt  }
0x76: {  	_ =	shalt  }
0x77: {  	_ =	shalt  }
0x78: {  	_ =	shalt  }
0x79: {  	_ =	shalt  }
0x7a: {  	_ =	shalt  }
0x7b: {  	_ =	shalt  }
0x7c: {  	_ =	shalt  }
0x7d: {  	_ =	shalt  }
0x7e: {  	_ =	shalt  }
0x7f: {  	_ =	shalt  }
0x80: {  	_ =	shalt  }
0x81: {  	_ =	shalt  }
0x82: {  	_ =	shalt  }
0x83: {  	_ =	shalt  }
0x84: {  	_ =	shalt  }
0x85: {  	_ =	shalt  }
0x86: {  	_ =	shalt  }
0x87: {  	_ =	shalt  }
.Lfunc_end0:
.L_simem_size_0:
called_computation.2_lowered:
.L_overlay_start_0:
0x88: {  	s2 =	sld [smem:$0x3FD9]  }
0x89: {  	s3 =	sld [smem:$0x3FFE];
	_ =	sdelay $0x1  }
0x8a: {  	s1 =	srdreg.scid  }
0x8b: {  	s0 =	sand.u32 $0x1, s1  }
0x8c: {  	s16 =	sshll.u32 s0, $0xA;
	s2 =	sadd.s32 s3, s2  }
0x8d: {  	s2 =	sadd.s32 s2, s16  }
0x8e: {  	[smem:$0x3FC2] =	sst s2  }
0x8f: {  	_ = 	snop  }
0x90: {  	(tm) =	ssettm $0x1  }
0x91: {  	s17 =	sld [smem:$0x3FFB];
	_ =	sdelay $0x3  }
0x92: {  	_ =	strace s17  }
0x93: {  	s2 =	sld [smem:$0x3FFC];
	_ =	sdelay $0x3  }
0x94: {  	_ =	strace s2  }
0x95: {  	s2 =	sld [smem:$0x3FFD];
	_ =	sdelay $0x3  }
0x96: {  	_ =	strace s2  }
0x97: {  	_ =	strace $0x8FFFFFFF  }
0x98: {  	s18 =	sld [smem:$0x3FDB];
	_ =	sdelay $0x1  }
0x99: {  	s19 =	simm.s32 $_scs_section_size  }
0x9a: {  	s4 =	simm.s32 $_size__tile_overlayer_lowered;
	s5 =	simm.s32 $_tile_overlayer_lowered  }
0x9b: {  	s22 =	simm.s32 $0x1BFF;
	s21 =	sshll.u32 s5, $0x1;
	s2 =	sadd.s32 s19, s18  }
0x9c: {  	s6 =	simm.s32 $0x0;
	s20 =	sshll.u32 s4, $0x1;
	s4 =	sadd.s32 s21, s2  }
0x9d: {  	[timem:s6], [sflag:s22] =	dma.local [hbm:s4], s20  }
0x9e: {  	_ =	swait.ge [sflag:s22], s20  }
0x9f: {  	s3 =	ssub.s32 $0x0, s20;
	[sflag:s22] =	ssyncset.done $0x0  }
0xa0: {  	[sflag:s22] =	ssyncadd.s32 s3;
	_ =	sdelay $0x1  }
0xa1: {  	s23 =	simm.s32 $0x1B8B  }
0xa2: {  	_ =	swait.ge [sflag:s23], $0x1  }
0xa3: {  	[sflag:s23] =	ssyncset.done $0x0  }
0xa4: {  	s25 =	simm.s32 $0x1B8E;
	s24 =	sld [smem:$0x3FFE];
	[sflag:s23] =	ssyncadd.s32 $0xFFFFFFFF  }
0xa5: {  	s26 =	simm.s32 $execute0_lowered;
	[smem:$0x3FD2] =	sst s25  }
0xa6: {  	s4 =	sshll.u32 s26, $0x1;
	_ =	strace $0x8000004C;
	[dreg:$0x1] =	wrdreg $0xFFFFFFFF  }
0xa7: {  	s28 =	simm.s32 $_size_execute0_lowered;
	s2 =	sadd.s32 s2, s4;
	[dreg:$0x0] =	wrdreg $0x0  }
0xa8: {  	s4 =	sshll.u32 s28, $0x1;
	[dreg:$0x2] =	wrdreg s2  }
0xa9: {  	[dreg:$0x3] =	wrdreg s4  }
0xaa: {  	[dreg:$0x4] =	wrdreg $0xC0  }
0xab: {  	_ =	task [dreg:s6], $0x5FFFF  }
0xac: {  	[dreg:$0x1] =	wrdreg $0xFFFFFFFF  }
0xad: {  	[dreg:$0x0] =	wrdreg $0x60  }
0xae: {  	[dreg:$0x2] =	wrdreg s24  }
0xaf: {  	[dreg:$0x3] =	wrdreg $0xC0000  }
0xb0: {  	[dreg:$0x4] =	wrdreg $0x9  }
0xb1: {  	_ =	task.clear_ibuf [dreg:s6], $0x5FFFF;
	_ =	strace $0x9000004C  }
0xb2: {  	s29 =	simm.s32 $0x9;
	_ =	strace $0x8000004E  }
0xb3: {  	_ =	swait.ge [sflag:s29], $0x1  }
0xb4: {  	[sflag:s29] =	ssyncadd.s32 $0xFFFFFFFF  }
0xb5: {  	_ =	strace $0x9000004E  }
0xb6: {  	_ =	sfence  }
0xb7: {  	s30 =	sld [smem:$0x0];
	_ =	sdelay $0x2  }
0xb8: {  	s31 =	sshll.u32 s1, $0xD;
	s1 =	sshrl.u32 s1, $0x2  }
0xb9: {  	s3 =	sand.u32 $0x4000, s31;
	s1 =	sadd.s32 s1, s30  }
0xba: {  	s0 =	sor.u32 s3, s0;
	s1 =	sshll.u32 s1, $0x11  }
0xbb: {  	s0 =	sor.u32 s1, s0  }
0xbc: {  	s0 =	sadd.s32 $0x8F2B, s0  }
0xbd: {  	[sflag:s0] =	ssyncadd.remote.s32 $0x1  }
0xbe: {  	_ =	sfence.sel $0xFFFF  }
0xbf: {  	[dreg:$0x0] =	wrdreg $0xFFFFFFFF;
	(pc) =	sbr.abs _section_cstart, $3  }
0xc0: {  	[dreg:$0x1] =	wrdreg $0xFFFFFFFF  }
0xc1: {  	_ =	task.clear_ibuf [dreg:s6], $0x2FFFF;
	_ =	strace $0x9FFFFFFF  }
0xc2: {  	(tm) =	ssettm $0x7FFFFFFF  }
0xc3: {  	_ =	shalt  }
tec
execute0_lowered:
.L_overlay_start_1:
0x0: {  	(tag) =	ssettag $0x1  }
0x1: {  	s0 =	rddreg [dreg:$0x0]  }
0x2: {  	s2 =	rddreg [dreg:$0x1]  }
0x3: {  	s3 =	simm.s32 $0x0;
	s11 =	stileid.u32;
	s5 =	srdreg.scid  }
0x4: {  	s28 =	simm.s32 $0x80;
	s29 =	simm.s32 $0x8000;
	s30 =	simm.s32 $0x1  }
0x5: {  	s31 =	simm.s32 $0x2;
	[smem:$0x7FF] =	sst s3;
	s1 =	smul.u32 $0x2800, s11  }
0x6: {  	s8 =	sadd.s32 $0x2600, s0;
	s4 =	sadd.s32 $0x8C400, s0;
	s5 =	sand.u32 $0x1, s5  }
0x7: {  	s9 =	sshll.u32 s11, $0x1;
	s16 =	smul.u32 $0x50000, s11;
	s22 =	sshll.u32 s11, $0x6  }
0x8: {  	s25 =	sadd.s32 $0x29600, s0;
	_ =	strace $0x8000004D;
	s7 =	smul.u32 $0x28000, s5  }
0x9: {  	s10 =	ssub.s32 $0x2, s5;
	s12 =	sor.u32 s5, s9;
	s9 =	sadd.s32 $0xC280, s0  }
0xa: {  	[dreg:$0x7] =	wrdreg s25;
	s25 =	simm.s32 $0x4000;
	s6 =	sadd.s32 s1, s0  }
0xb: {  	s19 =	sshrl.u32 s10, $0x1;
	s5 =	smul.u32 $0x500, s12;
	s20 =	sshrl.u32 s16, $0x2  }
0xc: {  	s21 =	smul.u32 $0x2800, s12;
	p0 =	seq.s32 s12, $0x1F;
	s17 =	sadd.s32 s7, s0  }
0xd: {  	s18 =	ssub.s32 s10, s19;
	s19 =	sadd.s32 s20, s2;
	s6 =	sadd.s32 $0x64400, s6  }
0xe: {  	s7 =	sor.u32 $0x1C03, s22;
	s0 =	sadd.s32 $0x29880, s0;
	s20 =	simm.s32 $0x1780  }
0xf: {  	s22 =	simm.s32 $0x0;
	s23 =	sadd.s32 s8, s5;
	s14 =	sshrl.u32 s21, $0x3  }
0x10: {  	s26 =	sadd.s32 $0xB4400, s17;
	s17 =	smax.u32 s18, $0x1;
	s18 =	sshrl.u32 s19, $0x3  }
0x11: {  	s19 =	simm.s32 $0x3;
	[dreg:$0x3] =	wrdreg s23;
	s10 =	sadd.s32 $0x180, s14  }
.Ltmp0:
0x12: {  	s11 =	sadd.s32 $0x300, s14;
	s13 =	sadd.s32 s8, s10;
	(pc) =	sbr.rel .LBB2_1-.Ltmp0, $4  }
0x13: {  	s14 =	sadd.s32 $0x480, s14;
	s24 =	sadd.s32 s8, s11;
	[dreg:$0x4] =	wrdreg s13  }
0x14: {  	s21 =	sadd.s32 $0x13600, s0;
	s8 =	sadd.s32 s8, s14;
	[dreg:$0x5] =	wrdreg s24  }
0x15: {  	s0 =	simm.s32 $0xB80;
	s23 =	simm.s32 $0x40;
	[dreg:$0x6] =	wrdreg s8  }
0x16: {  	s24 =	sadd.s32 s1, s26;
	s26 =	simm.s32 $0xC00;
	s1 =	simm.s32 $0x1700  }
.LBB2_11:
0x17: {  	s12 =	sadd.s32 $0x1800, s8;
	[sflag:s19] =	ssyncadd.s32 $0xFFFFE000  }
0x18: {  	[tilespmem:s25], [sflag:$0x3] =	stream.indirect.gather [hbm4b:s4+s23], $0x80, s12, s23, $0xb8;
	v63 =	vld [tilespmem:$0x0]  }
0x19: {  	_ =	swait.ge [sflag:s19], $0x2000  }
0x1a: {  	[sflag:s19] =	ssyncset.done $0x0  }
0x1b: {  	s16 =	sadd.s32 $0x2C00, s8;
	[sflag:s19] =	ssyncadd.s32 $0xFFFFE000  }
0x1c: {  	[spmem:s2] =	stream.indirect.scatter.add.f32 [tilespmem:s25], [sflag:$0x3], $0x80, s16, s23, $0xb8;
	v63 =	vld [tilespmem:$0x0]  }
0x1d: {  	_ =	swait.ge [sflag:s19], $0x2000  }
0x1e: {  	[sflag:s19] =	ssyncset.done $0x0  }
0x1f: {  	[sflag:s19] =	ssyncadd.s32 $0xFFFFE000  }
.LBB2_12:
0x20: {  	s22 =	sadd.s32 $0x1, s22  }
0x21: {  	p1 =	sne.s32 s22, s17  }
.Ltmp1:
0x22: {  	[bflag:$0x0] =	sbarrier.arrive $0xFFFF;
	(pc) =	sbr.rel @!p1 .LBB2_13-.Ltmp1, $4  }
0x23: {  	[hbm:s24], [sflag:s7] =	dma.local [spmem:s18], $0x2800  }
0x24: {  	_ =	swait.ge [sflag:s19], $0x2800  }
0x25: {  	[sflag:s19] =	ssyncset.done $0x0  }
0x26: {  	[sflag:s19] =	ssyncadd.s32 $0xFFFFD800  }
.LBB2_1:
0x27: {  	[spmem:s18], [sflag:s7] =	dma.local [hbm:s6], $0x2800  }
.Ltmp2:
0x28: {  	_ =	swait.ge [sflag:s19], $0x2800;
	(pc) =	sbr.rel @!p0 .LBB2_2-.Ltmp2, $4  }
0x29: {  	[sflag:s19] =	ssyncset.done $0x0  }
0x2a: {  	[sflag:s19] =	ssyncadd.s32 $0xFFFFD800  }
0x2b: {  	[bflag:$0x0] =	sbarrier.arrive $0xFFFF  }
0x2c: {  	s8 =	simm.s32 $0x0  }
0x2d: {  	s12 =	rddreg [dreg:$0x7];
	s13 =	simm.s32 $0x1800  }
0x2e: {  	[tilespmem:s13], [sflag:$0x3] =	stream.linear.gather [hbm4b:s12+s8], $0x1400, $0x38;
	v63 =	vld [tilespmem:$0x0]  }
0x2f: {  	_ =	swait.ge [sflag:s19], $0x1400  }
0x30: {  	[sflag:s19] =	ssyncset.done $0x0  }
0x31: {  	s13 =	simm.s32 $0x2C00;
	[sflag:s19] =	ssyncadd.s32 $0xFFFFEC00  }
0x32: {  	[tilespmem:s13], [sflag:$0x3] =	stream.linear.gather [hbm4b:s21+s8], $0x1400, $0x38;
	v63 =	vld [tilespmem:$0x0]  }
0x33: {  	_ =	swait.ge [sflag:s19], $0x1400  }
0x34: {  	[sflag:s19] =	ssyncset.done $0x0  }
0x35: {  	s15 =	simm.s32 $0x1800;
	[sflag:s19] =	ssyncadd.s32 $0xFFFFEC00  }
0x36: {  	[tilespmem:s25], [sflag:$0x3] =	stream.indirect.gather [hbm4b:s4+s23], $0x80, s15, s23, $0xb8;
	v63 =	vld [tilespmem:$0x0]  }
0x37: {  	_ =	swait.ge [sflag:s19], $0x2000  }
0x38: {  	[sflag:s19] =	ssyncset.done $0x0  }
0x39: {  	s16 =	simm.s32 $0x2C00;
	[sflag:s19] =	ssyncadd.s32 $0xFFFFE000  }
0x3a: {  	[spmem:s2] =	stream.indirect.scatter.add.f32 [tilespmem:s25], [sflag:$0x3], $0x80, s16, s23, $0xb8;
	v63 =	vld [tilespmem:$0x0]  }
0x3b: {  	_ =	swait.ge [sflag:s19], $0x2000  }
0x3c: {  	s12 =	simm.s32 $0x400;
	s8 =	simm.s32 $0x80;
	[sflag:s19] =	ssyncset.done $0x0  }
.LBB2_10:
0x3d: {  	s13 =	sadd.s32 $0x1800, s8  }
0x3e: {  	[sflag:s19] =	ssyncadd.s32 $0xFFFFE000;
	s15 =	smov.u32 s12;
	s16 =	sadd.s32 $0x200, s12  }
0x3f: {  	[tilespmem:s25], [sflag:$0x3] =	stream.indirect.gather [hbm4b:s4+s23], $0x80, s13, s23, $0xb8;
	v63 =	vld [tilespmem:$0x0]  }
0x40: {  	p1 =	sne.s32 s12, $0x4E00;
	_ =	swait.ge [sflag:s19], $0x2000  }
.Ltmp3:
0x41: {  	[sflag:s19] =	ssyncset.done $0x0;
	(pc) =	sbr.rel @p1 .LBB2_10-.Ltmp3, $4  }
0x42: {  	s8 =	sadd.s32 $0x2C00, s8;
	[sflag:s19] =	ssyncadd.s32 $0xFFFFE000  }
0x43: {  	[spmem:s2] =	stream.indirect.scatter.add.f32 [tilespmem:s25], [sflag:$0x3], $0x80, s8, s23, $0xb8;
	v63 =	vld [tilespmem:$0x0]  }
0x44: {  	_ =	swait.ge [sflag:s19], $0x2000  }
0x45: {  	s12 =	smov.u32 s16;
	s8 =	sshra.s32 s15, $0x2;
	[sflag:s19] =	ssyncset.done $0x0  }
.Ltmp4:
0x46: {  	_ = 	snop;
	(pc) =	sbr.rel .LBB2_11-.Ltmp4, $1  }
0x47: {  	_ =	sdelay $0x3  }
.LBB2_2:
0x48: {  	s12 =	rddreg [dreg:$0x3]  }
0x49: {  	[tilespmem:s8], [sflag:$0x3] =	stream.linear.gather [hbm4b:s12+s8], $0xC00, $0x38;
	v63 =	vld [tilespmem:$0x0]  }
0x4a: {  	_ =	swait.ge [sflag:s19], $0xC00  }
0x4b: {  	[sflag:s19] =	ssyncset.done $0x0  }
0x4c: {  	s16 =	sadd.s32 s5, s9;
	[sflag:s19] =	ssyncadd.s32 $0xFFFFF400  }
0x4d: {  	[tilespmem:s26], [sflag:$0x3] =	stream.linear.gather [hbm4b:s16+s8], $0xC00, $0x38;
	v63 =	vld [tilespmem:$0x0]  }
0x4e: {  	_ =	swait.ge [sflag:s19], $0xC00  }
0x4f: {  	[sflag:s19] =	ssyncset.done $0x0  }
0x50: {  	[sflag:s19] =	ssyncadd.s32 $0xFFFFF400  }
0x51: {  	[tilespmem:s25], [sflag:$0x1] =	stream.indirect.gather [hbm4b:s4+s28], $0x80, s8, s28, $0xb8;
	v63 =	vld [tilespmem:$0x0]  }
0x52: {  	s12 =	simm.s32 $0x80  }
0x53: {  	[tilespmem:s29], [sflag:$0x2] =	stream.indirect.gather [hbm4b:s4+s28], $0x80, s12, s28, $0xb8;
	v63 =	vld [tilespmem:$0x0]  }
0x54: {  	_ =	swait.ge [sflag:s30], $0x4000  }
0x55: {  	[sflag:s30] =	ssyncset.done $0x0  }
0x56: {  	s13 =	simm.s32 $0xC00;
	[sflag:s30] =	ssyncadd.s32 $0xFFFFC000  }
0x57: {  	[spmem:s2] =	stream.indirect.scatter.add.f32 [tilespmem:s25], [sflag:$0x3], $0x80, s13, s28, $0xb8;
	v63 =	vld [tilespmem:$0x0]  }
0x58: {  	_ =	swait.ge [sflag:s19], $0x4000  }
0x59: {  	[sflag:s19] =	ssyncset.done $0x0  }
0x5a: {  	s15 =	simm.s32 $0x100;
	[sflag:s19] =	ssyncadd.s32 $0xFFFFC000  }
0x5b: {  	[tilespmem:s25], [sflag:$0x1] =	stream.indirect.gather [hbm4b:s4+s28], $0x80, s15, s28, $0xb8;
	v63 =	vld [tilespmem:$0x0]  }
0x5c: {  	_ =	swait.ge [sflag:s31], $0x4000  }
0x5d: {  	[sflag:s31] =	ssyncset.done $0x0  }
0x5e: {  	s16 =	simm.s32 $0xC80;
	[sflag:s31] =	ssyncadd.s32 $0xFFFFC000  }
0x5f: {  	[spmem:s2] =	stream.indirect.scatter.add.f32 [tilespmem:s29], [sflag:$0x3], $0x80, s16, s28, $0xb8;
	v63 =	vld [tilespmem:$0x0]  }
0x60: {  	_ =	swait.ge [sflag:s19], $0x4000  }
0x61: {  	s8 =	simm.s32 $0x100;
	s12 =	simm.s32 $0x800;
	[sflag:s19] =	ssyncset.done $0x0  }
.LBB2_3:
0x62: {  	s13 =	sadd.s32 $0x80, s8  }
0x63: {  	[sflag:s19] =	ssyncadd.s32 $0xFFFFC000;
	s15 =	smov.u32 s12;
	s16 =	sadd.s32 $0x400, s12  }
0x64: {  	[tilespmem:s29], [sflag:$0x2] =	stream.indirect.gather [hbm4b:s4+s28], $0x80, s13, s28, $0xb8;
	v63 =	vld [tilespmem:$0x0]  }
0x65: {  	p1 =	sne.s32 s12, $0x2800;
	_ =	swait.ge [sflag:s30], $0x4000  }
0x66: {  	[sflag:s30] =	ssyncset.done $0x0  }
0x67: {  	s12 =	sadd.s32 $0xC00, s8;
	[sflag:s30] =	ssyncadd.s32 $0xFFFFC000  }
0x68: {  	[spmem:s2] =	stream.indirect.scatter.add.f32 [tilespmem:s25], [sflag:$0x3], $0x80, s12, s28, $0xb8;
	v63 =	vld [tilespmem:$0x0]  }
0x69: {  	_ =	swait.ge [sflag:s19], $0x4000  }
0x6a: {  	[sflag:s19] =	ssyncset.done $0x0  }
0x6b: {  	s12 =	sadd.s32 $0x100, s8;
	[sflag:s19] =	ssyncadd.s32 $0xFFFFC000  }
0x6c: {  	[tilespmem:s25], [sflag:$0x1] =	stream.indirect.gather [hbm4b:s4+s28], $0x80, s12, s28, $0xb8;
	v63 =	vld [tilespmem:$0x0]  }
0x6d: {  	_ =	swait.ge [sflag:s31], $0x4000  }
.Ltmp5:
0x6e: {  	[sflag:s31] =	ssyncset.done $0x0;
	(pc) =	sbr.rel @p1 .LBB2_3-.Ltmp5, $4  }
0x6f: {  	s8 =	sadd.s32 $0xC80, s8;
	[sflag:s31] =	ssyncadd.s32 $0xFFFFC000  }
0x70: {  	[spmem:s2] =	stream.indirect.scatter.add.f32 [tilespmem:s29], [sflag:$0x3], $0x80, s8, s28, $0xb8;
	v63 =	vld [tilespmem:$0x0]  }
0x71: {  	_ =	swait.ge [sflag:s19], $0x4000  }
0x72: {  	s12 =	smov.u32 s16;
	s8 =	sshra.s32 s15, $0x2;
	[sflag:s19] =	ssyncset.done $0x0  }
0x73: {  	s12 =	sadd.s32 $0x80, s8;
	[sflag:s19] =	ssyncadd.s32 $0xFFFFC000  }
0x74: {  	[tilespmem:s29], [sflag:$0x2] =	stream.indirect.gather [hbm4b:s4+s28], $0x80, s12, s28, $0xb8;
	v63 =	vld [tilespmem:$0x0]  }
0x75: {  	_ =	swait.ge [sflag:s30], $0x4000  }
0x76: {  	[sflag:s30] =	ssyncset.done $0x0  }
0x77: {  	s15 =	sadd.s32 $0xC00, s8;
	[sflag:s30] =	ssyncadd.s32 $0xFFFFC000  }
0x78: {  	[spmem:s2] =	stream.indirect.scatter.add.f32 [tilespmem:s25], [sflag:$0x3], $0x80, s15, s28, $0xb8;
	v63 =	vld [tilespmem:$0x0]  }
0x79: {  	_ =	swait.ge [sflag:s19], $0x4000  }
0x7a: {  	[sflag:s19] =	ssyncset.done $0x0  }
0x7b: {  	s16 =	sadd.s32 $0x100, s8;
	[sflag:s19] =	ssyncadd.s32 $0xFFFFC000  }
0x7c: {  	[tilespmem:s25], [sflag:$0x1] =	stream.indirect.gather [hbm4b:s4+s28], $0x80, s16, s28, $0xb8;
	v63 =	vld [tilespmem:$0x0]  }
0x7d: {  	_ =	swait.ge [sflag:s31], $0x4000  }
0x7e: {  	[sflag:s31] =	ssyncset.done $0x0  }
0x7f: {  	s12 =	sadd.s32 $0xC80, s8;
	[sflag:s31] =	ssyncadd.s32 $0xFFFFC000  }
0x80: {  	[spmem:s2] =	stream.indirect.scatter.add.f32 [tilespmem:s29], [sflag:$0x3], $0x80, s12, s28, $0xb8;
	v63 =	vld [tilespmem:$0x0]  }
0x81: {  	_ =	swait.ge [sflag:s19], $0x4000  }
0x82: {  	[sflag:s19] =	ssyncset.done $0x0  }
0x83: {  	[sflag:s19] =	ssyncadd.s32 $0xFFFFC000  }
0x84: {  	[tilespmem:s29], [sflag:$0x2] =	stream.indirect.gather [hbm4b:s4+s28], $0x80, s0, s28, $0xb8;
	v63 =	vld [tilespmem:$0x0]  }
0x85: {  	_ =	swait.ge [sflag:s30], $0x4000  }
0x86: {  	[sflag:s30] =	ssyncset.done $0x0  }
0x87: {  	[sflag:s30] =	ssyncadd.s32 $0xFFFFC000  }
0x88: {  	[spmem:s2] =	stream.indirect.scatter.add.f32 [tilespmem:s25], [sflag:$0x3], $0x80, s1, s28, $0xb8;
	v63 =	vld [tilespmem:$0x0]  }
0x89: {  	_ =	swait.ge [sflag:s19], $0x4000  }
0x8a: {  	[sflag:s19] =	ssyncset.done $0x0  }
0x8b: {  	[sflag:s19] =	ssyncadd.s32 $0xFFFFC000  }
0x8c: {  	_ =	swait.ge [sflag:s31], $0x4000  }
0x8d: {  	[sflag:s31] =	ssyncset.done $0x0  }
0x8e: {  	[sflag:s31] =	ssyncadd.s32 $0xFFFFC000  }
0x8f: {  	[spmem:s2] =	stream.indirect.scatter.add.f32 [tilespmem:s29], [sflag:$0x3], $0x80, s20, s28, $0xb8;
	v63 =	vld [tilespmem:$0x0]  }
0x90: {  	_ =	swait.ge [sflag:s19], $0x4000  }
0x91: {  	[sflag:s19] =	ssyncset.done $0x0  }
0x92: {  	s13 =	simm.s32 $0x0;
	s15 =	rddreg [dreg:$0x4];
	[sflag:s19] =	ssyncadd.s32 $0xFFFFC000  }
0x93: {  	[tilespmem:s13], [sflag:$0x3] =	stream.linear.gather [hbm4b:s15+s13], $0xC00, $0x38;
	v63 =	vld [tilespmem:$0x0]  }
0x94: {  	_ =	swait.ge [sflag:s19], $0xC00  }
0x95: {  	[sflag:s19] =	ssyncset.done $0x0  }
0x96: {  	s16 =	sadd.s32 s10, s9;
	[sflag:s19] =	ssyncadd.s32 $0xFFFFF400  }
0x97: {  	[tilespmem:s26], [sflag:$0x3] =	stream.linear.gather [hbm4b:s16+s13], $0xC00, $0x38;
	v63 =	vld [tilespmem:$0x0]  }
0x98: {  	_ =	swait.ge [sflag:s19], $0xC00  }
0x99: {  	[sflag:s19] =	ssyncset.done $0x0  }
0x9a: {  	[sflag:s19] =	ssyncadd.s32 $0xFFFFF400  }
0x9b: {  	[tilespmem:s25], [sflag:$0x1] =	stream.indirect.gather [hbm4b:s4+s28], $0x80, s13, s28, $0xb8;
	v63 =	vld [tilespmem:$0x0]  }
0x9c: {  	s12 =	simm.s32 $0x80  }
0x9d: {  	[tilespmem:s29], [sflag:$0x2] =	stream.indirect.gather [hbm4b:s4+s28], $0x80, s12, s28, $0xb8;
	v63 =	vld [tilespmem:$0x0]  }
0x9e: {  	_ =	swait.ge [sflag:s30], $0x4000  }
0x9f: {  	[sflag:s30] =	ssyncset.done $0x0  }
0xa0: {  	s13 =	simm.s32 $0xC00;
	[sflag:s30] =	ssyncadd.s32 $0xFFFFC000  }
0xa1: {  	[spmem:s2] =	stream.indirect.scatter.add.f32 [tilespmem:s25], [sflag:$0x3], $0x80, s13, s28, $0xb8;
	v63 =	vld [tilespmem:$0x0]  }
0xa2: {  	_ =	swait.ge [sflag:s19], $0x4000  }
0xa3: {  	[sflag:s19] =	ssyncset.done $0x0  }
0xa4: {  	s15 =	simm.s32 $0x100;
	[sflag:s19] =	ssyncadd.s32 $0xFFFFC000  }
0xa5: {  	[tilespmem:s25], [sflag:$0x1] =	stream.indirect.gather [hbm4b:s4+s28], $0x80, s15, s28, $0xb8;
	v63 =	vld [tilespmem:$0x0]  }
0xa6: {  	_ =	swait.ge [sflag:s31], $0x4000  }
0xa7: {  	[sflag:s31] =	ssyncset.done $0x0  }
0xa8: {  	s16 =	simm.s32 $0xC80;
	[sflag:s31] =	ssyncadd.s32 $0xFFFFC000  }
0xa9: {  	[spmem:s2] =	stream.indirect.scatter.add.f32 [tilespmem:s29], [sflag:$0x3], $0x80, s16, s28, $0xb8;
	v63 =	vld [tilespmem:$0x0]  }
0xaa: {  	_ =	swait.ge [sflag:s19], $0x4000  }
0xab: {  	s8 =	simm.s32 $0x100;
	s12 =	simm.s32 $0x800;
	[sflag:s19] =	ssyncset.done $0x0  }
.LBB2_5:
0xac: {  	s13 =	sadd.s32 $0x80, s8  }
0xad: {  	[sflag:s19] =	ssyncadd.s32 $0xFFFFC000;
	s15 =	smov.u32 s12;
	s16 =	sadd.s32 $0x400, s12  }
0xae: {  	[tilespmem:s29], [sflag:$0x2] =	stream.indirect.gather [hbm4b:s4+s28], $0x80, s13, s28, $0xb8;
	v63 =	vld [tilespmem:$0x0]  }
0xaf: {  	p1 =	sne.s32 s12, $0x2800;
	_ =	swait.ge [sflag:s30], $0x4000  }
0xb0: {  	[sflag:s30] =	ssyncset.done $0x0  }
0xb1: {  	s12 =	sadd.s32 $0xC00, s8;
	[sflag:s30] =	ssyncadd.s32 $0xFFFFC000  }
0xb2: {  	[spmem:s2] =	stream.indirect.scatter.add.f32 [tilespmem:s25], [sflag:$0x3], $0x80, s12, s28, $0xb8;
	v63 =	vld [tilespmem:$0x0]  }
0xb3: {  	_ =	swait.ge [sflag:s19], $0x4000  }
0xb4: {  	[sflag:s19] =	ssyncset.done $0x0  }
0xb5: {  	s12 =	sadd.s32 $0x100, s8;
	[sflag:s19] =	ssyncadd.s32 $0xFFFFC000  }
0xb6: {  	[tilespmem:s25], [sflag:$0x1] =	stream.indirect.gather [hbm4b:s4+s28], $0x80, s12, s28, $0xb8;
	v63 =	vld [tilespmem:$0x0]  }
0xb7: {  	_ =	swait.ge [sflag:s31], $0x4000  }
.Ltmp6:
0xb8: {  	[sflag:s31] =	ssyncset.done $0x0;
	(pc) =	sbr.rel @p1 .LBB2_5-.Ltmp6, $4  }
0xb9: {  	s8 =	sadd.s32 $0xC80, s8;
	[sflag:s31] =	ssyncadd.s32 $0xFFFFC000  }
0xba: {  	[spmem:s2] =	stream.indirect.scatter.add.f32 [tilespmem:s29], [sflag:$0x3], $0x80, s8, s28, $0xb8;
	v63 =	vld [tilespmem:$0x0]  }
0xbb: {  	_ =	swait.ge [sflag:s19], $0x4000  }
0xbc: {  	s12 =	smov.u32 s16;
	s8 =	sshra.s32 s15, $0x2;
	[sflag:s19] =	ssyncset.done $0x0  }
0xbd: {  	s12 =	sadd.s32 $0x80, s8;
	[sflag:s19] =	ssyncadd.s32 $0xFFFFC000  }
0xbe: {  	[tilespmem:s29], [sflag:$0x2] =	stream.indirect.gather [hbm4b:s4+s28], $0x80, s12, s28, $0xb8;
	v63 =	vld [tilespmem:$0x0]  }
0xbf: {  	_ =	swait.ge [sflag:s30], $0x4000  }
0xc0: {  	[sflag:s30] =	ssyncset.done $0x0  }
0xc1: {  	s15 =	sadd.s32 $0xC00, s8;
	[sflag:s30] =	ssyncadd.s32 $0xFFFFC000  }
0xc2: {  	[spmem:s2] =	stream.indirect.scatter.add.f32 [tilespmem:s25], [sflag:$0x3], $0x80, s15, s28, $0xb8;
	v63 =	vld [tilespmem:$0x0]  }
0xc3: {  	_ =	swait.ge [sflag:s19], $0x4000  }
0xc4: {  	[sflag:s19] =	ssyncset.done $0x0  }
0xc5: {  	s16 =	sadd.s32 $0x100, s8;
	[sflag:s19] =	ssyncadd.s32 $0xFFFFC000  }
0xc6: {  	[tilespmem:s25], [sflag:$0x1] =	stream.indirect.gather [hbm4b:s4+s28], $0x80, s16, s28, $0xb8;
	v63 =	vld [tilespmem:$0x0]  }
0xc7: {  	_ =	swait.ge [sflag:s31], $0x4000  }
0xc8: {  	[sflag:s31] =	ssyncset.done $0x0  }
0xc9: {  	s12 =	sadd.s32 $0xC80, s8;
	[sflag:s31] =	ssyncadd.s32 $0xFFFFC000  }
0xca: {  	[spmem:s2] =	stream.indirect.scatter.add.f32 [tilespmem:s29], [sflag:$0x3], $0x80, s12, s28, $0xb8;
	v63 =	vld [tilespmem:$0x0]  }
0xcb: {  	_ =	swait.ge [sflag:s19], $0x4000  }
0xcc: {  	[sflag:s19] =	ssyncset.done $0x0  }
0xcd: {  	[sflag:s19] =	ssyncadd.s32 $0xFFFFC000  }
0xce: {  	[tilespmem:s29], [sflag:$0x2] =	stream.indirect.gather [hbm4b:s4+s28], $0x80, s0, s28, $0xb8;
	v63 =	vld [tilespmem:$0x0]  }
0xcf: {  	_ =	swait.ge [sflag:s30], $0x4000  }
0xd0: {  	[sflag:s30] =	ssyncset.done $0x0  }
0xd1: {  	[sflag:s30] =	ssyncadd.s32 $0xFFFFC000  }
0xd2: {  	[spmem:s2] =	stream.indirect.scatter.add.f32 [tilespmem:s25], [sflag:$0x3], $0x80, s1, s28, $0xb8;
	v63 =	vld [tilespmem:$0x0]  }
0xd3: {  	_ =	swait.ge [sflag:s19], $0x4000  }
0xd4: {  	[sflag:s19] =	ssyncset.done $0x0  }
0xd5: {  	[sflag:s19] =	ssyncadd.s32 $0xFFFFC000  }
0xd6: {  	_ =	swait.ge [sflag:s31], $0x4000  }
0xd7: {  	[sflag:s31] =	ssyncset.done $0x0  }
0xd8: {  	[sflag:s31] =	ssyncadd.s32 $0xFFFFC000  }
0xd9: {  	[spmem:s2] =	stream.indirect.scatter.add.f32 [tilespmem:s29], [sflag:$0x3], $0x80, s20, s28, $0xb8;
	v63 =	vld [tilespmem:$0x0]  }
0xda: {  	_ =	swait.ge [sflag:s19], $0x4000  }
0xdb: {  	[sflag:s19] =	ssyncset.done $0x0  }
0xdc: {  	s13 =	simm.s32 $0x0;
	s15 =	rddreg [dreg:$0x5];
	[sflag:s19] =	ssyncadd.s32 $0xFFFFC000  }
0xdd: {  	[tilespmem:s13], [sflag:$0x3] =	stream.linear.gather [hbm4b:s15+s13], $0xC00, $0x38;
	v63 =	vld [tilespmem:$0x0]  }
0xde: {  	_ =	swait.ge [sflag:s19], $0xC00  }
0xdf: {  	[sflag:s19] =	ssyncset.done $0x0  }
0xe0: {  	s16 =	sadd.s32 s11, s9;
	[sflag:s19] =	ssyncadd.s32 $0xFFFFF400  }
0xe1: {  	[tilespmem:s26], [sflag:$0x3] =	stream.linear.gather [hbm4b:s16+s13], $0xC00, $0x38;
	v63 =	vld [tilespmem:$0x0]  }
0xe2: {  	_ =	swait.ge [sflag:s19], $0xC00  }
0xe3: {  	[sflag:s19] =	ssyncset.done $0x0  }
0xe4: {  	[sflag:s19] =	ssyncadd.s32 $0xFFFFF400  }
0xe5: {  	[tilespmem:s25], [sflag:$0x1] =	stream.indirect.gather [hbm4b:s4+s28], $0x80, s13, s28, $0xb8;
	v63 =	vld [tilespmem:$0x0]  }
0xe6: {  	s12 =	simm.s32 $0x80  }
0xe7: {  	[tilespmem:s29], [sflag:$0x2] =	stream.indirect.gather [hbm4b:s4+s28], $0x80, s12, s28, $0xb8;
	v63 =	vld [tilespmem:$0x0]  }
0xe8: {  	_ =	swait.ge [sflag:s30], $0x4000  }
0xe9: {  	[sflag:s30] =	ssyncset.done $0x0  }
0xea: {  	s13 =	simm.s32 $0xC00;
	[sflag:s30] =	ssyncadd.s32 $0xFFFFC000  }
0xeb: {  	[spmem:s2] =	stream.indirect.scatter.add.f32 [tilespmem:s25], [sflag:$0x3], $0x80, s13, s28, $0xb8;
	v63 =	vld [tilespmem:$0x0]  }
0xec: {  	_ =	swait.ge [sflag:s19], $0x4000  }
0xed: {  	[sflag:s19] =	ssyncset.done $0x0  }
0xee: {  	s15 =	simm.s32 $0x100;
	[sflag:s19] =	ssyncadd.s32 $0xFFFFC000  }
0xef: {  	[tilespmem:s25], [sflag:$0x1] =	stream.indirect.gather [hbm4b:s4+s28], $0x80, s15, s28, $0xb8;
	v63 =	vld [tilespmem:$0x0]  }
0xf0: {  	_ =	swait.ge [sflag:s31], $0x4000  }
0xf1: {  	[sflag:s31] =	ssyncset.done $0x0  }
0xf2: {  	s16 =	simm.s32 $0xC80;
	[sflag:s31] =	ssyncadd.s32 $0xFFFFC000  }
0xf3: {  	[spmem:s2] =	stream.indirect.scatter.add.f32 [tilespmem:s29], [sflag:$0x3], $0x80, s16, s28, $0xb8;
	v63 =	vld [tilespmem:$0x0]  }
0xf4: {  	_ =	swait.ge [sflag:s19], $0x4000  }
0xf5: {  	s8 =	simm.s32 $0x100;
	s12 =	simm.s32 $0x800;
	[sflag:s19] =	ssyncset.done $0x0  }
.LBB2_7:
0xf6: {  	s13 =	sadd.s32 $0x80, s8  }
0xf7: {  	[sflag:s19] =	ssyncadd.s32 $0xFFFFC000;
	s15 =	smov.u32 s12;
	s16 =	sadd.s32 $0x400, s12  }
0xf8: {  	[tilespmem:s29], [sflag:$0x2] =	stream.indirect.gather [hbm4b:s4+s28], $0x80, s13, s28, $0xb8;
	v63 =	vld [tilespmem:$0x0]  }
0xf9: {  	p1 =	sne.s32 s12, $0x2800;
	_ =	swait.ge [sflag:s30], $0x4000  }
0xfa: {  	[sflag:s30] =	ssyncset.done $0x0  }
0xfb: {  	s12 =	sadd.s32 $0xC00, s8;
	[sflag:s30] =	ssyncadd.s32 $0xFFFFC000  }
0xfc: {  	[spmem:s2] =	stream.indirect.scatter.add.f32 [tilespmem:s25], [sflag:$0x3], $0x80, s12, s28, $0xb8;
	v63 =	vld [tilespmem:$0x0]  }
0xfd: {  	_ =	swait.ge [sflag:s19], $0x4000  }
0xfe: {  	[sflag:s19] =	ssyncset.done $0x0  }
0xff: {  	s12 =	sadd.s32 $0x100, s8;
	[sflag:s19] =	ssyncadd.s32 $0xFFFFC000  }
0x100: {  	[tilespmem:s25], [sflag:$0x1] =	stream.indirect.gather [hbm4b:s4+s28], $0x80, s12, s28, $0xb8;
	v63 =	vld [tilespmem:$0x0]  }
0x101: {  	_ =	swait.ge [sflag:s31], $0x4000  }
.Ltmp7:
0x102: {  	[sflag:s31] =	ssyncset.done $0x0;
	(pc) =	sbr.rel @p1 .LBB2_7-.Ltmp7, $4  }
0x103: {  	s8 =	sadd.s32 $0xC80, s8;
	[sflag:s31] =	ssyncadd.s32 $0xFFFFC000  }
0x104: {  	[spmem:s2] =	stream.indirect.scatter.add.f32 [tilespmem:s29], [sflag:$0x3], $0x80, s8, s28, $0xb8;
	v63 =	vld [tilespmem:$0x0]  }
0x105: {  	_ =	swait.ge [sflag:s19], $0x4000  }
0x106: {  	s12 =	smov.u32 s16;
	s8 =	sshra.s32 s15, $0x2;
	[sflag:s19] =	ssyncset.done $0x0  }
0x107: {  	s12 =	sadd.s32 $0x80, s8;
	[sflag:s19] =	ssyncadd.s32 $0xFFFFC000  }
0x108: {  	[tilespmem:s29], [sflag:$0x2] =	stream.indirect.gather [hbm4b:s4+s28], $0x80, s12, s28, $0xb8;
	v63 =	vld [tilespmem:$0x0]  }
0x109: {  	_ =	swait.ge [sflag:s30], $0x4000  }
0x10a: {  	[sflag:s30] =	ssyncset.done $0x0  }
0x10b: {  	s15 =	sadd.s32 $0xC00, s8;
	[sflag:s30] =	ssyncadd.s32 $0xFFFFC000  }
0x10c: {  	[spmem:s2] =	stream.indirect.scatter.add.f32 [tilespmem:s25], [sflag:$0x3], $0x80, s15, s28, $0xb8;
	v63 =	vld [tilespmem:$0x0]  }
0x10d: {  	_ =	swait.ge [sflag:s19], $0x4000  }
0x10e: {  	[sflag:s19] =	ssyncset.done $0x0  }
0x10f: {  	s16 =	sadd.s32 $0x100, s8;
	[sflag:s19] =	ssyncadd.s32 $0xFFFFC000  }
0x110: {  	[tilespmem:s25], [sflag:$0x1] =	stream.indirect.gather [hbm4b:s4+s28], $0x80, s16, s28, $0xb8;
	v63 =	vld [tilespmem:$0x0]  }
0x111: {  	_ =	swait.ge [sflag:s31], $0x4000  }
0x112: {  	[sflag:s31] =	ssyncset.done $0x0  }
0x113: {  	s12 =	sadd.s32 $0xC80, s8;
	[sflag:s31] =	ssyncadd.s32 $0xFFFFC000  }
0x114: {  	[spmem:s2] =	stream.indirect.scatter.add.f32 [tilespmem:s29], [sflag:$0x3], $0x80, s12, s28, $0xb8;
	v63 =	vld [tilespmem:$0x0]  }
0x115: {  	_ =	swait.ge [sflag:s19], $0x4000  }
0x116: {  	[sflag:s19] =	ssyncset.done $0x0  }
0x117: {  	[sflag:s19] =	ssyncadd.s32 $0xFFFFC000  }
0x118: {  	[tilespmem:s29], [sflag:$0x2] =	stream.indirect.gather [hbm4b:s4+s28], $0x80, s0, s28, $0xb8;
	v63 =	vld [tilespmem:$0x0]  }
0x119: {  	_ =	swait.ge [sflag:s30], $0x4000  }
0x11a: {  	[sflag:s30] =	ssyncset.done $0x0  }
0x11b: {  	[sflag:s30] =	ssyncadd.s32 $0xFFFFC000  }
0x11c: {  	[spmem:s2] =	stream.indirect.scatter.add.f32 [tilespmem:s25], [sflag:$0x3], $0x80, s1, s28, $0xb8;
	v63 =	vld [tilespmem:$0x0]  }
0x11d: {  	_ =	swait.ge [sflag:s19], $0x4000  }
0x11e: {  	[sflag:s19] =	ssyncset.done $0x0  }
0x11f: {  	[sflag:s19] =	ssyncadd.s32 $0xFFFFC000  }
0x120: {  	_ =	swait.ge [sflag:s31], $0x4000  }
0x121: {  	[sflag:s31] =	ssyncset.done $0x0  }
0x122: {  	[sflag:s31] =	ssyncadd.s32 $0xFFFFC000  }
0x123: {  	[spmem:s2] =	stream.indirect.scatter.add.f32 [tilespmem:s29], [sflag:$0x3], $0x80, s20, s28, $0xb8;
	v63 =	vld [tilespmem:$0x0]  }
0x124: {  	_ =	swait.ge [sflag:s19], $0x4000  }
0x125: {  	[sflag:s19] =	ssyncset.done $0x0  }
0x126: {  	s13 =	rddreg [dreg:$0x6];
	[sflag:s19] =	ssyncadd.s32 $0xFFFFC000  }
0x127: {  	[tilespmem:s3], [sflag:$0x3] =	stream.linear.gather [hbm4b:s13+s3], $0x400, $0x38;
	v63 =	vld [tilespmem:$0x0]  }
0x128: {  	_ =	swait.ge [sflag:s19], $0x400  }
0x129: {  	[sflag:s19] =	ssyncset.done $0x0  }
0x12a: {  	s15 =	sadd.s32 s14, s9;
	[sflag:s19] =	ssyncadd.s32 $0xFFFFFC00  }
0x12b: {  	[tilespmem:s26], [sflag:$0x3] =	stream.linear.gather [hbm4b:s15+s3], $0x400, $0x38;
	v63 =	vld [tilespmem:$0x0]  }
0x12c: {  	_ =	swait.ge [sflag:s19], $0x400  }
0x12d: {  	[sflag:s19] =	ssyncset.done $0x0  }
0x12e: {  	[sflag:s19] =	ssyncadd.s32 $0xFFFFFC00  }
0x12f: {  	[tilespmem:s25], [sflag:$0x1] =	stream.indirect.gather [hbm4b:s4+s28], $0x80, s3, s28, $0xb8;
	v63 =	vld [tilespmem:$0x0]  }
0x130: {  	_ = 	snop  }
0x131: {  	[tilespmem:s29], [sflag:$0x2] =	stream.indirect.gather [hbm4b:s4+s28], $0x80, s28, s28, $0xb8;
	v63 =	vld [tilespmem:$0x0]  }
0x132: {  	_ =	swait.ge [sflag:s30], $0x4000  }
0x133: {  	[sflag:s30] =	ssyncset.done $0x0  }
0x134: {  	[sflag:s30] =	ssyncadd.s32 $0xFFFFC000  }
0x135: {  	[spmem:s2] =	stream.indirect.scatter.add.f32 [tilespmem:s25], [sflag:$0x3], $0x80, s26, s28, $0xb8;
	v63 =	vld [tilespmem:$0x0]  }
0x136: {  	_ =	swait.ge [sflag:s19], $0x4000  }
0x137: {  	[sflag:s19] =	ssyncset.done $0x0  }
0x138: {  	s16 =	simm.s32 $0x100;
	[sflag:s19] =	ssyncadd.s32 $0xFFFFC000  }
0x139: {  	[tilespmem:s25], [sflag:$0x1] =	stream.indirect.gather [hbm4b:s4+s28], $0x80, s16, s28, $0xb8;
	v63 =	vld [tilespmem:$0x0]  }
0x13a: {  	_ =	swait.ge [sflag:s31], $0x4000  }
0x13b: {  	[sflag:s31] =	ssyncset.done $0x0  }
0x13c: {  	s12 =	simm.s32 $0xC80;
	[sflag:s31] =	ssyncadd.s32 $0xFFFFC000  }
0x13d: {  	[spmem:s2] =	stream.indirect.scatter.add.f32 [tilespmem:s29], [sflag:$0x3], $0x80, s12, s28, $0xb8;
	v63 =	vld [tilespmem:$0x0]  }
0x13e: {  	_ =	swait.ge [sflag:s19], $0x4000  }
0x13f: {  	[sflag:s19] =	ssyncset.done $0x0  }
0x140: {  	s13 =	simm.s32 $0x180;
	[sflag:s19] =	ssyncadd.s32 $0xFFFFC000  }
0x141: {  	[tilespmem:s29], [sflag:$0x2] =	stream.indirect.gather [hbm4b:s4+s28], $0x80, s13, s28, $0xb8;
	v63 =	vld [tilespmem:$0x0]  }
0x142: {  	_ =	swait.ge [sflag:s30], $0x4000  }
0x143: {  	[sflag:s30] =	ssyncset.done $0x0  }
0x144: {  	s15 =	simm.s32 $0xD00;
	[sflag:s30] =	ssyncadd.s32 $0xFFFFC000  }
0x145: {  	[spmem:s2] =	stream.indirect.scatter.add.f32 [tilespmem:s25], [sflag:$0x3], $0x80, s15, s28, $0xb8;
	v63 =	vld [tilespmem:$0x0]  }
0x146: {  	_ =	swait.ge [sflag:s19], $0x4000  }
0x147: {  	[sflag:s19] =	ssyncset.done $0x0  }
0x148: {  	s16 =	simm.s32 $0x200;
	[sflag:s19] =	ssyncadd.s32 $0xFFFFC000  }
0x149: {  	[tilespmem:s25], [sflag:$0x1] =	stream.indirect.gather [hbm4b:s4+s28], $0x80, s16, s28, $0xb8;
	v63 =	vld [tilespmem:$0x0]  }
0x14a: {  	_ =	swait.ge [sflag:s31], $0x4000  }
0x14b: {  	[sflag:s31] =	ssyncset.done $0x0  }
0x14c: {  	s12 =	simm.s32 $0xD80;
	[sflag:s31] =	ssyncadd.s32 $0xFFFFC000  }
0x14d: {  	[spmem:s2] =	stream.indirect.scatter.add.f32 [tilespmem:s29], [sflag:$0x3], $0x80, s12, s28, $0xb8;
	v63 =	vld [tilespmem:$0x0]  }
0x14e: {  	_ =	swait.ge [sflag:s19], $0x4000  }
0x14f: {  	[sflag:s19] =	ssyncset.done $0x0  }
0x150: {  	s13 =	simm.s32 $0x280;
	[sflag:s19] =	ssyncadd.s32 $0xFFFFC000  }
0x151: {  	[tilespmem:s29], [sflag:$0x2] =	stream.indirect.gather [hbm4b:s4+s28], $0x80, s13, s28, $0xb8;
	v63 =	vld [tilespmem:$0x0]  }
0x152: {  	_ =	swait.ge [sflag:s30], $0x4000  }
0x153: {  	[sflag:s30] =	ssyncset.done $0x0  }
0x154: {  	s15 =	simm.s32 $0xE00;
	[sflag:s30] =	ssyncadd.s32 $0xFFFFC000  }
0x155: {  	[spmem:s2] =	stream.indirect.scatter.add.f32 [tilespmem:s25], [sflag:$0x3], $0x80, s15, s28, $0xb8;
	v63 =	vld [tilespmem:$0x0]  }
0x156: {  	_ =	swait.ge [sflag:s19], $0x4000  }
0x157: {  	[sflag:s19] =	ssyncset.done $0x0  }
0x158: {  	s16 =	simm.s32 $0x300;
	[sflag:s19] =	ssyncadd.s32 $0xFFFFC000  }
0x159: {  	[tilespmem:s25], [sflag:$0x1] =	stream.indirect.gather [hbm4b:s4+s28], $0x80, s16, s28, $0xb8;
	v63 =	vld [tilespmem:$0x0]  }
0x15a: {  	_ =	swait.ge [sflag:s31], $0x4000  }
0x15b: {  	[sflag:s31] =	ssyncset.done $0x0  }
0x15c: {  	s12 =	simm.s32 $0xE80;
	[sflag:s31] =	ssyncadd.s32 $0xFFFFC000  }
0x15d: {  	[spmem:s2] =	stream.indirect.scatter.add.f32 [tilespmem:s29], [sflag:$0x3], $0x80, s12, s28, $0xb8;
	v63 =	vld [tilespmem:$0x0]  }
0x15e: {  	_ =	swait.ge [sflag:s19], $0x4000  }
0x15f: {  	[sflag:s19] =	ssyncset.done $0x0  }
0x160: {  	s13 =	simm.s32 $0x380;
	[sflag:s19] =	ssyncadd.s32 $0xFFFFC000  }
0x161: {  	[tilespmem:s29], [sflag:$0x2] =	stream.indirect.gather [hbm4b:s4+s28], $0x80, s13, s28, $0xb8;
	v63 =	vld [tilespmem:$0x0]  }
0x162: {  	_ =	swait.ge [sflag:s30], $0x4000  }
0x163: {  	[sflag:s30] =	ssyncset.done $0x0  }
0x164: {  	s15 =	simm.s32 $0xF00;
	[sflag:s30] =	ssyncadd.s32 $0xFFFFC000  }
0x165: {  	[spmem:s2] =	stream.indirect.scatter.add.f32 [tilespmem:s25], [sflag:$0x3], $0x80, s15, s28, $0xb8;
	v63 =	vld [tilespmem:$0x0]  }
0x166: {  	_ =	swait.ge [sflag:s19], $0x4000  }
0x167: {  	[sflag:s19] =	ssyncset.done $0x0  }
0x168: {  	[sflag:s19] =	ssyncadd.s32 $0xFFFFC000  }
0x169: {  	_ =	swait.ge [sflag:s31], $0x4000  }
0x16a: {  	[sflag:s31] =	ssyncset.done $0x0  }
.Ltmp8:
0x16b: {  	s16 =	simm.s32 $0xF80;
	[sflag:s31] =	ssyncadd.s32 $0xFFFFC000;
	(pc) =	sbr.rel .LBB2_12-.Ltmp8, $4  }
0x16c: {  	[spmem:s2] =	stream.indirect.scatter.add.f32 [tilespmem:s29], [sflag:$0x3], $0x80, s16, s28, $0xb8;
	v63 =	vld [tilespmem:$0x0]  }
0x16d: {  	_ =	swait.ge [sflag:s19], $0x4000  }
0x16e: {  	[sflag:s19] =	ssyncset.done $0x0  }
0x16f: {  	[sflag:s19] =	ssyncadd.s32 $0xFFFFC000  }
.LBB2_13:
0x170: {  	_ =	sfence.sel $0x180000  }
0x171: {  	[bflag:$0x0] =	sbarrier.arrive $0xFFFF  }
0x172: {  	_ =	strace $0x9000004D  }
0x173: {  	s0 =	stileid.u32;
	[bflag:$0x2] =	sbarrier.arrive $0xFFFF  }
0x174: {  	p0 =	sne.s32 s0, $0x0;
	s0 =	rddreg [dreg:$0x2]  }
0x175: {  	s0 =	sadd.s32 @!p0 $0x100000, s0  }
0x176: {  	[sflag:s0] =	ssyncadd.tile.s32 @!p0 $0x1;
	_ =	shalt  }
.Lfunc_end2:
_tile_overlayer_lowered:
.L_overlay_start_2:
0x177: {  	(tag) =	ssettag $0x2  }
0x178: {  	s0 =	rddreg [dreg:$0x0];
	s2 =	stileid.u32  }
0x179: {  	s1 =	rddreg [dreg:$0x1];
	p0 =	sne.s32 s2, $0x0  }
0x17a: {  	s3 =	rddreg [dreg:$0x2];
	[bflag:$0x3] =	sbarrier.arrive $0xFFFF;
	s2 =	simm.s32 @!p0 $0x1C03  }
0x17b: {  	[timem:s3], [sflag:s2] =	dma.local @!p0 [hbm:s0], s1  }
0x17c: {  	s0 =	simm.s32 @!p0 $0x3  }
0x17d: {  	_ =	swait.ge @!p0 [sflag:s0], s1  }
0x17e: {  	s1 =	ssub.s32 @!p0 $0x0, s1;
	[sflag:s0] =	ssyncset.done @!p0 $0x0  }
0x17f: {  	[sflag:s0] =	ssyncadd.s32 @!p0 s1  }
0x180: {  	[bflag:$0x3] =	sbarrier.arrive $0xFFFF  }
0x181: {  	_ =	shalt  }

// kernel: kernel.9.cloned.1.call-start
scs
__scs_entry_jumppad:
0x0: {  	(pc) =	sbr.rel $0x88, $3  }
0x1: {  	(tag) =	ssettag $0x0;
	lr =	simm.s32 $0x1  }
0x2: {  	[smem:$0x3F9B] =	sst lr;
	_ =	strace $0xD0000000  }
0x3: {  	_ = 	snop  }
0x4: {  	_ = 	snop  }
0x5: {  	_ = 	snop  }
0x6: {  	_ = 	snop  }
0x7: {  	_ = 	snop  }
__scs_overlays_trampoline_lowered:
0x8: {  	[smem:$0x3FAA] =	sst s0  }
0x9: {  	[smem:$0x3FAB] =	sst s1  }
0xa: {  	[smem:$0x3FAC] =	sst s2  }
0xb: {  	[smem:$0x3FAD] =	sst s3  }
0xc: {  	[smem:$0x3FAE] =	sst s4  }
0xd: {  	[smem:$0x3FAF] =	sst s5  }
0xe: {  	[smem:$0x3FB0] =	sst s6  }
0xf: {  	[smem:$0x3FB1] =	sst s7  }
0x10: {  	[smem:$0x3FB2] =	sst s8  }
0x11: {  	[smem:$0x3FB3] =	sst s9;
	s0 =	simm.s32 @!p0 $0x0  }
0x12: {  	s1 =	sld [smem:$0x3F99];
	s0 =	simm.s32 @p0 $0x1  }
0x13: {  	[smem:$0x3FB4] =	sst s0;
	s0 =	simm.s32 @!p1 $0x0  }
0x14: {  	s2 =	sld [smem:$0x3F98];
	s0 =	simm.s32 @p1 $0x1  }
0x15: {  	[smem:$0x3FB5] =	sst s0;
	s0 =	simm.s32 @!p2 $0x0  }
0x16: {  	s3 =	sld [smem:$0x3FDB];
	s0 =	simm.s32 @p2 $0x1  }
0x17: {  	s4 =	simm.s32 $0x1BF5;
	[smem:$0x3FB7] =	sst s0  }
0x18: {  	s0 =	sld [smem:$0x3F9A];
	_ =	swait.ge [sflag:s4], $0x0  }
0x19: {  	s7 =	sld [smem:$0x3F9B]  }
0x1a: {  	s8 =	sadd.s32 $0xFFFFE003, lr  }
0x1b: {  	s9 =	sadd.s32 $0xFFFFFEF7, lr;
	s5 =	simm.s32 $0xFFFFFFFF;
	p2 =	slt.u32 s8, $0xFFFFF086  }
0x1c: {  	p1 =	slt.u32 s9, $0xF7A;
	s5 =	simm.s32 @!p2 $0x0  }
0x1d: {  	s5 =	simm.s32 @p1 $0x1;
	p0 =	seq.s32 s7, s2  }
0x1e: {  	s7 =	smul.u32 @!p0 $0xF7A, s2;
	p2 =	seq.s32 @!p0 s5, $0x0  }
0x1f: {  	s9 =	smul.u32 $0xF7A, s1;
	s8 =	simm.s32 @!p0 $0x1BF5;
	p2 =	por !p2, p0  }
0x20: {  	[sflag:s8] =	ssyncset.s32 @!p0 $0xFFFFF086;
	s6 =	sadd.s32 @!p0 s3, s7;
	s7 =	simm.s32 @!p0 $0x108  }
0x21: {  	s3 =	sadd.s32 s3, s9;
	s6 =	sadd.s32 @!p0 $0x88, s6;
	s7 =	simm.s32 @p2 $0x1082  }
0x22: {  	[simem:s7], [sflag:s8] =	dma.local @!p0 [hbm:s6], $0xF7A  }
0x23: {  	s9 =	sor.u32 $0xD0000000, s2;
	s6 =	simm.s32 $0x108;
	_ =	swait.ge @!p0 [sflag:s8], $0x0  }
0x24: {  	s3 =	sadd.s32 $0x88, s3;
	s6 =	simm.s32 @!p1 $0x1082;
	[sflag:s4] =	ssyncset.s32 $0xFFFFF086  }
0x25: {  	[simem:s6], [sflag:s4] =	dma.local [hbm:s3], $0xF7A  }
0x26: {  	[smem:$0x3F9B] =	sst s1;
	(tag) =	ssettag s2;
	_ =	strace s9  }
0x27: {  	s1 =	sld [smem:$0x3FAB]  }
0x28: {  	s2 =	sld [smem:$0x3FAC]  }
0x29: {  	s4 =	sld [smem:$0x3FAE]  }
0x2a: {  	p0 =	seq.s32 s5, $0x0;
	s5 =	sld [smem:$0x3FAF]  }
0x2b: {  	s6 =	sld [smem:$0x3FB0]  }
0x2c: {  	s7 =	sld [smem:$0x3FB1]  }
0x2d: {  	s3 =	simm.s32 $0x108;
	s8 =	sld [smem:$0x3FB2]  }
0x2e: {  	s3 =	simm.s32 @!p0 $0x1082;
	s9 =	sld [smem:$0x3FB3]  }
0x2f: {  	lr =	sadd.s32 s0, s3;
	s0 =	sld [smem:$0x3FAA]  }
0x30: {  	s3 =	sld [smem:$0x3FAD]  }
0x31: {  	[smem:$0x3FB6] =	sst s10  }
0x32: {  	s10 =	sld [smem:$0x3FB4];
	_ =	sdelay $0x3  }
0x33: {  	p0 =	seq.s32 s10, $0x1;
	s10 =	sld [smem:$0x3FB6];
	_ =	sdelay $0x3  }
0x34: {  	[smem:$0x3FB6] =	sst s10  }
0x35: {  	s10 =	sld [smem:$0x3FB5];
	_ =	sdelay $0x3  }
0x36: {  	p1 =	seq.s32 s10, $0x1;
	s10 =	sld [smem:$0x3FB6];
	_ =	sdelay $0x3  }
0x37: {  	[smem:$0x3FB6] =	sst s10  }
0x38: {  	s10 =	sld [smem:$0x3FB7]  }
0x39: {  	_ = 	snop;
	(pc) =	sbr.ind lr, $3  }
0x3a: {  	_ = 	snop  }
0x3b: {  	_ = 	snop  }
0x3c: {  	p2 =	seq.s32 s10, $0x1;
	s10 =	sld [smem:$0x3FB6]  }
0x3d: {  	_ =	shalt  }
0x3e: {  	_ =	shalt  }
0x3f: {  	_ =	shalt  }
0x40: {  	_ =	shalt  }
0x41: {  	_ =	shalt  }
0x42: {  	_ =	shalt  }
0x43: {  	_ =	shalt  }
0x44: {  	_ =	shalt  }
0x45: {  	_ =	shalt  }
0x46: {  	_ =	shalt  }
0x47: {  	_ =	shalt  }
0x48: {  	_ =	shalt  }
0x49: {  	_ =	shalt  }
0x4a: {  	_ =	shalt  }
0x4b: {  	_ =	shalt  }
0x4c: {  	_ =	shalt  }
0x4d: {  	_ =	shalt  }
0x4e: {  	_ =	shalt  }
0x4f: {  	_ =	shalt  }
0x50: {  	_ =	shalt  }
0x51: {  	_ =	shalt  }
0x52: {  	_ =	shalt  }
0x53: {  	_ =	shalt  }
0x54: {  	_ =	shalt  }
0x55: {  	_ =	shalt  }
0x56: {  	_ =	shalt  }
0x57: {  	_ =	shalt  }
0x58: {  	_ =	shalt  }
0x59: {  	_ =	shalt  }
0x5a: {  	_ =	shalt  }
0x5b: {  	_ =	shalt  }
0x5c: {  	_ =	shalt  }
0x5d: {  	_ =	shalt  }
0x5e: {  	_ =	shalt  }
0x5f: {  	_ =	shalt  }
0x60: {  	_ =	shalt  }
0x61: {  	_ =	shalt  }
0x62: {  	_ =	shalt  }
0x63: {  	_ =	shalt  }
0x64: {  	_ =	shalt  }
0x65: {  	_ =	shalt  }
0x66: {  	_ =	shalt  }
0x67: {  	_ =	shalt  }
0x68: {  	_ =	shalt  }
0x69: {  	_ =	shalt  }
0x6a: {  	_ =	shalt  }
0x6b: {  	_ =	shalt  }
0x6c: {  	_ =	shalt  }
0x6d: {  	_ =	shalt  }
0x6e: {  	_ =	shalt  }
0x6f: {  	_ =	shalt  }
0x70: {  	_ =	shalt  }
0x71: {  	_ =	shalt  }
0x72: {  	_ =	shalt  }
0x73: {  	_ =	shalt  }
0x74: {  	_ =	shalt  }
0x75: {  	_ =	shalt  }
0x76: {  	_ =	shalt  }
0x77: {  	_ =	shalt  }
0x78: {  	_ =	shalt  }
0x79: {  	_ =	shalt  }
0x7a: {  	_ =	shalt  }
0x7b: {  	_ =	shalt  }
0x7c: {  	_ =	shalt  }
0x7d: {  	_ =	shalt  }
0x7e: {  	_ =	shalt  }
0x7f: {  	_ =	shalt  }
0x80: {  	_ =	shalt  }
0x81: {  	_ =	shalt  }
0x82: {  	_ =	shalt  }
0x83: {  	_ =	shalt  }
0x84: {  	_ =	shalt  }
0x85: {  	_ =	shalt  }
0x86: {  	_ =	shalt  }
0x87: {  	_ =	shalt  }
.Lfunc_end0:
.L_simem_size_0:
called_computation_lowered:
.L_overlay_start_0:
0x88: {  	s2 =	sld [smem:$0x3FD9]  }
0x89: {  	s3 =	sld [smem:$0x3FFE];
	_ =	sdelay $0x1  }
0x8a: {  	s1 =	srdreg.scid  }
0x8b: {  	s0 =	sand.u32 $0x1, s1  }
0x8c: {  	s17 =	sshll.u32 s0, $0xA;
	s2 =	sadd.s32 s3, s2  }
0x8d: {  	s2 =	sadd.s32 s2, s17  }
0x8e: {  	[smem:$0x3FC2] =	sst s2  }
0x8f: {  	_ = 	snop  }
0x90: {  	s2 =	sld [smem:$0x3FD0];
	(tm) =	ssettm $0x1  }
0x91: {  	s18 =	sld [smem:$0x3FFB];
	_ =	sdelay $0x3  }
0x92: {  	_ =	strace s18  }
0x93: {  	s3 =	sld [smem:$0x3FFC];
	_ =	sdelay $0x3  }
0x94: {  	_ =	strace s3  }
0x95: {  	s3 =	sld [smem:$0x3FFD];
	_ =	sdelay $0x3  }
0x96: {  	_ =	strace s3  }
0x97: {  	_ =	strace $0x8FFFFFFF  }
0x98: {  	s19 =	sld [smem:$0x3FDB];
	_ =	sdelay $0x1  }
0x99: {  	s4 =	simm.s32 $_scs_section_size  }
0x9a: {  	s5 =	simm.s32 $_size__tile_overlayer_lowered;
	s6 =	simm.s32 $_tile_overlayer_lowered  }
0x9b: {  	s22 =	simm.s32 $0x1BFF;
	s21 =	sshll.u32 s6, $0x1;
	s3 =	sadd.s32 s4, s19  }
0x9c: {  	s7 =	simm.s32 $0x0;
	s20 =	sshll.u32 s5, $0x1;
	s5 =	sadd.s32 s21, s3  }
0x9d: {  	[timem:s7], [sflag:s22] =	dma.local [hbm:s5], s20  }
0x9e: {  	_ =	swait.ge [sflag:s22], s20  }
0x9f: {  	s4 =	ssub.s32 $0x0, s20;
	[sflag:s22] =	ssyncset.done $0x0  }
0xa0: {  	[sflag:s22] =	ssyncadd.s32 s4;
	_ =	sdelay $0x1  }
0xa1: {  	s23 =	simm.s32 $0x1B8B  }
0xa2: {  	_ =	swait.ge [sflag:s23], $0x1  }
0xa3: {  	[sflag:s23] =	ssyncset.done $0x0  }
0xa4: {  	s25 =	simm.s32 $0x1B8E;
	s24 =	sld [smem:$0x3FFE];
	[sflag:s23] =	ssyncadd.s32 $0xFFFFFFFF  }
0xa5: {  	s26 =	simm.s32 $execute0_lowered;
	[smem:$0x3FD2] =	sst s25  }
0xa6: {  	s5 =	sshll.u32 s26, $0x1;
	_ =	strace $0x80000046;
	[dreg:$0x1] =	wrdreg $0xFFFFFFFF  }
0xa7: {  	s28 =	simm.s32 $_size_execute0_lowered;
	s3 =	sadd.s32 s3, s5;
	[dreg:$0x0] =	wrdreg $0x0  }
0xa8: {  	s5 =	sshll.u32 s28, $0x1;
	[dreg:$0x2] =	wrdreg s3  }
0xa9: {  	[dreg:$0x3] =	wrdreg s5  }
0xaa: {  	[dreg:$0x4] =	wrdreg $0xC0  }
0xab: {  	_ =	task [dreg:s7], $0x5FFFF  }
0xac: {  	[dreg:$0x1] =	wrdreg $0xFFFFFFFF  }
0xad: {  	[dreg:$0x0] =	wrdreg $0x60  }
0xae: {  	[dreg:$0x2] =	wrdreg s24  }
0xaf: {  	[dreg:$0x3] =	wrdreg s2  }
0xb0: {  	[dreg:$0x4] =	wrdreg $0xB4800  }
0xb1: {  	[dreg:$0x5] =	wrdreg $0x9  }
0xb2: {  	_ =	task.clear_ibuf [dreg:s7], $0x6FFFF;
	_ =	strace $0x90000046  }
0xb3: {  	s29 =	simm.s32 $0x9;
	_ =	strace $0x80000048  }
0xb4: {  	_ =	swait.ge [sflag:s29], $0x1  }
0xb5: {  	[sflag:s29] =	ssyncadd.s32 $0xFFFFFFFF  }
0xb6: {  	_ =	strace $0x90000048  }
0xb7: {  	_ =	sfence  }
0xb8: {  	s30 =	sld [smem:$0x0];
	_ =	sdelay $0x2  }
0xb9: {  	s31 =	sshll.u32 s1, $0xD;
	s1 =	sshrl.u32 s1, $0x2  }
0xba: {  	s3 =	sand.u32 $0x4000, s31;
	s1 =	sadd.s32 s1, s30  }
0xbb: {  	s0 =	sor.u32 s3, s0;
	s1 =	sshll.u32 s1, $0x11  }
0xbc: {  	s0 =	sor.u32 s1, s0  }
0xbd: {  	s0 =	sadd.s32 $0x8F2B, s0  }
0xbe: {  	[sflag:s0] =	ssyncadd.remote.s32 $0x1  }
0xbf: {  	_ =	sfence.sel $0xFFFF  }
0xc0: {  	[dreg:$0x0] =	wrdreg $0xFFFFFFFF;
	(pc) =	sbr.abs _section_cstart, $3  }
0xc1: {  	[dreg:$0x1] =	wrdreg $0xFFFFFFFF  }
0xc2: {  	_ =	task.clear_ibuf [dreg:s7], $0x2FFFF;
	_ =	strace $0x9FFFFFFF  }
0xc3: {  	(tm) =	ssettm $0x7FFFFFFF  }
tec
execute0_lowered:
.L_overlay_start_1:
0x0: {  	(tag) =	ssettag $0x1  }
0x1: {  	s3 =	rddreg [dreg:$0x0]  }
0x2: {  	s4 =	rddreg [dreg:$0x1]  }
0x3: {  	s1 =	rddreg [dreg:$0x2]  }
0x4: {  	s0 =	rddreg [dreg:$0x3];
	s2 =	simm.s32 $0x0  }
0x5: {  	s5 =	srdreg.scid;
	s15 =	stileid.u32;
	s14 =	simm.s32 $0x10  }
0x6: {  	[smem:$0x7FF] =	sst s2;
	s5 =	sand.u32 $0x1, s5;
	s16 =	smul.u32 $0xA00, s15  }
0x7: {  	s11 =	smul.u32 $0xA0, s15;
	p0 =	seq.s32 s15, $0xF;
	s13 =	sshll.u32 s15, $0x6  }
0x8: {  	p1 =	sne.s32 s15, $0x0;
	_ =	strace $0x80000047;
	s6 =	smul.u32 $0x9C80, s5  }
0x9: {  	s7 =	smul.u32 $0x13880, s5;
	s8 =	ssub.s32 $0x2, s5;
	s5 =	sshll.u32 s5, $0x4  }
0xa: {  	s15 =	sshrl.u32 @!p1 s1, $0x3;
	s9 =	sshrl.u32 s8, $0x1;
	s31 =	sshrl.u32 s16, $0x2  }
0xb: {  	s10 =	sadd.s32 s4, s5;
	s5 =	simm.s32 $0x1;
	s6 =	sadd.s32 s6, s3  }
0xc: {  	s7 =	sadd.s32 s7, s3;
	s3 =	sadd.s32 $0x3D200, s3;
	s8 =	ssub.s32 s8, s9  }
.Ltmp0:
0xd: {  	s12 =	sadd.s32 s31, s1;
	s9 =	simm.s32 $0xB400;
	(pc) =	sbr.rel .LBB2_1-.Ltmp0, $4  }
0xe: {  	s10 =	sadd.s32 s11, s10;
	s11 =	sor.u32 $0x1C01, s13;
	s13 =	simm.s32 $0x20  }
0xf: {  	s7 =	sadd.s32 $0x16000, s7;
	s17 =	sadd.s32 $0x2600, s6;
	s4 =	smax.u32 s8, $0x1  }
0x10: {  	s8 =	simm.s32 $0x40;
	s12 =	sshrl.u32 s12, $0x3;
	s6 =	sadd.s32 $0x12C00, s7  }
0x11: {  	v0 =	vimm.f32 $1.000000000e+00;
	s7 =	simm.s32 $0x5000;
	s16 =	sadd.s32 s16, s17;
	s17 =	simm.s32 $0x80  }
.LBB2_8:
0x12: {  	s2 =	sadd.s32 $0x1, s2  }
0x13: {  	p2 =	sne.s32 s2, s4  }
.Ltmp1:
0x14: {  	[bflag:$0x0] =	sbarrier.arrive $0xFFFF;
	(pc) =	sbr.rel @!p2 .LBB2_9-.Ltmp1, $4  }
0x15: {  	[hbm:s10@s13], [sflag:s11] =	dma.strided [spmem:s12@s14], $0x50, s5, $0x10   }
0x16: {  	_ =	swait.ge [sflag:s5], $0x50  }
0x17: {  	[sflag:s5] =	ssyncset.done $0x0  }
0x18: {  	[sflag:s5] =	ssyncadd.s32 $0xFFFFFFB0  }
.LBB2_1:
0x19: {  	[tilespmem:$0xB400] =	vst v0  }
0x1a: {  	[tilespmem:$0xB410] =	vst v0  }
0x1b: {  	[tilespmem:$0xB420] =	vst v0  }
.Ltmp2:
0x1c: {  	[tilespmem:$0xB430] =	vst v0;
	(pc) =	sbr.rel @p0 .LBB2_5-.Ltmp2, $4  }
0x1d: {  	[tilespmem:$0xB440] =	vst v0  }
0x1e: {  	[tilespmem:$0xB450] =	vst v0  }
0x1f: {  	[tilespmem:$0xB460] =	vst v0  }
0x20: {  	[tilespmem:$0xB470] =	vst v0  }
0x21: {  	s18 =	simm.s32 @!p1 $0x1C01  }
0x22: {  	[spmem:s15], [sflag:s18] =	dma.local @!p1 [hbm:s3], $0x500  }
0x23: {  	s18 =	simm.s32 @!p1 $0x1  }
0x24: {  	_ =	swait.ge @!p1 [sflag:s18], $0x500  }
0x25: {  	[sflag:s18] =	ssyncset.done @!p1 $0x0  }
0x26: {  	s30 =	simm.s32 $0x0;
	[sflag:s18] =	ssyncadd.s32 @!p1 $0xFFFFFB00  }
0x27: {  	[tilespmem:s30], [sflag:$0x1] =	stream.linear.gather [hbm4b:s16+s30], $0x5000, $0x38;
	[tilespmem:$0xB700] =	vst v63  }
0x28: {  	_ =	swait.ge [sflag:s5], $0x5000  }
0x29: {  	[sflag:s5] =	ssyncset.done $0x0  }
0x2a: {  	[sflag:s5] =	ssyncadd.s32 $0xFFFFB000  }
0x2b: {  	s31 =	simm.s32 $0x0;
	[bflag:$0x0] =	sbarrier.arrive $0xFFFF  }
0x2c: {  	[spmem:s1] =	stream.indirect.scatter.add.f32 [tilespmem:s9], [sflag:$0x1], $0x1, s31, s17, $0xb8;
	[tilespmem:$0xB700] =	vst v63  }
0x2d: {  	_ =	swait.ge [sflag:s5], $0x80  }
0x2e: {  	s18 =	simm.s32 $0x200;
	[sflag:s5] =	ssyncset.done $0x0  }
.LBB2_3:
0x2f: {  	s19 =	sshra.s32 s18, $0x2;
	[sflag:s5] =	ssyncadd.s32 $0xFFFFFF80;
	p2 =	seq.s32 s18, $0x13E00  }
0x30: {  	[spmem:s1] =	stream.indirect.scatter.add.f32 [tilespmem:s9], [sflag:$0x1], $0x1, s19, s17, $0xb8;
	[tilespmem:$0xB700] =	vst v63  }
.Ltmp3:
0x31: {  	_ = 	snop;
	(pc) =	sbr.rel @!p2 .LBB2_3-.Ltmp3, $4  }
0x32: {  	_ = 	snop  }
0x33: {  	s18 =	sadd.s32 $0x200, s18  }
0x34: {  	_ =	swait.ge [sflag:s5], $0x80  }
0x35: {  	[sflag:s5] =	ssyncset.done $0x0  }
.Ltmp4:
0x36: {  	(pc) =	sbr.rel .LBB2_8-.Ltmp4, $2  }
0x37: {  	_ =	sdelay $0x2  }
0x38: {  	[sflag:s5] =	ssyncadd.s32 $0xFFFFFF80  }
.LBB2_5:
0x39: {  	s18 =	simm.s32 $0x0  }
0x3a: {  	[tilespmem:s7], [sflag:$0x1] =	stream.linear.gather [hbm4b:s6+s18], $0x6400, $0x38;
	[tilespmem:$0xB700] =	vst v63  }
0x3b: {  	_ =	swait.ge [sflag:s5], $0x6400  }
0x3c: {  	[sflag:s5] =	ssyncset.done $0x0  }
0x3d: {  	[sflag:s5] =	ssyncadd.s32 $0xFFFF9C00  }
0x3e: {  	s31 =	simm.s32 $0x5000;
	[bflag:$0x0] =	sbarrier.arrive $0xFFFF  }
0x3f: {  	[spmem:s1] =	stream.indirect.scatter.add.f32 [tilespmem:s9], [sflag:$0x1], $0x1, s31, s8, $0xb8;
	[tilespmem:$0xB700] =	vst v63  }
0x40: {  	s18 =	simm.s32 $0x200;
	_ =	swait.ge [sflag:s5], $0x40  }
.LBB2_6:
0x41: {  	s19 =	sshra.s32 s18, $0x2;
	[sflag:s5] =	ssyncset.done $0x0;
	p2 =	sne.s32 s18, $0x18E00  }
.Ltmp5:
0x42: {  	s19 =	sadd.s32 $0x5000, s19;
	[sflag:s5] =	ssyncadd.s32 $0xFFFFFFC0;
	(pc) =	sbr.rel @p2 .LBB2_6-.Ltmp5, $3  }
0x43: {  	[spmem:s1] =	stream.indirect.scatter.add.f32 [tilespmem:s9], [sflag:$0x1], $0x1, s19, s8, $0xb8;
	[tilespmem:$0xB700] =	vst v63  }
0x44: {  	s18 =	sadd.s32 $0x200, s18;
	_ =	sdelay $0x1  }
0x45: {  	_ =	swait.ge [sflag:s5], $0x40  }
.Ltmp6:
0x46: {  	(pc) =	sbr.rel .LBB2_8-.Ltmp6, $3  }
0x47: {  	_ =	sdelay $0x1  }
0x48: {  	[sflag:s5] =	ssyncset.done $0x0  }
0x49: {  	[sflag:s5] =	ssyncadd.s32 $0xFFFFFFC0  }
.LBB2_9:
0x4a: {  	_ =	sfence.sel $0x180000  }
0x4b: {  	[bflag:$0x0] =	sbarrier.arrive $0xFFFF  }
0x4c: {  	_ =	strace $0x90000047  }
0x4d: {  	s0 =	sadd.s32 @!p1 $0x100000, s0;
	[bflag:$0x2] =	sbarrier.arrive $0xFFFF  }
0x4e: {  	[sflag:s0] =	ssyncadd.tile.s32 @!p1 $0x1;
	_ =	shalt  }
.Lfunc_end2:
_tile_overlayer_lowered:
.L_overlay_start_2:
0x4f: {  	(tag) =	ssettag $0x2  }
0x50: {  	s0 =	rddreg [dreg:$0x0];
	s2 =	stileid.u32  }
0x51: {  	s1 =	rddreg [dreg:$0x1];
	p0 =	sne.s32 s2, $0x0  }
0x52: {  	s3 =	rddreg [dreg:$0x2];
	[bflag:$0x3] =	sbarrier.arrive $0xFFFF;
	s2 =	simm.s32 @!p0 $0x1C01  }
0x53: {  	[timem:s3], [sflag:s2] =	dma.local @!p0 [hbm:s0], s1  }
0x54: {  	s0 =	simm.s32 @!p0 $0x1  }
0x55: {  	_ =	swait.ge @!p0 [sflag:s0], s1  }
0x56: {  	s1 =	ssub.s32 @!p0 $0x0, s1;
	[sflag:s0] =	ssyncset.done @!p0 $0x0  }
0x57: {  	[sflag:s0] =	ssyncadd.s32 @!p0 s1  }
0x58: {  	[bflag:$0x3] =	sbarrier.arrive $0xFFFF  }
0x59: {  	_ =	shalt  }

</sc_bundles>
